<compile_context>
chip_gen: v7x
topology: tpu7x:2x2x1
jax: 0.10.2.dev20260603
libtpu: 0.0.44.dev20260713+nightly
codegen_flags: <defaults>
</compile_context>

<pallas_src>
import dataclasses
import functools

import jax
import jax.numpy as jnp
from jax import lax
from jax.experimental import pallas as pl
from jax.experimental.pallas import tpu as pltpu
from jax.experimental.pallas import tpu_sc as plsc

N = 10000
E = 160000
D = 256
H = 256

NP = 10240
ROWS_BLK = 2048
N_BLOCKS = NP // ROWS_BLK

NTILES = 32
CHUNK = 128
NCHUNK = 40
EP_TILE = NCHUNK * CHUNK
EP = NTILES * EP_TILE
ZROWS = NP // 16

_mesh = plsc.VectorSubcoreMesh(core_axis_name="c", subcore_axis_name="s")

_sc_params = pltpu.CompilerParams()
if "needs_layout_passes" in pltpu.CompilerParams.__dataclass_fields__:
    _sc_params = dataclasses.replace(_sc_params, needs_layout_passes=False)



def _t1_body(x_ref, w_ref, a_ref, hs_ref, asd_ref):
    h = jnp.dot(x_ref[...], w_ref[...], preferred_element_type=jnp.float32)
    hs_ref[0] = h[:, :128]
    hs_ref[1] = h[:, 128:]
    a2 = jnp.dot(h, a_ref[...], preferred_element_type=jnp.float32)
    asd_ref[...] = a2.T


def _t1(x_pad, W, A):
    return pl.pallas_call(
        _t1_body,
        grid=(N_BLOCKS,),
        in_specs=[
            pl.BlockSpec((ROWS_BLK, D), lambda i: (i, 0)),
            pl.BlockSpec((D, H), lambda i: (0, 0)),
            pl.BlockSpec((H, 2), lambda i: (0, 0)),
        ],
        out_specs=[
            pl.BlockSpec((2, ROWS_BLK, 128), lambda i: (0, i, 0)),
            pl.BlockSpec((2, ROWS_BLK), lambda i: (0, i)),
        ],
        out_shape=[
            jax.ShapeDtypeStruct((2, NP, 128), jnp.float32),
            jax.ShapeDtypeStruct((2, NP), jnp.float32),
        ],
    )(x_pad, W, A)



@functools.partial(
    pl.kernel,
    out_type=[
        jax.ShapeDtypeStruct((NTILES, NCHUNK, CHUNK), jnp.float32),
        jax.ShapeDtypeStruct((2, NP), jnp.float32),
    ],
    mesh=_mesh,
    compiler_params=_sc_params,
    scratch_types=[
        pltpu.VMEM((NP,), jnp.float32),
        pltpu.VMEM((NP,), jnp.float32),
        pltpu.VMEM((NCHUNK, CHUNK), jnp.int32),
        pltpu.VMEM((NCHUNK, CHUNK), jnp.int32),
        pltpu.VMEM((NCHUNK, CHUNK), jnp.float32),
        pltpu.VMEM((ZROWS,), jnp.float32),
        pltpu.VMEM_SHARED((NP,), jnp.float32),
    ],
)
def _s1(asd_hbm, srcm_hbm, dstm_hbm, exm_hbm, spart_hbm,
        as_v, ad_v, src_v, dst_v, ex_v, z_v, s_sh):
    c = lax.axis_index("c")
    sid = lax.axis_index("s")
    row = sid * 2 + c

    @pl.loop(0, ZROWS // 16)
    def _(i):
        z_v[pl.ds(i * 16, 16)] = jnp.zeros((16,), jnp.float32)

    pltpu.sync_copy(z_v, s_sh.at[pl.ds(sid * ZROWS, ZROWS)])
    pltpu.sync_copy(asd_hbm.at[0], as_v)
    pltpu.sync_copy(asd_hbm.at[1], ad_v)
    pltpu.sync_copy(srcm_hbm.at[row], src_v)
    pltpu.sync_copy(dstm_hbm.at[row], dst_v)
    plsc.subcore_barrier()

    @pl.loop(0, NCHUNK)
    def _(j):
        @pl.loop(0, CHUNK // 16, unroll=4)
        def _(k):
            si = src_v[j, pl.ds(k * 16, 16)]
            di = dst_v[j, pl.ds(k * 16, 16)]
            e = plsc.load_gather(as_v, [si]) + plsc.load_gather(ad_v, [di])
            e = jnp.where(e > 0, e, e * jnp.float32(0.2))
            ex_v[j, pl.ds(k * 16, 16)] = jnp.exp(e)

        pltpu.sync_copy(ex_v.at[j], s_sh.at[dst_v.at[j]], add=True)

    pltpu.sync_copy(ex_v, exm_hbm.at[row])
    plsc.subcore_barrier()
    pltpu.sync_copy(s_sh.at[pl.ds(sid * ZROWS, ZROWS)],
                    spart_hbm.at[c, pl.ds(sid * ZROWS, ZROWS)])



@functools.partial(
    pl.kernel,
    out_type=jax.ShapeDtypeStruct((2, NP, 128), jnp.float32),
    mesh=_mesh,
    compiler_params=_sc_params,
    scratch_types=[
        pltpu.VMEM((NCHUNK, CHUNK), jnp.int32),
        pltpu.VMEM((NCHUNK, CHUNK), jnp.int32),
        pltpu.VMEM((NCHUNK, CHUNK), jnp.float32),
        pltpu.VMEM((CHUNK, 128), jnp.float32),
        pltpu.VMEM((CHUNK, 128), jnp.float32),
        pltpu.VMEM_SHARED((NP, 128), jnp.float32),
        pltpu.SemaphoreType.DMA,
        pltpu.SemaphoreType.DMA,
        pltpu.SemaphoreType.DMA,
        pltpu.SemaphoreType.DMA,
    ],
)
def _s2(hs_hbm, srcm_hbm, dstm_hbm, exm_hbm, outs_hbm,
        src_v, dst_v, ex_v, rows_a, rows_b, out_sh,
        gsa, gsb, ssa, ssb):
    c = lax.axis_index("c")
    sid = lax.axis_index("s")

    @pl.loop(0, CHUNK)
    def _(m):
        @pl.loop(0, 8)
        def _(k):
            rows_a[m, pl.ds(k * 16, 16)] = jnp.zeros((16,), jnp.float32)

    @pl.loop(0, ZROWS // CHUNK)
    def _(i):
        pltpu.sync_copy(rows_a,
                        out_sh.at[pl.ds(sid * ZROWS + i * CHUNK, CHUNK)])

    plsc.subcore_barrier()

    def gstart(buf, sem, j):
        pltpu.async_copy(hs_hbm.at[c].at[src_v.at[j]], buf, sem)

    def gwait(buf, sem, j):
        pltpu.make_async_copy(hs_hbm.at[c].at[src_v.at[j]], buf, sem).wait()

    def sstart(buf, sem, j):
        pltpu.async_copy(buf, out_sh.at[dst_v.at[j]], sem, add=True)

    def swait(buf, sem, j):
        pltpu.make_async_copy(buf, out_sh.at[dst_v.at[j]], sem).wait()

    def scale(buf, j):
        @pl.loop(0, CHUNK, unroll=8)
        def _(m):
            g = plsc.load_gather(
                ex_v, [jnp.full((16,), j, jnp.int32),
                       jnp.full((16,), m, jnp.int32)])
            for k in range(8):
                buf[m, pl.ds(k * 16, 16)] = buf[m, pl.ds(k * 16, 16)] * g

    for r in range(2):
        row = sid * 2 + r
        pltpu.sync_copy(srcm_hbm.at[row], src_v)
        pltpu.sync_copy(dstm_hbm.at[row], dst_v)
        pltpu.sync_copy(exm_hbm.at[row], ex_v)

        gstart(rows_a, gsa, 0)

        @pl.loop(0, NCHUNK // 2)
        def _(jj):
            j = jj * 2

            @pl.when(jj > 0)
            def _():
                swait(rows_b, ssb, j - 1)

            gstart(rows_b, gsb, j + 1)
            gwait(rows_a, gsa, j)
            scale(rows_a, j)
            sstart(rows_a, ssa, j)

            gwait(rows_b, gsb, j + 1)
            scale(rows_b, j + 1)
            sstart(rows_b, ssb, j + 1)

            @pl.when(jj < NCHUNK // 2 - 1)
            def _():
                swait(rows_a, ssa, j)
                gstart(rows_a, gsa, j + 2)

        swait(rows_a, ssa, NCHUNK - 2)
        swait(rows_b, ssb, NCHUNK - 1)

    plsc.subcore_barrier()
    pltpu.sync_copy(out_sh.at[pl.ds(sid * ZROWS, ZROWS)],
                    outs_hbm.at[c, pl.ds(sid * ZROWS, ZROWS)])



def _t2_body(o0_ref, o1_ref, sp_ref, b_ref, f0_ref, f1_ref, bfc2_ref, pq_ref):
    invs = 1.0 / (sp_ref[0] + sp_ref[1] + jnp.float32(1e-16))
    v0 = o0_ref[0] * invs[:, None] + b_ref[0, :128]
    v1 = o1_ref[0] * invs[:, None] + b_ref[0, 128:]
    e0 = jnp.where(v0 > 0, v0, jnp.exp(v0) - 1.0)
    e1 = jnp.where(v1 > 0, v1, jnp.exp(v1) - 1.0)
    pq = (jnp.dot(e0, f0_ref[...], preferred_element_type=jnp.float32)
          + jnp.dot(e1, f1_ref[...], preferred_element_type=jnp.float32))
    pq_ref[...] = pq.T + bfc2_ref[...]


def _t2(outs, spart, bias2d, F0, F1, bfc2):
    return pl.pallas_call(
        _t2_body,
        grid=(N_BLOCKS,),
        in_specs=[
            pl.BlockSpec((1, ROWS_BLK, 128), lambda i: (0, i, 0)),
            pl.BlockSpec((1, ROWS_BLK, 128), lambda i: (1, i, 0)),
            pl.BlockSpec((2, ROWS_BLK), lambda i: (0, i)),
            pl.BlockSpec((1, D), lambda i: (0, 0)),
            pl.BlockSpec((128, 2), lambda i: (0, 0)),
            pl.BlockSpec((128, 2), lambda i: (0, 0)),
            pl.BlockSpec((2, 1), lambda i: (0, 0)),
        ],
        out_specs=pl.BlockSpec((2, ROWS_BLK), lambda i: (0, i)),
        out_shape=jax.ShapeDtypeStruct((2, NP), jnp.float32),
    )(outs, outs, spart, bias2d, F0, F1, bfc2)



@functools.partial(
    pl.kernel,
    out_type=jax.ShapeDtypeStruct((NTILES, NCHUNK, CHUNK), jnp.float32),
    mesh=_mesh,
    compiler_params=_sc_params,
    scratch_types=[
        pltpu.VMEM((NP,), jnp.float32),
        pltpu.VMEM((NP,), jnp.float32),
        pltpu.VMEM((NCHUNK, CHUNK), jnp.int32),
        pltpu.VMEM((NCHUNK, CHUNK), jnp.int32),
        pltpu.VMEM((NCHUNK, CHUNK), jnp.float32),
    ],
)
def _s3(pq_hbm, srcm_hbm, dstm_hbm, scoresm_hbm,
        p_v, q_v, src_v, dst_v, sc_v):
    c = lax.axis_index("c")
    sid = lax.axis_index("s")
    row = sid * 2 + c
    pltpu.sync_copy(pq_hbm.at[0], p_v)
    pltpu.sync_copy(pq_hbm.at[1], q_v)
    pltpu.sync_copy(srcm_hbm.at[row], src_v)
    pltpu.sync_copy(dstm_hbm.at[row], dst_v)

    @pl.loop(0, NCHUNK)
    def _(j):
        @pl.loop(0, CHUNK // 16, unroll=4)
        def _(k):
            si = src_v[j, pl.ds(k * 16, 16)]
            di = dst_v[j, pl.ds(k * 16, 16)]
            sc_v[j, pl.ds(k * 16, 16)] = (
                plsc.load_gather(p_v, [si]) + plsc.load_gather(q_v, [di]))

    pltpu.sync_copy(sc_v, scoresm_hbm.at[row])



def kernel(x, edge_index, W, att_src, att_dst, bias, Wfc, bfc):
    x_pad = jnp.concatenate(
        [x, jnp.zeros((NP - N, D), jnp.float32)], axis=0)
    A = jnp.stack([att_src, att_dst], axis=1)

    src = edge_index[0]
    dst = edge_index[1]
    pad_i = jnp.arange(EP - E, dtype=jnp.int32)
    srcm = jnp.concatenate(
        [src, pad_i % N]).reshape(NTILES, NCHUNK, CHUNK)
    dstm = jnp.concatenate(
        [dst, N + pad_i % (NP - N)]).reshape(NTILES, NCHUNK, CHUNK)

    hs, asd = _t1(x_pad, W, A)
    exm, spart = _s1(asd, srcm, dstm)
    outs = _s2(hs, srcm, dstm, exm)

    bias2d = bias.reshape(1, D)
    F0 = jnp.stack([Wfc[:128, 0], Wfc[H:H + 128, 0]], axis=1)
    F1 = jnp.stack([Wfc[128:H, 0], Wfc[H + 128:, 0]], axis=1)
    bfc2 = jnp.stack([bfc, jnp.zeros((1,), jnp.float32)])
    pq = _t2(outs, spart, bias2d, F0, F1, bfc2)

    scoresm = _s3(pq, srcm, dstm)
    return scoresm.reshape(EP)[:E]

# --- scband reference (transcript-rebuilt; emitter-appended) ---
"""Pipeline reference for scband-gatmodel-71717363908806 (READ-ONLY COPY).

The authoritative reference and input builder live on the scoring server;
editing this copy changes nothing except your own understanding.
"""

import jax, jax.numpy as jnp
import numpy as np

N = 10000
E = 160000
D = 256
H = 256

def setup_inputs(seed: int = 0) -> dict:
    key = jax.random.key(seed)
    ks = jax.random.split(key, 8)
    x = jax.random.normal(ks[0], (N, D), dtype=jnp.float32)
    edge_index = jax.random.randint(ks[1], (2, E), 0, N, dtype=jnp.int32)
    W = jax.random.normal(ks[2], (D, H), dtype=jnp.float32) * (1.0 / np.sqrt(D))
    att_src = jax.random.normal(ks[3], (H,), dtype=jnp.float32) * 0.1
    att_dst = jax.random.normal(ks[4], (H,), dtype=jnp.float32) * 0.1
    bias = jnp.zeros((H,), dtype=jnp.float32)
    Wfc = jax.random.normal(ks[5], (2 * H, 1), dtype=jnp.float32) * (1.0 / np.sqrt(2 * H))
    bfc = jnp.zeros((1,), dtype=jnp.float32)
    return {"x": x, "edge_index": edge_index, "W": W, "att_src": att_src,
            "att_dst": att_dst, "bias": bias, "Wfc": Wfc, "bfc": bfc}

def reference(x, edge_index, W, att_src, att_dst, bias, Wfc, bfc):
    src = edge_index[0]
    dst = edge_index[1]
    # GATConv (heads=1, concat): linear transform
    h = x @ W  # [N, H]
    # attention logits per node
    a_s = jnp.sum(h * att_src, axis=-1)  # [N]
    a_d = jnp.sum(h * att_dst, axis=-1)  # [N]
    e = a_s[src] + a_d[dst]  # [E]
    e = jnp.where(e > 0, e, 0.2 * e)  # LeakyReLU(0.2)
    # softmax over incoming edges of each dst node
    m = jax.ops.segment_max(e, dst, num_segments=N)
    m = jnp.where(jnp.isfinite(m), m, 0.0)
    ex = jnp.exp(e - m[dst])
    s = jax.ops.segment_sum(ex, dst, num_segments=N)
    alpha = ex / (s[dst] + 1e-16)
    # dropout on alpha skipped (eval mode)
    out = jax.ops.segment_sum(alpha[:, None] * h[src], dst, num_segments=N)
    out = out + bias  # [N, H]
    # model-level: elu + dropout(eval=identity)
    out = jax.nn.elu(out)
    edge_rep = jnp.concatenate([out[src], out[dst]], axis=1)  # [E, 2H]
    scores = (edge_rep @ Wfc + bfc).squeeze(-1)  # [E]
    return scores

if __name__ == "__main__":
    import jax
    _d = setup_inputs()
    print(jax.jit(kernel)(*tuple(_d.values())))

</pallas_src>

<mosaic_0001>
#map = affine_map<(d0, d1) -> (0, 0)>
#map1 = affine_map<(d0, d1) -> (0, 0, 0)>
module attributes {stable_mosaic.version = 14 : i64} {
  func.func @_s3(%arg0: i32, %arg1: i32, %arg2: memref<2x10240xf32, #tpu.memory_space<hbm>>, %arg3: memref<32x40x128xi32, #tpu.memory_space<hbm>>, %arg4: memref<32x40x128xi32, #tpu.memory_space<hbm>>, %arg5: memref<32x40x128xf32, #tpu.memory_space<hbm>>, %arg6: memref<10240xf32, #tpu.memory_space<vmem>>, %arg7: memref<10240xf32, #tpu.memory_space<vmem>>, %arg8: memref<40x128xi32, #tpu.memory_space<vmem>>, %arg9: memref<40x128xi32, #tpu.memory_space<vmem>>, %arg10: memref<40x128xf32, #tpu.memory_space<vmem>>) attributes {dimension_semantics = [#tpu.dimension_semantics<core_parallel>, #tpu.dimension_semantics<subcore_parallel>], iteration_bounds = array<i64: 2, 16>, scalar_prefetch = 0 : i64, scratch_operands = 5 : i64, tpu.core_type = #tpu.core_type<sc_vector_subcore>, window_params = [{transform_indices = #map}, {transform_indices = #map1}, {transform_indices = #map1}, {transform_indices = #map1}]} {
    %mul3A = arith.constant 2 : i32
    %mul3A_0 = arith.muli %arg1, %mul3A : i32
    %add3A = arith.addi %mul3A_0, %arg0 : i32
    %run_scoped3A = arith.constant 0 : i32
    "tpu.region"() ({
      %run_scoped3A_6 = tpu.sem_alloc : memref<!tpu.dma_semaphore, #tpu.memory_space<semaphore_mem>>
      %dma_start3A = arith.constant 0 : i32
      %dma_start3A_7 = tpu.memref_slice %arg2[%run_scoped3A, %dma_start3A] : memref<2x10240xf32, #tpu.memory_space<hbm>> -> memref<1x10240xf32, #tpu.memory_space<hbm>>
      %dma_start3A_8 = tpu.memref_squeeze %dma_start3A_7 : memref<1x10240xf32, #tpu.memory_space<hbm>> -> memref<10240xf32, #tpu.memory_space<hbm>>
      %dma_start3A_9 = arith.constant 0 : i32
      %dma_start3A_10 = tpu.memref_slice %arg2[%run_scoped3A, %dma_start3A_9] : memref<2x10240xf32, #tpu.memory_space<hbm>> -> memref<1x10240xf32, #tpu.memory_space<hbm>>
      %dma_start3A_11 = tpu.memref_squeeze %dma_start3A_10 : memref<1x10240xf32, #tpu.memory_space<hbm>> -> memref<10240xf32, #tpu.memory_space<hbm>>
      tpu.enqueue_dma source(%dma_start3A_11 : memref<10240xf32, #tpu.memory_space<hbm>>) target(%arg6 : memref<10240xf32, #tpu.memory_space<vmem>>) target_semaphore(%run_scoped3A_6 : memref<!tpu.dma_semaphore, #tpu.memory_space<semaphore_mem>>)
      %dma_wait3A = arith.constant 0 : i32
      %dma_wait3A_12 = tpu.memref_slice %arg2[%run_scoped3A, %dma_wait3A] : memref<2x10240xf32, #tpu.memory_space<hbm>> -> memref<1x10240xf32, #tpu.memory_space<hbm>>
      %dma_wait3A_13 = tpu.memref_squeeze %dma_wait3A_12 : memref<1x10240xf32, #tpu.memory_space<hbm>> -> memref<10240xf32, #tpu.memory_space<hbm>>
      %dma_wait3A_14 = arith.constant 0 : i32
      %dma_wait3A_15 = tpu.memref_slice %arg2[%run_scoped3A, %dma_wait3A_14] : memref<2x10240xf32, #tpu.memory_space<hbm>> -> memref<1x10240xf32, #tpu.memory_space<hbm>>
      %dma_wait3A_16 = tpu.memref_squeeze %dma_wait3A_15 : memref<1x10240xf32, #tpu.memory_space<hbm>> -> memref<10240xf32, #tpu.memory_space<hbm>>
      tpu.wait_dma2 semaphore(%run_scoped3A_6 : memref<!tpu.dma_semaphore, #tpu.memory_space<semaphore_mem>>) src(%dma_wait3A_16 : memref<10240xf32, #tpu.memory_space<hbm>>) dst(%arg6 : memref<10240xf32, #tpu.memory_space<vmem>>)
      tpu.yield
    }) : () -> ()
    %run_scoped3A_1 = arith.constant 1 : i32
    "tpu.region"() ({
      %run_scoped3A_6 = tpu.sem_alloc : memref<!tpu.dma_semaphore, #tpu.memory_space<semaphore_mem>>
      %dma_start3A = arith.constant 0 : i32
      %dma_start3A_7 = tpu.memref_slice %arg2[%run_scoped3A_1, %dma_start3A] : memref<2x10240xf32, #tpu.memory_space<hbm>> -> memref<1x10240xf32, #tpu.memory_space<hbm>>
      %dma_start3A_8 = tpu.memref_squeeze %dma_start3A_7 : memref<1x10240xf32, #tpu.memory_space<hbm>> -> memref<10240xf32, #tpu.memory_space<hbm>>
      %dma_start3A_9 = arith.constant 0 : i32
      %dma_start3A_10 = tpu.memref_slice %arg2[%run_scoped3A_1, %dma_start3A_9] : memref<2x10240xf32, #tpu.memory_space<hbm>> -> memref<1x10240xf32, #tpu.memory_space<hbm>>
      %dma_start3A_11 = tpu.memref_squeeze %dma_start3A_10 : memref<1x10240xf32, #tpu.memory_space<hbm>> -> memref<10240xf32, #tpu.memory_space<hbm>>
      tpu.enqueue_dma source(%dma_start3A_11 : memref<10240xf32, #tpu.memory_space<hbm>>) target(%arg7 : memref<10240xf32, #tpu.memory_space<vmem>>) target_semaphore(%run_scoped3A_6 : memref<!tpu.dma_semaphore, #tpu.memory_space<semaphore_mem>>)
      %dma_wait3A = arith.constant 0 : i32
      %dma_wait3A_12 = tpu.memref_slice %arg2[%run_scoped3A_1, %dma_wait3A] : memref<2x10240xf32, #tpu.memory_space<hbm>> -> memref<1x10240xf32, #tpu.memory_space<hbm>>
      %dma_wait3A_13 = tpu.memref_squeeze %dma_wait3A_12 : memref<1x10240xf32, #tpu.memory_space<hbm>> -> memref<10240xf32, #tpu.memory_space<hbm>>
      %dma_wait3A_14 = arith.constant 0 : i32
      %dma_wait3A_15 = tpu.memref_slice %arg2[%run_scoped3A_1, %dma_wait3A_14] : memref<2x10240xf32, #tpu.memory_space<hbm>> -> memref<1x10240xf32, #tpu.memory_space<hbm>>
      %dma_wait3A_16 = tpu.memref_squeeze %dma_wait3A_15 : memref<1x10240xf32, #tpu.memory_space<hbm>> -> memref<10240xf32, #tpu.memory_space<hbm>>
      tpu.wait_dma2 semaphore(%run_scoped3A_6 : memref<!tpu.dma_semaphore, #tpu.memory_space<semaphore_mem>>) src(%dma_wait3A_16 : memref<10240xf32, #tpu.memory_space<hbm>>) dst(%arg7 : memref<10240xf32, #tpu.memory_space<vmem>>)
      tpu.yield
    }) : () -> ()
    "tpu.region"() ({
      %run_scoped3A_6 = tpu.sem_alloc : memref<!tpu.dma_semaphore, #tpu.memory_space<semaphore_mem>>
      %dma_start3A = arith.constant 0 : i32
      %dma_start3A_7 = arith.constant 0 : i32
      %dma_start3A_8 = tpu.memref_slice %arg3[%add3A, %dma_start3A, %dma_start3A_7] : memref<32x40x128xi32, #tpu.memory_space<hbm>> -> memref<1x40x128xi32, #tpu.memory_space<hbm>>
      %dma_start3A_9 = tpu.memref_squeeze %dma_start3A_8 : memref<1x40x128xi32, #tpu.memory_space<hbm>> -> memref<40x128xi32, #tpu.memory_space<hbm>>
      %dma_start3A_10 = arith.constant 0 : i32
      %dma_start3A_11 = arith.constant 0 : i32
      %dma_start3A_12 = tpu.memref_slice %arg3[%add3A, %dma_start3A_10, %dma_start3A_11] : memref<32x40x128xi32, #tpu.memory_space<hbm>> -> memref<1x40x128xi32, #tpu.memory_space<hbm>>
      %dma_start3A_13 = tpu.memref_squeeze %dma_start3A_12 : memref<1x40x128xi32, #tpu.memory_space<hbm>> -> memref<40x128xi32, #tpu.memory_space<hbm>>
      tpu.enqueue_dma source(%dma_start3A_13 : memref<40x128xi32, #tpu.memory_space<hbm>>) target(%arg8 : memref<40x128xi32, #tpu.memory_space<vmem>>) target_semaphore(%run_scoped3A_6 : memref<!tpu.dma_semaphore, #tpu.memory_space<semaphore_mem>>)
      %dma_wait3A = arith.constant 0 : i32
      %dma_wait3A_14 = arith.constant 0 : i32
      %dma_wait3A_15 = tpu.memref_slice %arg3[%add3A, %dma_wait3A, %dma_wait3A_14] : memref<32x40x128xi32, #tpu.memory_space<hbm>> -> memref<1x40x128xi32, #tpu.memory_space<hbm>>
      %dma_wait3A_16 = tpu.memref_squeeze %dma_wait3A_15 : memref<1x40x128xi32, #tpu.memory_space<hbm>> -> memref<40x128xi32, #tpu.memory_space<hbm>>
      %dma_wait3A_17 = arith.constant 0 : i32
      %dma_wait3A_18 = arith.constant 0 : i32
      %dma_wait3A_19 = tpu.memref_slice %arg3[%add3A, %dma_wait3A_17, %dma_wait3A_18] : memref<32x40x128xi32, #tpu.memory_space<hbm>> -> memref<1x40x128xi32, #tpu.memory_space<hbm>>
      %dma_wait3A_20 = tpu.memref_squeeze %dma_wait3A_19 : memref<1x40x128xi32, #tpu.memory_space<hbm>> -> memref<40x128xi32, #tpu.memory_space<hbm>>
      tpu.wait_dma2 semaphore(%run_scoped3A_6 : memref<!tpu.dma_semaphore, #tpu.memory_space<semaphore_mem>>) src(%dma_wait3A_20 : memref<40x128xi32, #tpu.memory_space<hbm>>) dst(%arg8 : memref<40x128xi32, #tpu.memory_space<vmem>>)
      tpu.yield
    }) : () -> ()
    "tpu.region"() ({
      %run_scoped3A_6 = tpu.sem_alloc : memref<!tpu.dma_semaphore, #tpu.memory_space<semaphore_mem>>
      %dma_start3A = arith.constant 0 : i32
      %dma_start3A_7 = arith.constant 0 : i32
      %dma_start3A_8 = tpu.memref_slice %arg4[%add3A, %dma_start3A, %dma_start3A_7] : memref<32x40x128xi32, #tpu.memory_space<hbm>> -> memref<1x40x128xi32, #tpu.memory_space<hbm>>
      %dma_start3A_9 = tpu.memref_squeeze %dma_start3A_8 : memref<1x40x128xi32, #tpu.memory_space<hbm>> -> memref<40x128xi32, #tpu.memory_space<hbm>>
      %dma_start3A_10 = arith.constant 0 : i32
      %dma_start3A_11 = arith.constant 0 : i32
      %dma_start3A_12 = tpu.memref_slice %arg4[%add3A, %dma_start3A_10, %dma_start3A_11] : memref<32x40x128xi32, #tpu.memory_space<hbm>> -> memref<1x40x128xi32, #tpu.memory_space<hbm>>
      %dma_start3A_13 = tpu.memref_squeeze %dma_start3A_12 : memref<1x40x128xi32, #tpu.memory_space<hbm>> -> memref<40x128xi32, #tpu.memory_space<hbm>>
      tpu.enqueue_dma source(%dma_start3A_13 : memref<40x128xi32, #tpu.memory_space<hbm>>) target(%arg9 : memref<40x128xi32, #tpu.memory_space<vmem>>) target_semaphore(%run_scoped3A_6 : memref<!tpu.dma_semaphore, #tpu.memory_space<semaphore_mem>>)
      %dma_wait3A = arith.constant 0 : i32
      %dma_wait3A_14 = arith.constant 0 : i32
      %dma_wait3A_15 = tpu.memref_slice %arg4[%add3A, %dma_wait3A, %dma_wait3A_14] : memref<32x40x128xi32, #tpu.memory_space<hbm>> -> memref<1x40x128xi32, #tpu.memory_space<hbm>>
      %dma_wait3A_16 = tpu.memref_squeeze %dma_wait3A_15 : memref<1x40x128xi32, #tpu.memory_space<hbm>> -> memref<40x128xi32, #tpu.memory_space<hbm>>
      %dma_wait3A_17 = arith.constant 0 : i32
      %dma_wait3A_18 = arith.constant 0 : i32
      %dma_wait3A_19 = tpu.memref_slice %arg4[%add3A, %dma_wait3A_17, %dma_wait3A_18] : memref<32x40x128xi32, #tpu.memory_space<hbm>> -> memref<1x40x128xi32, #tpu.memory_space<hbm>>
      %dma_wait3A_20 = tpu.memref_squeeze %dma_wait3A_19 : memref<1x40x128xi32, #tpu.memory_space<hbm>> -> memref<40x128xi32, #tpu.memory_space<hbm>>
      tpu.wait_dma2 semaphore(%run_scoped3A_6 : memref<!tpu.dma_semaphore, #tpu.memory_space<semaphore_mem>>) src(%dma_wait3A_20 : memref<40x128xi32, #tpu.memory_space<hbm>>) dst(%arg9 : memref<40x128xi32, #tpu.memory_space<vmem>>)
      tpu.yield
    }) : () -> ()
    %scan3A = arith.constant 0 : i32
    %scan3A_2 = arith.constant 40 : i32
    %scan3A_3 = arith.addi %scan3A, %scan3A_2 : i32
    %scan3A_4 = arith.constant 1 : i32
    scf.for %scan3A_6 = %scan3A to %scan3A_3 step %scan3A_4  : i32 {
      %mul3A_7 = arith.constant 1 : i32
      %mul3A_8 = arith.muli %scan3A_6, %mul3A_7 : i32
      %add3A_9 = arith.constant 0 : i32
      %add3A_10 = arith.addi %add3A_9, %mul3A_8 : i32
      %scan3A_11 = arith.constant 0 : i32
      %scan3A_12 = arith.constant 8 : i32
      %scan3A_13 = arith.addi %scan3A_11, %scan3A_12 : i32
      %scan3A_14 = arith.constant 4 : i32
      scf.for %scan3A_16 = %scan3A_11 to %scan3A_13 step %scan3A_14  : i32 {
        %mul3A_17 = arith.constant 1 : i32
        %mul3A_18 = arith.muli %scan3A_16, %mul3A_17 : i32
        %add3A_19 = arith.constant 0 : i32
        %add3A_20 = arith.addi %add3A_19, %mul3A_18 : i32
        %mul3A_21 = arith.constant 16 : i32
        %mul3A_22 = arith.muli %add3A_20, %mul3A_21 : i32
        %get3A = arith.index_cast %add3A_10 : i32 to index
        %get3A_23 = arith.index_cast %mul3A_22 : i32 to index
        %get3A_24 = tpu.vector_load %arg8[%get3A, %get3A_23] {strides = array<i32>} : memref<40x128xi32, #tpu.memory_space<vmem>>, vector<16xi32>,
        %mul3A_25 = arith.constant 16 : i32
        %mul3A_26 = arith.muli %add3A_20, %mul3A_25 : i32
        %get3A_27 = arith.index_cast %add3A_10 : i32 to index
        %get3A_28 = arith.index_cast %mul3A_26 : i32 to index
        %get3A_29 = tpu.vector_load %arg9[%get3A_27, %get3A_28] {strides = array<i32>} : memref<40x128xi32, #tpu.memory_space<vmem>>, vector<16xi32>,
        %gather3A = tpu.vector_load_idx %arg6[%get3A_24] : memref<10240xf32, #tpu.memory_space<vmem>>[vector<16xi32>], vector<16xf32>,
        %gather3A_30 = tpu.vector_load_idx %arg7[%get3A_29] : memref<10240xf32, #tpu.memory_space<vmem>>[vector<16xi32>], vector<16xf32>,
        %add3A_31 = arith.addf %gather3A, %gather3A_30 : vector<16xf32>
        %mul3A_32 = arith.constant 16 : i32
        %mul3A_33 = arith.muli %add3A_20, %mul3A_32 : i32
        %swap3A = arith.index_cast %add3A_10 : i32 to index
        %swap3A_34 = arith.index_cast %mul3A_33 : i32 to index
        %swap3A_35 = tpu.vector_load %arg10[%swap3A, %swap3A_34] {strides = array<i32>} : memref<40x128xf32, #tpu.memory_space<vmem>>, vector<16xf32>,
        tpu.vector_store %arg10[%swap3A, %swap3A_34], %add3A_31 {strides = array<i32>} : memref<40x128xf32, #tpu.memory_space<vmem>>, vector<16xf32>,
        %scan3A_36 = arith.constant 1 : i32
        %scan3A_37 = arith.addi %scan3A_16, %scan3A_36 : i32
        %mul3A_38 = arith.constant 1 : i32
        %mul3A_39 = arith.muli %scan3A_37, %mul3A_38 : i32
        %add3A_40 = arith.constant 0 : i32
        %add3A_41 = arith.addi %add3A_40, %mul3A_39 : i32
        %mul3A_42 = arith.constant 16 : i32
        %mul3A_43 = arith.muli %add3A_41, %mul3A_42 : i32
        %get3A_44 = arith.index_cast %add3A_10 : i32 to index
        %get3A_45 = arith.index_cast %mul3A_43 : i32 to index
        %get3A_46 = tpu.vector_load %arg8[%get3A_44, %get3A_45] {strides = array<i32>} : memref<40x128xi32, #tpu.memory_space<vmem>>, vector<16xi32>,
        %mul3A_47 = arith.constant 16 : i32
        %mul3A_48 = arith.muli %add3A_41, %mul3A_47 : i32
        %get3A_49 = arith.index_cast %add3A_10 : i32 to index
        %get3A_50 = arith.index_cast %mul3A_48 : i32 to index
        %get3A_51 = tpu.vector_load %arg9[%get3A_49, %get3A_50] {strides = array<i32>} : memref<40x128xi32, #tpu.memory_space<vmem>>, vector<16xi32>,
        %gather3A_52 = tpu.vector_load_idx %arg6[%get3A_46] : memref<10240xf32, #tpu.memory_space<vmem>>[vector<16xi32>], vector<16xf32>,
        %gather3A_53 = tpu.vector_load_idx %arg7[%get3A_51] : memref<10240xf32, #tpu.memory_space<vmem>>[vector<16xi32>], vector<16xf32>,
        %add3A_54 = arith.addf %gather3A_52, %gather3A_53 : vector<16xf32>
        %mul3A_55 = arith.constant 16 : i32
        %mul3A_56 = arith.muli %add3A_41, %mul3A_55 : i32
        %swap3A_57 = arith.index_cast %add3A_10 : i32 to index
        %swap3A_58 = arith.index_cast %mul3A_56 : i32 to index
        %swap3A_59 = tpu.vector_load %arg10[%swap3A_57, %swap3A_58] {strides = array<i32>} : memref<40x128xf32, #tpu.memory_space<vmem>>, vector<16xf32>,
        tpu.vector_store %arg10[%swap3A_57, %swap3A_58], %add3A_54 {strides = array<i32>} : memref<40x128xf32, #tpu.memory_space<vmem>>, vector<16xf32>,
        %scan3A_60 = arith.constant 2 : i32
        %scan3A_61 = arith.addi %scan3A_16, %scan3A_60 : i32
        %mul3A_62 = arith.constant 1 : i32
        %mul3A_63 = arith.muli %scan3A_61, %mul3A_62 : i32
        %add3A_64 = arith.constant 0 : i32
        %add3A_65 = arith.addi %add3A_64, %mul3A_63 : i32
        %mul3A_66 = arith.constant 16 : i32
        %mul3A_67 = arith.muli %add3A_65, %mul3A_66 : i32
        %get3A_68 = arith.index_cast %add3A_10 : i32 to index
        %get3A_69 = arith.index_cast %mul3A_67 : i32 to index
        %get3A_70 = tpu.vector_load %arg8[%get3A_68, %get3A_69] {strides = array<i32>} : memref<40x128xi32, #tpu.memory_space<vmem>>, vector<16xi32>,
        %mul3A_71 = arith.constant 16 : i32
        %mul3A_72 = arith.muli %add3A_65, %mul3A_71 : i32
        %get3A_73 = arith.index_cast %add3A_10 : i32 to index
        %get3A_74 = arith.index_cast %mul3A_72 : i32 to index
        %get3A_75 = tpu.vector_load %arg9[%get3A_73, %get3A_74] {strides = array<i32>} : memref<40x128xi32, #tpu.memory_space<vmem>>, vector<16xi32>,
        %gather3A_76 = tpu.vector_load_idx %arg6[%get3A_70] : memref<10240xf32, #tpu.memory_space<vmem>>[vector<16xi32>], vector<16xf32>,
        %gather3A_77 = tpu.vector_load_idx %arg7[%get3A_75] : memref<10240xf32, #tpu.memory_space<vmem>>[vector<16xi32>], vector<16xf32>,
        %add3A_78 = arith.addf %gather3A_76, %gather3A_77 : vector<16xf32>
        %mul3A_79 = arith.constant 16 : i32
        %mul3A_80 = arith.muli %add3A_65, %mul3A_79 : i32
        %swap3A_81 = arith.index_cast %add3A_10 : i32 to index
        %swap3A_82 = arith.index_cast %mul3A_80 : i32 to index
        %swap3A_83 = tpu.vector_load %arg10[%swap3A_81, %swap3A_82] {strides = array<i32>} : memref<40x128xf32, #tpu.memory_space<vmem>>, vector<16xf32>,
        tpu.vector_store %arg10[%swap3A_81, %swap3A_82], %add3A_78 {strides = array<i32>} : memref<40x128xf32, #tpu.memory_space<vmem>>, vector<16xf32>,
        %scan3A_84 = arith.constant 3 : i32
        %scan3A_85 = arith.addi %scan3A_16, %scan3A_84 : i32
        %mul3A_86 = arith.constant 1 : i32
        %mul3A_87 = arith.muli %scan3A_85, %mul3A_86 : i32
        %add3A_88 = arith.constant 0 : i32
        %add3A_89 = arith.addi %add3A_88, %mul3A_87 : i32
        %mul3A_90 = arith.constant 16 : i32
        %mul3A_91 = arith.muli %add3A_89, %mul3A_90 : i32
        %get3A_92 = arith.index_cast %add3A_10 : i32 to index
        %get3A_93 = arith.index_cast %mul3A_91 : i32 to index
        %get3A_94 = tpu.vector_load %arg8[%get3A_92, %get3A_93] {strides = array<i32>} : memref<40x128xi32, #tpu.memory_space<vmem>>, vector<16xi32>,
        %mul3A_95 = arith.constant 16 : i32
        %mul3A_96 = arith.muli %add3A_89, %mul3A_95 : i32
        %get3A_97 = arith.index_cast %add3A_10 : i32 to index
        %get3A_98 = arith.index_cast %mul3A_96 : i32 to index
        %get3A_99 = tpu.vector_load %arg9[%get3A_97, %get3A_98] {strides = array<i32>} : memref<40x128xi32, #tpu.memory_space<vmem>>, vector<16xi32>,
        %gather3A_100 = tpu.vector_load_idx %arg6[%get3A_94] : memref<10240xf32, #tpu.memory_space<vmem>>[vector<16xi32>], vector<16xf32>,
        %gather3A_101 = tpu.vector_load_idx %arg7[%get3A_99] : memref<10240xf32, #tpu.memory_space<vmem>>[vector<16xi32>], vector<16xf32>,
        %add3A_102 = arith.addf %gather3A_100, %gather3A_101 : vector<16xf32>
        %mul3A_103 = arith.constant 16 : i32
        %mul3A_104 = arith.muli %add3A_89, %mul3A_103 : i32
        %swap3A_105 = arith.index_cast %add3A_10 : i32 to index
        %swap3A_106 = arith.index_cast %mul3A_104 : i32 to index
        %swap3A_107 = tpu.vector_load %arg10[%swap3A_105, %swap3A_106] {strides = array<i32>} : memref<40x128xf32, #tpu.memory_space<vmem>>, vector<16xf32>,
        tpu.vector_store %arg10[%swap3A_105, %swap3A_106], %add3A_102 {strides = array<i32>} : memref<40x128xf32, #tpu.memory_space<vmem>>, vector<16xf32>,
      }
      %scan3A_15 = arith.constant 8 : i32
    }
    %scan3A_5 = arith.constant 40 : i32
    "tpu.region"() ({
      %run_scoped3A_6 = tpu.sem_alloc : memref<!tpu.dma_semaphore, #tpu.memory_space<semaphore_mem>>
      %dma_start3A = arith.constant 0 : i32
      %dma_start3A_7 = arith.constant 0 : i32
      %dma_start3A_8 = tpu.memref_slice %arg5[%add3A, %dma_start3A, %dma_start3A_7] : memref<32x40x128xf32, #tpu.memory_space<hbm>> -> memref<1x40x128xf32, #tpu.memory_space<hbm>>
      %dma_start3A_9 = tpu.memref_squeeze %dma_start3A_8 : memref<1x40x128xf32, #tpu.memory_space<hbm>> -> memref<40x128xf32, #tpu.memory_space<hbm>>
      %dma_start3A_10 = arith.constant 0 : i32
      %dma_start3A_11 = arith.constant 0 : i32
      %dma_start3A_12 = tpu.memref_slice %arg5[%add3A, %dma_start3A_10, %dma_start3A_11] : memref<32x40x128xf32, #tpu.memory_space<hbm>> -> memref<1x40x128xf32, #tpu.memory_space<hbm>>
      %dma_start3A_13 = tpu.memref_squeeze %dma_start3A_12 : memref<1x40x128xf32, #tpu.memory_space<hbm>> -> memref<40x128xf32, #tpu.memory_space<hbm>>
      tpu.enqueue_dma source(%arg10 : memref<40x128xf32, #tpu.memory_space<vmem>>) target(%dma_start3A_13 : memref<40x128xf32, #tpu.memory_space<hbm>>) target_semaphore(%run_scoped3A_6 : memref<!tpu.dma_semaphore, #tpu.memory_space<semaphore_mem>>)
      %dma_wait3A = arith.constant 0 : i32
      %dma_wait3A_14 = arith.constant 0 : i32
      %dma_wait3A_15 = tpu.memref_slice %arg5[%add3A, %dma_wait3A, %dma_wait3A_14] : memref<32x40x128xf32, #tpu.memory_space<hbm>> -> memref<1x40x128xf32, #tpu.memory_space<hbm>>
      %dma_wait3A_16 = tpu.memref_squeeze %dma_wait3A_15 : memref<1x40x128xf32, #tpu.memory_space<hbm>> -> memref<40x128xf32, #tpu.memory_space<hbm>>
      %dma_wait3A_17 = arith.constant 0 : i32
      %dma_wait3A_18 = arith.constant 0 : i32
      %dma_wait3A_19 = tpu.memref_slice %arg5[%add3A, %dma_wait3A_17, %dma_wait3A_18] : memref<32x40x128xf32, #tpu.memory_space<hbm>> -> memref<1x40x128xf32, #tpu.memory_space<hbm>>
      %dma_wait3A_20 = tpu.memref_squeeze %dma_wait3A_19 : memref<1x40x128xf32, #tpu.memory_space<hbm>> -> memref<40x128xf32, #tpu.memory_space<hbm>>
      tpu.wait_dma2 semaphore(%run_scoped3A_6 : memref<!tpu.dma_semaphore, #tpu.memory_space<semaphore_mem>>) src(%arg10 : memref<40x128xf32, #tpu.memory_space<vmem>>) dst(%dma_wait3A_20 : memref<40x128xf32, #tpu.memory_space<hbm>>)
      tpu.yield
    }) : () -> ()
    return
  }
}

#map = affine_map<(d0, d1) -> (0, 0)>
#map1 = affine_map<(d0, d1) -> (0, 0, 0)>
module attributes {stable_mosaic.version = 14 : i64} {
  func.func @_s1(%arg0: i32, %arg1: i32, %arg2: memref<2x10240xf32, #tpu.memory_space<hbm>>, %arg3: memref<32x40x128xi32, #tpu.memory_space<hbm>>, %arg4: memref<32x40x128xi32, #tpu.memory_space<hbm>>, %arg5: memref<32x40x128xf32, #tpu.memory_space<hbm>>, %arg6: memref<2x10240xf32, #tpu.memory_space<hbm>>, %arg7: memref<10240xf32, #tpu.memory_space<vmem>>, %arg8: memref<10240xf32, #tpu.memory_space<vmem>>, %arg9: memref<40x128xi32, #tpu.memory_space<vmem>>, %arg10: memref<40x128xi32, #tpu.memory_space<vmem>>, %arg11: memref<40x128xf32, #tpu.memory_space<vmem>>, %arg12: memref<640xf32, #tpu.memory_space<vmem>>, %arg13: memref<10240xf32, #tpu.memory_space<vmem_shared>>) attributes {dimension_semantics = [#tpu.dimension_semantics<core_parallel>, #tpu.dimension_semantics<subcore_parallel>], iteration_bounds = array<i64: 2, 16>, scalar_prefetch = 0 : i64, scratch_operands = 7 : i64, tpu.core_type = #tpu.core_type<sc_vector_subcore>, window_params = [{transform_indices = #map}, {transform_indices = #map1}, {transform_indices = #map1}, {transform_indices = #map1}, {transform_indices = #map}]} {
    %mul3A = arith.constant 2 : i32
    %mul3A_0 = arith.muli %arg1, %mul3A : i32
    %add3A = arith.addi %mul3A_0, %arg0 : i32
    %scan3A = arith.constant 0 : i32
    %scan3A_1 = arith.constant 40 : i32
    %scan3A_2 = arith.addi %scan3A, %scan3A_1 : i32
    %scan3A_3 = arith.constant 1 : i32
    scf.for %scan3A_18 = %scan3A to %scan3A_2 step %scan3A_3  : i32 {
      %mul3A_19 = arith.constant 1 : i32
      %mul3A_20 = arith.muli %scan3A_18, %mul3A_19 : i32
      %add3A_21 = arith.constant 0 : i32
      %add3A_22 = arith.addi %add3A_21, %mul3A_20 : i32
      %broadcast_in_dim3A = arith.constant 0.000000e+00 : f32
      %broadcast_in_dim3A_23 = vector.broadcast %broadcast_in_dim3A : f32 to vector<16xf32>
      %mul3A_24 = arith.constant 16 : i32
      %mul3A_25 = arith.muli %add3A_22, %mul3A_24 : i32
      %swap3A = arith.index_cast %mul3A_25 : i32 to index
      %swap3A_26 = tpu.vector_load %arg12[%swap3A] {strides = array<i32>} : memref<640xf32, #tpu.memory_space<vmem>>, vector<16xf32>,
      tpu.vector_store %arg12[%swap3A], %broadcast_in_dim3A_23 {strides = array<i32>} : memref<640xf32, #tpu.memory_space<vmem>>, vector<16xf32>,
    }
    %scan3A_4 = arith.constant 40 : i32
    %mul3A_5 = arith.constant 640 : i32
    %mul3A_6 = arith.muli %arg1, %mul3A_5 : i32
    "tpu.region"() ({
      %run_scoped3A_18 = tpu.sem_alloc : memref<!tpu.dma_semaphore, #tpu.memory_space<semaphore_mem>>
      %dma_start3A = tpu.memref_slice %arg13[%mul3A_6] : memref<10240xf32, #tpu.memory_space<vmem_shared>> -> memref<640xf32, #tpu.memory_space<vmem_shared>>
      %dma_start3A_19 = tpu.memref_slice %arg13[%mul3A_6] : memref<10240xf32, #tpu.memory_space<vmem_shared>> -> memref<640xf32, #tpu.memory_space<vmem_shared>>
      tpu.enqueue_dma source(%arg12 : memref<640xf32, #tpu.memory_space<vmem>>) target(%dma_start3A_19 : memref<640xf32, #tpu.memory_space<vmem_shared>>) target_semaphore(%run_scoped3A_18 : memref<!tpu.dma_semaphore, #tpu.memory_space<semaphore_mem>>)
      %dma_wait3A = tpu.memref_slice %arg13[%mul3A_6] : memref<10240xf32, #tpu.memory_space<vmem_shared>> -> memref<640xf32, #tpu.memory_space<vmem_shared>>
      %dma_wait3A_20 = tpu.memref_slice %arg13[%mul3A_6] : memref<10240xf32, #tpu.memory_space<vmem_shared>> -> memref<640xf32, #tpu.memory_space<vmem_shared>>
      tpu.wait_dma2 semaphore(%run_scoped3A_18 : memref<!tpu.dma_semaphore, #tpu.memory_space<semaphore_mem>>) src(%arg12 : memref<640xf32, #tpu.memory_space<vmem>>) dst(%dma_wait3A_20 : memref<640xf32, #tpu.memory_space<vmem_shared>>)
      tpu.yield
    }) : () -> ()
    %run_scoped3A = arith.constant 0 : i32
    "tpu.region"() ({
      %run_scoped3A_18 = tpu.sem_alloc : memref<!tpu.dma_semaphore, #tpu.memory_space<semaphore_mem>>
      %dma_start3A = arith.constant 0 : i32
      %dma_start3A_19 = tpu.memref_slice %arg2[%run_scoped3A, %dma_start3A] : memref<2x10240xf32, #tpu.memory_space<hbm>> -> memref<1x10240xf32, #tpu.memory_space<hbm>>
      %dma_start3A_20 = tpu.memref_squeeze %dma_start3A_19 : memref<1x10240xf32, #tpu.memory_space<hbm>> -> memref<10240xf32, #tpu.memory_space<hbm>>
      %dma_start3A_21 = arith.constant 0 : i32
      %dma_start3A_22 = tpu.memref_slice %arg2[%run_scoped3A, %dma_start3A_21] : memref<2x10240xf32, #tpu.memory_space<hbm>> -> memref<1x10240xf32, #tpu.memory_space<hbm>>
      %dma_start3A_23 = tpu.memref_squeeze %dma_start3A_22 : memref<1x10240xf32, #tpu.memory_space<hbm>> -> memref<10240xf32, #tpu.memory_space<hbm>>
      tpu.enqueue_dma source(%dma_start3A_23 : memref<10240xf32, #tpu.memory_space<hbm>>) target(%arg7 : memref<10240xf32, #tpu.memory_space<vmem>>) target_semaphore(%run_scoped3A_18 : memref<!tpu.dma_semaphore, #tpu.memory_space<semaphore_mem>>)
      %dma_wait3A = arith.constant 0 : i32
      %dma_wait3A_24 = tpu.memref_slice %arg2[%run_scoped3A, %dma_wait3A] : memref<2x10240xf32, #tpu.memory_space<hbm>> -> memref<1x10240xf32, #tpu.memory_space<hbm>>
      %dma_wait3A_25 = tpu.memref_squeeze %dma_wait3A_24 : memref<1x10240xf32, #tpu.memory_space<hbm>> -> memref<10240xf32, #tpu.memory_space<hbm>>
      %dma_wait3A_26 = arith.constant 0 : i32
      %dma_wait3A_27 = tpu.memref_slice %arg2[%run_scoped3A, %dma_wait3A_26] : memref<2x10240xf32, #tpu.memory_space<hbm>> -> memref<1x10240xf32, #tpu.memory_space<hbm>>
      %dma_wait3A_28 = tpu.memref_squeeze %dma_wait3A_27 : memref<1x10240xf32, #tpu.memory_space<hbm>> -> memref<10240xf32, #tpu.memory_space<hbm>>
      tpu.wait_dma2 semaphore(%run_scoped3A_18 : memref<!tpu.dma_semaphore, #tpu.memory_space<semaphore_mem>>) src(%dma_wait3A_28 : memref<10240xf32, #tpu.memory_space<hbm>>) dst(%arg7 : memref<10240xf32, #tpu.memory_space<vmem>>)
      tpu.yield
    }) : () -> ()
    %run_scoped3A_7 = arith.constant 1 : i32
    "tpu.region"() ({
      %run_scoped3A_18 = tpu.sem_alloc : memref<!tpu.dma_semaphore, #tpu.memory_space<semaphore_mem>>
      %dma_start3A = arith.constant 0 : i32
      %dma_start3A_19 = tpu.memref_slice %arg2[%run_scoped3A_7, %dma_start3A] : memref<2x10240xf32, #tpu.memory_space<hbm>> -> memref<1x10240xf32, #tpu.memory_space<hbm>>
      %dma_start3A_20 = tpu.memref_squeeze %dma_start3A_19 : memref<1x10240xf32, #tpu.memory_space<hbm>> -> memref<10240xf32, #tpu.memory_space<hbm>>
      %dma_start3A_21 = arith.constant 0 : i32
      %dma_start3A_22 = tpu.memref_slice %arg2[%run_scoped3A_7, %dma_start3A_21] : memref<2x10240xf32, #tpu.memory_space<hbm>> -> memref<1x10240xf32, #tpu.memory_space<hbm>>
      %dma_start3A_23 = tpu.memref_squeeze %dma_start3A_22 : memref<1x10240xf32, #tpu.memory_space<hbm>> -> memref<10240xf32, #tpu.memory_space<hbm>>
      tpu.enqueue_dma source(%dma_start3A_23 : memref<10240xf32, #tpu.memory_space<hbm>>) target(%arg8 : memref<10240xf32, #tpu.memory_space<vmem>>) target_semaphore(%run_scoped3A_18 : memref<!tpu.dma_semaphore, #tpu.memory_space<semaphore_mem>>)
      %dma_wait3A = arith.constant 0 : i32
      %dma_wait3A_24 = tpu.memref_slice %arg2[%run_scoped3A_7, %dma_wait3A] : memref<2x10240xf32, #tpu.memory_space<hbm>> -> memref<1x10240xf32, #tpu.memory_space<hbm>>
      %dma_wait3A_25 = tpu.memref_squeeze %dma_wait3A_24 : memref<1x10240xf32, #tpu.memory_space<hbm>> -> memref<10240xf32, #tpu.memory_space<hbm>>
      %dma_wait3A_26 = arith.constant 0 : i32
      %dma_wait3A_27 = tpu.memref_slice %arg2[%run_scoped3A_7, %dma_wait3A_26] : memref<2x10240xf32, #tpu.memory_space<hbm>> -> memref<1x10240xf32, #tpu.memory_space<hbm>>
      %dma_wait3A_28 = tpu.memref_squeeze %dma_wait3A_27 : memref<1x10240xf32, #tpu.memory_space<hbm>> -> memref<10240xf32, #tpu.memory_space<hbm>>
      tpu.wait_dma2 semaphore(%run_scoped3A_18 : memref<!tpu.dma_semaphore, #tpu.memory_space<semaphore_mem>>) src(%dma_wait3A_28 : memref<10240xf32, #tpu.memory_space<hbm>>) dst(%arg8 : memref<10240xf32, #tpu.memory_space<vmem>>)
      tpu.yield
    }) : () -> ()
    "tpu.region"() ({
      %run_scoped3A_18 = tpu.sem_alloc : memref<!tpu.dma_semaphore, #tpu.memory_space<semaphore_mem>>
      %dma_start3A = arith.constant 0 : i32
      %dma_start3A_19 = arith.constant 0 : i32
      %dma_start3A_20 = tpu.memref_slice %arg3[%add3A, %dma_start3A, %dma_start3A_19] : memref<32x40x128xi32, #tpu.memory_space<hbm>> -> memref<1x40x128xi32, #tpu.memory_space<hbm>>
      %dma_start3A_21 = tpu.memref_squeeze %dma_start3A_20 : memref<1x40x128xi32, #tpu.memory_space<hbm>> -> memref<40x128xi32, #tpu.memory_space<hbm>>
      %dma_start3A_22 = arith.constant 0 : i32
      %dma_start3A_23 = arith.constant 0 : i32
      %dma_start3A_24 = tpu.memref_slice %arg3[%add3A, %dma_start3A_22, %dma_start3A_23] : memref<32x40x128xi32, #tpu.memory_space<hbm>> -> memref<1x40x128xi32, #tpu.memory_space<hbm>>
      %dma_start3A_25 = tpu.memref_squeeze %dma_start3A_24 : memref<1x40x128xi32, #tpu.memory_space<hbm>> -> memref<40x128xi32, #tpu.memory_space<hbm>>
      tpu.enqueue_dma source(%dma_start3A_25 : memref<40x128xi32, #tpu.memory_space<hbm>>) target(%arg9 : memref<40x128xi32, #tpu.memory_space<vmem>>) target_semaphore(%run_scoped3A_18 : memref<!tpu.dma_semaphore, #tpu.memory_space<semaphore_mem>>)
      %dma_wait3A = arith.constant 0 : i32
      %dma_wait3A_26 = arith.constant 0 : i32
      %dma_wait3A_27 = tpu.memref_slice %arg3[%add3A, %dma_wait3A, %dma_wait3A_26] : memref<32x40x128xi32, #tpu.memory_space<hbm>> -> memref<1x40x128xi32, #tpu.memory_space<hbm>>
      %dma_wait3A_28 = tpu.memref_squeeze %dma_wait3A_27 : memref<1x40x128xi32, #tpu.memory_space<hbm>> -> memref<40x128xi32, #tpu.memory_space<hbm>>
      %dma_wait3A_29 = arith.constant 0 : i32
      %dma_wait3A_30 = arith.constant 0 : i32
      %dma_wait3A_31 = tpu.memref_slice %arg3[%add3A, %dma_wait3A_29, %dma_wait3A_30] : memref<32x40x128xi32, #tpu.memory_space<hbm>> -> memref<1x40x128xi32, #tpu.memory_space<hbm>>
      %dma_wait3A_32 = tpu.memref_squeeze %dma_wait3A_31 : memref<1x40x128xi32, #tpu.memory_space<hbm>> -> memref<40x128xi32, #tpu.memory_space<hbm>>
      tpu.wait_dma2 semaphore(%run_scoped3A_18 : memref<!tpu.dma_semaphore, #tpu.memory_space<semaphore_mem>>) src(%dma_wait3A_32 : memref<40x128xi32, #tpu.memory_space<hbm>>) dst(%arg9 : memref<40x128xi32, #tpu.memory_space<vmem>>)
      tpu.yield
    }) : () -> ()
    "tpu.region"() ({
      %run_scoped3A_18 = tpu.sem_alloc : memref<!tpu.dma_semaphore, #tpu.memory_space<semaphore_mem>>
      %dma_start3A = arith.constant 0 : i32
      %dma_start3A_19 = arith.constant 0 : i32
      %dma_start3A_20 = tpu.memref_slice %arg4[%add3A, %dma_start3A, %dma_start3A_19] : memref<32x40x128xi32, #tpu.memory_space<hbm>> -> memref<1x40x128xi32, #tpu.memory_space<hbm>>
      %dma_start3A_21 = tpu.memref_squeeze %dma_start3A_20 : memref<1x40x128xi32, #tpu.memory_space<hbm>> -> memref<40x128xi32, #tpu.memory_space<hbm>>
      %dma_start3A_22 = arith.constant 0 : i32
      %dma_start3A_23 = arith.constant 0 : i32
      %dma_start3A_24 = tpu.memref_slice %arg4[%add3A, %dma_start3A_22, %dma_start3A_23] : memref<32x40x128xi32, #tpu.memory_space<hbm>> -> memref<1x40x128xi32, #tpu.memory_space<hbm>>
      %dma_start3A_25 = tpu.memref_squeeze %dma_start3A_24 : memref<1x40x128xi32, #tpu.memory_space<hbm>> -> memref<40x128xi32, #tpu.memory_space<hbm>>
      tpu.enqueue_dma source(%dma_start3A_25 : memref<40x128xi32, #tpu.memory_space<hbm>>) target(%arg10 : memref<40x128xi32, #tpu.memory_space<vmem>>) target_semaphore(%run_scoped3A_18 : memref<!tpu.dma_semaphore, #tpu.memory_space<semaphore_mem>>)
      %dma_wait3A = arith.constant 0 : i32
      %dma_wait3A_26 = arith.constant 0 : i32
      %dma_wait3A_27 = tpu.memref_slice %arg4[%add3A, %dma_wait3A, %dma_wait3A_26] : memref<32x40x128xi32, #tpu.memory_space<hbm>> -> memref<1x40x128xi32, #tpu.memory_space<hbm>>
      %dma_wait3A_28 = tpu.memref_squeeze %dma_wait3A_27 : memref<1x40x128xi32, #tpu.memory_space<hbm>> -> memref<40x128xi32, #tpu.memory_space<hbm>>
      %dma_wait3A_29 = arith.constant 0 : i32
      %dma_wait3A_30 = arith.constant 0 : i32
      %dma_wait3A_31 = tpu.memref_slice %arg4[%add3A, %dma_wait3A_29, %dma_wait3A_30] : memref<32x40x128xi32, #tpu.memory_space<hbm>> -> memref<1x40x128xi32, #tpu.memory_space<hbm>>
      %dma_wait3A_32 = tpu.memref_squeeze %dma_wait3A_31 : memref<1x40x128xi32, #tpu.memory_space<hbm>> -> memref<40x128xi32, #tpu.memory_space<hbm>>
      tpu.wait_dma2 semaphore(%run_scoped3A_18 : memref<!tpu.dma_semaphore, #tpu.memory_space<semaphore_mem>>) src(%dma_wait3A_32 : memref<40x128xi32, #tpu.memory_space<hbm>>) dst(%arg10 : memref<40x128xi32, #tpu.memory_space<vmem>>)
      tpu.yield
    }) : () -> ()
    %barrier3A = arith.constant 0 : index
    tpu.barrier barrier_id(%barrier3A)
    %scan3A_8 = arith.constant 0 : i32
    %scan3A_9 = arith.constant 40 : i32
    %scan3A_10 = arith.addi %scan3A_8, %scan3A_9 : i32
    %scan3A_11 = arith.constant 1 : i32
    scf.for %scan3A_18 = %scan3A_8 to %scan3A_10 step %scan3A_11  : i32 {
      %mul3A_19 = arith.constant 1 : i32
      %mul3A_20 = arith.muli %scan3A_18, %mul3A_19 : i32
      %add3A_21 = arith.constant 0 : i32
      %add3A_22 = arith.addi %add3A_21, %mul3A_20 : i32
      %scan3A_23 = arith.constant 0 : i32
      %scan3A_24 = arith.constant 8 : i32
      %scan3A_25 = arith.addi %scan3A_23, %scan3A_24 : i32
      %scan3A_26 = arith.constant 4 : i32
      scf.for %scan3A_28 = %scan3A_23 to %scan3A_25 step %scan3A_26  : i32 {
        %mul3A_29 = arith.constant 1 : i32
        %mul3A_30 = arith.muli %scan3A_28, %mul3A_29 : i32
        %add3A_31 = arith.constant 0 : i32
        %add3A_32 = arith.addi %add3A_31, %mul3A_30 : i32
        %mul3A_33 = arith.constant 16 : i32
        %mul3A_34 = arith.muli %add3A_32, %mul3A_33 : i32
        %get3A = arith.index_cast %add3A_22 : i32 to index
        %get3A_35 = arith.index_cast %mul3A_34 : i32 to index
        %get3A_36 = tpu.vector_load %arg9[%get3A, %get3A_35] {strides = array<i32>} : memref<40x128xi32, #tpu.memory_space<vmem>>, vector<16xi32>,
        %mul3A_37 = arith.constant 16 : i32
        %mul3A_38 = arith.muli %add3A_32, %mul3A_37 : i32
        %get3A_39 = arith.index_cast %add3A_22 : i32 to index
        %get3A_40 = arith.index_cast %mul3A_38 : i32 to index
        %get3A_41 = tpu.vector_load %arg10[%get3A_39, %get3A_40] {strides = array<i32>} : memref<40x128xi32, #tpu.memory_space<vmem>>, vector<16xi32>,
        %gather3A = tpu.vector_load_idx %arg7[%get3A_36] : memref<10240xf32, #tpu.memory_space<vmem>>[vector<16xi32>], vector<16xf32>,
        %gather3A_42 = tpu.vector_load_idx %arg8[%get3A_41] : memref<10240xf32, #tpu.memory_space<vmem>>[vector<16xi32>], vector<16xf32>,
        %add3A_43 = arith.addf %gather3A, %gather3A_42 : vector<16xf32>
        %gt3A = arith.constant 0.000000e+00 : f32
        %gt3A_44 = vector.broadcast %gt3A : f32 to vector<16xf32>
        %gt3A_45 = arith.cmpf ogt, %add3A_43, %gt3A_44 : vector<16xf32>
        %mul3A_46 = arith.constant 2.000000e-01 : f32
        %mul3A_47 = vector.broadcast %mul3A_46 : f32 to vector<16xf32>
        %mul3A_48 = arith.mulf %add3A_43, %mul3A_47 : vector<16xf32>
        %select_n3A = arith.select %gt3A_45, %add3A_43, %mul3A_48 : vector<16xi1>, vector<16xf32>
        %exp3A = math.exp %select_n3A : vector<16xf32>
        %mul3A_49 = arith.constant 16 : i32
        %mul3A_50 = arith.muli %add3A_32, %mul3A_49 : i32
        %swap3A = arith.index_cast %add3A_22 : i32 to index
        %swap3A_51 = arith.index_cast %mul3A_50 : i32 to index
        %swap3A_52 = tpu.vector_load %arg11[%swap3A, %swap3A_51] {strides = array<i32>} : memref<40x128xf32, #tpu.memory_space<vmem>>, vector<16xf32>,
        tpu.vector_store %arg11[%swap3A, %swap3A_51], %exp3A {strides = array<i32>} : memref<40x128xf32, #tpu.memory_space<vmem>>, vector<16xf32>,
        %scan3A_53 = arith.constant 1 : i32
        %scan3A_54 = arith.addi %scan3A_28, %scan3A_53 : i32
        %mul3A_55 = arith.constant 1 : i32
        %mul3A_56 = arith.muli %scan3A_54, %mul3A_55 : i32
        %add3A_57 = arith.constant 0 : i32
        %add3A_58 = arith.addi %add3A_57, %mul3A_56 : i32
        %mul3A_59 = arith.constant 16 : i32
        %mul3A_60 = arith.muli %add3A_58, %mul3A_59 : i32
        %get3A_61 = arith.index_cast %add3A_22 : i32 to index
        %get3A_62 = arith.index_cast %mul3A_60 : i32 to index
        %get3A_63 = tpu.vector_load %arg9[%get3A_61, %get3A_62] {strides = array<i32>} : memref<40x128xi32, #tpu.memory_space<vmem>>, vector<16xi32>,
        %mul3A_64 = arith.constant 16 : i32
        %mul3A_65 = arith.muli %add3A_58, %mul3A_64 : i32
        %get3A_66 = arith.index_cast %add3A_22 : i32 to index
        %get3A_67 = arith.index_cast %mul3A_65 : i32 to index
        %get3A_68 = tpu.vector_load %arg10[%get3A_66, %get3A_67] {strides = array<i32>} : memref<40x128xi32, #tpu.memory_space<vmem>>, vector<16xi32>,
        %gather3A_69 = tpu.vector_load_idx %arg7[%get3A_63] : memref<10240xf32, #tpu.memory_space<vmem>>[vector<16xi32>], vector<16xf32>,
        %gather3A_70 = tpu.vector_load_idx %arg8[%get3A_68] : memref<10240xf32, #tpu.memory_space<vmem>>[vector<16xi32>], vector<16xf32>,
        %add3A_71 = arith.addf %gather3A_69, %gather3A_70 : vector<16xf32>
        %gt3A_72 = arith.constant 0.000000e+00 : f32
        %gt3A_73 = vector.broadcast %gt3A_72 : f32 to vector<16xf32>
        %gt3A_74 = arith.cmpf ogt, %add3A_71, %gt3A_73 : vector<16xf32>
        %mul3A_75 = arith.constant 2.000000e-01 : f32
        %mul3A_76 = vector.broadcast %mul3A_75 : f32 to vector<16xf32>
        %mul3A_77 = arith.mulf %add3A_71, %mul3A_76 : vector<16xf32>
        %select_n3A_78 = arith.select %gt3A_74, %add3A_71, %mul3A_77 : vector<16xi1>, vector<16xf32>
        %exp3A_79 = math.exp %select_n3A_78 : vector<16xf32>
        %mul3A_80 = arith.constant 16 : i32
        %mul3A_81 = arith.muli %add3A_58, %mul3A_80 : i32
        %swap3A_82 = arith.index_cast %add3A_22 : i32 to index
        %swap3A_83 = arith.index_cast %mul3A_81 : i32 to index
        %swap3A_84 = tpu.vector_load %arg11[%swap3A_82, %swap3A_83] {strides = array<i32>} : memref<40x128xf32, #tpu.memory_space<vmem>>, vector<16xf32>,
        tpu.vector_store %arg11[%swap3A_82, %swap3A_83], %exp3A_79 {strides = array<i32>} : memref<40x128xf32, #tpu.memory_space<vmem>>, vector<16xf32>,
        %scan3A_85 = arith.constant 2 : i32
        %scan3A_86 = arith.addi %scan3A_28, %scan3A_85 : i32
        %mul3A_87 = arith.constant 1 : i32
        %mul3A_88 = arith.muli %scan3A_86, %mul3A_87 : i32
        %add3A_89 = arith.constant 0 : i32
        %add3A_90 = arith.addi %add3A_89, %mul3A_88 : i32
        %mul3A_91 = arith.constant 16 : i32
        %mul3A_92 = arith.muli %add3A_90, %mul3A_91 : i32
        %get3A_93 = arith.index_cast %add3A_22 : i32 to index
        %get3A_94 = arith.index_cast %mul3A_92 : i32 to index
        %get3A_95 = tpu.vector_load %arg9[%get3A_93, %get3A_94] {strides = array<i32>} : memref<40x128xi32, #tpu.memory_space<vmem>>, vector<16xi32>,
        %mul3A_96 = arith.constant 16 : i32
        %mul3A_97 = arith.muli %add3A_90, %mul3A_96 : i32
        %get3A_98 = arith.index_cast %add3A_22 : i32 to index
        %get3A_99 = arith.index_cast %mul3A_97 : i32 to index
        %get3A_100 = tpu.vector_load %arg10[%get3A_98, %get3A_99] {strides = array<i32>} : memref<40x128xi32, #tpu.memory_space<vmem>>, vector<16xi32>,
        %gather3A_101 = tpu.vector_load_idx %arg7[%get3A_95] : memref<10240xf32, #tpu.memory_space<vmem>>[vector<16xi32>], vector<16xf32>,
        %gather3A_102 = tpu.vector_load_idx %arg8[%get3A_100] : memref<10240xf32, #tpu.memory_space<vmem>>[vector<16xi32>], vector<16xf32>,
        %add3A_103 = arith.addf %gather3A_101, %gather3A_102 : vector<16xf32>
        %gt3A_104 = arith.constant 0.000000e+00 : f32
        %gt3A_105 = vector.broadcast %gt3A_104 : f32 to vector<16xf32>
        %gt3A_106 = arith.cmpf ogt, %add3A_103, %gt3A_105 : vector<16xf32>
        %mul3A_107 = arith.constant 2.000000e-01 : f32
        %mul3A_108 = vector.broadcast %mul3A_107 : f32 to vector<16xf32>
        %mul3A_109 = arith.mulf %add3A_103, %mul3A_108 : vector<16xf32>
        %select_n3A_110 = arith.select %gt3A_106, %add3A_103, %mul3A_109 : vector<16xi1>, vector<16xf32>
        %exp3A_111 = math.exp %select_n3A_110 : vector<16xf32>
        %mul3A_112 = arith.constant 16 : i32
        %mul3A_113 = arith.muli %add3A_90, %mul3A_112 : i32
        %swap3A_114 = arith.index_cast %add3A_22 : i32 to index
        %swap3A_115 = arith.index_cast %mul3A_113 : i32 to index
        %swap3A_116 = tpu.vector_load %arg11[%swap3A_114, %swap3A_115] {strides = array<i32>} : memref<40x128xf32, #tpu.memory_space<vmem>>, vector<16xf32>,
        tpu.vector_store %arg11[%swap3A_114, %swap3A_115], %exp3A_111 {strides = array<i32>} : memref<40x128xf32, #tpu.memory_space<vmem>>, vector<16xf32>,
        %scan3A_117 = arith.constant 3 : i32
        %scan3A_118 = arith.addi %scan3A_28, %scan3A_117 : i32
        %mul3A_119 = arith.constant 1 : i32
        %mul3A_120 = arith.muli %scan3A_118, %mul3A_119 : i32
        %add3A_121 = arith.constant 0 : i32
        %add3A_122 = arith.addi %add3A_121, %mul3A_120 : i32
        %mul3A_123 = arith.constant 16 : i32
        %mul3A_124 = arith.muli %add3A_122, %mul3A_123 : i32
        %get3A_125 = arith.index_cast %add3A_22 : i32 to index
        %get3A_126 = arith.index_cast %mul3A_124 : i32 to index
        %get3A_127 = tpu.vector_load %arg9[%get3A_125, %get3A_126] {strides = array<i32>} : memref<40x128xi32, #tpu.memory_space<vmem>>, vector<16xi32>,
        %mul3A_128 = arith.constant 16 : i32
        %mul3A_129 = arith.muli %add3A_122, %mul3A_128 : i32
        %get3A_130 = arith.index_cast %add3A_22 : i32 to index
        %get3A_131 = arith.index_cast %mul3A_129 : i32 to index
        %get3A_132 = tpu.vector_load %arg10[%get3A_130, %get3A_131] {strides = array<i32>} : memref<40x128xi32, #tpu.memory_space<vmem>>, vector<16xi32>,
        %gather3A_133 = tpu.vector_load_idx %arg7[%get3A_127] : memref<10240xf32, #tpu.memory_space<vmem>>[vector<16xi32>], vector<16xf32>,
        %gather3A_134 = tpu.vector_load_idx %arg8[%get3A_132] : memref<10240xf32, #tpu.memory_space<vmem>>[vector<16xi32>], vector<16xf32>,
        %add3A_135 = arith.addf %gather3A_133, %gather3A_134 : vector<16xf32>
        %gt3A_136 = arith.constant 0.000000e+00 : f32
        %gt3A_137 = vector.broadcast %gt3A_136 : f32 to vector<16xf32>
        %gt3A_138 = arith.cmpf ogt, %add3A_135, %gt3A_137 : vector<16xf32>
        %mul3A_139 = arith.constant 2.000000e-01 : f32
        %mul3A_140 = vector.broadcast %mul3A_139 : f32 to vector<16xf32>
        %mul3A_141 = arith.mulf %add3A_135, %mul3A_140 : vector<16xf32>
        %select_n3A_142 = arith.select %gt3A_138, %add3A_135, %mul3A_141 : vector<16xi1>, vector<16xf32>
        %exp3A_143 = math.exp %select_n3A_142 : vector<16xf32>
        %mul3A_144 = arith.constant 16 : i32
        %mul3A_145 = arith.muli %add3A_122, %mul3A_144 : i32
        %swap3A_146 = arith.index_cast %add3A_22 : i32 to index
        %swap3A_147 = arith.index_cast %mul3A_145 : i32 to index
        %swap3A_148 = tpu.vector_load %arg11[%swap3A_146, %swap3A_147] {strides = array<i32>} : memref<40x128xf32, #tpu.memory_space<vmem>>, vector<16xf32>,
        tpu.vector_store %arg11[%swap3A_146, %swap3A_147], %exp3A_143 {strides = array<i32>} : memref<40x128xf32, #tpu.memory_space<vmem>>, vector<16xf32>,
      }
      %scan3A_27 = arith.constant 8 : i32
      "tpu.region"() ({
        %run_scoped3A_28 = tpu.sem_alloc : memref<!tpu.dma_semaphore, #tpu.memory_space<semaphore_mem>>
        %dma_start3A = arith.constant 0 : i32
        %dma_start3A_29 = tpu.memref_slice %arg11[%add3A_22, %dma_start3A] : memref<40x128xf32, #tpu.memory_space<vmem>> -> memref<1x128xf32, #tpu.memory_space<vmem>>
        %dma_start3A_30 = tpu.memref_squeeze %dma_start3A_29 : memref<1x128xf32, #tpu.memory_space<vmem>> -> memref<128xf32, #tpu.memory_space<vmem>>
        %dma_start3A_31 = arith.constant 0 : i32
        %dma_start3A_32 = tpu.memref_slice %arg10[%add3A_22, %dma_start3A_31] : memref<40x128xi32, #tpu.memory_space<vmem>> -> memref<1x128xi32, #tpu.memory_space<vmem>>
        %dma_start3A_33 = tpu.memref_squeeze %dma_start3A_32 : memref<1x128xi32, #tpu.memory_space<vmem>> -> memref<128xi32, #tpu.memory_space<vmem>>
        %dma_start3A_34 = arith.constant 0 : i32
        %dma_start3A_35 = tpu.memref_slice %arg13[%dma_start3A_34] : memref<10240xf32, #tpu.memory_space<vmem_shared>> -> memref<10240xf32, #tpu.memory_space<vmem_shared>>
        tpu.enqueue_indirect_dma source(%dma_start3A_30 : memref<128xf32, #tpu.memory_space<vmem>>) target(%dma_start3A_35 : memref<10240xf32, #tpu.memory_space<vmem_shared>>) offsets(%dma_start3A_33 : memref<128xi32, #tpu.memory_space<vmem>>) semaphore(%run_scoped3A_28 : memref<!tpu.dma_semaphore, #tpu.memory_space<semaphore_mem>>) {add = true}
        %dma_wait3A = arith.constant 0 : i32
        %dma_wait3A_36 = tpu.memref_slice %arg11[%add3A_22, %dma_wait3A] : memref<40x128xf32, #tpu.memory_space<vmem>> -> memref<1x128xf32, #tpu.memory_space<vmem>>
        %dma_wait3A_37 = tpu.memref_squeeze %dma_wait3A_36 : memref<1x128xf32, #tpu.memory_space<vmem>> -> memref<128xf32, #tpu.memory_space<vmem>>
        %dma_wait3A_38 = arith.constant 0 : i32
        %dma_wait3A_39 = tpu.memref_slice %arg10[%add3A_22, %dma_wait3A_38] : memref<40x128xi32, #tpu.memory_space<vmem>> -> memref<1x128xi32, #tpu.memory_space<vmem>>
        %dma_wait3A_40 = tpu.memref_squeeze %dma_wait3A_39 : memref<1x128xi32, #tpu.memory_space<vmem>> -> memref<128xi32, #tpu.memory_space<vmem>>
        %dma_wait3A_41 = arith.constant 0 : i32
        %dma_wait3A_42 = tpu.memref_slice %arg13[%dma_wait3A_41] : memref<10240xf32, #tpu.memory_space<vmem_shared>> -> memref<10240xf32, #tpu.memory_space<vmem_shared>>
        tpu.wait_indirect_dma semaphore(%run_scoped3A_28 : memref<!tpu.dma_semaphore, #tpu.memory_space<semaphore_mem>>) src(%dma_wait3A_37 : memref<128xf32, #tpu.memory_space<vmem>>) dst(%dma_wait3A_42 : memref<10240xf32, #tpu.memory_space<vmem_shared>>)
        tpu.yield
      }) : () -> ()
    }
    %scan3A_12 = arith.constant 40 : i32
    "tpu.region"() ({
      %run_scoped3A_18 = tpu.sem_alloc : memref<!tpu.dma_semaphore, #tpu.memory_space<semaphore_mem>>
      %dma_start3A = arith.constant 0 : i32
      %dma_start3A_19 = arith.constant 0 : i32
      %dma_start3A_20 = tpu.memref_slice %arg5[%add3A, %dma_start3A, %dma_start3A_19] : memref<32x40x128xf32, #tpu.memory_space<hbm>> -> memref<1x40x128xf32, #tpu.memory_space<hbm>>
      %dma_start3A_21 = tpu.memref_squeeze %dma_start3A_20 : memref<1x40x128xf32, #tpu.memory_space<hbm>> -> memref<40x128xf32, #tpu.memory_space<hbm>>
      %dma_start3A_22 = arith.constant 0 : i32
      %dma_start3A_23 = arith.constant 0 : i32
      %dma_start3A_24 = tpu.memref_slice %arg5[%add3A, %dma_start3A_22, %dma_start3A_23] : memref<32x40x128xf32, #tpu.memory_space<hbm>> -> memref<1x40x128xf32, #tpu.memory_space<hbm>>
      %dma_start3A_25 = tpu.memref_squeeze %dma_start3A_24 : memref<1x40x128xf32, #tpu.memory_space<hbm>> -> memref<40x128xf32, #tpu.memory_space<hbm>>
      tpu.enqueue_dma source(%arg11 : memref<40x128xf32, #tpu.memory_space<vmem>>) target(%dma_start3A_25 : memref<40x128xf32, #tpu.memory_space<hbm>>) target_semaphore(%run_scoped3A_18 : memref<!tpu.dma_semaphore, #tpu.memory_space<semaphore_mem>>)
      %dma_wait3A = arith.constant 0 : i32
      %dma_wait3A_26 = arith.constant 0 : i32
      %dma_wait3A_27 = tpu.memref_slice %arg5[%add3A, %dma_wait3A, %dma_wait3A_26] : memref<32x40x128xf32, #tpu.memory_space<hbm>> -> memref<1x40x128xf32, #tpu.memory_space<hbm>>
      %dma_wait3A_28 = tpu.memref_squeeze %dma_wait3A_27 : memref<1x40x128xf32, #tpu.memory_space<hbm>> -> memref<40x128xf32, #tpu.memory_space<hbm>>
      %dma_wait3A_29 = arith.constant 0 : i32
      %dma_wait3A_30 = arith.constant 0 : i32
      %dma_wait3A_31 = tpu.memref_slice %arg5[%add3A, %dma_wait3A_29, %dma_wait3A_30] : memref<32x40x128xf32, #tpu.memory_space<hbm>> -> memref<1x40x128xf32, #tpu.memory_space<hbm>>
      %dma_wait3A_32 = tpu.memref_squeeze %dma_wait3A_31 : memref<1x40x128xf32, #tpu.memory_space<hbm>> -> memref<40x128xf32, #tpu.memory_space<hbm>>
      tpu.wait_dma2 semaphore(%run_scoped3A_18 : memref<!tpu.dma_semaphore, #tpu.memory_space<semaphore_mem>>) src(%arg11 : memref<40x128xf32, #tpu.memory_space<vmem>>) dst(%dma_wait3A_32 : memref<40x128xf32, #tpu.memory_space<hbm>>)
      tpu.yield
    }) : () -> ()
    %barrier3A_13 = arith.constant 0 : index
    tpu.barrier barrier_id(%barrier3A_13)
    %mul3A_14 = arith.constant 640 : i32
    %mul3A_15 = arith.muli %arg1, %mul3A_14 : i32
    %mul3A_16 = arith.constant 640 : i32
    %mul3A_17 = arith.muli %arg1, %mul3A_16 : i32
    "tpu.region"() ({
      %run_scoped3A_18 = tpu.sem_alloc : memref<!tpu.dma_semaphore, #tpu.memory_space<semaphore_mem>>
      %dma_start3A = tpu.memref_slice %arg6[%arg0, %mul3A_17] : memref<2x10240xf32, #tpu.memory_space<hbm>> -> memref<1x640xf32, #tpu.memory_space<hbm>>
      %dma_start3A_19 = tpu.memref_squeeze %dma_start3A : memref<1x640xf32, #tpu.memory_space<hbm>> -> memref<640xf32, #tpu.memory_space<hbm>>
      %dma_start3A_20 = tpu.memref_slice %arg13[%mul3A_15] : memref<10240xf32, #tpu.memory_space<vmem_shared>> -> memref<640xf32, #tpu.memory_space<vmem_shared>>
      tpu.enqueue_dma source(%dma_start3A_20 : memref<640xf32, #tpu.memory_space<vmem_shared>>) target(%dma_start3A_19 : memref<640xf32, #tpu.memory_space<hbm>>) target_semaphore(%run_scoped3A_18 : memref<!tpu.dma_semaphore, #tpu.memory_space<semaphore_mem>>)
      %dma_wait3A = tpu.memref_slice %arg6[%arg0, %mul3A_17] : memref<2x10240xf32, #tpu.memory_space<hbm>> -> memref<1x640xf32, #tpu.memory_space<hbm>>
      %dma_wait3A_21 = tpu.memref_squeeze %dma_wait3A : memref<1x640xf32, #tpu.memory_space<hbm>> -> memref<640xf32, #tpu.memory_space<hbm>>
      %dma_wait3A_22 = tpu.memref_slice %arg13[%mul3A_15] : memref<10240xf32, #tpu.memory_space<vmem_shared>> -> memref<640xf32, #tpu.memory_space<vmem_shared>>
      tpu.wait_dma2 semaphore(%run_scoped3A_18 : memref<!tpu.dma_semaphore, #tpu.memory_space<semaphore_mem>>) src(%dma_wait3A_22 : memref<640xf32, #tpu.memory_space<vmem_shared>>) dst(%dma_wait3A_21 : memref<640xf32, #tpu.memory_space<hbm>>)
      tpu.yield
    }) : () -> ()
    return
  }
}

#map = affine_map<(d0, d1) -> (0, 0, 0)>
module attributes {stable_mosaic.version = 14 : i64} {
  func.func @_s2(%arg0: i32, %arg1: i32, %arg2: memref<2x10240x128xf32, #tpu.memory_space<hbm>>, %arg3: memref<32x40x128xi32, #tpu.memory_space<hbm>>, %arg4: memref<32x40x128xi32, #tpu.memory_space<hbm>>, %arg5: memref<32x40x128xf32, #tpu.memory_space<hbm>>, %arg6: memref<2x10240x128xf32, #tpu.memory_space<hbm>>, %arg7: memref<40x128xi32, #tpu.memory_space<vmem>>, %arg8: memref<40x128xi32, #tpu.memory_space<vmem>>, %arg9: memref<40x128xf32, #tpu.memory_space<vmem>>, %arg10: memref<128x128xf32, #tpu.memory_space<vmem>>, %arg11: memref<128x128xf32, #tpu.memory_space<vmem>>, %arg12: memref<10240x128xf32, #tpu.memory_space<vmem_shared>>, %arg13: memref<!tpu.dma_semaphore, #tpu.memory_space<semaphore_mem>>, %arg14: memref<!tpu.dma_semaphore, #tpu.memory_space<semaphore_mem>>, %arg15: memref<!tpu.dma_semaphore, #tpu.memory_space<semaphore_mem>>, %arg16: memref<!tpu.dma_semaphore, #tpu.memory_space<semaphore_mem>>) attributes {dimension_semantics = [#tpu.dimension_semantics<core_parallel>, #tpu.dimension_semantics<subcore_parallel>], iteration_bounds = array<i64: 2, 16>, scalar_prefetch = 0 : i64, scratch_operands = 10 : i64, tpu.core_type = #tpu.core_type<sc_vector_subcore>, window_params = [{transform_indices = #map}, {transform_indices = #map}, {transform_indices = #map}, {transform_indices = #map}, {transform_indices = #map}]} {
    %scan3A = arith.constant 0 : i32
    %scan3A_0 = arith.constant 128 : i32
    %scan3A_1 = arith.addi %scan3A, %scan3A_0 : i32
    %scan3A_2 = arith.constant 1 : i32
    scf.for %scan3A_78 = %scan3A to %scan3A_1 step %scan3A_2  : i32 {
      %mul3A_79 = arith.constant 1 : i32
      %mul3A_80 = arith.muli %scan3A_78, %mul3A_79 : i32
      %add3A_81 = arith.constant 0 : i32
      %add3A_82 = arith.addi %add3A_81, %mul3A_80 : i32
      %scan3A_83 = arith.constant 0 : i32
      %scan3A_84 = arith.constant 8 : i32
      %scan3A_85 = arith.addi %scan3A_83, %scan3A_84 : i32
      %scan3A_86 = arith.constant 1 : i32
      scf.for %scan3A_88 = %scan3A_83 to %scan3A_85 step %scan3A_86  : i32 {
        %mul3A_89 = arith.constant 1 : i32
        %mul3A_90 = arith.muli %scan3A_88, %mul3A_89 : i32
        %add3A_91 = arith.constant 0 : i32
        %add3A_92 = arith.addi %add3A_91, %mul3A_90 : i32
        %broadcast_in_dim3A = arith.constant 0.000000e+00 : f32
        %broadcast_in_dim3A_93 = vector.broadcast %broadcast_in_dim3A : f32 to vector<16xf32>
        %mul3A_94 = arith.constant 16 : i32
        %mul3A_95 = arith.muli %add3A_92, %mul3A_94 : i32
        %swap3A = arith.index_cast %add3A_82 : i32 to index
        %swap3A_96 = arith.index_cast %mul3A_95 : i32 to index
        %swap3A_97 = tpu.vector_load %arg10[%swap3A, %swap3A_96] {strides = array<i32>} : memref<128x128xf32, #tpu.memory_space<vmem>>, vector<16xf32>,
        tpu.vector_store %arg10[%swap3A, %swap3A_96], %broadcast_in_dim3A_93 {strides = array<i32>} : memref<128x128xf32, #tpu.memory_space<vmem>>, vector<16xf32>,
      }
      %scan3A_87 = arith.constant 8 : i32
    }
    %scan3A_3 = arith.constant 128 : i32
    %scan3A_4 = arith.constant 0 : i32
    %scan3A_5 = arith.constant 5 : i32
    %scan3A_6 = arith.addi %scan3A_4, %scan3A_5 : i32
    %scan3A_7 = arith.constant 1 : i32
    scf.for %scan3A_78 = %scan3A_4 to %scan3A_6 step %scan3A_7  : i32 {
      %mul3A_79 = arith.constant 1 : i32
      %mul3A_80 = arith.muli %scan3A_78, %mul3A_79 : i32
      %add3A_81 = arith.constant 0 : i32
      %add3A_82 = arith.addi %add3A_81, %mul3A_80 : i32
      %mul3A_83 = arith.constant 640 : i32
      %mul3A_84 = arith.muli %arg1, %mul3A_83 : i32
      %mul3A_85 = arith.constant 128 : i32
      %mul3A_86 = arith.muli %add3A_82, %mul3A_85 : i32
      %add3A_87 = arith.addi %mul3A_84, %mul3A_86 : i32
      "tpu.region"() ({
        %run_scoped3A = tpu.sem_alloc : memref<!tpu.dma_semaphore, #tpu.memory_space<semaphore_mem>>
        %dma_start3A_88 = arith.constant 0 : i32
        %dma_start3A_89 = tpu.memref_slice %arg12[%add3A_87, %dma_start3A_88] : memref<10240x128xf32, #tpu.memory_space<vmem_shared>> -> memref<128x128xf32, #tpu.memory_space<vmem_shared>>
        %dma_start3A_90 = arith.constant 0 : i32
        %dma_start3A_91 = tpu.memref_slice %arg12[%add3A_87, %dma_start3A_90] : memref<10240x128xf32, #tpu.memory_space<vmem_shared>> -> memref<128x128xf32, #tpu.memory_space<vmem_shared>>
        tpu.enqueue_dma source(%arg10 : memref<128x128xf32, #tpu.memory_space<vmem>>) target(%dma_start3A_91 : memref<128x128xf32, #tpu.memory_space<vmem_shared>>) target_semaphore(%run_scoped3A : memref<!tpu.dma_semaphore, #tpu.memory_space<semaphore_mem>>)
        %dma_wait3A_92 = arith.constant 0 : i32
        %dma_wait3A_93 = tpu.memref_slice %arg12[%add3A_87, %dma_wait3A_92] : memref<10240x128xf32, #tpu.memory_space<vmem_shared>> -> memref<128x128xf32, #tpu.memory_space<vmem_shared>>
        %dma_wait3A_94 = arith.constant 0 : i32
        %dma_wait3A_95 = tpu.memref_slice %arg12[%add3A_87, %dma_wait3A_94] : memref<10240x128xf32, #tpu.memory_space<vmem_shared>> -> memref<128x128xf32, #tpu.memory_space<vmem_shared>>
        tpu.wait_dma2 semaphore(%run_scoped3A : memref<!tpu.dma_semaphore, #tpu.memory_space<semaphore_mem>>) src(%arg10 : memref<128x128xf32, #tpu.memory_space<vmem>>) dst(%dma_wait3A_95 : memref<128x128xf32, #tpu.memory_space<vmem_shared>>)
        tpu.yield
      }) : () -> ()
    }
    %scan3A_8 = arith.constant 5 : i32
    %barrier3A = arith.constant 0 : index
    tpu.barrier barrier_id(%barrier3A)
    %mul3A = arith.constant 2 : i32
    %mul3A_9 = arith.muli %arg1, %mul3A : i32
    %add3A = arith.constant 0 : i32
    %add3A_10 = arith.addi %mul3A_9, %add3A : i32
    "tpu.region"() ({
      %run_scoped3A = tpu.sem_alloc : memref<!tpu.dma_semaphore, #tpu.memory_space<semaphore_mem>>
      %dma_start3A_78 = arith.constant 0 : i32
      %dma_start3A_79 = arith.constant 0 : i32
      %dma_start3A_80 = tpu.memref_slice %arg3[%add3A_10, %dma_start3A_78, %dma_start3A_79] : memref<32x40x128xi32, #tpu.memory_space<hbm>> -> memref<1x40x128xi32, #tpu.memory_space<hbm>>
      %dma_start3A_81 = tpu.memref_squeeze %dma_start3A_80 : memref<1x40x128xi32, #tpu.memory_space<hbm>> -> memref<40x128xi32, #tpu.memory_space<hbm>>
      %dma_start3A_82 = arith.constant 0 : i32
      %dma_start3A_83 = arith.constant 0 : i32
      %dma_start3A_84 = tpu.memref_slice %arg3[%add3A_10, %dma_start3A_82, %dma_start3A_83] : memref<32x40x128xi32, #tpu.memory_space<hbm>> -> memref<1x40x128xi32, #tpu.memory_space<hbm>>
      %dma_start3A_85 = tpu.memref_squeeze %dma_start3A_84 : memref<1x40x128xi32, #tpu.memory_space<hbm>> -> memref<40x128xi32, #tpu.memory_space<hbm>>
      tpu.enqueue_dma source(%dma_start3A_85 : memref<40x128xi32, #tpu.memory_space<hbm>>) target(%arg7 : memref<40x128xi32, #tpu.memory_space<vmem>>) target_semaphore(%run_scoped3A : memref<!tpu.dma_semaphore, #tpu.memory_space<semaphore_mem>>)
      %dma_wait3A_86 = arith.constant 0 : i32
      %dma_wait3A_87 = arith.constant 0 : i32
      %dma_wait3A_88 = tpu.memref_slice %arg3[%add3A_10, %dma_wait3A_86, %dma_wait3A_87] : memref<32x40x128xi32, #tpu.memory_space<hbm>> -> memref<1x40x128xi32, #tpu.memory_space<hbm>>
      %dma_wait3A_89 = tpu.memref_squeeze %dma_wait3A_88 : memref<1x40x128xi32, #tpu.memory_space<hbm>> -> memref<40x128xi32, #tpu.memory_space<hbm>>
      %dma_wait3A_90 = arith.constant 0 : i32
      %dma_wait3A_91 = arith.constant 0 : i32
      %dma_wait3A_92 = tpu.memref_slice %arg3[%add3A_10, %dma_wait3A_90, %dma_wait3A_91] : memref<32x40x128xi32, #tpu.memory_space<hbm>> -> memref<1x40x128xi32, #tpu.memory_space<hbm>>
      %dma_wait3A_93 = tpu.memref_squeeze %dma_wait3A_92 : memref<1x40x128xi32, #tpu.memory_space<hbm>> -> memref<40x128xi32, #tpu.memory_space<hbm>>
      tpu.wait_dma2 semaphore(%run_scoped3A : memref<!tpu.dma_semaphore, #tpu.memory_space<semaphore_mem>>) src(%dma_wait3A_93 : memref<40x128xi32, #tpu.memory_space<hbm>>) dst(%arg7 : memref<40x128xi32, #tpu.memory_space<vmem>>)
      tpu.yield
    }) : () -> ()
    "tpu.region"() ({
      %run_scoped3A = tpu.sem_alloc : memref<!tpu.dma_semaphore, #tpu.memory_space<semaphore_mem>>
      %dma_start3A_78 = arith.constant 0 : i32
      %dma_start3A_79 = arith.constant 0 : i32
      %dma_start3A_80 = tpu.memref_slice %arg4[%add3A_10, %dma_start3A_78, %dma_start3A_79] : memref<32x40x128xi32, #tpu.memory_space<hbm>> -> memref<1x40x128xi32, #tpu.memory_space<hbm>>
      %dma_start3A_81 = tpu.memref_squeeze %dma_start3A_80 : memref<1x40x128xi32, #tpu.memory_space<hbm>> -> memref<40x128xi32, #tpu.memory_space<hbm>>
      %dma_start3A_82 = arith.constant 0 : i32
      %dma_start3A_83 = arith.constant 0 : i32
      %dma_start3A_84 = tpu.memref_slice %arg4[%add3A_10, %dma_start3A_82, %dma_start3A_83] : memref<32x40x128xi32, #tpu.memory_space<hbm>> -> memref<1x40x128xi32, #tpu.memory_space<hbm>>
      %dma_start3A_85 = tpu.memref_squeeze %dma_start3A_84 : memref<1x40x128xi32, #tpu.memory_space<hbm>> -> memref<40x128xi32, #tpu.memory_space<hbm>>
      tpu.enqueue_dma source(%dma_start3A_85 : memref<40x128xi32, #tpu.memory_space<hbm>>) target(%arg8 : memref<40x128xi32, #tpu.memory_space<vmem>>) target_semaphore(%run_scoped3A : memref<!tpu.dma_semaphore, #tpu.memory_space<semaphore_mem>>)
      %dma_wait3A_86 = arith.constant 0 : i32
      %dma_wait3A_87 = arith.constant 0 : i32
      %dma_wait3A_88 = tpu.memref_slice %arg4[%add3A_10, %dma_wait3A_86, %dma_wait3A_87] : memref<32x40x128xi32, #tpu.memory_space<hbm>> -> memref<1x40x128xi32, #tpu.memory_space<hbm>>
      %dma_wait3A_89 = tpu.memref_squeeze %dma_wait3A_88 : memref<1x40x128xi32, #tpu.memory_space<hbm>> -> memref<40x128xi32, #tpu.memory_space<hbm>>
      %dma_wait3A_90 = arith.constant 0 : i32
      %dma_wait3A_91 = arith.constant 0 : i32
      %dma_wait3A_92 = tpu.memref_slice %arg4[%add3A_10, %dma_wait3A_90, %dma_wait3A_91] : memref<32x40x128xi32, #tpu.memory_space<hbm>> -> memref<1x40x128xi32, #tpu.memory_space<hbm>>
      %dma_wait3A_93 = tpu.memref_squeeze %dma_wait3A_92 : memref<1x40x128xi32, #tpu.memory_space<hbm>> -> memref<40x128xi32, #tpu.memory_space<hbm>>
      tpu.wait_dma2 semaphore(%run_scoped3A : memref<!tpu.dma_semaphore, #tpu.memory_space<semaphore_mem>>) src(%dma_wait3A_93 : memref<40x128xi32, #tpu.memory_space<hbm>>) dst(%arg8 : memref<40x128xi32, #tpu.memory_space<vmem>>)
      tpu.yield
    }) : () -> ()
    "tpu.region"() ({
      %run_scoped3A = tpu.sem_alloc : memref<!tpu.dma_semaphore, #tpu.memory_space<semaphore_mem>>
      %dma_start3A_78 = arith.constant 0 : i32
      %dma_start3A_79 = arith.constant 0 : i32
      %dma_start3A_80 = tpu.memref_slice %arg5[%add3A_10, %dma_start3A_78, %dma_start3A_79] : memref<32x40x128xf32, #tpu.memory_space<hbm>> -> memref<1x40x128xf32, #tpu.memory_space<hbm>>
      %dma_start3A_81 = tpu.memref_squeeze %dma_start3A_80 : memref<1x40x128xf32, #tpu.memory_space<hbm>> -> memref<40x128xf32, #tpu.memory_space<hbm>>
      %dma_start3A_82 = arith.constant 0 : i32
      %dma_start3A_83 = arith.constant 0 : i32
      %dma_start3A_84 = tpu.memref_slice %arg5[%add3A_10, %dma_start3A_82, %dma_start3A_83] : memref<32x40x128xf32, #tpu.memory_space<hbm>> -> memref<1x40x128xf32, #tpu.memory_space<hbm>>
      %dma_start3A_85 = tpu.memref_squeeze %dma_start3A_84 : memref<1x40x128xf32, #tpu.memory_space<hbm>> -> memref<40x128xf32, #tpu.memory_space<hbm>>
      tpu.enqueue_dma source(%dma_start3A_85 : memref<40x128xf32, #tpu.memory_space<hbm>>) target(%arg9 : memref<40x128xf32, #tpu.memory_space<vmem>>) target_semaphore(%run_scoped3A : memref<!tpu.dma_semaphore, #tpu.memory_space<semaphore_mem>>)
      %dma_wait3A_86 = arith.constant 0 : i32
      %dma_wait3A_87 = arith.constant 0 : i32
      %dma_wait3A_88 = tpu.memref_slice %arg5[%add3A_10, %dma_wait3A_86, %dma_wait3A_87] : memref<32x40x128xf32, #tpu.memory_space<hbm>> -> memref<1x40x128xf32, #tpu.memory_space<hbm>>
      %dma_wait3A_89 = tpu.memref_squeeze %dma_wait3A_88 : memref<1x40x128xf32, #tpu.memory_space<hbm>> -> memref<40x128xf32, #tpu.memory_space<hbm>>
      %dma_wait3A_90 = arith.constant 0 : i32
      %dma_wait3A_91 = arith.constant 0 : i32
      %dma_wait3A_92 = tpu.memref_slice %arg5[%add3A_10, %dma_wait3A_90, %dma_wait3A_91] : memref<32x40x128xf32, #tpu.memory_space<hbm>> -> memref<1x40x128xf32, #tpu.memory_space<hbm>>
      %dma_wait3A_93 = tpu.memref_squeeze %dma_wait3A_92 : memref<1x40x128xf32, #tpu.memory_space<hbm>> -> memref<40x128xf32, #tpu.memory_space<hbm>>
      tpu.wait_dma2 semaphore(%run_scoped3A : memref<!tpu.dma_semaphore, #tpu.memory_space<semaphore_mem>>) src(%dma_wait3A_93 : memref<40x128xf32, #tpu.memory_space<hbm>>) dst(%arg9 : memref<40x128xf32, #tpu.memory_space<vmem>>)
      tpu.yield
    }) : () -> ()
    %dma_start3A = arith.constant 0 : i32
    %dma_start3A_11 = arith.constant 0 : i32
    %dma_start3A_12 = tpu.memref_slice %arg7[%dma_start3A, %dma_start3A_11] : memref<40x128xi32, #tpu.memory_space<vmem>> -> memref<1x128xi32, #tpu.memory_space<vmem>>
    %dma_start3A_13 = tpu.memref_squeeze %dma_start3A_12 : memref<1x128xi32, #tpu.memory_space<vmem>> -> memref<128xi32, #tpu.memory_space<vmem>>
    %dma_start3A_14 = arith.constant 0 : i32
    %dma_start3A_15 = arith.constant 0 : i32
    %dma_start3A_16 = tpu.memref_slice %arg2[%arg0, %dma_start3A_14, %dma_start3A_15] : memref<2x10240x128xf32, #tpu.memory_space<hbm>> -> memref<1x10240x128xf32, #tpu.memory_space<hbm>>
    %dma_start3A_17 = tpu.memref_squeeze %dma_start3A_16 : memref<1x10240x128xf32, #tpu.memory_space<hbm>> -> memref<10240x128xf32, #tpu.memory_space<hbm>>
    %dma_start3A_18 = arith.constant 0 : i32
    %dma_start3A_19 = arith.constant 0 : i32
    %dma_start3A_20 = tpu.memref_slice %dma_start3A_17[%dma_start3A_18, %dma_start3A_19] : memref<10240x128xf32, #tpu.memory_space<hbm>> -> memref<10240x128xf32, #tpu.memory_space<hbm>>
    tpu.enqueue_indirect_dma source(%dma_start3A_20 : memref<10240x128xf32, #tpu.memory_space<hbm>>) target(%arg10 : memref<128x128xf32, #tpu.memory_space<vmem>>) offsets(%dma_start3A_13 : memref<128xi32, #tpu.memory_space<vmem>>) semaphore(%arg13 : memref<!tpu.dma_semaphore, #tpu.memory_space<semaphore_mem>>)
    %scan3A_21 = arith.constant 0 : i32
    %scan3A_22 = arith.constant 20 : i32
    %scan3A_23 = arith.addi %scan3A_21, %scan3A_22 : i32
    %scan3A_24 = arith.constant 1 : i32
    scf.for %scan3A_78 = %scan3A_21 to %scan3A_23 step %scan3A_24  : i32 {
      %mul3A_79 = arith.constant 1 : i32
      %mul3A_80 = arith.muli %scan3A_78, %mul3A_79 : i32
      %add3A_81 = arith.constant 0 : i32
      %add3A_82 = arith.addi %add3A_81, %mul3A_80 : i32
      %mul3A_83 = arith.constant 2 : i32
      %mul3A_84 = arith.muli %add3A_82, %mul3A_83 : i32
      %gt3A = arith.constant 0 : i32
      %gt3A_85 = arith.cmpi sgt, %add3A_82, %gt3A : i32
      %convert_element_type3A = arith.extui %gt3A_85 : i1 to i32
      %cond3A = arith.constant 0 : i32
      %cond3A_86 = arith.cmpi ne, %convert_element_type3A, %cond3A : i32
      scf.if %cond3A_86 {
        %sub3A = arith.constant 1 : i32
        %sub3A_151 = arith.subi %mul3A_84, %sub3A : i32
        %dma_wait3A_152 = arith.constant 0 : i32
        %dma_wait3A_153 = tpu.memref_slice %arg8[%sub3A_151, %dma_wait3A_152] : memref<40x128xi32, #tpu.memory_space<vmem>> -> memref<1x128xi32, #tpu.memory_space<vmem>>
        %dma_wait3A_154 = tpu.memref_squeeze %dma_wait3A_153 : memref<1x128xi32, #tpu.memory_space<vmem>> -> memref<128xi32, #tpu.memory_space<vmem>>
        %dma_wait3A_155 = arith.constant 0 : i32
        %dma_wait3A_156 = arith.constant 0 : i32
        %dma_wait3A_157 = tpu.memref_slice %arg12[%dma_wait3A_155, %dma_wait3A_156] : memref<10240x128xf32, #tpu.memory_space<vmem_shared>> -> memref<10240x128xf32, #tpu.memory_space<vmem_shared>>
        tpu.wait_indirect_dma semaphore(%arg16 : memref<!tpu.dma_semaphore, #tpu.memory_space<semaphore_mem>>) src(%arg11 : memref<128x128xf32, #tpu.memory_space<vmem>>) dst(%dma_wait3A_157 : memref<10240x128xf32, #tpu.memory_space<vmem_shared>>)
      } else {
      }
      %add3A_87 = arith.constant 1 : i32
      %add3A_88 = arith.addi %mul3A_84, %add3A_87 : i32
      %dma_start3A_89 = arith.constant 0 : i32
      %dma_start3A_90 = tpu.memref_slice %arg7[%add3A_88, %dma_start3A_89] : memref<40x128xi32, #tpu.memory_space<vmem>> -> memref<1x128xi32, #tpu.memory_space<vmem>>
      %dma_start3A_91 = tpu.memref_squeeze %dma_start3A_90 : memref<1x128xi32, #tpu.memory_space<vmem>> -> memref<128xi32, #tpu.memory_space<vmem>>
      %dma_start3A_92 = arith.constant 0 : i32
      %dma_start3A_93 = arith.constant 0 : i32
      %dma_start3A_94 = tpu.memref_slice %arg2[%arg0, %dma_start3A_92, %dma_start3A_93] : memref<2x10240x128xf32, #tpu.memory_space<hbm>> -> memref<1x10240x128xf32, #tpu.memory_space<hbm>>
      %dma_start3A_95 = tpu.memref_squeeze %dma_start3A_94 : memref<1x10240x128xf32, #tpu.memory_space<hbm>> -> memref<10240x128xf32, #tpu.memory_space<hbm>>
      %dma_start3A_96 = arith.constant 0 : i32
      %dma_start3A_97 = arith.constant 0 : i32
      %dma_start3A_98 = tpu.memref_slice %dma_start3A_95[%dma_start3A_96, %dma_start3A_97] : memref<10240x128xf32, #tpu.memory_space<hbm>> -> memref<10240x128xf32, #tpu.memory_space<hbm>>
      tpu.enqueue_indirect_dma source(%dma_start3A_98 : memref<10240x128xf32, #tpu.memory_space<hbm>>) target(%arg11 : memref<128x128xf32, #tpu.memory_space<vmem>>) offsets(%dma_start3A_91 : memref<128xi32, #tpu.memory_space<vmem>>) semaphore(%arg14 : memref<!tpu.dma_semaphore, #tpu.memory_space<semaphore_mem>>)
      %dma_wait3A_99 = arith.constant 0 : i32
      %dma_wait3A_100 = tpu.memref_slice %arg7[%mul3A_84, %dma_wait3A_99] : memref<40x128xi32, #tpu.memory_space<vmem>> -> memref<1x128xi32, #tpu.memory_space<vmem>>
      %dma_wait3A_101 = tpu.memref_squeeze %dma_wait3A_100 : memref<1x128xi32, #tpu.memory_space<vmem>> -> memref<128xi32, #tpu.memory_space<vmem>>
      %dma_wait3A_102 = arith.constant 0 : i32
      %dma_wait3A_103 = arith.constant 0 : i32
      %dma_wait3A_104 = tpu.memref_slice %arg2[%arg0, %dma_wait3A_102, %dma_wait3A_103] : memref<2x10240x128xf32, #tpu.memory_space<hbm>> -> memref<1x10240x128xf32, #tpu.memory_space<hbm>>
      %dma_wait3A_105 = tpu.memref_squeeze %dma_wait3A_104 : memref<1x10240x128xf32, #tpu.memory_space<hbm>> -> memref<10240x128xf32, #tpu.memory_space<hbm>>
      %dma_wait3A_106 = arith.constant 0 : i32
      %dma_wait3A_107 = arith.constant 0 : i32
      %dma_wait3A_108 = tpu.memref_slice %dma_wait3A_105[%dma_wait3A_106, %dma_wait3A_107] : memref<10240x128xf32, #tpu.memory_space<hbm>> -> memref<10240x128xf32, #tpu.memory_space<hbm>>
      tpu.wait_indirect_dma semaphore(%arg13 : memref<!tpu.dma_semaphore, #tpu.memory_space<semaphore_mem>>) src(%dma_wait3A_108 : memref<10240x128xf32, #tpu.memory_space<hbm>>) dst(%arg10 : memref<128x128xf32, #tpu.memory_space<vmem>>)
      %scan3A_109 = arith.constant 0 : i32
      %scan3A_110 = arith.constant 128 : i32
      %scan3A_111 = arith.addi %scan3A_109, %scan3A_110 : i32
      %scan3A_112 = arith.constant 8 : i32
      scf.for %scan3A_151 = %scan3A_109 to %scan3A_111 step %scan3A_112  : i32 {
        %mul3A_152 = arith.constant 1 : i32
        %mul3A_153 = arith.muli %scan3A_151, %mul3A_152 : i32
        %add3A_154 = arith.constant 0 : i32
        %add3A_155 = arith.addi %add3A_154, %mul3A_153 : i32
        %broadcast_in_dim3A = vector.broadcast %mul3A_84 : i32 to vector<16xi32>
        %broadcast_in_dim3A_156 = vector.broadcast %add3A_155 : i32 to vector<16xi32>
        %gather3A = tpu.vector_load_idx %arg9[%broadcast_in_dim3A, %broadcast_in_dim3A_156] : memref<40x128xf32, #tpu.memory_space<vmem>>[vector<16xi32>, vector<16xi32>], vector<16xf32>,
        %get3A = arith.index_cast %add3A_155 : i32 to index
        %get3A_157 = arith.constant 0 : index
        %get3A_158 = tpu.vector_load %arg10[%get3A, %get3A_157] {strides = array<i32>} : memref<128x128xf32, #tpu.memory_space<vmem>>, vector<16xf32>,
        %mul3A_159 = arith.mulf %get3A_158, %gather3A : vector<16xf32>
        %swap3A = arith.index_cast %add3A_155 : i32 to index
        %swap3A_160 = arith.constant 0 : index
        %swap3A_161 = tpu.vector_load %arg10[%swap3A, %swap3A_160] {strides = array<i32>} : memref<128x128xf32, #tpu.memory_space<vmem>>, vector<16xf32>,
        tpu.vector_store %arg10[%swap3A, %swap3A_160], %mul3A_159 {strides = array<i32>} : memref<128x128xf32, #tpu.memory_space<vmem>>, vector<16xf32>,
        %get3A_162 = arith.index_cast %add3A_155 : i32 to index
        %get3A_163 = arith.constant 16 : index
        %get3A_164 = tpu.vector_load %arg10[%get3A_162, %get3A_163] {strides = array<i32>} : memref<128x128xf32, #tpu.memory_space<vmem>>, vector<16xf32>,
        %mul3A_165 = arith.mulf %get3A_164, %gather3A : vector<16xf32>
        %swap3A_166 = arith.index_cast %add3A_155 : i32 to index
        %swap3A_167 = arith.constant 16 : index
        %swap3A_168 = tpu.vector_load %arg10[%swap3A_166, %swap3A_167] {strides = array<i32>} : memref<128x128xf32, #tpu.memory_space<vmem>>, vector<16xf32>,
        tpu.vector_store %arg10[%swap3A_166, %swap3A_167], %mul3A_165 {strides = array<i32>} : memref<128x128xf32, #tpu.memory_space<vmem>>, vector<16xf32>,
        %get3A_169 = arith.index_cast %add3A_155 : i32 to index
        %get3A_170 = arith.constant 32 : index
        %get3A_171 = tpu.vector_load %arg10[%get3A_169, %get3A_170] {strides = array<i32>} : memref<128x128xf32, #tpu.memory_space<vmem>>, vector<16xf32>,
        %mul3A_172 = arith.mulf %get3A_171, %gather3A : vector<16xf32>
        %swap3A_173 = arith.index_cast %add3A_155 : i32 to index
        %swap3A_174 = arith.constant 32 : index
        %swap3A_175 = tpu.vector_load %arg10[%swap3A_173, %swap3A_174] {strides = array<i32>} : memref<128x128xf32, #tpu.memory_space<vmem>>, vector<16xf32>,
        tpu.vector_store %arg10[%swap3A_173, %swap3A_174], %mul3A_172 {strides = array<i32>} : memref<128x128xf32, #tpu.memory_space<vmem>>, vector<16xf32>,
        %get3A_176 = arith.index_cast %add3A_155 : i32 to index
        %get3A_177 = arith.constant 48 : index
        %get3A_178 = tpu.vector_load %arg10[%get3A_176, %get3A_177] {strides = array<i32>} : memref<128x128xf32, #tpu.memory_space<vmem>>, vector<16xf32>,
        %mul3A_179 = arith.mulf %get3A_178, %gather3A : vector<16xf32>
        %swap3A_180 = arith.index_cast %add3A_155 : i32 to index
        %swap3A_181 = arith.constant 48 : index
        %swap3A_182 = tpu.vector_load %arg10[%swap3A_180, %swap3A_181] {strides = array<i32>} : memref<128x128xf32, #tpu.memory_space<vmem>>, vector<16xf32>,
        tpu.vector_store %arg10[%swap3A_180, %swap3A_181], %mul3A_179 {strides = array<i32>} : memref<128x128xf32, #tpu.memory_space<vmem>>, vector<16xf32>,
        %get3A_183 = arith.index_cast %add3A_155 : i32 to index
        %get3A_184 = arith.constant 64 : index
        %get3A_185 = tpu.vector_load %arg10[%get3A_183, %get3A_184] {strides = array<i32>} : memref<128x128xf32, #tpu.memory_space<vmem>>, vector<16xf32>,
        %mul3A_186 = arith.mulf %get3A_185, %gather3A : vector<16xf32>
        %swap3A_187 = arith.index_cast %add3A_155 : i32 to index
        %swap3A_188 = arith.constant 64 : index
        %swap3A_189 = tpu.vector_load %arg10[%swap3A_187, %swap3A_188] {strides = array<i32>} : memref<128x128xf32, #tpu.memory_space<vmem>>, vector<16xf32>,
        tpu.vector_store %arg10[%swap3A_187, %swap3A_188], %mul3A_186 {strides = array<i32>} : memref<128x128xf32, #tpu.memory_space<vmem>>, vector<16xf32>,
        %get3A_190 = arith.index_cast %add3A_155 : i32 to index
        %get3A_191 = arith.constant 80 : index
        %get3A_192 = tpu.vector_load %arg10[%get3A_190, %get3A_191] {strides = array<i32>} : memref<128x128xf32, #tpu.memory_space<vmem>>, vector<16xf32>,
        %mul3A_193 = arith.mulf %get3A_192, %gather3A : vector<16xf32>
        %swap3A_194 = arith.index_cast %add3A_155 : i32 to index
        %swap3A_195 = arith.constant 80 : index
        %swap3A_196 = tpu.vector_load %arg10[%swap3A_194, %swap3A_195] {strides = array<i32>} : memref<128x128xf32, #tpu.memory_space<vmem>>, vector<16xf32>,
        tpu.vector_store %arg10[%swap3A_194, %swap3A_195], %mul3A_193 {strides = array<i32>} : memref<128x128xf32, #tpu.memory_space<vmem>>, vector<16xf32>,
        %get3A_197 = arith.index_cast %add3A_155 : i32 to index
        %get3A_198 = arith.constant 96 : index
        %get3A_199 = tpu.vector_load %arg10[%get3A_197, %get3A_198] {strides = array<i32>} : memref<128x128xf32, #tpu.memory_space<vmem>>, vector<16xf32>,
        %mul3A_200 = arith.mulf %get3A_199, %gather3A : vector<16xf32>
        %swap3A_201 = arith.index_cast %add3A_155 : i32 to index
        %swap3A_202 = arith.constant 96 : index
        %swap3A_203 = tpu.vector_load %arg10[%swap3A_201, %swap3A_202] {strides = array<i32>} : memref<128x128xf32, #tpu.memory_space<vmem>>, vector<16xf32>,
        tpu.vector_store %arg10[%swap3A_201, %swap3A_202], %mul3A_200 {strides = array<i32>} : memref<128x128xf32, #tpu.memory_space<vmem>>, vector<16xf32>,
        %get3A_204 = arith.index_cast %add3A_155 : i32 to index
        %get3A_205 = arith.constant 112 : index
        %get3A_206 = tpu.vector_load %arg10[%get3A_204, %get3A_205] {strides = array<i32>} : memref<128x128xf32, #tpu.memory_space<vmem>>, vector<16xf32>,
        %mul3A_207 = arith.mulf %get3A_206, %gather3A : vector<16xf32>
        %swap3A_208 = arith.index_cast %add3A_155 : i32 to index
        %swap3A_209 = arith.constant 112 : index
        %swap3A_210 = tpu.vector_load %arg10[%swap3A_208, %swap3A_209] {strides = array<i32>} : memref<128x128xf32, #tpu.memory_space<vmem>>, vector<16xf32>,
        tpu.vector_store %arg10[%swap3A_208, %swap3A_209], %mul3A_207 {strides = array<i32>} : memref<128x128xf32, #tpu.memory_space<vmem>>, vector<16xf32>,
        %scan3A_211 = arith.constant 1 : i32
        %scan3A_212 = arith.addi %scan3A_151, %scan3A_211 : i32
        %mul3A_213 = arith.constant 1 : i32
        %mul3A_214 = arith.muli %scan3A_212, %mul3A_213 : i32
        %add3A_215 = arith.constant 0 : i32
        %add3A_216 = arith.addi %add3A_215, %mul3A_214 : i32
        %broadcast_in_dim3A_217 = vector.broadcast %mul3A_84 : i32 to vector<16xi32>
        %broadcast_in_dim3A_218 = vector.broadcast %add3A_216 : i32 to vector<16xi32>
        %gather3A_219 = tpu.vector_load_idx %arg9[%broadcast_in_dim3A_217, %broadcast_in_dim3A_218] : memref<40x128xf32, #tpu.memory_space<vmem>>[vector<16xi32>, vector<16xi32>], vector<16xf32>,
        %get3A_220 = arith.index_cast %add3A_216 : i32 to index
        %get3A_221 = arith.constant 0 : index
        %get3A_222 = tpu.vector_load %arg10[%get3A_220, %get3A_221] {strides = array<i32>} : memref<128x128xf32, #tpu.memory_space<vmem>>, vector<16xf32>,
        %mul3A_223 = arith.mulf %get3A_222, %gather3A_219 : vector<16xf32>
        %swap3A_224 = arith.index_cast %add3A_216 : i32 to index
        %swap3A_225 = arith.constant 0 : index
        %swap3A_226 = tpu.vector_load %arg10[%swap3A_224, %swap3A_225] {strides = array<i32>} : memref<128x128xf32, #tpu.memory_space<vmem>>, vector<16xf32>,
        tpu.vector_store %arg10[%swap3A_224, %swap3A_225], %mul3A_223 {strides = array<i32>} : memref<128x128xf32, #tpu.memory_space<vmem>>, vector<16xf32>,
        %get3A_227 = arith.index_cast %add3A_216 : i32 to index
        %get3A_228 = arith.constant 16 : index
        %get3A_229 = tpu.vector_load %arg10[%get3A_227, %get3A_228] {strides = array<i32>} : memref<128x128xf32, #tpu.memory_space<vmem>>, vector<16xf32>,
        %mul3A_230 = arith.mulf %get3A_229, %gather3A_219 : vector<16xf32>
        %swap3A_231 = arith.index_cast %add3A_216 : i32 to index
        %swap3A_232 = arith.constant 16 : index
        %swap3A_233 = tpu.vector_load %arg10[%swap3A_231, %swap3A_232] {strides = array<i32>} : memref<128x128xf32, #tpu.memory_space<vmem>>, vector<16xf32>,
        tpu.vector_store %arg10[%swap3A_231, %swap3A_232], %mul3A_230 {strides = array<i32>} : memref<128x128xf32, #tpu.memory_space<vmem>>, vector<16xf32>,
        %get3A_234 = arith.index_cast %add3A_216 : i32 to index
        %get3A_235 = arith.constant 32 : index
        %get3A_236 = tpu.vector_load %arg10[%get3A_234, %get3A_235] {strides = array<i32>} : memref<128x128xf32, #tpu.memory_space<vmem>>, vector<16xf32>,
        %mul3A_237 = arith.mulf %get3A_236, %gather3A_219 : vector<16xf32>
        %swap3A_238 = arith.index_cast %add3A_216 : i32 to index
        %swap3A_239 = arith.constant 32 : index
        %swap3A_240 = tpu.vector_load %arg10[%swap3A_238, %swap3A_239] {strides = array<i32>} : memref<128x128xf32, #tpu.memory_space<vmem>>, vector<16xf32>,
        tpu.vector_store %arg10[%swap3A_238, %swap3A_239], %mul3A_237 {strides = array<i32>} : memref<128x128xf32, #tpu.memory_space<vmem>>, vector<16xf32>,
        %get3A_241 = arith.index_cast %add3A_216 : i32 to index
        %get3A_242 = arith.constant 48 : index
        %get3A_243 = tpu.vector_load %arg10[%get3A_241, %get3A_242] {strides = array<i32>} : memref<128x128xf32, #tpu.memory_space<vmem>>, vector<16xf32>,
        %mul3A_244 = arith.mulf %get3A_243, %gather3A_219 : vector<16xf32>
        %swap3A_245 = arith.index_cast %add3A_216 : i32 to index
        %swap3A_246 = arith.constant 48 : index
        %swap3A_247 = tpu.vector_load %arg10[%swap3A_245, %swap3A_246] {strides = array<i32>} : memref<128x128xf32, #tpu.memory_space<vmem>>, vector<16xf32>,
        tpu.vector_store %arg10[%swap3A_245, %swap3A_246], %mul3A_244 {strides = array<i32>} : memref<128x128xf32, #tpu.memory_space<vmem>>, vector<16xf32>,
        %get3A_248 = arith.index_cast %add3A_216 : i32 to index
        %get3A_249 = arith.constant 64 : index
        %get3A_250 = tpu.vector_load %arg10[%get3A_248, %get3A_249] {strides = array<i32>} : memref<128x128xf32, #tpu.memory_space<vmem>>, vector<16xf32>,
        %mul3A_251 = arith.mulf %get3A_250, %gather3A_219 : vector<16xf32>
        %swap3A_252 = arith.index_cast %add3A_216 : i32 to index
        %swap3A_253 = arith.constant 64 : index
        %swap3A_254 = tpu.vector_load %arg10[%swap3A_252, %swap3A_253] {strides = array<i32>} : memref<128x128xf32, #tpu.memory_space<vmem>>, vector<16xf32>,
        tpu.vector_store %arg10[%swap3A_252, %swap3A_253], %mul3A_251 {strides = array<i32>} : memref<128x128xf32, #tpu.memory_space<vmem>>, vector<16xf32>,
        %get3A_255 = arith.index_cast %add3A_216 : i32 to index
        %get3A_256 = arith.constant 80 : index
        %get3A_257 = tpu.vector_load %arg10[%get3A_255, %get3A_256] {strides = array<i32>} : memref<128x128xf32, #tpu.memory_space<vmem>>, vector<16xf32>,
        %mul3A_258 = arith.mulf %get3A_257, %gather3A_219 : vector<16xf32>
        %swap3A_259 = arith.index_cast %add3A_216 : i32 to index
        %swap3A_260 = arith.constant 80 : index
        %swap3A_261 = tpu.vector_load %arg10[%swap3A_259, %swap3A_260] {strides = array<i32>} : memref<128x128xf32, #tpu.memory_space<vmem>>, vector<16xf32>,
        tpu.vector_store %arg10[%swap3A_259, %swap3A_260], %mul3A_258 {strides = array<i32>} : memref<128x128xf32, #tpu.memory_space<vmem>>, vector<16xf32>,
        %get3A_262 = arith.index_cast %add3A_216 : i32 to index
        %get3A_263 = arith.constant 96 : index
        %get3A_264 = tpu.vector_load %arg10[%get3A_262, %get3A_263] {strides = array<i32>} : memref<128x128xf32, #tpu.memory_space<vmem>>, vector<16xf32>,
        %mul3A_265 = arith.mulf %get3A_264, %gather3A_219 : vector<16xf32>
        %swap3A_266 = arith.index_cast %add3A_216 : i32 to index
        %swap3A_267 = arith.constant 96 : index
        %swap3A_268 = tpu.vector_load %arg10[%swap3A_266, %swap3A_267] {strides = array<i32>} : memref<128x128xf32, #tpu.memory_space<vmem>>, vector<16xf32>,
        tpu.vector_store %arg10[%swap3A_266, %swap3A_267], %mul3A_265 {strides = array<i32>} : memref<128x128xf32, #tpu.memory_space<vmem>>, vector<16xf32>,
        %get3A_269 = arith.index_cast %add3A_216 : i32 to index
        %get3A_270 = arith.constant 112 : index
        %get3A_271 = tpu.vector_load %arg10[%get3A_269, %get3A_270] {strides = array<i32>} : memref<128x128xf32, #tpu.memory_space<vmem>>, vector<16xf32>,
        %mul3A_272 = arith.mulf %get3A_271, %gather3A_219 : vector<16xf32>
        %swap3A_273 = arith.index_cast %add3A_216 : i32 to index
        %swap3A_274 = arith.constant 112 : index
        %swap3A_275 = tpu.vector_load %arg10[%swap3A_273, %swap3A_274] {strides = array<i32>} : memref<128x128xf32, #tpu.memory_space<vmem>>, vector<16xf32>,
        tpu.vector_store %arg10[%swap3A_273, %swap3A_274], %mul3A_272 {strides = array<i32>} : memref<128x128xf32, #tpu.memory_space<vmem>>, vector<16xf32>,
        %scan3A_276 = arith.constant 2 : i32
        %scan3A_277 = arith.addi %scan3A_151, %scan3A_276 : i32
        %mul3A_278 = arith.constant 1 : i32
        %mul3A_279 = arith.muli %scan3A_277, %mul3A_278 : i32
        %add3A_280 = arith.constant 0 : i32
        %add3A_281 = arith.addi %add3A_280, %mul3A_279 : i32
        %broadcast_in_dim3A_282 = vector.broadcast %mul3A_84 : i32 to vector<16xi32>
        %broadcast_in_dim3A_283 = vector.broadcast %add3A_281 : i32 to vector<16xi32>
        %gather3A_284 = tpu.vector_load_idx %arg9[%broadcast_in_dim3A_282, %broadcast_in_dim3A_283] : memref<40x128xf32, #tpu.memory_space<vmem>>[vector<16xi32>, vector<16xi32>], vector<16xf32>,
        %get3A_285 = arith.index_cast %add3A_281 : i32 to index
        %get3A_286 = arith.constant 0 : index
        %get3A_287 = tpu.vector_load %arg10[%get3A_285, %get3A_286] {strides = array<i32>} : memref<128x128xf32, #tpu.memory_space<vmem>>, vector<16xf32>,
        %mul3A_288 = arith.mulf %get3A_287, %gather3A_284 : vector<16xf32>
        %swap3A_289 = arith.index_cast %add3A_281 : i32 to index
        %swap3A_290 = arith.constant 0 : index
        %swap3A_291 = tpu.vector_load %arg10[%swap3A_289, %swap3A_290] {strides = array<i32>} : memref<128x128xf32, #tpu.memory_space<vmem>>, vector<16xf32>,
        tpu.vector_store %arg10[%swap3A_289, %swap3A_290], %mul3A_288 {strides = array<i32>} : memref<128x128xf32, #tpu.memory_space<vmem>>, vector<16xf32>,
        %get3A_292 = arith.index_cast %add3A_281 : i32 to index
        %get3A_293 = arith.constant 16 : index
        %get3A_294 = tpu.vector_load %arg10[%get3A_292, %get3A_293] {strides = array<i32>} : memref<128x128xf32, #tpu.memory_space<vmem>>, vector<16xf32>,
        %mul3A_295 = arith.mulf %get3A_294, %gather3A_284 : vector<16xf32>
        %swap3A_296 = arith.index_cast %add3A_281 : i32 to index
        %swap3A_297 = arith.constant 16 : index
        %swap3A_298 = tpu.vector_load %arg10[%swap3A_296, %swap3A_297] {strides = array<i32>} : memref<128x128xf32, #tpu.memory_space<vmem>>, vector<16xf32>,
        tpu.vector_store %arg10[%swap3A_296, %swap3A_297], %mul3A_295 {strides = array<i32>} : memref<128x128xf32, #tpu.memory_space<vmem>>, vector<16xf32>,
        %get3A_299 = arith.index_cast %add3A_281 : i32 to index
        %get3A_300 = arith.constant 32 : index
        %get3A_301 = tpu.vector_load %arg10[%get3A_299, %get3A_300] {strides = array<i32>} : memref<128x128xf32, #tpu.memory_space<vmem>>, vector<16xf32>,
        %mul3A_302 = arith.mulf %get3A_301, %gather3A_284 : vector<16xf32>
        %swap3A_303 = arith.index_cast %add3A_281 : i32 to index
        %swap3A_304 = arith.constant 32 : index
        %swap3A_305 = tpu.vector_load %arg10[%swap3A_303, %swap3A_304] {strides = array<i32>} : memref<128x128xf32, #tpu.memory_space<vmem>>, vector<16xf32>,
        tpu.vector_store %arg10[%swap3A_303, %swap3A_304], %mul3A_302 {strides = array<i32>} : memref<128x128xf32, #tpu.memory_space<vmem>>, vector<16xf32>,
        %get3A_306 = arith.index_cast %add3A_281 : i32 to index
        %get3A_307 = arith.constant 48 : index
        %get3A_308 = tpu.vector_load %arg10[%get3A_306, %get3A_307] {strides = array<i32>} : memref<128x128xf32, #tpu.memory_space<vmem>>, vector<16xf32>,
        %mul3A_309 = arith.mulf %get3A_308, %gather3A_284 : vector<16xf32>
        %swap3A_310 = arith.index_cast %add3A_281 : i32 to index
        %swap3A_311 = arith.constant 48 : index
        %swap3A_312 = tpu.vector_load %arg10[%swap3A_310, %swap3A_311] {strides = array<i32>} : memref<128x128xf32, #tpu.memory_space<vmem>>, vector<16xf32>,
        tpu.vector_store %arg10[%swap3A_310, %swap3A_311], %mul3A_309 {strides = array<i32>} : memref<128x128xf32, #tpu.memory_space<vmem>>, vector<16xf32>,
        %get3A_313 = arith.index_cast %add3A_281 : i32 to index
        %get3A_314 = arith.constant 64 : index
        %get3A_315 = tpu.vector_load %arg10[%get3A_313, %get3A_314] {strides = array<i32>} : memref<128x128xf32, #tpu.memory_space<vmem>>, vector<16xf32>,
        %mul3A_316 = arith.mulf %get3A_315, %gather3A_284 : vector<16xf32>
        %swap3A_317 = arith.index_cast %add3A_281 : i32 to index
        %swap3A_318 = arith.constant 64 : index
        %swap3A_319 = tpu.vector_load %arg10[%swap3A_317, %swap3A_318] {strides = array<i32>} : memref<128x128xf32, #tpu.memory_space<vmem>>, vector<16xf32>,
        tpu.vector_store %arg10[%swap3A_317, %swap3A_318], %mul3A_316 {strides = array<i32>} : memref<128x128xf32, #tpu.memory_space<vmem>>, vector<16xf32>,
        %get3A_320 = arith.index_cast %add3A_281 : i32 to index
        %get3A_321 = arith.constant 80 : index
        %get3A_322 = tpu.vector_load %arg10[%get3A_320, %get3A_321] {strides = array<i32>} : memref<128x128xf32, #tpu.memory_space<vmem>>, vector<16xf32>,
        %mul3A_323 = arith.mulf %get3A_322, %gather3A_284 : vector<16xf32>
        %swap3A_324 = arith.index_cast %add3A_281 : i32 to index
        %swap3A_325 = arith.constant 80 : index
        %swap3A_326 = tpu.vector_load %arg10[%swap3A_324, %swap3A_325] {strides = array<i32>} : memref<128x128xf32, #tpu.memory_space<vmem>>, vector<16xf32>,
        tpu.vector_store %arg10[%swap3A_324, %swap3A_325], %mul3A_323 {strides = array<i32>} : memref<128x128xf32, #tpu.memory_space<vmem>>, vector<16xf32>,
        %get3A_327 = arith.index_cast %add3A_281 : i32 to index
        %get3A_328 = arith.constant 96 : index
        %get3A_329 = tpu.vector_load %arg10[%get3A_327, %get3A_328] {strides = array<i32>} : memref<128x128xf32, #tpu.memory_space<vmem>>, vector<16xf32>,
        %mul3A_330 = arith.mulf %get3A_329, %gather3A_284 : vector<16xf32>
        %swap3A_331 = arith.index_cast %add3A_281 : i32 to index
        %swap3A_332 = arith.constant 96 : index
        %swap3A_333 = tpu.vector_load %arg10[%swap3A_331, %swap3A_332] {strides = array<i32>} : memref<128x128xf32, #tpu.memory_space<vmem>>, vector<16xf32>,
        tpu.vector_store %arg10[%swap3A_331, %swap3A_332], %mul3A_330 {strides = array<i32>} : memref<128x128xf32, #tpu.memory_space<vmem>>, vector<16xf32>,
        %get3A_334 = arith.index_cast %add3A_281 : i32 to index
        %get3A_335 = arith.constant 112 : index
        %get3A_336 = tpu.vector_load %arg10[%get3A_334, %get3A_335] {strides = array<i32>} : memref<128x128xf32, #tpu.memory_space<vmem>>, vector<16xf32>,
        %mul3A_337 = arith.mulf %get3A_336, %gather3A_284 : vector<16xf32>
        %swap3A_338 = arith.index_cast %add3A_281 : i32 to index
        %swap3A_339 = arith.constant 112 : index
        %swap3A_340 = tpu.vector_load %arg10[%swap3A_338, %swap3A_339] {strides = array<i32>} : memref<128x128xf32, #tpu.memory_space<vmem>>, vector<16xf32>,
        tpu.vector_store %arg10[%swap3A_338, %swap3A_339], %mul3A_337 {strides = array<i32>} : memref<128x128xf32, #tpu.memory_space<vmem>>, vector<16xf32>,
        %scan3A_341 = arith.constant 3 : i32
        %scan3A_342 = arith.addi %scan3A_151, %scan3A_341 : i32
        %mul3A_343 = arith.constant 1 : i32
        %mul3A_344 = arith.muli %scan3A_342, %mul3A_343 : i32
        %add3A_345 = arith.constant 0 : i32
        %add3A_346 = arith.addi %add3A_345, %mul3A_344 : i32
        %broadcast_in_dim3A_347 = vector.broadcast %mul3A_84 : i32 to vector<16xi32>
        %broadcast_in_dim3A_348 = vector.broadcast %add3A_346 : i32 to vector<16xi32>
        %gather3A_349 = tpu.vector_load_idx %arg9[%broadcast_in_dim3A_347, %broadcast_in_dim3A_348] : memref<40x128xf32, #tpu.memory_space<vmem>>[vector<16xi32>, vector<16xi32>], vector<16xf32>,
        %get3A_350 = arith.index_cast %add3A_346 : i32 to index
        %get3A_351 = arith.constant 0 : index
        %get3A_352 = tpu.vector_load %arg10[%get3A_350, %get3A_351] {strides = array<i32>} : memref<128x128xf32, #tpu.memory_space<vmem>>, vector<16xf32>,
        %mul3A_353 = arith.mulf %get3A_352, %gather3A_349 : vector<16xf32>
        %swap3A_354 = arith.index_cast %add3A_346 : i32 to index
        %swap3A_355 = arith.constant 0 : index
        %swap3A_356 = tpu.vector_load %arg10[%swap3A_354, %swap3A_355] {strides = array<i32>} : memref<128x128xf32, #tpu.memory_space<vmem>>, vector<16xf32>,
        tpu.vector_store %arg10[%swap3A_354, %swap3A_355], %mul3A_353 {strides = array<i32>} : memref<128x128xf32, #tpu.memory_space<vmem>>, vector<16xf32>,
        %get3A_357 = arith.index_cast %add3A_346 : i32 to index
        %get3A_358 = arith.constant 16 : index
        %get3A_359 = tpu.vector_load %arg10[%get3A_357, %get3A_358] {strides = array<i32>} : memref<128x128xf32, #tpu.memory_space<vmem>>, vector<16xf32>,
        %mul3A_360 = arith.mulf %get3A_359, %gather3A_349 : vector<16xf32>
        %swap3A_361 = arith.index_cast %add3A_346 : i32 to index
        %swap3A_362 = arith.constant 16 : index
        %swap3A_363 = tpu.vector_load %arg10[%swap3A_361, %swap3A_362] {strides = array<i32>} : memref<128x128xf32, #tpu.memory_space<vmem>>, vector<16xf32>,
        tpu.vector_store %arg10[%swap3A_361, %swap3A_362], %mul3A_360 {strides = array<i32>} : memref<128x128xf32, #tpu.memory_space<vmem>>, vector<16xf32>,
        %get3A_364 = arith.index_cast %add3A_346 : i32 to index
        %get3A_365 = arith.constant 32 : index
        %get3A_366 = tpu.vector_load %arg10[%get3A_364, %get3A_365] {strides = array<i32>} : memref<128x128xf32, #tpu.memory_space<vmem>>, vector<16xf32>,
        %mul3A_367 = arith.mulf %get3A_366, %gather3A_349 : vector<16xf32>
        %swap3A_368 = arith.index_cast %add3A_346 : i32 to index
        %swap3A_369 = arith.constant 32 : index
        %swap3A_370 = tpu.vector_load %arg10[%swap3A_368, %swap3A_369] {strides = array<i32>} : memref<128x128xf32, #tpu.memory_space<vmem>>, vector<16xf32>,
        tpu.vector_store %arg10[%swap3A_368, %swap3A_369], %mul3A_367 {strides = array<i32>} : memref<128x128xf32, #tpu.memory_space<vmem>>, vector<16xf32>,
        %get3A_371 = arith.index_cast %add3A_346 : i32 to index
        %get3A_372 = arith.constant 48 : index
        %get3A_373 = tpu.vector_load %arg10[%get3A_371, %get3A_372] {strides = array<i32>} : memref<128x128xf32, #tpu.memory_space<vmem>>, vector<16xf32>,
        %mul3A_374 = arith.mulf %get3A_373, %gather3A_349 : vector<16xf32>
        %swap3A_375 = arith.index_cast %add3A_346 : i32 to index
        %swap3A_376 = arith.constant 48 : index
        %swap3A_377 = tpu.vector_load %arg10[%swap3A_375, %swap3A_376] {strides = array<i32>} : memref<128x128xf32, #tpu.memory_space<vmem>>, vector<16xf32>,
        tpu.vector_store %arg10[%swap3A_375, %swap3A_376], %mul3A_374 {strides = array<i32>} : memref<128x128xf32, #tpu.memory_space<vmem>>, vector<16xf32>,
        %get3A_378 = arith.index_cast %add3A_346 : i32 to index
        %get3A_379 = arith.constant 64 : index
        %get3A_380 = tpu.vector_load %arg10[%get3A_378, %get3A_379] {strides = array<i32>} : memref<128x128xf32, #tpu.memory_space<vmem>>, vector<16xf32>,
        %mul3A_381 = arith.mulf %get3A_380, %gather3A_349 : vector<16xf32>
        %swap3A_382 = arith.index_cast %add3A_346 : i32 to index
        %swap3A_383 = arith.constant 64 : index
        %swap3A_384 = tpu.vector_load %arg10[%swap3A_382, %swap3A_383] {strides = array<i32>} : memref<128x128xf32, #tpu.memory_space<vmem>>, vector<16xf32>,
        tpu.vector_store %arg10[%swap3A_382, %swap3A_383], %mul3A_381 {strides = array<i32>} : memref<128x128xf32, #tpu.memory_space<vmem>>, vector<16xf32>,
        %get3A_385 = arith.index_cast %add3A_346 : i32 to index
        %get3A_386 = arith.constant 80 : index
        %get3A_387 = tpu.vector_load %arg10[%get3A_385, %get3A_386] {strides = array<i32>} : memref<128x128xf32, #tpu.memory_space<vmem>>, vector<16xf32>,
        %mul3A_388 = arith.mulf %get3A_387, %gather3A_349 : vector<16xf32>
        %swap3A_389 = arith.index_cast %add3A_346 : i32 to index
        %swap3A_390 = arith.constant 80 : index
        %swap3A_391 = tpu.vector_load %arg10[%swap3A_389, %swap3A_390] {strides = array<i32>} : memref<128x128xf32, #tpu.memory_space<vmem>>, vector<16xf32>,
        tpu.vector_store %arg10[%swap3A_389, %swap3A_390], %mul3A_388 {strides = array<i32>} : memref<128x128xf32, #tpu.memory_space<vmem>>, vector<16xf32>,
        %get3A_392 = arith.index_cast %add3A_346 : i32 to index
        %get3A_393 = arith.constant 96 : index
        %get3A_394 = tpu.vector_load %arg10[%get3A_392, %get3A_393] {strides = array<i32>} : memref<128x128xf32, #tpu.memory_space<vmem>>, vector<16xf32>,
        %mul3A_395 = arith.mulf %get3A_394, %gather3A_349 : vector<16xf32>
        %swap3A_396 = arith.index_cast %add3A_346 : i32 to index
        %swap3A_397 = arith.constant 96 : index
        %swap3A_398 = tpu.vector_load %arg10[%swap3A_396, %swap3A_397] {strides = array<i32>} : memref<128x128xf32, #tpu.memory_space<vmem>>, vector<16xf32>,
        tpu.vector_store %arg10[%swap3A_396, %swap3A_397], %mul3A_395 {strides = array<i32>} : memref<128x128xf32, #tpu.memory_space<vmem>>, vector<16xf32>,
        %get3A_399 = arith.index_cast %add3A_346 : i32 to index
        %get3A_400 = arith.constant 112 : index
        %get3A_401 = tpu.vector_load %arg10[%get3A_399, %get3A_400] {strides = array<i32>} : memref<128x128xf32, #tpu.memory_space<vmem>>, vector<16xf32>,
        %mul3A_402 = arith.mulf %get3A_401, %gather3A_349 : vector<16xf32>
        %swap3A_403 = arith.index_cast %add3A_346 : i32 to index
        %swap3A_404 = arith.constant 112 : index
        %swap3A_405 = tpu.vector_load %arg10[%swap3A_403, %swap3A_404] {strides = array<i32>} : memref<128x128xf32, #tpu.memory_space<vmem>>, vector<16xf32>,
        tpu.vector_store %arg10[%swap3A_403, %swap3A_404], %mul3A_402 {strides = array<i32>} : memref<128x128xf32, #tpu.memory_space<vmem>>, vector<16xf32>,
        %scan3A_406 = arith.constant 4 : i32
        %scan3A_407 = arith.addi %scan3A_151, %scan3A_406 : i32
        %mul3A_408 = arith.constant 1 : i32
        %mul3A_409 = arith.muli %scan3A_407, %mul3A_408 : i32
        %add3A_410 = arith.constant 0 : i32
        %add3A_411 = arith.addi %add3A_410, %mul3A_409 : i32
        %broadcast_in_dim3A_412 = vector.broadcast %mul3A_84 : i32 to vector<16xi32>
        %broadcast_in_dim3A_413 = vector.broadcast %add3A_411 : i32 to vector<16xi32>
        %gather3A_414 = tpu.vector_load_idx %arg9[%broadcast_in_dim3A_412, %broadcast_in_dim3A_413] : memref<40x128xf32, #tpu.memory_space<vmem>>[vector<16xi32>, vector<16xi32>], vector<16xf32>,
        %get3A_415 = arith.index_cast %add3A_411 : i32 to index
        %get3A_416 = arith.constant 0 : index
        %get3A_417 = tpu.vector_load %arg10[%get3A_415, %get3A_416] {strides = array<i32>} : memref<128x128xf32, #tpu.memory_space<vmem>>, vector<16xf32>,
        %mul3A_418 = arith.mulf %get3A_417, %gather3A_414 : vector<16xf32>
        %swap3A_419 = arith.index_cast %add3A_411 : i32 to index
        %swap3A_420 = arith.constant 0 : index
        %swap3A_421 = tpu.vector_load %arg10[%swap3A_419, %swap3A_420] {strides = array<i32>} : memref<128x128xf32, #tpu.memory_space<vmem>>, vector<16xf32>,
        tpu.vector_store %arg10[%swap3A_419, %swap3A_420], %mul3A_418 {strides = array<i32>} : memref<128x128xf32, #tpu.memory_space<vmem>>, vector<16xf32>,
        %get3A_422 = arith.index_cast %add3A_411 : i32 to index
        %get3A_423 = arith.constant 16 : index
        %get3A_424 = tpu.vector_load %arg10[%get3A_422, %get3A_423] {strides = array<i32>} : memref<128x128xf32, #tpu.memory_space<vmem>>, vector<16xf32>,
        %mul3A_425 = arith.mulf %get3A_424, %gather3A_414 : vector<16xf32>
        %swap3A_426 = arith.index_cast %add3A_411 : i32 to index
        %swap3A_427 = arith.constant 16 : index
        %swap3A_428 = tpu.vector_load %arg10[%swap3A_426, %swap3A_427] {strides = array<i32>} : memref<128x128xf32, #tpu.memory_space<vmem>>, vector<16xf32>,
        tpu.vector_store %arg10[%swap3A_426, %swap3A_427], %mul3A_425 {strides = array<i32>} : memref<128x128xf32, #tpu.memory_space<vmem>>, vector<16xf32>,
        %get3A_429 = arith.index_cast %add3A_411 : i32 to index
        %get3A_430 = arith.constant 32 : index
        %get3A_431 = tpu.vector_load %arg10[%get3A_429, %get3A_430] {strides = array<i32>} : memref<128x128xf32, #tpu.memory_space<vmem>>, vector<16xf32>,
        %mul3A_432 = arith.mulf %get3A_431, %gather3A_414 : vector<16xf32>
        %swap3A_433 = arith.index_cast %add3A_411 : i32 to index
        %swap3A_434 = arith.constant 32 : index
        %swap3A_435 = tpu.vector_load %arg10[%swap3A_433, %swap3A_434] {strides = array<i32>} : memref<128x128xf32, #tpu.memory_space<vmem>>, vector<16xf32>,
        tpu.vector_store %arg10[%swap3A_433, %swap3A_434], %mul3A_432 {strides = array<i32>} : memref<128x128xf32, #tpu.memory_space<vmem>>, vector<16xf32>,
        %get3A_436 = arith.index_cast %add3A_411 : i32 to index
        %get3A_437 = arith.constant 48 : index
        %get3A_438 = tpu.vector_load %arg10[%get3A_436, %get3A_437] {strides = array<i32>} : memref<128x128xf32, #tpu.memory_space<vmem>>, vector<16xf32>,
        %mul3A_439 = arith.mulf %get3A_438, %gather3A_414 : vector<16xf32>
        %swap3A_440 = arith.index_cast %add3A_411 : i32 to index
        %swap3A_441 = arith.constant 48 : index
        %swap3A_442 = tpu.vector_load %arg10[%swap3A_440, %swap3A_441] {strides = array<i32>} : memref<128x128xf32, #tpu.memory_space<vmem>>, vector<16xf32>,
        tpu.vector_store %arg10[%swap3A_440, %swap3A_441], %mul3A_439 {strides = array<i32>} : memref<128x128xf32, #tpu.memory_space<vmem>>, vector<16xf32>,
        %get3A_443 = arith.index_cast %add3A_411 : i32 to index
        %get3A_444 = arith.constant 64 : index
        %get3A_445 = tpu.vector_load %arg10[%get3A_443, %get3A_444] {strides = array<i32>} : memref<128x128xf32, #tpu.memory_space<vmem>>, vector<16xf32>,
        %mul3A_446 = arith.mulf %get3A_445, %gather3A_414 : vector<16xf32>
        %swap3A_447 = arith.index_cast %add3A_411 : i32 to index
        %swap3A_448 = arith.constant 64 : index
        %swap3A_449 = tpu.vector_load %arg10[%swap3A_447, %swap3A_448] {strides = array<i32>} : memref<128x128xf32, #tpu.memory_space<vmem>>, vector<16xf32>,
        tpu.vector_store %arg10[%swap3A_447, %swap3A_448], %mul3A_446 {strides = array<i32>} : memref<128x128xf32, #tpu.memory_space<vmem>>, vector<16xf32>,
        %get3A_450 = arith.index_cast %add3A_411 : i32 to index
        %get3A_451 = arith.constant 80 : index
        %get3A_452 = tpu.vector_load %arg10[%get3A_450, %get3A_451] {strides = array<i32>} : memref<128x128xf32, #tpu.memory_space<vmem>>, vector<16xf32>,
        %mul3A_453 = arith.mulf %get3A_452, %gather3A_414 : vector<16xf32>
        %swap3A_454 = arith.index_cast %add3A_411 : i32 to index
        %swap3A_455 = arith.constant 80 : index
        %swap3A_456 = tpu.vector_load %arg10[%swap3A_454, %swap3A_455] {strides = array<i32>} : memref<128x128xf32, #tpu.memory_space<vmem>>, vector<16xf32>,
        tpu.vector_store %arg10[%swap3A_454, %swap3A_455], %mul3A_453 {strides = array<i32>} : memref<128x128xf32, #tpu.memory_space<vmem>>, vector<16xf32>,
        %get3A_457 = arith.index_cast %add3A_411 : i32 to index
        %get3A_458 = arith.constant 96 : index
        %get3A_459 = tpu.vector_load %arg10[%get3A_457, %get3A_458] {strides = array<i32>} : memref<128x128xf32, #tpu.memory_space<vmem>>, vector<16xf32>,
        %mul3A_460 = arith.mulf %get3A_459, %gather3A_414 : vector<16xf32>
        %swap3A_461 = arith.index_cast %add3A_411 : i32 to index
        %swap3A_462 = arith.constant 96 : index
        %swap3A_463 = tpu.vector_load %arg10[%swap3A_461, %swap3A_462] {strides = array<i32>} : memref<128x128xf32, #tpu.memory_space<vmem>>, vector<16xf32>,
        tpu.vector_store %arg10[%swap3A_461, %swap3A_462], %mul3A_460 {strides = array<i32>} : memref<128x128xf32, #tpu.memory_space<vmem>>, vector<16xf32>,
        %get3A_464 = arith.index_cast %add3A_411 : i32 to index
        %get3A_465 = arith.constant 112 : index
        %get3A_466 = tpu.vector_load %arg10[%get3A_464, %get3A_465] {strides = array<i32>} : memref<128x128xf32, #tpu.memory_space<vmem>>, vector<16xf32>,
        %mul3A_467 = arith.mulf %get3A_466, %gather3A_414 : vector<16xf32>
        %swap3A_468 = arith.index_cast %add3A_411 : i32 to index
        %swap3A_469 = arith.constant 112 : index
        %swap3A_470 = tpu.vector_load %arg10[%swap3A_468, %swap3A_469] {strides = array<i32>} : memref<128x128xf32, #tpu.memory_space<vmem>>, vector<16xf32>,
        tpu.vector_store %arg10[%swap3A_468, %swap3A_469], %mul3A_467 {strides = array<i32>} : memref<128x128xf32, #tpu.memory_space<vmem>>, vector<16xf32>,
        %scan3A_471 = arith.constant 5 : i32
        %scan3A_472 = arith.addi %scan3A_151, %scan3A_471 : i32
        %mul3A_473 = arith.constant 1 : i32
        %mul3A_474 = arith.muli %scan3A_472, %mul3A_473 : i32
        %add3A_475 = arith.constant 0 : i32
        %add3A_476 = arith.addi %add3A_475, %mul3A_474 : i32
        %broadcast_in_dim3A_477 = vector.broadcast %mul3A_84 : i32 to vector<16xi32>
        %broadcast_in_dim3A_478 = vector.broadcast %add3A_476 : i32 to vector<16xi32>
        %gather3A_479 = tpu.vector_load_idx %arg9[%broadcast_in_dim3A_477, %broadcast_in_dim3A_478] : memref<40x128xf32, #tpu.memory_space<vmem>>[vector<16xi32>, vector<16xi32>], vector<16xf32>,
        %get3A_480 = arith.index_cast %add3A_476 : i32 to index
        %get3A_481 = arith.constant 0 : index
        %get3A_482 = tpu.vector_load %arg10[%get3A_480, %get3A_481] {strides = array<i32>} : memref<128x128xf32, #tpu.memory_space<vmem>>, vector<16xf32>,
        %mul3A_483 = arith.mulf %get3A_482, %gather3A_479 : vector<16xf32>
        %swap3A_484 = arith.index_cast %add3A_476 : i32 to index
        %swap3A_485 = arith.constant 0 : index
        %swap3A_486 = tpu.vector_load %arg10[%swap3A_484, %swap3A_485] {strides = array<i32>} : memref<128x128xf32, #tpu.memory_space<vmem>>, vector<16xf32>,
        tpu.vector_store %arg10[%swap3A_484, %swap3A_485], %mul3A_483 {strides = array<i32>} : memref<128x128xf32, #tpu.memory_space<vmem>>, vector<16xf32>,
        %get3A_487 = arith.index_cast %add3A_476 : i32 to index
        %get3A_488 = arith.constant 16 : index
        %get3A_489 = tpu.vector_load %arg10[%get3A_487, %get3A_488] {strides = array<i32>} : memref<128x128xf32, #tpu.memory_space<vmem>>, vector<16xf32>,
        %mul3A_490 = arith.mulf %get3A_489, %gather3A_479 : vector<16xf32>
        %swap3A_491 = arith.index_cast %add3A_476 : i32 to index
        %swap3A_492 = arith.constant 16 : index
        %swap3A_493 = tpu.vector_load %arg10[%swap3A_491, %swap3A_492] {strides = array<i32>} : memref<128x128xf32, #tpu.memory_space<vmem>>, vector<16xf32>,
        tpu.vector_store %arg10[%swap3A_491, %swap3A_492], %mul3A_490 {strides = array<i32>} : memref<128x128xf32, #tpu.memory_space<vmem>>, vector<16xf32>,
        %get3A_494 = arith.index_cast %add3A_476 : i32 to index
        %get3A_495 = arith.constant 32 : index
        %get3A_496 = tpu.vector_load %arg10[%get3A_494, %get3A_495] {strides = array<i32>} : memref<128x128xf32, #tpu.memory_space<vmem>>, vector<16xf32>,
        %mul3A_497 = arith.mulf %get3A_496, %gather3A_479 : vector<16xf32>
        %swap3A_498 = arith.index_cast %add3A_476 : i32 to index
        %swap3A_499 = arith.constant 32 : index
        %swap3A_500 = tpu.vector_load %arg10[%swap3A_498, %swap3A_499] {strides = array<i32>} : memref<128x128xf32, #tpu.memory_space<vmem>>, vector<16xf32>,
        tpu.vector_store %arg10[%swap3A_498, %swap3A_499], %mul3A_497 {strides = array<i32>} : memref<128x128xf32, #tpu.memory_space<vmem>>, vector<16xf32>,
        %get3A_501 = arith.index_cast %add3A_476 : i32 to index
        %get3A_502 = arith.constant 48 : index
        %get3A_503 = tpu.vector_load %arg10[%get3A_501, %get3A_502] {strides = array<i32>} : memref<128x128xf32, #tpu.memory_space<vmem>>, vector<16xf32>,
        %mul3A_504 = arith.mulf %get3A_503, %gather3A_479 : vector<16xf32>
        %swap3A_505 = arith.index_cast %add3A_476 : i32 to index
        %swap3A_506 = arith.constant 48 : index
        %swap3A_507 = tpu.vector_load %arg10[%swap3A_505, %swap3A_506] {strides = array<i32>} : memref<128x128xf32, #tpu.memory_space<vmem>>, vector<16xf32>,
        tpu.vector_store %arg10[%swap3A_505, %swap3A_506], %mul3A_504 {strides = array<i32>} : memref<128x128xf32, #tpu.memory_space<vmem>>, vector<16xf32>,
        %get3A_508 = arith.index_cast %add3A_476 : i32 to index
        %get3A_509 = arith.constant 64 : index
        %get3A_510 = tpu.vector_load %arg10[%get3A_508, %get3A_509] {strides = array<i32>} : memref<128x128xf32, #tpu.memory_space<vmem>>, vector<16xf32>,
        %mul3A_511 = arith.mulf %get3A_510, %gather3A_479 : vector<16xf32>
        %swap3A_512 = arith.index_cast %add3A_476 : i32 to index
        %swap3A_513 = arith.constant 64 : index
        %swap3A_514 = tpu.vector_load %arg10[%swap3A_512, %swap3A_513] {strides = array<i32>} : memref<128x128xf32, #tpu.memory_space<vmem>>, vector<16xf32>,
        tpu.vector_store %arg10[%swap3A_512, %swap3A_513], %mul3A_511 {strides = array<i32>} : memref<128x128xf32, #tpu.memory_space<vmem>>, vector<16xf32>,
        %get3A_515 = arith.index_cast %add3A_476 : i32 to index
        %get3A_516 = arith.constant 80 : index
        %get3A_517 = tpu.vector_load %arg10[%get3A_515, %get3A_516] {strides = array<i32>} : memref<128x128xf32, #tpu.memory_space<vmem>>, vector<16xf32>,
        %mul3A_518 = arith.mulf %get3A_517, %gather3A_479 : vector<16xf32>
        %swap3A_519 = arith.index_cast %add3A_476 : i32 to index
        %swap3A_520 = arith.constant 80 : index
        %swap3A_521 = tpu.vector_load %arg10[%swap3A_519, %swap3A_520] {strides = array<i32>} : memref<128x128xf32, #tpu.memory_space<vmem>>, vector<16xf32>,
        tpu.vector_store %arg10[%swap3A_519, %swap3A_520], %mul3A_518 {strides = array<i32>} : memref<128x128xf32, #tpu.memory_space<vmem>>, vector<16xf32>,
        %get3A_522 = arith.index_cast %add3A_476 : i32 to index
        %get3A_523 = arith.constant 96 : index
        %get3A_524 = tpu.vector_load %arg10[%get3A_522, %get3A_523] {strides = array<i32>} : memref<128x128xf32, #tpu.memory_space<vmem>>, vector<16xf32>,
        %mul3A_525 = arith.mulf %get3A_524, %gather3A_479 : vector<16xf32>
        %swap3A_526 = arith.index_cast %add3A_476 : i32 to index
        %swap3A_527 = arith.constant 96 : index
        %swap3A_528 = tpu.vector_load %arg10[%swap3A_526, %swap3A_527] {strides = array<i32>} : memref<128x128xf32, #tpu.memory_space<vmem>>, vector<16xf32>,
        tpu.vector_store %arg10[%swap3A_526, %swap3A_527], %mul3A_525 {strides = array<i32>} : memref<128x128xf32, #tpu.memory_space<vmem>>, vector<16xf32>,
        %get3A_529 = arith.index_cast %add3A_476 : i32 to index
        %get3A_530 = arith.constant 112 : index
        %get3A_531 = tpu.vector_load %arg10[%get3A_529, %get3A_530] {strides = array<i32>} : memref<128x128xf32, #tpu.memory_space<vmem>>, vector<16xf32>,
        %mul3A_532 = arith.mulf %get3A_531, %gather3A_479 : vector<16xf32>
        %swap3A_533 = arith.index_cast %add3A_476 : i32 to index
        %swap3A_534 = arith.constant 112 : index
        %swap3A_535 = tpu.vector_load %arg10[%swap3A_533, %swap3A_534] {strides = array<i32>} : memref<128x128xf32, #tpu.memory_space<vmem>>, vector<16xf32>,
        tpu.vector_store %arg10[%swap3A_533, %swap3A_534], %mul3A_532 {strides = array<i32>} : memref<128x128xf32, #tpu.memory_space<vmem>>, vector<16xf32>,
        %scan3A_536 = arith.constant 6 : i32
        %scan3A_537 = arith.addi %scan3A_151, %scan3A_536 : i32
        %mul3A_538 = arith.constant 1 : i32
        %mul3A_539 = arith.muli %scan3A_537, %mul3A_538 : i32
        %add3A_540 = arith.constant 0 : i32
        %add3A_541 = arith.addi %add3A_540, %mul3A_539 : i32
        %broadcast_in_dim3A_542 = vector.broadcast %mul3A_84 : i32 to vector<16xi32>
        %broadcast_in_dim3A_543 = vector.broadcast %add3A_541 : i32 to vector<16xi32>
        %gather3A_544 = tpu.vector_load_idx %arg9[%broadcast_in_dim3A_542, %broadcast_in_dim3A_543] : memref<40x128xf32, #tpu.memory_space<vmem>>[vector<16xi32>, vector<16xi32>], vector<16xf32>,
        %get3A_545 = arith.index_cast %add3A_541 : i32 to index
        %get3A_546 = arith.constant 0 : index
        %get3A_547 = tpu.vector_load %arg10[%get3A_545, %get3A_546] {strides = array<i32>} : memref<128x128xf32, #tpu.memory_space<vmem>>, vector<16xf32>,
        %mul3A_548 = arith.mulf %get3A_547, %gather3A_544 : vector<16xf32>
        %swap3A_549 = arith.index_cast %add3A_541 : i32 to index
        %swap3A_550 = arith.constant 0 : index
        %swap3A_551 = tpu.vector_load %arg10[%swap3A_549, %swap3A_550] {strides = array<i32>} : memref<128x128xf32, #tpu.memory_space<vmem>>, vector<16xf32>,
        tpu.vector_store %arg10[%swap3A_549, %swap3A_550], %mul3A_548 {strides = array<i32>} : memref<128x128xf32, #tpu.memory_space<vmem>>, vector<16xf32>,
        %get3A_552 = arith.index_cast %add3A_541 : i32 to index
        %get3A_553 = arith.constant 16 : index
        %get3A_554 = tpu.vector_load %arg10[%get3A_552, %get3A_553] {strides = array<i32>} : memref<128x128xf32, #tpu.memory_space<vmem>>, vector<16xf32>,
        %mul3A_555 = arith.mulf %get3A_554, %gather3A_544 : vector<16xf32>
        %swap3A_556 = arith.index_cast %add3A_541 : i32 to index
        %swap3A_557 = arith.constant 16 : index
        %swap3A_558 = tpu.vector_load %arg10[%swap3A_556, %swap3A_557] {strides = array<i32>} : memref<128x128xf32, #tpu.memory_space<vmem>>, vector<16xf32>,
        tpu.vector_store %arg10[%swap3A_556, %swap3A_557], %mul3A_555 {strides = array<i32>} : memref<128x128xf32, #tpu.memory_space<vmem>>, vector<16xf32>,
        %get3A_559 = arith.index_cast %add3A_541 : i32 to index
        %get3A_560 = arith.constant 32 : index
        %get3A_561 = tpu.vector_load %arg10[%get3A_559, %get3A_560] {strides = array<i32>} : memref<128x128xf32, #tpu.memory_space<vmem>>, vector<16xf32>,
        %mul3A_562 = arith.mulf %get3A_561, %gather3A_544 : vector<16xf32>
        %swap3A_563 = arith.index_cast %add3A_541 : i32 to index
        %swap3A_564 = arith.constant 32 : index
        %swap3A_565 = tpu.vector_load %arg10[%swap3A_563, %swap3A_564] {strides = array<i32>} : memref<128x128xf32, #tpu.memory_space<vmem>>, vector<16xf32>,
        tpu.vector_store %arg10[%swap3A_563, %swap3A_564], %mul3A_562 {strides = array<i32>} : memref<128x128xf32, #tpu.memory_space<vmem>>, vector<16xf32>,
        %get3A_566 = arith.index_cast %add3A_541 : i32 to index
        %get3A_567 = arith.constant 48 : index
        %get3A_568 = tpu.vector_load %arg10[%get3A_566, %get3A_567] {strides = array<i32>} : memref<128x128xf32, #tpu.memory_space<vmem>>, vector<16xf32>,
        %mul3A_569 = arith.mulf %get3A_568, %gather3A_544 : vector<16xf32>
        %swap3A_570 = arith.index_cast %add3A_541 : i32 to index
        %swap3A_571 = arith.constant 48 : index
        %swap3A_572 = tpu.vector_load %arg10[%swap3A_570, %swap3A_571] {strides = array<i32>} : memref<128x128xf32, #tpu.memory_space<vmem>>, vector<16xf32>,
        tpu.vector_store %arg10[%swap3A_570, %swap3A_571], %mul3A_569 {strides = array<i32>} : memref<128x128xf32, #tpu.memory_space<vmem>>, vector<16xf32>,
        %get3A_573 = arith.index_cast %add3A_541 : i32 to index
        %get3A_574 = arith.constant 64 : index
        %get3A_575 = tpu.vector_load %arg10[%get3A_573, %get3A_574] {strides = array<i32>} : memref<128x128xf32, #tpu.memory_space<vmem>>, vector<16xf32>,
        %mul3A_576 = arith.mulf %get3A_575, %gather3A_544 : vector<16xf32>
        %swap3A_577 = arith.index_cast %add3A_541 : i32 to index
        %swap3A_578 = arith.constant 64 : index
        %swap3A_579 = tpu.vector_load %arg10[%swap3A_577, %swap3A_578] {strides = array<i32>} : memref<128x128xf32, #tpu.memory_space<vmem>>, vector<16xf32>,
        tpu.vector_store %arg10[%swap3A_577, %swap3A_578], %mul3A_576 {strides = array<i32>} : memref<128x128xf32, #tpu.memory_space<vmem>>, vector<16xf32>,
        %get3A_580 = arith.index_cast %add3A_541 : i32 to index
        %get3A_581 = arith.constant 80 : index
        %get3A_582 = tpu.vector_load %arg10[%get3A_580, %get3A_581] {strides = array<i32>} : memref<128x128xf32, #tpu.memory_space<vmem>>, vector<16xf32>,
        %mul3A_583 = arith.mulf %get3A_582, %gather3A_544 : vector<16xf32>
        %swap3A_584 = arith.index_cast %add3A_541 : i32 to index
        %swap3A_585 = arith.constant 80 : index
        %swap3A_586 = tpu.vector_load %arg10[%swap3A_584, %swap3A_585] {strides = array<i32>} : memref<128x128xf32, #tpu.memory_space<vmem>>, vector<16xf32>,
        tpu.vector_store %arg10[%swap3A_584, %swap3A_585], %mul3A_583 {strides = array<i32>} : memref<128x128xf32, #tpu.memory_space<vmem>>, vector<16xf32>,
        %get3A_587 = arith.index_cast %add3A_541 : i32 to index
        %get3A_588 = arith.constant 96 : index
        %get3A_589 = tpu.vector_load %arg10[%get3A_587, %get3A_588] {strides = array<i32>} : memref<128x128xf32, #tpu.memory_space<vmem>>, vector<16xf32>,
        %mul3A_590 = arith.mulf %get3A_589, %gather3A_544 : vector<16xf32>
        %swap3A_591 = arith.index_cast %add3A_541 : i32 to index
        %swap3A_592 = arith.constant 96 : index
        %swap3A_593 = tpu.vector_load %arg10[%swap3A_591, %swap3A_592] {strides = array<i32>} : memref<128x128xf32, #tpu.memory_space<vmem>>, vector<16xf32>,
        tpu.vector_store %arg10[%swap3A_591, %swap3A_592], %mul3A_590 {strides = array<i32>} : memref<128x128xf32, #tpu.memory_space<vmem>>, vector<16xf32>,
        %get3A_594 = arith.index_cast %add3A_541 : i32 to index
        %get3A_595 = arith.constant 112 : index
        %get3A_596 = tpu.vector_load %arg10[%get3A_594, %get3A_595] {strides = array<i32>} : memref<128x128xf32, #tpu.memory_space<vmem>>, vector<16xf32>,
        %mul3A_597 = arith.mulf %get3A_596, %gather3A_544 : vector<16xf32>
        %swap3A_598 = arith.index_cast %add3A_541 : i32 to index
        %swap3A_599 = arith.constant 112 : index
        %swap3A_600 = tpu.vector_load %arg10[%swap3A_598, %swap3A_599] {strides = array<i32>} : memref<128x128xf32, #tpu.memory_space<vmem>>, vector<16xf32>,
        tpu.vector_store %arg10[%swap3A_598, %swap3A_599], %mul3A_597 {strides = array<i32>} : memref<128x128xf32, #tpu.memory_space<vmem>>, vector<16xf32>,
        %scan3A_601 = arith.constant 7 : i32
        %scan3A_602 = arith.addi %scan3A_151, %scan3A_601 : i32
        %mul3A_603 = arith.constant 1 : i32
        %mul3A_604 = arith.muli %scan3A_602, %mul3A_603 : i32
        %add3A_605 = arith.constant 0 : i32
        %add3A_606 = arith.addi %add3A_605, %mul3A_604 : i32
        %broadcast_in_dim3A_607 = vector.broadcast %mul3A_84 : i32 to vector<16xi32>
        %broadcast_in_dim3A_608 = vector.broadcast %add3A_606 : i32 to vector<16xi32>
        %gather3A_609 = tpu.vector_load_idx %arg9[%broadcast_in_dim3A_607, %broadcast_in_dim3A_608] : memref<40x128xf32, #tpu.memory_space<vmem>>[vector<16xi32>, vector<16xi32>], vector<16xf32>,
        %get3A_610 = arith.index_cast %add3A_606 : i32 to index
        %get3A_611 = arith.constant 0 : index
        %get3A_612 = tpu.vector_load %arg10[%get3A_610, %get3A_611] {strides = array<i32>} : memref<128x128xf32, #tpu.memory_space<vmem>>, vector<16xf32>,
        %mul3A_613 = arith.mulf %get3A_612, %gather3A_609 : vector<16xf32>
        %swap3A_614 = arith.index_cast %add3A_606 : i32 to index
        %swap3A_615 = arith.constant 0 : index
        %swap3A_616 = tpu.vector_load %arg10[%swap3A_614, %swap3A_615] {strides = array<i32>} : memref<128x128xf32, #tpu.memory_space<vmem>>, vector<16xf32>,
        tpu.vector_store %arg10[%swap3A_614, %swap3A_615], %mul3A_613 {strides = array<i32>} : memref<128x128xf32, #tpu.memory_space<vmem>>, vector<16xf32>,
        %get3A_617 = arith.index_cast %add3A_606 : i32 to index
        %get3A_618 = arith.constant 16 : index
        %get3A_619 = tpu.vector_load %arg10[%get3A_617, %get3A_618] {strides = array<i32>} : memref<128x128xf32, #tpu.memory_space<vmem>>, vector<16xf32>,
        %mul3A_620 = arith.mulf %get3A_619, %gather3A_609 : vector<16xf32>
        %swap3A_621 = arith.index_cast %add3A_606 : i32 to index
        %swap3A_622 = arith.constant 16 : index
        %swap3A_623 = tpu.vector_load %arg10[%swap3A_621, %swap3A_622] {strides = array<i32>} : memref<128x128xf32, #tpu.memory_space<vmem>>, vector<16xf32>,
        tpu.vector_store %arg10[%swap3A_621, %swap3A_622], %mul3A_620 {strides = array<i32>} : memref<128x128xf32, #tpu.memory_space<vmem>>, vector<16xf32>,
        %get3A_624 = arith.index_cast %add3A_606 : i32 to index
        %get3A_625 = arith.constant 32 : index
        %get3A_626 = tpu.vector_load %arg10[%get3A_624, %get3A_625] {strides = array<i32>} : memref<128x128xf32, #tpu.memory_space<vmem>>, vector<16xf32>,
        %mul3A_627 = arith.mulf %get3A_626, %gather3A_609 : vector<16xf32>
        %swap3A_628 = arith.index_cast %add3A_606 : i32 to index
        %swap3A_629 = arith.constant 32 : index
        %swap3A_630 = tpu.vector_load %arg10[%swap3A_628, %swap3A_629] {strides = array<i32>} : memref<128x128xf32, #tpu.memory_space<vmem>>, vector<16xf32>,
        tpu.vector_store %arg10[%swap3A_628, %swap3A_629], %mul3A_627 {strides = array<i32>} : memref<128x128xf32, #tpu.memory_space<vmem>>, vector<16xf32>,
        %get3A_631 = arith.index_cast %add3A_606 : i32 to index
        %get3A_632 = arith.constant 48 : index
        %get3A_633 = tpu.vector_load %arg10[%get3A_631, %get3A_632] {strides = array<i32>} : memref<128x128xf32, #tpu.memory_space<vmem>>, vector<16xf32>,
        %mul3A_634 = arith.mulf %get3A_633, %gather3A_609 : vector<16xf32>
        %swap3A_635 = arith.index_cast %add3A_606 : i32 to index
        %swap3A_636 = arith.constant 48 : index
        %swap3A_637 = tpu.vector_load %arg10[%swap3A_635, %swap3A_636] {strides = array<i32>} : memref<128x128xf32, #tpu.memory_space<vmem>>, vector<16xf32>,
        tpu.vector_store %arg10[%swap3A_635, %swap3A_636], %mul3A_634 {strides = array<i32>} : memref<128x128xf32, #tpu.memory_space<vmem>>, vector<16xf32>,
        %get3A_638 = arith.index_cast %add3A_606 : i32 to index
        %get3A_639 = arith.constant 64 : index
        %get3A_640 = tpu.vector_load %arg10[%get3A_638, %get3A_639] {strides = array<i32>} : memref<128x128xf32, #tpu.memory_space<vmem>>, vector<16xf32>,
        %mul3A_641 = arith.mulf %get3A_640, %gather3A_609 : vector<16xf32>
        %swap3A_642 = arith.index_cast %add3A_606 : i32 to index
        %swap3A_643 = arith.constant 64 : index
        %swap3A_644 = tpu.vector_load %arg10[%swap3A_642, %swap3A_643] {strides = array<i32>} : memref<128x128xf32, #tpu.memory_space<vmem>>, vector<16xf32>,
        tpu.vector_store %arg10[%swap3A_642, %swap3A_643], %mul3A_641 {strides = array<i32>} : memref<128x128xf32, #tpu.memory_space<vmem>>, vector<16xf32>,
        %get3A_645 = arith.index_cast %add3A_606 : i32 to index
        %get3A_646 = arith.constant 80 : index
        %get3A_647 = tpu.vector_load %arg10[%get3A_645, %get3A_646] {strides = array<i32>} : memref<128x128xf32, #tpu.memory_space<vmem>>, vector<16xf32>,
        %mul3A_648 = arith.mulf %get3A_647, %gather3A_609 : vector<16xf32>
        %swap3A_649 = arith.index_cast %add3A_606 : i32 to index
        %swap3A_650 = arith.constant 80 : index
        %swap3A_651 = tpu.vector_load %arg10[%swap3A_649, %swap3A_650] {strides = array<i32>} : memref<128x128xf32, #tpu.memory_space<vmem>>, vector<16xf32>,
        tpu.vector_store %arg10[%swap3A_649, %swap3A_650], %mul3A_648 {strides = array<i32>} : memref<128x128xf32, #tpu.memory_space<vmem>>, vector<16xf32>,
        %get3A_652 = arith.index_cast %add3A_606 : i32 to index
        %get3A_653 = arith.constant 96 : index
        %get3A_654 = tpu.vector_load %arg10[%get3A_652, %get3A_653] {strides = array<i32>} : memref<128x128xf32, #tpu.memory_space<vmem>>, vector<16xf32>,
        %mul3A_655 = arith.mulf %get3A_654, %gather3A_609 : vector<16xf32>
        %swap3A_656 = arith.index_cast %add3A_606 : i32 to index
        %swap3A_657 = arith.constant 96 : index
        %swap3A_658 = tpu.vector_load %arg10[%swap3A_656, %swap3A_657] {strides = array<i32>} : memref<128x128xf32, #tpu.memory_space<vmem>>, vector<16xf32>,
        tpu.vector_store %arg10[%swap3A_656, %swap3A_657], %mul3A_655 {strides = array<i32>} : memref<128x128xf32, #tpu.memory_space<vmem>>, vector<16xf32>,
        %get3A_659 = arith.index_cast %add3A_606 : i32 to index
        %get3A_660 = arith.constant 112 : index
        %get3A_661 = tpu.vector_load %arg10[%get3A_659, %get3A_660] {strides = array<i32>} : memref<128x128xf32, #tpu.memory_space<vmem>>, vector<16xf32>,
        %mul3A_662 = arith.mulf %get3A_661, %gather3A_609 : vector<16xf32>
        %swap3A_663 = arith.index_cast %add3A_606 : i32 to index
        %swap3A_664 = arith.constant 112 : index
        %swap3A_665 = tpu.vector_load %arg10[%swap3A_663, %swap3A_664] {strides = array<i32>} : memref<128x128xf32, #tpu.memory_space<vmem>>, vector<16xf32>,
        tpu.vector_store %arg10[%swap3A_663, %swap3A_664], %mul3A_662 {strides = array<i32>} : memref<128x128xf32, #tpu.memory_space<vmem>>, vector<16xf32>,
      }
      %scan3A_113 = arith.constant 128 : i32
      %dma_start3A_114 = arith.constant 0 : i32
      %dma_start3A_115 = tpu.memref_slice %arg8[%mul3A_84, %dma_start3A_114] : memref<40x128xi32, #tpu.memory_space<vmem>> -> memref<1x128xi32, #tpu.memory_space<vmem>>
      %dma_start3A_116 = tpu.memref_squeeze %dma_start3A_115 : memref<1x128xi32, #tpu.memory_space<vmem>> -> memref<128xi32, #tpu.memory_space<vmem>>
      %dma_start3A_117 = arith.constant 0 : i32
      %dma_start3A_118 = arith.constant 0 : i32
      %dma_start3A_119 = tpu.memref_slice %arg12[%dma_start3A_117, %dma_start3A_118] : memref<10240x128xf32, #tpu.memory_space<vmem_shared>> -> memref<10240x128xf32, #tpu.memory_space<vmem_shared>>
      tpu.enqueue_indirect_dma source(%arg10 : memref<128x128xf32, #tpu.memory_space<vmem>>) target(%dma_start3A_119 : memref<10240x128xf32, #tpu.memory_space<vmem_shared>>) offsets(%dma_start3A_116 : memref<128xi32, #tpu.memory_space<vmem>>) semaphore(%arg15 : memref<!tpu.dma_semaphore, #tpu.memory_space<semaphore_mem>>) {add = true}
      %add3A_120 = arith.constant 1 : i32
      %add3A_121 = arith.addi %mul3A_84, %add3A_120 : i32
      %dma_wait3A_122 = arith.constant 0 : i32
      %dma_wait3A_123 = tpu.memref_slice %arg7[%add3A_121, %dma_wait3A_122] : memref<40x128xi32, #tpu.memory_space<vmem>> -> memref<1x128xi32, #tpu.memory_space<vmem>>
      %dma_wait3A_124 = tpu.memref_squeeze %dma_wait3A_123 : memref<1x128xi32, #tpu.memory_space<vmem>> -> memref<128xi32, #tpu.memory_space<vmem>>
      %dma_wait3A_125 = arith.constant 0 : i32
      %dma_wait3A_126 = arith.constant 0 : i32
      %dma_wait3A_127 = tpu.memref_slice %arg2[%arg0, %dma_wait3A_125, %dma_wait3A_126] : memref<2x10240x128xf32, #tpu.memory_space<hbm>> -> memref<1x10240x128xf32, #tpu.memory_space<hbm>>
      %dma_wait3A_128 = tpu.memref_squeeze %dma_wait3A_127 : memref<1x10240x128xf32, #tpu.memory_space<hbm>> -> memref<10240x128xf32, #tpu.memory_space<hbm>>
      %dma_wait3A_129 = arith.constant 0 : i32
      %dma_wait3A_130 = arith.constant 0 : i32
      %dma_wait3A_131 = tpu.memref_slice %dma_wait3A_128[%dma_wait3A_129, %dma_wait3A_130] : memref<10240x128xf32, #tpu.memory_space<hbm>> -> memref<10240x128xf32, #tpu.memory_space<hbm>>
      tpu.wait_indirect_dma semaphore(%arg14 : memref<!tpu.dma_semaphore, #tpu.memory_space<semaphore_mem>>) src(%dma_wait3A_131 : memref<10240x128xf32, #tpu.memory_space<hbm>>) dst(%arg11 : memref<128x128xf32, #tpu.memory_space<vmem>>)
      %add3A_132 = arith.constant 1 : i32
      %add3A_133 = arith.addi %mul3A_84, %add3A_132 : i32
      %scan3A_134 = arith.constant 0 : i32
      %scan3A_135 = arith.constant 128 : i32
      %scan3A_136 = arith.addi %scan3A_134, %scan3A_135 : i32
      %scan3A_137 = arith.constant 8 : i32
      scf.for %scan3A_151 = %scan3A_134 to %scan3A_136 step %scan3A_137  : i32 {
        %mul3A_152 = arith.constant 1 : i32
        %mul3A_153 = arith.muli %scan3A_151, %mul3A_152 : i32
        %add3A_154 = arith.constant 0 : i32
        %add3A_155 = arith.addi %add3A_154, %mul3A_153 : i32
        %broadcast_in_dim3A = vector.broadcast %add3A_133 : i32 to vector<16xi32>
        %broadcast_in_dim3A_156 = vector.broadcast %add3A_155 : i32 to vector<16xi32>
        %gather3A = tpu.vector_load_idx %arg9[%broadcast_in_dim3A, %broadcast_in_dim3A_156] : memref<40x128xf32, #tpu.memory_space<vmem>>[vector<16xi32>, vector<16xi32>], vector<16xf32>,
        %get3A = arith.index_cast %add3A_155 : i32 to index
        %get3A_157 = arith.constant 0 : index
        %get3A_158 = tpu.vector_load %arg11[%get3A, %get3A_157] {strides = array<i32>} : memref<128x128xf32, #tpu.memory_space<vmem>>, vector<16xf32>,
        %mul3A_159 = arith.mulf %get3A_158, %gather3A : vector<16xf32>
        %swap3A = arith.index_cast %add3A_155 : i32 to index
        %swap3A_160 = arith.constant 0 : index
        %swap3A_161 = tpu.vector_load %arg11[%swap3A, %swap3A_160] {strides = array<i32>} : memref<128x128xf32, #tpu.memory_space<vmem>>, vector<16xf32>,
        tpu.vector_store %arg11[%swap3A, %swap3A_160], %mul3A_159 {strides = array<i32>} : memref<128x128xf32, #tpu.memory_space<vmem>>, vector<16xf32>,
        %get3A_162 = arith.index_cast %add3A_155 : i32 to index
        %get3A_163 = arith.constant 16 : index
        %get3A_164 = tpu.vector_load %arg11[%get3A_162, %get3A_163] {strides = array<i32>} : memref<128x128xf32, #tpu.memory_space<vmem>>, vector<16xf32>,
        %mul3A_165 = arith.mulf %get3A_164, %gather3A : vector<16xf32>
        %swap3A_166 = arith.index_cast %add3A_155 : i32 to index
        %swap3A_167 = arith.constant 16 : index
        %swap3A_168 = tpu.vector_load %arg11[%swap3A_166, %swap3A_167] {strides = array<i32>} : memref<128x128xf32, #tpu.memory_space<vmem>>, vector<16xf32>,
        tpu.vector_store %arg11[%swap3A_166, %swap3A_167], %mul3A_165 {strides = array<i32>} : memref<128x128xf32, #tpu.memory_space<vmem>>, vector<16xf32>,
        %get3A_169 = arith.index_cast %add3A_155 : i32 to index
        %get3A_170 = arith.constant 32 : index
        %get3A_171 = tpu.vector_load %arg11[%get3A_169, %get3A_170] {strides = array<i32>} : memref<128x128xf32, #tpu.memory_space<vmem>>, vector<16xf32>,
        %mul3A_172 = arith.mulf %get3A_171, %gather3A : vector<16xf32>
        %swap3A_173 = arith.index_cast %add3A_155 : i32 to index
        %swap3A_174 = arith.constant 32 : index
        %swap3A_175 = tpu.vector_load %arg11[%swap3A_173, %swap3A_174] {strides = array<i32>} : memref<128x128xf32, #tpu.memory_space<vmem>>, vector<16xf32>,
        tpu.vector_store %arg11[%swap3A_173, %swap3A_174], %mul3A_172 {strides = array<i32>} : memref<128x128xf32, #tpu.memory_space<vmem>>, vector<16xf32>,
        %get3A_176 = arith.index_cast %add3A_155 : i32 to index
        %get3A_177 = arith.constant 48 : index
        %get3A_178 = tpu.vector_load %arg11[%get3A_176, %get3A_177] {strides = array<i32>} : memref<128x128xf32, #tpu.memory_space<vmem>>, vector<16xf32>,
        %mul3A_179 = arith.mulf %get3A_178, %gather3A : vector<16xf32>
        %swap3A_180 = arith.index_cast %add3A_155 : i32 to index
        %swap3A_181 = arith.constant 48 : index
        %swap3A_182 = tpu.vector_load %arg11[%swap3A_180, %swap3A_181] {strides = array<i32>} : memref<128x128xf32, #tpu.memory_space<vmem>>, vector<16xf32>,
        tpu.vector_store %arg11[%swap3A_180, %swap3A_181], %mul3A_179 {strides = array<i32>} : memref<128x128xf32, #tpu.memory_space<vmem>>, vector<16xf32>,
        %get3A_183 = arith.index_cast %add3A_155 : i32 to index
        %get3A_184 = arith.constant 64 : index
        %get3A_185 = tpu.vector_load %arg11[%get3A_183, %get3A_184] {strides = array<i32>} : memref<128x128xf32, #tpu.memory_space<vmem>>, vector<16xf32>,
        %mul3A_186 = arith.mulf %get3A_185, %gather3A : vector<16xf32>
        %swap3A_187 = arith.index_cast %add3A_155 : i32 to index
        %swap3A_188 = arith.constant 64 : index
        %swap3A_189 = tpu.vector_load %arg11[%swap3A_187, %swap3A_188] {strides = array<i32>} : memref<128x128xf32, #tpu.memory_space<vmem>>, vector<16xf32>,
        tpu.vector_store %arg11[%swap3A_187, %swap3A_188], %mul3A_186 {strides = array<i32>} : memref<128x128xf32, #tpu.memory_space<vmem>>, vector<16xf32>,
        %get3A_190 = arith.index_cast %add3A_155 : i32 to index
        %get3A_191 = arith.constant 80 : index
        %get3A_192 = tpu.vector_load %arg11[%get3A_190, %get3A_191] {strides = array<i32>} : memref<128x128xf32, #tpu.memory_space<vmem>>, vector<16xf32>,
        %mul3A_193 = arith.mulf %get3A_192, %gather3A : vector<16xf32>
        %swap3A_194 = arith.index_cast %add3A_155 : i32 to index
        %swap3A_195 = arith.constant 80 : index
        %swap3A_196 = tpu.vector_load %arg11[%swap3A_194, %swap3A_195] {strides = array<i32>} : memref<128x128xf32, #tpu.memory_space<vmem>>, vector<16xf32>,
        tpu.vector_store %arg11[%swap3A_194, %swap3A_195], %mul3A_193 {strides = array<i32>} : memref<128x128xf32, #tpu.memory_space<vmem>>, vector<16xf32>,
        %get3A_197 = arith.index_cast %add3A_155 : i32 to index
        %get3A_198 = arith.constant 96 : index
        %get3A_199 = tpu.vector_load %arg11[%get3A_197, %get3A_198] {strides = array<i32>} : memref<128x128xf32, #tpu.memory_space<vmem>>, vector<16xf32>,
        %mul3A_200 = arith.mulf %get3A_199, %gather3A : vector<16xf32>
        %swap3A_201 = arith.index_cast %add3A_155 : i32 to index
        %swap3A_202 = arith.constant 96 : index
        %swap3A_203 = tpu.vector_load %arg11[%swap3A_201, %swap3A_202] {strides = array<i32>} : memref<128x128xf32, #tpu.memory_space<vmem>>, vector<16xf32>,
        tpu.vector_store %arg11[%swap3A_201, %swap3A_202], %mul3A_200 {strides = array<i32>} : memref<128x128xf32, #tpu.memory_space<vmem>>, vector<16xf32>,
        %get3A_204 = arith.index_cast %add3A_155 : i32 to index
        %get3A_205 = arith.constant 112 : index
        %get3A_206 = tpu.vector_load %arg11[%get3A_204, %get3A_205] {strides = array<i32>} : memref<128x128xf32, #tpu.memory_space<vmem>>, vector<16xf32>,
        %mul3A_207 = arith.mulf %get3A_206, %gather3A : vector<16xf32>
        %swap3A_208 = arith.index_cast %add3A_155 : i32 to index
        %swap3A_209 = arith.constant 112 : index
        %swap3A_210 = tpu.vector_load %arg11[%swap3A_208, %swap3A_209] {strides = array<i32>} : memref<128x128xf32, #tpu.memory_space<vmem>>, vector<16xf32>,
        tpu.vector_store %arg11[%swap3A_208, %swap3A_209], %mul3A_207 {strides = array<i32>} : memref<128x128xf32, #tpu.memory_space<vmem>>, vector<16xf32>,
        %scan3A_211 = arith.constant 1 : i32
        %scan3A_212 = arith.addi %scan3A_151, %scan3A_211 : i32
        %mul3A_213 = arith.constant 1 : i32
        %mul3A_214 = arith.muli %scan3A_212, %mul3A_213 : i32
        %add3A_215 = arith.constant 0 : i32
        %add3A_216 = arith.addi %add3A_215, %mul3A_214 : i32
        %broadcast_in_dim3A_217 = vector.broadcast %add3A_133 : i32 to vector<16xi32>
        %broadcast_in_dim3A_218 = vector.broadcast %add3A_216 : i32 to vector<16xi32>
        %gather3A_219 = tpu.vector_load_idx %arg9[%broadcast_in_dim3A_217, %broadcast_in_dim3A_218] : memref<40x128xf32, #tpu.memory_space<vmem>>[vector<16xi32>, vector<16xi32>], vector<16xf32>,
        %get3A_220 = arith.index_cast %add3A_216 : i32 to index
        %get3A_221 = arith.constant 0 : index
        %get3A_222 = tpu.vector_load %arg11[%get3A_220, %get3A_221] {strides = array<i32>} : memref<128x128xf32, #tpu.memory_space<vmem>>, vector<16xf32>,
        %mul3A_223 = arith.mulf %get3A_222, %gather3A_219 : vector<16xf32>
        %swap3A_224 = arith.index_cast %add3A_216 : i32 to index
        %swap3A_225 = arith.constant 0 : index
        %swap3A_226 = tpu.vector_load %arg11[%swap3A_224, %swap3A_225] {strides = array<i32>} : memref<128x128xf32, #tpu.memory_space<vmem>>, vector<16xf32>,
        tpu.vector_store %arg11[%swap3A_224, %swap3A_225], %mul3A_223 {strides = array<i32>} : memref<128x128xf32, #tpu.memory_space<vmem>>, vector<16xf32>,
        %get3A_227 = arith.index_cast %add3A_216 : i32 to index
        %get3A_228 = arith.constant 16 : index
        %get3A_229 = tpu.vector_load %arg11[%get3A_227, %get3A_228] {strides = array<i32>} : memref<128x128xf32, #tpu.memory_space<vmem>>, vector<16xf32>,
        %mul3A_230 = arith.mulf %get3A_229, %gather3A_219 : vector<16xf32>
        %swap3A_231 = arith.index_cast %add3A_216 : i32 to index
        %swap3A_232 = arith.constant 16 : index
        %swap3A_233 = tpu.vector_load %arg11[%swap3A_231, %swap3A_232] {strides = array<i32>} : memref<128x128xf32, #tpu.memory_space<vmem>>, vector<16xf32>,
        tpu.vector_store %arg11[%swap3A_231, %swap3A_232], %mul3A_230 {strides = array<i32>} : memref<128x128xf32, #tpu.memory_space<vmem>>, vector<16xf32>,
        %get3A_234 = arith.index_cast %add3A_216 : i32 to index
        %get3A_235 = arith.constant 32 : index
        %get3A_236 = tpu.vector_load %arg11[%get3A_234, %get3A_235] {strides = array<i32>} : memref<128x128xf32, #tpu.memory_space<vmem>>, vector<16xf32>,
        %mul3A_237 = arith.mulf %get3A_236, %gather3A_219 : vector<16xf32>
        %swap3A_238 = arith.index_cast %add3A_216 : i32 to index
        %swap3A_239 = arith.constant 32 : index
        %swap3A_240 = tpu.vector_load %arg11[%swap3A_238, %swap3A_239] {strides = array<i32>} : memref<128x128xf32, #tpu.memory_space<vmem>>, vector<16xf32>,
        tpu.vector_store %arg11[%swap3A_238, %swap3A_239], %mul3A_237 {strides = array<i32>} : memref<128x128xf32, #tpu.memory_space<vmem>>, vector<16xf32>,
        %get3A_241 = arith.index_cast %add3A_216 : i32 to index
        %get3A_242 = arith.constant 48 : index
        %get3A_243 = tpu.vector_load %arg11[%get3A_241, %get3A_242] {strides = array<i32>} : memref<128x128xf32, #tpu.memory_space<vmem>>, vector<16xf32>,
        %mul3A_244 = arith.mulf %get3A_243, %gather3A_219 : vector<16xf32>
        %swap3A_245 = arith.index_cast %add3A_216 : i32 to index
        %swap3A_246 = arith.constant 48 : index
        %swap3A_247 = tpu.vector_load %arg11[%swap3A_245, %swap3A_246] {strides = array<i32>} : memref<128x128xf32, #tpu.memory_space<vmem>>, vector<16xf32>,
        tpu.vector_store %arg11[%swap3A_245, %swap3A_246], %mul3A_244 {strides = array<i32>} : memref<128x128xf32, #tpu.memory_space<vmem>>, vector<16xf32>,
        %get3A_248 = arith.index_cast %add3A_216 : i32 to index
        %get3A_249 = arith.constant 64 : index
        %get3A_250 = tpu.vector_load %arg11[%get3A_248, %get3A_249] {strides = array<i32>} : memref<128x128xf32, #tpu.memory_space<vmem>>, vector<16xf32>,
        %mul3A_251 = arith.mulf %get3A_250, %gather3A_219 : vector<16xf32>
        %swap3A_252 = arith.index_cast %add3A_216 : i32 to index
        %swap3A_253 = arith.constant 64 : index
        %swap3A_254 = tpu.vector_load %arg11[%swap3A_252, %swap3A_253] {strides = array<i32>} : memref<128x128xf32, #tpu.memory_space<vmem>>, vector<16xf32>,
        tpu.vector_store %arg11[%swap3A_252, %swap3A_253], %mul3A_251 {strides = array<i32>} : memref<128x128xf32, #tpu.memory_space<vmem>>, vector<16xf32>,
        %get3A_255 = arith.index_cast %add3A_216 : i32 to index
        %get3A_256 = arith.constant 80 : index
        %get3A_257 = tpu.vector_load %arg11[%get3A_255, %get3A_256] {strides = array<i32>} : memref<128x128xf32, #tpu.memory_space<vmem>>, vector<16xf32>,
        %mul3A_258 = arith.mulf %get3A_257, %gather3A_219 : vector<16xf32>
        %swap3A_259 = arith.index_cast %add3A_216 : i32 to index
        %swap3A_260 = arith.constant 80 : index
        %swap3A_261 = tpu.vector_load %arg11[%swap3A_259, %swap3A_260] {strides = array<i32>} : memref<128x128xf32, #tpu.memory_space<vmem>>, vector<16xf32>,
        tpu.vector_store %arg11[%swap3A_259, %swap3A_260], %mul3A_258 {strides = array<i32>} : memref<128x128xf32, #tpu.memory_space<vmem>>, vector<16xf32>,
        %get3A_262 = arith.index_cast %add3A_216 : i32 to index
        %get3A_263 = arith.constant 96 : index
        %get3A_264 = tpu.vector_load %arg11[%get3A_262, %get3A_263] {strides = array<i32>} : memref<128x128xf32, #tpu.memory_space<vmem>>, vector<16xf32>,
        %mul3A_265 = arith.mulf %get3A_264, %gather3A_219 : vector<16xf32>
        %swap3A_266 = arith.index_cast %add3A_216 : i32 to index
        %swap3A_267 = arith.constant 96 : index
        %swap3A_268 = tpu.vector_load %arg11[%swap3A_266, %swap3A_267] {strides = array<i32>} : memref<128x128xf32, #tpu.memory_space<vmem>>, vector<16xf32>,
        tpu.vector_store %arg11[%swap3A_266, %swap3A_267], %mul3A_265 {strides = array<i32>} : memref<128x128xf32, #tpu.memory_space<vmem>>, vector<16xf32>,
        %get3A_269 = arith.index_cast %add3A_216 : i32 to index
        %get3A_270 = arith.constant 112 : index
        %get3A_271 = tpu.vector_load %arg11[%get3A_269, %get3A_270] {strides = array<i32>} : memref<128x128xf32, #tpu.memory_space<vmem>>, vector<16xf32>,
        %mul3A_272 = arith.mulf %get3A_271, %gather3A_219 : vector<16xf32>
        %swap3A_273 = arith.index_cast %add3A_216 : i32 to index
        %swap3A_274 = arith.constant 112 : index
        %swap3A_275 = tpu.vector_load %arg11[%swap3A_273, %swap3A_274] {strides = array<i32>} : memref<128x128xf32, #tpu.memory_space<vmem>>, vector<16xf32>,
        tpu.vector_store %arg11[%swap3A_273, %swap3A_274], %mul3A_272 {strides = array<i32>} : memref<128x128xf32, #tpu.memory_space<vmem>>, vector<16xf32>,
        %scan3A_276 = arith.constant 2 : i32
        %scan3A_277 = arith.addi %scan3A_151, %scan3A_276 : i32
        %mul3A_278 = arith.constant 1 : i32
        %mul3A_279 = arith.muli %scan3A_277, %mul3A_278 : i32
        %add3A_280 = arith.constant 0 : i32
        %add3A_281 = arith.addi %add3A_280, %mul3A_279 : i32
        %broadcast_in_dim3A_282 = vector.broadcast %add3A_133 : i32 to vector<16xi32>
        %broadcast_in_dim3A_283 = vector.broadcast %add3A_281 : i32 to vector<16xi32>
        %gather3A_284 = tpu.vector_load_idx %arg9[%broadcast_in_dim3A_282, %broadcast_in_dim3A_283] : memref<40x128xf32, #tpu.memory_space<vmem>>[vector<16xi32>, vector<16xi32>], vector<16xf32>,
        %get3A_285 = arith.index_cast %add3A_281 : i32 to index
        %get3A_286 = arith.constant 0 : index
        %get3A_287 = tpu.vector_load %arg11[%get3A_285, %get3A_286] {strides = array<i32>} : memref<128x128xf32, #tpu.memory_space<vmem>>, vector<16xf32>,
        %mul3A_288 = arith.mulf %get3A_287, %gather3A_284 : vector<16xf32>
        %swap3A_289 = arith.index_cast %add3A_281 : i32 to index
        %swap3A_290 = arith.constant 0 : index
        %swap3A_291 = tpu.vector_load %arg11[%swap3A_289, %swap3A_290] {strides = array<i32>} : memref<128x128xf32, #tpu.memory_space<vmem>>, vector<16xf32>,
        tpu.vector_store %arg11[%swap3A_289, %swap3A_290], %mul3A_288 {strides = array<i32>} : memref<128x128xf32, #tpu.memory_space<vmem>>, vector<16xf32>,
        %get3A_292 = arith.index_cast %add3A_281 : i32 to index
        %get3A_293 = arith.constant 16 : index
        %get3A_294 = tpu.vector_load %arg11[%get3A_292, %get3A_293] {strides = array<i32>} : memref<128x128xf32, #tpu.memory_space<vmem>>, vector<16xf32>,
        %mul3A_295 = arith.mulf %get3A_294, %gather3A_284 : vector<16xf32>
        %swap3A_296 = arith.index_cast %add3A_281 : i32 to index
        %swap3A_297 = arith.constant 16 : index
        %swap3A_298 = tpu.vector_load %arg11[%swap3A_296, %swap3A_297] {strides = array<i32>} : memref<128x128xf32, #tpu.memory_space<vmem>>, vector<16xf32>,
        tpu.vector_store %arg11[%swap3A_296, %swap3A_297], %mul3A_295 {strides = array<i32>} : memref<128x128xf32, #tpu.memory_space<vmem>>, vector<16xf32>,
        %get3A_299 = arith.index_cast %add3A_281 : i32 to index
        %get3A_300 = arith.constant 32 : index
        %get3A_301 = tpu.vector_load %arg11[%get3A_299, %get3A_300] {strides = array<i32>} : memref<128x128xf32, #tpu.memory_space<vmem>>, vector<16xf32>,
        %mul3A_302 = arith.mulf %get3A_301, %gather3A_284 : vector<16xf32>
        %swap3A_303 = arith.index_cast %add3A_281 : i32 to index
        %swap3A_304 = arith.constant 32 : index
        %swap3A_305 = tpu.vector_load %arg11[%swap3A_303, %swap3A_304] {strides = array<i32>} : memref<128x128xf32, #tpu.memory_space<vmem>>, vector<16xf32>,
        tpu.vector_store %arg11[%swap3A_303, %swap3A_304], %mul3A_302 {strides = array<i32>} : memref<128x128xf32, #tpu.memory_space<vmem>>, vector<16xf32>,
        %get3A_306 = arith.index_cast %add3A_281 : i32 to index
        %get3A_307 = arith.constant 48 : index
        %get3A_308 = tpu.vector_load %arg11[%get3A_306, %get3A_307] {strides = array<i32>} : memref<128x128xf32, #tpu.memory_space<vmem>>, vector<16xf32>,
        %mul3A_309 = arith.mulf %get3A_308, %gather3A_284 : vector<16xf32>
        %swap3A_310 = arith.index_cast %add3A_281 : i32 to index
        %swap3A_311 = arith.constant 48 : index
        %swap3A_312 = tpu.vector_load %arg11[%swap3A_310, %swap3A_311] {strides = array<i32>} : memref<128x128xf32, #tpu.memory_space<vmem>>, vector<16xf32>,
        tpu.vector_store %arg11[%swap3A_310, %swap3A_311], %mul3A_309 {strides = array<i32>} : memref<128x128xf32, #tpu.memory_space<vmem>>, vector<16xf32>,
        %get3A_313 = arith.index_cast %add3A_281 : i32 to index
        %get3A_314 = arith.constant 64 : index
        %get3A_315 = tpu.vector_load %arg11[%get3A_313, %get3A_314] {strides = array<i32>} : memref<128x128xf32, #tpu.memory_space<vmem>>, vector<16xf32>,
        %mul3A_316 = arith.mulf %get3A_315, %gather3A_284 : vector<16xf32>
        %swap3A_317 = arith.index_cast %add3A_281 : i32 to index
        %swap3A_318 = arith.constant 64 : index
        %swap3A_319 = tpu.vector_load %arg11[%swap3A_317, %swap3A_318] {strides = array<i32>} : memref<128x128xf32, #tpu.memory_space<vmem>>, vector<16xf32>,
        tpu.vector_store %arg11[%swap3A_317, %swap3A_318], %mul3A_316 {strides = array<i32>} : memref<128x128xf32, #tpu.memory_space<vmem>>, vector<16xf32>,
        %get3A_320 = arith.index_cast %add3A_281 : i32 to index
        %get3A_321 = arith.constant 80 : index
        %get3A_322 = tpu.vector_load %arg11[%get3A_320, %get3A_321] {strides = array<i32>} : memref<128x128xf32, #tpu.memory_space<vmem>>, vector<16xf32>,
        %mul3A_323 = arith.mulf %get3A_322, %gather3A_284 : vector<16xf32>
        %swap3A_324 = arith.index_cast %add3A_281 : i32 to index
        %swap3A_325 = arith.constant 80 : index
        %swap3A_326 = tpu.vector_load %arg11[%swap3A_324, %swap3A_325] {strides = array<i32>} : memref<128x128xf32, #tpu.memory_space<vmem>>, vector<16xf32>,
        tpu.vector_store %arg11[%swap3A_324, %swap3A_325], %mul3A_323 {strides = array<i32>} : memref<128x128xf32, #tpu.memory_space<vmem>>, vector<16xf32>,
        %get3A_327 = arith.index_cast %add3A_281 : i32 to index
        %get3A_328 = arith.constant 96 : index
        %get3A_329 = tpu.vector_load %arg11[%get3A_327, %get3A_328] {strides = array<i32>} : memref<128x128xf32, #tpu.memory_space<vmem>>, vector<16xf32>,
        %mul3A_330 = arith.mulf %get3A_329, %gather3A_284 : vector<16xf32>
        %swap3A_331 = arith.index_cast %add3A_281 : i32 to index
        %swap3A_332 = arith.constant 96 : index
        %swap3A_333 = tpu.vector_load %arg11[%swap3A_331, %swap3A_332] {strides = array<i32>} : memref<128x128xf32, #tpu.memory_space<vmem>>, vector<16xf32>,
        tpu.vector_store %arg11[%swap3A_331, %swap3A_332], %mul3A_330 {strides = array<i32>} : memref<128x128xf32, #tpu.memory_space<vmem>>, vector<16xf32>,
        %get3A_334 = arith.index_cast %add3A_281 : i32 to index
        %get3A_335 = arith.constant 112 : index
        %get3A_336 = tpu.vector_load %arg11[%get3A_334, %get3A_335] {strides = array<i32>} : memref<128x128xf32, #tpu.memory_space<vmem>>, vector<16xf32>,
        %mul3A_337 = arith.mulf %get3A_336, %gather3A_284 : vector<16xf32>
        %swap3A_338 = arith.index_cast %add3A_281 : i32 to index
        %swap3A_339 = arith.constant 112 : index
        %swap3A_340 = tpu.vector_load %arg11[%swap3A_338, %swap3A_339] {strides = array<i32>} : memref<128x128xf32, #tpu.memory_space<vmem>>, vector<16xf32>,
        tpu.vector_store %arg11[%swap3A_338, %swap3A_339], %mul3A_337 {strides = array<i32>} : memref<128x128xf32, #tpu.memory_space<vmem>>, vector<16xf32>,
        %scan3A_341 = arith.constant 3 : i32
        %scan3A_342 = arith.addi %scan3A_151, %scan3A_341 : i32
        %mul3A_343 = arith.constant 1 : i32
        %mul3A_344 = arith.muli %scan3A_342, %mul3A_343 : i32
        %add3A_345 = arith.constant 0 : i32
        %add3A_346 = arith.addi %add3A_345, %mul3A_344 : i32
        %broadcast_in_dim3A_347 = vector.broadcast %add3A_133 : i32 to vector<16xi32>
        %broadcast_in_dim3A_348 = vector.broadcast %add3A_346 : i32 to vector<16xi32>
        %gather3A_349 = tpu.vector_load_idx %arg9[%broadcast_in_dim3A_347, %broadcast_in_dim3A_348] : memref<40x128xf32, #tpu.memory_space<vmem>>[vector<16xi32>, vector<16xi32>], vector<16xf32>,
        %get3A_350 = arith.index_cast %add3A_346 : i32 to index
        %get3A_351 = arith.constant 0 : index
        %get3A_352 = tpu.vector_load %arg11[%get3A_350, %get3A_351] {strides = array<i32>} : memref<128x128xf32, #tpu.memory_space<vmem>>, vector<16xf32>,
        %mul3A_353 = arith.mulf %get3A_352, %gather3A_349 : vector<16xf32>
        %swap3A_354 = arith.index_cast %add3A_346 : i32 to index
        %swap3A_355 = arith.constant 0 : index
        %swap3A_356 = tpu.vector_load %arg11[%swap3A_354, %swap3A_355] {strides = array<i32>} : memref<128x128xf32, #tpu.memory_space<vmem>>, vector<16xf32>,
        tpu.vector_store %arg11[%swap3A_354, %swap3A_355], %mul3A_353 {strides = array<i32>} : memref<128x128xf32, #tpu.memory_space<vmem>>, vector<16xf32>,
        %get3A_357 = arith.index_cast %add3A_346 : i32 to index
        %get3A_358 = arith.constant 16 : index
        %get3A_359 = tpu.vector_load %arg11[%get3A_357, %get3A_358] {strides = array<i32>} : memref<128x128xf32, #tpu.memory_space<vmem>>, vector<16xf32>,
        %mul3A_360 = arith.mulf %get3A_359, %gather3A_349 : vector<16xf32>
        %swap3A_361 = arith.index_cast %add3A_346 : i32 to index
        %swap3A_362 = arith.constant 16 : index
        %swap3A_363 = tpu.vector_load %arg11[%swap3A_361, %swap3A_362] {strides = array<i32>} : memref<128x128xf32, #tpu.memory_space<vmem>>, vector<16xf32>,
        tpu.vector_store %arg11[%swap3A_361, %swap3A_362], %mul3A_360 {strides = array<i32>} : memref<128x128xf32, #tpu.memory_space<vmem>>, vector<16xf32>,
        %get3A_364 = arith.index_cast %add3A_346 : i32 to index
        %get3A_365 = arith.constant 32 : index
        %get3A_366 = tpu.vector_load %arg11[%get3A_364, %get3A_365] {strides = array<i32>} : memref<128x128xf32, #tpu.memory_space<vmem>>, vector<16xf32>,
        %mul3A_367 = arith.mulf %get3A_366, %gather3A_349 : vector<16xf32>
        %swap3A_368 = arith.index_cast %add3A_346 : i32 to index
        %swap3A_369 = arith.constant 32 : index
        %swap3A_370 = tpu.vector_load %arg11[%swap3A_368, %swap3A_369] {strides = array<i32>} : memref<128x128xf32, #tpu.memory_space<vmem>>, vector<16xf32>,
        tpu.vector_store %arg11[%swap3A_368, %swap3A_369], %mul3A_367 {strides = array<i32>} : memref<128x128xf32, #tpu.memory_space<vmem>>, vector<16xf32>,
        %get3A_371 = arith.index_cast %add3A_346 : i32 to index
        %get3A_372 = arith.constant 48 : index
        %get3A_373 = tpu.vector_load %arg11[%get3A_371, %get3A_372] {strides = array<i32>} : memref<128x128xf32, #tpu.memory_space<vmem>>, vector<16xf32>,
        %mul3A_374 = arith.mulf %get3A_373, %gather3A_349 : vector<16xf32>
        %swap3A_375 = arith.index_cast %add3A_346 : i32 to index
        %swap3A_376 = arith.constant 48 : index
        %swap3A_377 = tpu.vector_load %arg11[%swap3A_375, %swap3A_376] {strides = array<i32>} : memref<128x128xf32, #tpu.memory_space<vmem>>, vector<16xf32>,
        tpu.vector_store %arg11[%swap3A_375, %swap3A_376], %mul3A_374 {strides = array<i32>} : memref<128x128xf32, #tpu.memory_space<vmem>>, vector<16xf32>,
        %get3A_378 = arith.index_cast %add3A_346 : i32 to index
        %get3A_379 = arith.constant 64 : index
        %get3A_380 = tpu.vector_load %arg11[%get3A_378, %get3A_379] {strides = array<i32>} : memref<128x128xf32, #tpu.memory_space<vmem>>, vector<16xf32>,
        %mul3A_381 = arith.mulf %get3A_380, %gather3A_349 : vector<16xf32>
        %swap3A_382 = arith.index_cast %add3A_346 : i32 to index
        %swap3A_383 = arith.constant 64 : index
        %swap3A_384 = tpu.vector_load %arg11[%swap3A_382, %swap3A_383] {strides = array<i32>} : memref<128x128xf32, #tpu.memory_space<vmem>>, vector<16xf32>,
        tpu.vector_store %arg11[%swap3A_382, %swap3A_383], %mul3A_381 {strides = array<i32>} : memref<128x128xf32, #tpu.memory_space<vmem>>, vector<16xf32>,
        %get3A_385 = arith.index_cast %add3A_346 : i32 to index
        %get3A_386 = arith.constant 80 : index
        %get3A_387 = tpu.vector_load %arg11[%get3A_385, %get3A_386] {strides = array<i32>} : memref<128x128xf32, #tpu.memory_space<vmem>>, vector<16xf32>,
        %mul3A_388 = arith.mulf %get3A_387, %gather3A_349 : vector<16xf32>
        %swap3A_389 = arith.index_cast %add3A_346 : i32 to index
        %swap3A_390 = arith.constant 80 : index
        %swap3A_391 = tpu.vector_load %arg11[%swap3A_389, %swap3A_390] {strides = array<i32>} : memref<128x128xf32, #tpu.memory_space<vmem>>, vector<16xf32>,
        tpu.vector_store %arg11[%swap3A_389, %swap3A_390], %mul3A_388 {strides = array<i32>} : memref<128x128xf32, #tpu.memory_space<vmem>>, vector<16xf32>,
        %get3A_392 = arith.index_cast %add3A_346 : i32 to index
        %get3A_393 = arith.constant 96 : index
        %get3A_394 = tpu.vector_load %arg11[%get3A_392, %get3A_393] {strides = array<i32>} : memref<128x128xf32, #tpu.memory_space<vmem>>, vector<16xf32>,
        %mul3A_395 = arith.mulf %get3A_394, %gather3A_349 : vector<16xf32>
        %swap3A_396 = arith.index_cast %add3A_346 : i32 to index
        %swap3A_397 = arith.constant 96 : index
        %swap3A_398 = tpu.vector_load %arg11[%swap3A_396, %swap3A_397] {strides = array<i32>} : memref<128x128xf32, #tpu.memory_space<vmem>>, vector<16xf32>,
        tpu.vector_store %arg11[%swap3A_396, %swap3A_397], %mul3A_395 {strides = array<i32>} : memref<128x128xf32, #tpu.memory_space<vmem>>, vector<16xf32>,
        %get3A_399 = arith.index_cast %add3A_346 : i32 to index
        %get3A_400 = arith.constant 112 : index
        %get3A_401 = tpu.vector_load %arg11[%get3A_399, %get3A_400] {strides = array<i32>} : memref<128x128xf32, #tpu.memory_space<vmem>>, vector<16xf32>,
        %mul3A_402 = arith.mulf %get3A_401, %gather3A_349 : vector<16xf32>
        %swap3A_403 = arith.index_cast %add3A_346 : i32 to index
        %swap3A_404 = arith.constant 112 : index
        %swap3A_405 = tpu.vector_load %arg11[%swap3A_403, %swap3A_404] {strides = array<i32>} : memref<128x128xf32, #tpu.memory_space<vmem>>, vector<16xf32>,
        tpu.vector_store %arg11[%swap3A_403, %swap3A_404], %mul3A_402 {strides = array<i32>} : memref<128x128xf32, #tpu.memory_space<vmem>>, vector<16xf32>,
        %scan3A_406 = arith.constant 4 : i32
        %scan3A_407 = arith.addi %scan3A_151, %scan3A_406 : i32
        %mul3A_408 = arith.constant 1 : i32
        %mul3A_409 = arith.muli %scan3A_407, %mul3A_408 : i32
        %add3A_410 = arith.constant 0 : i32
        %add3A_411 = arith.addi %add3A_410, %mul3A_409 : i32
        %broadcast_in_dim3A_412 = vector.broadcast %add3A_133 : i32 to vector<16xi32>
        %broadcast_in_dim3A_413 = vector.broadcast %add3A_411 : i32 to vector<16xi32>
        %gather3A_414 = tpu.vector_load_idx %arg9[%broadcast_in_dim3A_412, %broadcast_in_dim3A_413] : memref<40x128xf32, #tpu.memory_space<vmem>>[vector<16xi32>, vector<16xi32>], vector<16xf32>,
        %get3A_415 = arith.index_cast %add3A_411 : i32 to index
        %get3A_416 = arith.constant 0 : index
        %get3A_417 = tpu.vector_load %arg11[%get3A_415, %get3A_416] {strides = array<i32>} : memref<128x128xf32, #tpu.memory_space<vmem>>, vector<16xf32>,
        %mul3A_418 = arith.mulf %get3A_417, %gather3A_414 : vector<16xf32>
        %swap3A_419 = arith.index_cast %add3A_411 : i32 to index
        %swap3A_420 = arith.constant 0 : index
        %swap3A_421 = tpu.vector_load %arg11[%swap3A_419, %swap3A_420] {strides = array<i32>} : memref<128x128xf32, #tpu.memory_space<vmem>>, vector<16xf32>,
        tpu.vector_store %arg11[%swap3A_419, %swap3A_420], %mul3A_418 {strides = array<i32>} : memref<128x128xf32, #tpu.memory_space<vmem>>, vector<16xf32>,
        %get3A_422 = arith.index_cast %add3A_411 : i32 to index
        %get3A_423 = arith.constant 16 : index
        %get3A_424 = tpu.vector_load %arg11[%get3A_422, %get3A_423] {strides = array<i32>} : memref<128x128xf32, #tpu.memory_space<vmem>>, vector<16xf32>,
        %mul3A_425 = arith.mulf %get3A_424, %gather3A_414 : vector<16xf32>
        %swap3A_426 = arith.index_cast %add3A_411 : i32 to index
        %swap3A_427 = arith.constant 16 : index
        %swap3A_428 = tpu.vector_load %arg11[%swap3A_426, %swap3A_427] {strides = array<i32>} : memref<128x128xf32, #tpu.memory_space<vmem>>, vector<16xf32>,
        tpu.vector_store %arg11[%swap3A_426, %swap3A_427], %mul3A_425 {strides = array<i32>} : memref<128x128xf32, #tpu.memory_space<vmem>>, vector<16xf32>,
        %get3A_429 = arith.index_cast %add3A_411 : i32 to index
        %get3A_430 = arith.constant 32 : index
        %get3A_431 = tpu.vector_load %arg11[%get3A_429, %get3A_430] {strides = array<i32>} : memref<128x128xf32, #tpu.memory_space<vmem>>, vector<16xf32>,
        %mul3A_432 = arith.mulf %get3A_431, %gather3A_414 : vector<16xf32>
        %swap3A_433 = arith.index_cast %add3A_411 : i32 to index
        %swap3A_434 = arith.constant 32 : index
        %swap3A_435 = tpu.vector_load %arg11[%swap3A_433, %swap3A_434] {strides = array<i32>} : memref<128x128xf32, #tpu.memory_space<vmem>>, vector<16xf32>,
        tpu.vector_store %arg11[%swap3A_433, %swap3A_434], %mul3A_432 {strides = array<i32>} : memref<128x128xf32, #tpu.memory_space<vmem>>, vector<16xf32>,
        %get3A_436 = arith.index_cast %add3A_411 : i32 to index
        %get3A_437 = arith.constant 48 : index
        %get3A_438 = tpu.vector_load %arg11[%get3A_436, %get3A_437] {strides = array<i32>} : memref<128x128xf32, #tpu.memory_space<vmem>>, vector<16xf32>,
        %mul3A_439 = arith.mulf %get3A_438, %gather3A_414 : vector<16xf32>
        %swap3A_440 = arith.index_cast %add3A_411 : i32 to index
        %swap3A_441 = arith.constant 48 : index
        %swap3A_442 = tpu.vector_load %arg11[%swap3A_440, %swap3A_441] {strides = array<i32>} : memref<128x128xf32, #tpu.memory_space<vmem>>, vector<16xf32>,
        tpu.vector_store %arg11[%swap3A_440, %swap3A_441], %mul3A_439 {strides = array<i32>} : memref<128x128xf32, #tpu.memory_space<vmem>>, vector<16xf32>,
        %get3A_443 = arith.index_cast %add3A_411 : i32 to index
        %get3A_444 = arith.constant 64 : index
        %get3A_445 = tpu.vector_load %arg11[%get3A_443, %get3A_444] {strides = array<i32>} : memref<128x128xf32, #tpu.memory_space<vmem>>, vector<16xf32>,
        %mul3A_446 = arith.mulf %get3A_445, %gather3A_414 : vector<16xf32>
        %swap3A_447 = arith.index_cast %add3A_411 : i32 to index
        %swap3A_448 = arith.constant 64 : index
        %swap3A_449 = tpu.vector_load %arg11[%swap3A_447, %swap3A_448] {strides = array<i32>} : memref<128x128xf32, #tpu.memory_space<vmem>>, vector<16xf32>,
        tpu.vector_store %arg11[%swap3A_447, %swap3A_448], %mul3A_446 {strides = array<i32>} : memref<128x128xf32, #tpu.memory_space<vmem>>, vector<16xf32>,
        %get3A_450 = arith.index_cast %add3A_411 : i32 to index
        %get3A_451 = arith.constant 80 : index
        %get3A_452 = tpu.vector_load %arg11[%get3A_450, %get3A_451] {strides = array<i32>} : memref<128x128xf32, #tpu.memory_space<vmem>>, vector<16xf32>,
        %mul3A_453 = arith.mulf %get3A_452, %gather3A_414 : vector<16xf32>
        %swap3A_454 = arith.index_cast %add3A_411 : i32 to index
        %swap3A_455 = arith.constant 80 : index
        %swap3A_456 = tpu.vector_load %arg11[%swap3A_454, %swap3A_455] {strides = array<i32>} : memref<128x128xf32, #tpu.memory_space<vmem>>, vector<16xf32>,
        tpu.vector_store %arg11[%swap3A_454, %swap3A_455], %mul3A_453 {strides = array<i32>} : memref<128x128xf32, #tpu.memory_space<vmem>>, vector<16xf32>,
        %get3A_457 = arith.index_cast %add3A_411 : i32 to index
        %get3A_458 = arith.constant 96 : index
        %get3A_459 = tpu.vector_load %arg11[%get3A_457, %get3A_458] {strides = array<i32>} : memref<128x128xf32, #tpu.memory_space<vmem>>, vector<16xf32>,
        %mul3A_460 = arith.mulf %get3A_459, %gather3A_414 : vector<16xf32>
        %swap3A_461 = arith.index_cast %add3A_411 : i32 to index
        %swap3A_462 = arith.constant 96 : index
        %swap3A_463 = tpu.vector_load %arg11[%swap3A_461, %swap3A_462] {strides = array<i32>} : memref<128x128xf32, #tpu.memory_space<vmem>>, vector<16xf32>,
        tpu.vector_store %arg11[%swap3A_461, %swap3A_462], %mul3A_460 {strides = array<i32>} : memref<128x128xf32, #tpu.memory_space<vmem>>, vector<16xf32>,
        %get3A_464 = arith.index_cast %add3A_411 : i32 to index
        %get3A_465 = arith.constant 112 : index
        %get3A_466 = tpu.vector_load %arg11[%get3A_464, %get3A_465] {strides = array<i32>} : memref<128x128xf32, #tpu.memory_space<vmem>>, vector<16xf32>,
        %mul3A_467 = arith.mulf %get3A_466, %gather3A_414 : vector<16xf32>
        %swap3A_468 = arith.index_cast %add3A_411 : i32 to index
        %swap3A_469 = arith.constant 112 : index
        %swap3A_470 = tpu.vector_load %arg11[%swap3A_468, %swap3A_469] {strides = array<i32>} : memref<128x128xf32, #tpu.memory_space<vmem>>, vector<16xf32>,
        tpu.vector_store %arg11[%swap3A_468, %swap3A_469], %mul3A_467 {strides = array<i32>} : memref<128x128xf32, #tpu.memory_space<vmem>>, vector<16xf32>,
        %scan3A_471 = arith.constant 5 : i32
        %scan3A_472 = arith.addi %scan3A_151, %scan3A_471 : i32
        %mul3A_473 = arith.constant 1 : i32
        %mul3A_474 = arith.muli %scan3A_472, %mul3A_473 : i32
        %add3A_475 = arith.constant 0 : i32
        %add3A_476 = arith.addi %add3A_475, %mul3A_474 : i32
        %broadcast_in_dim3A_477 = vector.broadcast %add3A_133 : i32 to vector<16xi32>
        %broadcast_in_dim3A_478 = vector.broadcast %add3A_476 : i32 to vector<16xi32>
        %gather3A_479 = tpu.vector_load_idx %arg9[%broadcast_in_dim3A_477, %broadcast_in_dim3A_478] : memref<40x128xf32, #tpu.memory_space<vmem>>[vector<16xi32>, vector<16xi32>], vector<16xf32>,
        %get3A_480 = arith.index_cast %add3A_476 : i32 to index
        %get3A_481 = arith.constant 0 : index
        %get3A_482 = tpu.vector_load %arg11[%get3A_480, %get3A_481] {strides = array<i32>} : memref<128x128xf32, #tpu.memory_space<vmem>>, vector<16xf32>,
        %mul3A_483 = arith.mulf %get3A_482, %gather3A_479 : vector<16xf32>
        %swap3A_484 = arith.index_cast %add3A_476 : i32 to index
        %swap3A_485 = arith.constant 0 : index
        %swap3A_486 = tpu.vector_load %arg11[%swap3A_484, %swap3A_485] {strides = array<i32>} : memref<128x128xf32, #tpu.memory_space<vmem>>, vector<16xf32>,
        tpu.vector_store %arg11[%swap3A_484, %swap3A_485], %mul3A_483 {strides = array<i32>} : memref<128x128xf32, #tpu.memory_space<vmem>>, vector<16xf32>,
        %get3A_487 = arith.index_cast %add3A_476 : i32 to index
        %get3A_488 = arith.constant 16 : index
        %get3A_489 = tpu.vector_load %arg11[%get3A_487, %get3A_488] {strides = array<i32>} : memref<128x128xf32, #tpu.memory_space<vmem>>, vector<16xf32>,
        %mul3A_490 = arith.mulf %get3A_489, %gather3A_479 : vector<16xf32>
        %swap3A_491 = arith.index_cast %add3A_476 : i32 to index
        %swap3A_492 = arith.constant 16 : index
        %swap3A_493 = tpu.vector_load %arg11[%swap3A_491, %swap3A_492] {strides = array<i32>} : memref<128x128xf32, #tpu.memory_space<vmem>>, vector<16xf32>,
        tpu.vector_store %arg11[%swap3A_491, %swap3A_492], %mul3A_490 {strides = array<i32>} : memref<128x128xf32, #tpu.memory_space<vmem>>, vector<16xf32>,
        %get3A_494 = arith.index_cast %add3A_476 : i32 to index
        %get3A_495 = arith.constant 32 : index
        %get3A_496 = tpu.vector_load %arg11[%get3A_494, %get3A_495] {strides = array<i32>} : memref<128x128xf32, #tpu.memory_space<vmem>>, vector<16xf32>,
        %mul3A_497 = arith.mulf %get3A_496, %gather3A_479 : vector<16xf32>
        %swap3A_498 = arith.index_cast %add3A_476 : i32 to index
        %swap3A_499 = arith.constant 32 : index
        %swap3A_500 = tpu.vector_load %arg11[%swap3A_498, %swap3A_499] {strides = array<i32>} : memref<128x128xf32, #tpu.memory_space<vmem>>, vector<16xf32>,
        tpu.vector_store %arg11[%swap3A_498, %swap3A_499], %mul3A_497 {strides = array<i32>} : memref<128x128xf32, #tpu.memory_space<vmem>>, vector<16xf32>,
        %get3A_501 = arith.index_cast %add3A_476 : i32 to index
        %get3A_502 = arith.constant 48 : index
        %get3A_503 = tpu.vector_load %arg11[%get3A_501, %get3A_502] {strides = array<i32>} : memref<128x128xf32, #tpu.memory_space<vmem>>, vector<16xf32>,
        %mul3A_504 = arith.mulf %get3A_503, %gather3A_479 : vector<16xf32>
        %swap3A_505 = arith.index_cast %add3A_476 : i32 to index
        %swap3A_506 = arith.constant 48 : index
        %swap3A_507 = tpu.vector_load %arg11[%swap3A_505, %swap3A_506] {strides = array<i32>} : memref<128x128xf32, #tpu.memory_space<vmem>>, vector<16xf32>,
        tpu.vector_store %arg11[%swap3A_505, %swap3A_506], %mul3A_504 {strides = array<i32>} : memref<128x128xf32, #tpu.memory_space<vmem>>, vector<16xf32>,
        %get3A_508 = arith.index_cast %add3A_476 : i32 to index
        %get3A_509 = arith.constant 64 : index
        %get3A_510 = tpu.vector_load %arg11[%get3A_508, %get3A_509] {strides = array<i32>} : memref<128x128xf32, #tpu.memory_space<vmem>>, vector<16xf32>,
        %mul3A_511 = arith.mulf %get3A_510, %gather3A_479 : vector<16xf32>
        %swap3A_512 = arith.index_cast %add3A_476 : i32 to index
        %swap3A_513 = arith.constant 64 : index
        %swap3A_514 = tpu.vector_load %arg11[%swap3A_512, %swap3A_513] {strides = array<i32>} : memref<128x128xf32, #tpu.memory_space<vmem>>, vector<16xf32>,
        tpu.vector_store %arg11[%swap3A_512, %swap3A_513], %mul3A_511 {strides = array<i32>} : memref<128x128xf32, #tpu.memory_space<vmem>>, vector<16xf32>,
        %get3A_515 = arith.index_cast %add3A_476 : i32 to index
        %get3A_516 = arith.constant 80 : index
        %get3A_517 = tpu.vector_load %arg11[%get3A_515, %get3A_516] {strides = array<i32>} : memref<128x128xf32, #tpu.memory_space<vmem>>, vector<16xf32>,
        %mul3A_518 = arith.mulf %get3A_517, %gather3A_479 : vector<16xf32>
        %swap3A_519 = arith.index_cast %add3A_476 : i32 to index
        %swap3A_520 = arith.constant 80 : index
        %swap3A_521 = tpu.vector_load %arg11[%swap3A_519, %swap3A_520] {strides = array<i32>} : memref<128x128xf32, #tpu.memory_space<vmem>>, vector<16xf32>,
        tpu.vector_store %arg11[%swap3A_519, %swap3A_520], %mul3A_518 {strides = array<i32>} : memref<128x128xf32, #tpu.memory_space<vmem>>, vector<16xf32>,
        %get3A_522 = arith.index_cast %add3A_476 : i32 to index
        %get3A_523 = arith.constant 96 : index
        %get3A_524 = tpu.vector_load %arg11[%get3A_522, %get3A_523] {strides = array<i32>} : memref<128x128xf32, #tpu.memory_space<vmem>>, vector<16xf32>,
        %mul3A_525 = arith.mulf %get3A_524, %gather3A_479 : vector<16xf32>
        %swap3A_526 = arith.index_cast %add3A_476 : i32 to index
        %swap3A_527 = arith.constant 96 : index
        %swap3A_528 = tpu.vector_load %arg11[%swap3A_526, %swap3A_527] {strides = array<i32>} : memref<128x128xf32, #tpu.memory_space<vmem>>, vector<16xf32>,
        tpu.vector_store %arg11[%swap3A_526, %swap3A_527], %mul3A_525 {strides = array<i32>} : memref<128x128xf32, #tpu.memory_space<vmem>>, vector<16xf32>,
        %get3A_529 = arith.index_cast %add3A_476 : i32 to index
        %get3A_530 = arith.constant 112 : index
        %get3A_531 = tpu.vector_load %arg11[%get3A_529, %get3A_530] {strides = array<i32>} : memref<128x128xf32, #tpu.memory_space<vmem>>, vector<16xf32>,
        %mul3A_532 = arith.mulf %get3A_531, %gather3A_479 : vector<16xf32>
        %swap3A_533 = arith.index_cast %add3A_476 : i32 to index
        %swap3A_534 = arith.constant 112 : index
        %swap3A_535 = tpu.vector_load %arg11[%swap3A_533, %swap3A_534] {strides = array<i32>} : memref<128x128xf32, #tpu.memory_space<vmem>>, vector<16xf32>,
        tpu.vector_store %arg11[%swap3A_533, %swap3A_534], %mul3A_532 {strides = array<i32>} : memref<128x128xf32, #tpu.memory_space<vmem>>, vector<16xf32>,
        %scan3A_536 = arith.constant 6 : i32
        %scan3A_537 = arith.addi %scan3A_151, %scan3A_536 : i32
        %mul3A_538 = arith.constant 1 : i32
        %mul3A_539 = arith.muli %scan3A_537, %mul3A_538 : i32
        %add3A_540 = arith.constant 0 : i32
        %add3A_541 = arith.addi %add3A_540, %mul3A_539 : i32
        %broadcast_in_dim3A_542 = vector.broadcast %add3A_133 : i32 to vector<16xi32>
        %broadcast_in_dim3A_543 = vector.broadcast %add3A_541 : i32 to vector<16xi32>
        %gather3A_544 = tpu.vector_load_idx %arg9[%broadcast_in_dim3A_542, %broadcast_in_dim3A_543] : memref<40x128xf32, #tpu.memory_space<vmem>>[vector<16xi32>, vector<16xi32>], vector<16xf32>,
        %get3A_545 = arith.index_cast %add3A_541 : i32 to index
        %get3A_546 = arith.constant 0 : index
        %get3A_547 = tpu.vector_load %arg11[%get3A_545, %get3A_546] {strides = array<i32>} : memref<128x128xf32, #tpu.memory_space<vmem>>, vector<16xf32>,
        %mul3A_548 = arith.mulf %get3A_547, %gather3A_544 : vector<16xf32>
        %swap3A_549 = arith.index_cast %add3A_541 : i32 to index
        %swap3A_550 = arith.constant 0 : index
        %swap3A_551 = tpu.vector_load %arg11[%swap3A_549, %swap3A_550] {strides = array<i32>} : memref<128x128xf32, #tpu.memory_space<vmem>>, vector<16xf32>,
        tpu.vector_store %arg11[%swap3A_549, %swap3A_550], %mul3A_548 {strides = array<i32>} : memref<128x128xf32, #tpu.memory_space<vmem>>, vector<16xf32>,
        %get3A_552 = arith.index_cast %add3A_541 : i32 to index
        %get3A_553 = arith.constant 16 : index
        %get3A_554 = tpu.vector_load %arg11[%get3A_552, %get3A_553] {strides = array<i32>} : memref<128x128xf32, #tpu.memory_space<vmem>>, vector<16xf32>,
        %mul3A_555 = arith.mulf %get3A_554, %gather3A_544 : vector<16xf32>
        %swap3A_556 = arith.index_cast %add3A_541 : i32 to index
        %swap3A_557 = arith.constant 16 : index
        %swap3A_558 = tpu.vector_load %arg11[%swap3A_556, %swap3A_557] {strides = array<i32>} : memref<128x128xf32, #tpu.memory_space<vmem>>, vector<16xf32>,
        tpu.vector_store %arg11[%swap3A_556, %swap3A_557], %mul3A_555 {strides = array<i32>} : memref<128x128xf32, #tpu.memory_space<vmem>>, vector<16xf32>,
        %get3A_559 = arith.index_cast %add3A_541 : i32 to index
        %get3A_560 = arith.constant 32 : index
        %get3A_561 = tpu.vector_load %arg11[%get3A_559, %get3A_560] {strides = array<i32>} : memref<128x128xf32, #tpu.memory_space<vmem>>, vector<16xf32>,
        %mul3A_562 = arith.mulf %get3A_561, %gather3A_544 : vector<16xf32>
        %swap3A_563 = arith.index_cast %add3A_541 : i32 to index
        %swap3A_564 = arith.constant 32 : index
        %swap3A_565 = tpu.vector_load %arg11[%swap3A_563, %swap3A_564] {strides = array<i32>} : memref<128x128xf32, #tpu.memory_space<vmem>>, vector<16xf32>,
        tpu.vector_store %arg11[%swap3A_563, %swap3A_564], %mul3A_562 {strides = array<i32>} : memref<128x128xf32, #tpu.memory_space<vmem>>, vector<16xf32>,
        %get3A_566 = arith.index_cast %add3A_541 : i32 to index
        %get3A_567 = arith.constant 48 : index
        %get3A_568 = tpu.vector_load %arg11[%get3A_566, %get3A_567] {strides = array<i32>} : memref<128x128xf32, #tpu.memory_space<vmem>>, vector<16xf32>,
        %mul3A_569 = arith.mulf %get3A_568, %gather3A_544 : vector<16xf32>
        %swap3A_570 = arith.index_cast %add3A_541 : i32 to index
        %swap3A_571 = arith.constant 48 : index
        %swap3A_572 = tpu.vector_load %arg11[%swap3A_570, %swap3A_571] {strides = array<i32>} : memref<128x128xf32, #tpu.memory_space<vmem>>, vector<16xf32>,
        tpu.vector_store %arg11[%swap3A_570, %swap3A_571], %mul3A_569 {strides = array<i32>} : memref<128x128xf32, #tpu.memory_space<vmem>>, vector<16xf32>,
        %get3A_573 = arith.index_cast %add3A_541 : i32 to index
        %get3A_574 = arith.constant 64 : index
        %get3A_575 = tpu.vector_load %arg11[%get3A_573, %get3A_574] {strides = array<i32>} : memref<128x128xf32, #tpu.memory_space<vmem>>, vector<16xf32>,
        %mul3A_576 = arith.mulf %get3A_575, %gather3A_544 : vector<16xf32>
        %swap3A_577 = arith.index_cast %add3A_541 : i32 to index
        %swap3A_578 = arith.constant 64 : index
        %swap3A_579 = tpu.vector_load %arg11[%swap3A_577, %swap3A_578] {strides = array<i32>} : memref<128x128xf32, #tpu.memory_space<vmem>>, vector<16xf32>,
        tpu.vector_store %arg11[%swap3A_577, %swap3A_578], %mul3A_576 {strides = array<i32>} : memref<128x128xf32, #tpu.memory_space<vmem>>, vector<16xf32>,
        %get3A_580 = arith.index_cast %add3A_541 : i32 to index
        %get3A_581 = arith.constant 80 : index
        %get3A_582 = tpu.vector_load %arg11[%get3A_580, %get3A_581] {strides = array<i32>} : memref<128x128xf32, #tpu.memory_space<vmem>>, vector<16xf32>,
        %mul3A_583 = arith.mulf %get3A_582, %gather3A_544 : vector<16xf32>
        %swap3A_584 = arith.index_cast %add3A_541 : i32 to index
        %swap3A_585 = arith.constant 80 : index
        %swap3A_586 = tpu.vector_load %arg11[%swap3A_584, %swap3A_585] {strides = array<i32>} : memref<128x128xf32, #tpu.memory_space<vmem>>, vector<16xf32>,
        tpu.vector_store %arg11[%swap3A_584, %swap3A_585], %mul3A_583 {strides = array<i32>} : memref<128x128xf32, #tpu.memory_space<vmem>>, vector<16xf32>,
        %get3A_587 = arith.index_cast %add3A_541 : i32 to index
        %get3A_588 = arith.constant 96 : index
        %get3A_589 = tpu.vector_load %arg11[%get3A_587, %get3A_588] {strides = array<i32>} : memref<128x128xf32, #tpu.memory_space<vmem>>, vector<16xf32>,
        %mul3A_590 = arith.mulf %get3A_589, %gather3A_544 : vector<16xf32>
        %swap3A_591 = arith.index_cast %add3A_541 : i32 to index
        %swap3A_592 = arith.constant 96 : index
        %swap3A_593 = tpu.vector_load %arg11[%swap3A_591, %swap3A_592] {strides = array<i32>} : memref<128x128xf32, #tpu.memory_space<vmem>>, vector<16xf32>,
        tpu.vector_store %arg11[%swap3A_591, %swap3A_592], %mul3A_590 {strides = array<i32>} : memref<128x128xf32, #tpu.memory_space<vmem>>, vector<16xf32>,
        %get3A_594 = arith.index_cast %add3A_541 : i32 to index
        %get3A_595 = arith.constant 112 : index
        %get3A_596 = tpu.vector_load %arg11[%get3A_594, %get3A_595] {strides = array<i32>} : memref<128x128xf32, #tpu.memory_space<vmem>>, vector<16xf32>,
        %mul3A_597 = arith.mulf %get3A_596, %gather3A_544 : vector<16xf32>
        %swap3A_598 = arith.index_cast %add3A_541 : i32 to index
        %swap3A_599 = arith.constant 112 : index
        %swap3A_600 = tpu.vector_load %arg11[%swap3A_598, %swap3A_599] {strides = array<i32>} : memref<128x128xf32, #tpu.memory_space<vmem>>, vector<16xf32>,
        tpu.vector_store %arg11[%swap3A_598, %swap3A_599], %mul3A_597 {strides = array<i32>} : memref<128x128xf32, #tpu.memory_space<vmem>>, vector<16xf32>,
        %scan3A_601 = arith.constant 7 : i32
        %scan3A_602 = arith.addi %scan3A_151, %scan3A_601 : i32
        %mul3A_603 = arith.constant 1 : i32
        %mul3A_604 = arith.muli %scan3A_602, %mul3A_603 : i32
        %add3A_605 = arith.constant 0 : i32
        %add3A_606 = arith.addi %add3A_605, %mul3A_604 : i32
        %broadcast_in_dim3A_607 = vector.broadcast %add3A_133 : i32 to vector<16xi32>
        %broadcast_in_dim3A_608 = vector.broadcast %add3A_606 : i32 to vector<16xi32>
        %gather3A_609 = tpu.vector_load_idx %arg9[%broadcast_in_dim3A_607, %broadcast_in_dim3A_608] : memref<40x128xf32, #tpu.memory_space<vmem>>[vector<16xi32>, vector<16xi32>], vector<16xf32>,
        %get3A_610 = arith.index_cast %add3A_606 : i32 to index
        %get3A_611 = arith.constant 0 : index
        %get3A_612 = tpu.vector_load %arg11[%get3A_610, %get3A_611] {strides = array<i32>} : memref<128x128xf32, #tpu.memory_space<vmem>>, vector<16xf32>,
        %mul3A_613 = arith.mulf %get3A_612, %gather3A_609 : vector<16xf32>
        %swap3A_614 = arith.index_cast %add3A_606 : i32 to index
        %swap3A_615 = arith.constant 0 : index
        %swap3A_616 = tpu.vector_load %arg11[%swap3A_614, %swap3A_615] {strides = array<i32>} : memref<128x128xf32, #tpu.memory_space<vmem>>, vector<16xf32>,
        tpu.vector_store %arg11[%swap3A_614, %swap3A_615], %mul3A_613 {strides = array<i32>} : memref<128x128xf32, #tpu.memory_space<vmem>>, vector<16xf32>,
        %get3A_617 = arith.index_cast %add3A_606 : i32 to index
        %get3A_618 = arith.constant 16 : index
        %get3A_619 = tpu.vector_load %arg11[%get3A_617, %get3A_618] {strides = array<i32>} : memref<128x128xf32, #tpu.memory_space<vmem>>, vector<16xf32>,
        %mul3A_620 = arith.mulf %get3A_619, %gather3A_609 : vector<16xf32>
        %swap3A_621 = arith.index_cast %add3A_606 : i32 to index
        %swap3A_622 = arith.constant 16 : index
        %swap3A_623 = tpu.vector_load %arg11[%swap3A_621, %swap3A_622] {strides = array<i32>} : memref<128x128xf32, #tpu.memory_space<vmem>>, vector<16xf32>,
        tpu.vector_store %arg11[%swap3A_621, %swap3A_622], %mul3A_620 {strides = array<i32>} : memref<128x128xf32, #tpu.memory_space<vmem>>, vector<16xf32>,
        %get3A_624 = arith.index_cast %add3A_606 : i32 to index
        %get3A_625 = arith.constant 32 : index
        %get3A_626 = tpu.vector_load %arg11[%get3A_624, %get3A_625] {strides = array<i32>} : memref<128x128xf32, #tpu.memory_space<vmem>>, vector<16xf32>,
        %mul3A_627 = arith.mulf %get3A_626, %gather3A_609 : vector<16xf32>
        %swap3A_628 = arith.index_cast %add3A_606 : i32 to index
        %swap3A_629 = arith.constant 32 : index
        %swap3A_630 = tpu.vector_load %arg11[%swap3A_628, %swap3A_629] {strides = array<i32>} : memref<128x128xf32, #tpu.memory_space<vmem>>, vector<16xf32>,
        tpu.vector_store %arg11[%swap3A_628, %swap3A_629], %mul3A_627 {strides = array<i32>} : memref<128x128xf32, #tpu.memory_space<vmem>>, vector<16xf32>,
        %get3A_631 = arith.index_cast %add3A_606 : i32 to index
        %get3A_632 = arith.constant 48 : index
        %get3A_633 = tpu.vector_load %arg11[%get3A_631, %get3A_632] {strides = array<i32>} : memref<128x128xf32, #tpu.memory_space<vmem>>, vector<16xf32>,
        %mul3A_634 = arith.mulf %get3A_633, %gather3A_609 : vector<16xf32>
        %swap3A_635 = arith.index_cast %add3A_606 : i32 to index
        %swap3A_636 = arith.constant 48 : index
        %swap3A_637 = tpu.vector_load %arg11[%swap3A_635, %swap3A_636] {strides = array<i32>} : memref<128x128xf32, #tpu.memory_space<vmem>>, vector<16xf32>,
        tpu.vector_store %arg11[%swap3A_635, %swap3A_636], %mul3A_634 {strides = array<i32>} : memref<128x128xf32, #tpu.memory_space<vmem>>, vector<16xf32>,
        %get3A_638 = arith.index_cast %add3A_606 : i32 to index
        %get3A_639 = arith.constant 64 : index
        %get3A_640 = tpu.vector_load %arg11[%get3A_638, %get3A_639] {strides = array<i32>} : memref<128x128xf32, #tpu.memory_space<vmem>>, vector<16xf32>,
        %mul3A_641 = arith.mulf %get3A_640, %gather3A_609 : vector<16xf32>
        %swap3A_642 = arith.index_cast %add3A_606 : i32 to index
        %swap3A_643 = arith.constant 64 : index
        %swap3A_644 = tpu.vector_load %arg11[%swap3A_642, %swap3A_643] {strides = array<i32>} : memref<128x128xf32, #tpu.memory_space<vmem>>, vector<16xf32>,
        tpu.vector_store %arg11[%swap3A_642, %swap3A_643], %mul3A_641 {strides = array<i32>} : memref<128x128xf32, #tpu.memory_space<vmem>>, vector<16xf32>,
        %get3A_645 = arith.index_cast %add3A_606 : i32 to index
        %get3A_646 = arith.constant 80 : index
        %get3A_647 = tpu.vector_load %arg11[%get3A_645, %get3A_646] {strides = array<i32>} : memref<128x128xf32, #tpu.memory_space<vmem>>, vector<16xf32>,
        %mul3A_648 = arith.mulf %get3A_647, %gather3A_609 : vector<16xf32>
        %swap3A_649 = arith.index_cast %add3A_606 : i32 to index
        %swap3A_650 = arith.constant 80 : index
        %swap3A_651 = tpu.vector_load %arg11[%swap3A_649, %swap3A_650] {strides = array<i32>} : memref<128x128xf32, #tpu.memory_space<vmem>>, vector<16xf32>,
        tpu.vector_store %arg11[%swap3A_649, %swap3A_650], %mul3A_648 {strides = array<i32>} : memref<128x128xf32, #tpu.memory_space<vmem>>, vector<16xf32>,
        %get3A_652 = arith.index_cast %add3A_606 : i32 to index
        %get3A_653 = arith.constant 96 : index
        %get3A_654 = tpu.vector_load %arg11[%get3A_652, %get3A_653] {strides = array<i32>} : memref<128x128xf32, #tpu.memory_space<vmem>>, vector<16xf32>,
        %mul3A_655 = arith.mulf %get3A_654, %gather3A_609 : vector<16xf32>
        %swap3A_656 = arith.index_cast %add3A_606 : i32 to index
        %swap3A_657 = arith.constant 96 : index
        %swap3A_658 = tpu.vector_load %arg11[%swap3A_656, %swap3A_657] {strides = array<i32>} : memref<128x128xf32, #tpu.memory_space<vmem>>, vector<16xf32>,
        tpu.vector_store %arg11[%swap3A_656, %swap3A_657], %mul3A_655 {strides = array<i32>} : memref<128x128xf32, #tpu.memory_space<vmem>>, vector<16xf32>,
        %get3A_659 = arith.index_cast %add3A_606 : i32 to index
        %get3A_660 = arith.constant 112 : index
        %get3A_661 = tpu.vector_load %arg11[%get3A_659, %get3A_660] {strides = array<i32>} : memref<128x128xf32, #tpu.memory_space<vmem>>, vector<16xf32>,
        %mul3A_662 = arith.mulf %get3A_661, %gather3A_609 : vector<16xf32>
        %swap3A_663 = arith.index_cast %add3A_606 : i32 to index
        %swap3A_664 = arith.constant 112 : index
        %swap3A_665 = tpu.vector_load %arg11[%swap3A_663, %swap3A_664] {strides = array<i32>} : memref<128x128xf32, #tpu.memory_space<vmem>>, vector<16xf32>,
        tpu.vector_store %arg11[%swap3A_663, %swap3A_664], %mul3A_662 {strides = array<i32>} : memref<128x128xf32, #tpu.memory_space<vmem>>, vector<16xf32>,
      }
      %scan3A_138 = arith.constant 128 : i32
      %add3A_139 = arith.constant 1 : i32
      %add3A_140 = arith.addi %mul3A_84, %add3A_139 : i32
      %dma_start3A_141 = arith.constant 0 : i32
      %dma_start3A_142 = tpu.memref_slice %arg8[%add3A_140, %dma_start3A_141] : memref<40x128xi32, #tpu.memory_space<vmem>> -> memref<1x128xi32, #tpu.memory_space<vmem>>
      %dma_start3A_143 = tpu.memref_squeeze %dma_start3A_142 : memref<1x128xi32, #tpu.memory_space<vmem>> -> memref<128xi32, #tpu.memory_space<vmem>>
      %dma_start3A_144 = arith.constant 0 : i32
      %dma_start3A_145 = arith.constant 0 : i32
      %dma_start3A_146 = tpu.memref_slice %arg12[%dma_start3A_144, %dma_start3A_145] : memref<10240x128xf32, #tpu.memory_space<vmem_shared>> -> memref<10240x128xf32, #tpu.memory_space<vmem_shared>>
      tpu.enqueue_indirect_dma source(%arg11 : memref<128x128xf32, #tpu.memory_space<vmem>>) target(%dma_start3A_146 : memref<10240x128xf32, #tpu.memory_space<vmem_shared>>) offsets(%dma_start3A_143 : memref<128xi32, #tpu.memory_space<vmem>>) semaphore(%arg16 : memref<!tpu.dma_semaphore, #tpu.memory_space<semaphore_mem>>) {add = true}
      %lt3A = arith.constant 19 : i32
      %lt3A_147 = arith.cmpi slt, %add3A_82, %lt3A : i32
      %convert_element_type3A_148 = arith.extui %lt3A_147 : i1 to i32
      %cond3A_149 = arith.constant 0 : i32
      %cond3A_150 = arith.cmpi ne, %convert_element_type3A_148, %cond3A_149 : i32
      scf.if %cond3A_150 {
        %dma_wait3A_151 = arith.constant 0 : i32
        %dma_wait3A_152 = tpu.memref_slice %arg8[%mul3A_84, %dma_wait3A_151] : memref<40x128xi32, #tpu.memory_space<vmem>> -> memref<1x128xi32, #tpu.memory_space<vmem>>
        %dma_wait3A_153 = tpu.memref_squeeze %dma_wait3A_152 : memref<1x128xi32, #tpu.memory_space<vmem>> -> memref<128xi32, #tpu.memory_space<vmem>>
        %dma_wait3A_154 = arith.constant 0 : i32
        %dma_wait3A_155 = arith.constant 0 : i32
        %dma_wait3A_156 = tpu.memref_slice %arg12[%dma_wait3A_154, %dma_wait3A_155] : memref<10240x128xf32, #tpu.memory_space<vmem_shared>> -> memref<10240x128xf32, #tpu.memory_space<vmem_shared>>
        tpu.wait_indirect_dma semaphore(%arg15 : memref<!tpu.dma_semaphore, #tpu.memory_space<semaphore_mem>>) src(%arg10 : memref<128x128xf32, #tpu.memory_space<vmem>>) dst(%dma_wait3A_156 : memref<10240x128xf32, #tpu.memory_space<vmem_shared>>)
        %add3A_157 = arith.constant 2 : i32
        %add3A_158 = arith.addi %mul3A_84, %add3A_157 : i32
        %dma_start3A_159 = arith.constant 0 : i32
        %dma_start3A_160 = tpu.memref_slice %arg7[%add3A_158, %dma_start3A_159] : memref<40x128xi32, #tpu.memory_space<vmem>> -> memref<1x128xi32, #tpu.memory_space<vmem>>
        %dma_start3A_161 = tpu.memref_squeeze %dma_start3A_160 : memref<1x128xi32, #tpu.memory_space<vmem>> -> memref<128xi32, #tpu.memory_space<vmem>>
        %dma_start3A_162 = arith.constant 0 : i32
        %dma_start3A_163 = arith.constant 0 : i32
        %dma_start3A_164 = tpu.memref_slice %arg2[%arg0, %dma_start3A_162, %dma_start3A_163] : memref<2x10240x128xf32, #tpu.memory_space<hbm>> -> memref<1x10240x128xf32, #tpu.memory_space<hbm>>
        %dma_start3A_165 = tpu.memref_squeeze %dma_start3A_164 : memref<1x10240x128xf32, #tpu.memory_space<hbm>> -> memref<10240x128xf32, #tpu.memory_space<hbm>>
        %dma_start3A_166 = arith.constant 0 : i32
        %dma_start3A_167 = arith.constant 0 : i32
        %dma_start3A_168 = tpu.memref_slice %dma_start3A_165[%dma_start3A_166, %dma_start3A_167] : memref<10240x128xf32, #tpu.memory_space<hbm>> -> memref<10240x128xf32, #tpu.memory_space<hbm>>
        tpu.enqueue_indirect_dma source(%dma_start3A_168 : memref<10240x128xf32, #tpu.memory_space<hbm>>) target(%arg10 : memref<128x128xf32, #tpu.memory_space<vmem>>) offsets(%dma_start3A_161 : memref<128xi32, #tpu.memory_space<vmem>>) semaphore(%arg13 : memref<!tpu.dma_semaphore, #tpu.memory_space<semaphore_mem>>)
      } else {
      }
    }
    %scan3A_25 = arith.constant 20 : i32
    %dma_wait3A = arith.constant 38 : i32
    %dma_wait3A_26 = arith.constant 0 : i32
    %dma_wait3A_27 = tpu.memref_slice %arg8[%dma_wait3A, %dma_wait3A_26] : memref<40x128xi32, #tpu.memory_space<vmem>> -> memref<1x128xi32, #tpu.memory_space<vmem>>
    %dma_wait3A_28 = tpu.memref_squeeze %dma_wait3A_27 : memref<1x128xi32, #tpu.memory_space<vmem>> -> memref<128xi32, #tpu.memory_space<vmem>>
    %dma_wait3A_29 = arith.constant 0 : i32
    %dma_wait3A_30 = arith.constant 0 : i32
    %dma_wait3A_31 = tpu.memref_slice %arg12[%dma_wait3A_29, %dma_wait3A_30] : memref<10240x128xf32, #tpu.memory_space<vmem_shared>> -> memref<10240x128xf32, #tpu.memory_space<vmem_shared>>
    tpu.wait_indirect_dma semaphore(%arg15 : memref<!tpu.dma_semaphore, #tpu.memory_space<semaphore_mem>>) src(%arg10 : memref<128x128xf32, #tpu.memory_space<vmem>>) dst(%dma_wait3A_31 : memref<10240x128xf32, #tpu.memory_space<vmem_shared>>)
    %dma_wait3A_32 = arith.constant 39 : i32
    %dma_wait3A_33 = arith.constant 0 : i32
    %dma_wait3A_34 = tpu.memref_slice %arg8[%dma_wait3A_32, %dma_wait3A_33] : memref<40x128xi32, #tpu.memory_space<vmem>> -> memref<1x128xi32, #tpu.memory_space<vmem>>
    %dma_wait3A_35 = tpu.memref_squeeze %dma_wait3A_34 : memref<1x128xi32, #tpu.memory_space<vmem>> -> memref<128xi32, #tpu.memory_space<vmem>>
    %dma_wait3A_36 = arith.constant 0 : i32
    %dma_wait3A_37 = arith.constant 0 : i32
    %dma_wait3A_38 = tpu.memref_slice %arg12[%dma_wait3A_36, %dma_wait3A_37] : memref<10240x128xf32, #tpu.memory_space<vmem_shared>> -> memref<10240x128xf32, #tpu.memory_space<vmem_shared>>
    tpu.wait_indirect_dma semaphore(%arg16 : memref<!tpu.dma_semaphore, #tpu.memory_space<semaphore_mem>>) src(%arg11 : memref<128x128xf32, #tpu.memory_space<vmem>>) dst(%dma_wait3A_38 : memref<10240x128xf32, #tpu.memory_space<vmem_shared>>)
    %mul3A_39 = arith.constant 2 : i32
    %mul3A_40 = arith.muli %arg1, %mul3A_39 : i32
    %add3A_41 = arith.constant 1 : i32
    %add3A_42 = arith.addi %mul3A_40, %add3A_41 : i32
    "tpu.region"() ({
      %run_scoped3A = tpu.sem_alloc : memref<!tpu.dma_semaphore, #tpu.memory_space<semaphore_mem>>
      %dma_start3A_78 = arith.constant 0 : i32
      %dma_start3A_79 = arith.constant 0 : i32
      %dma_start3A_80 = tpu.memref_slice %arg3[%add3A_42, %dma_start3A_78, %dma_start3A_79] : memref<32x40x128xi32, #tpu.memory_space<hbm>> -> memref<1x40x128xi32, #tpu.memory_space<hbm>>
      %dma_start3A_81 = tpu.memref_squeeze %dma_start3A_80 : memref<1x40x128xi32, #tpu.memory_space<hbm>> -> memref<40x128xi32, #tpu.memory_space<hbm>>
      %dma_start3A_82 = arith.constant 0 : i32
      %dma_start3A_83 = arith.constant 0 : i32
      %dma_start3A_84 = tpu.memref_slice %arg3[%add3A_42, %dma_start3A_82, %dma_start3A_83] : memref<32x40x128xi32, #tpu.memory_space<hbm>> -> memref<1x40x128xi32, #tpu.memory_space<hbm>>
      %dma_start3A_85 = tpu.memref_squeeze %dma_start3A_84 : memref<1x40x128xi32, #tpu.memory_space<hbm>> -> memref<40x128xi32, #tpu.memory_space<hbm>>
      tpu.enqueue_dma source(%dma_start3A_85 : memref<40x128xi32, #tpu.memory_space<hbm>>) target(%arg7 : memref<40x128xi32, #tpu.memory_space<vmem>>) target_semaphore(%run_scoped3A : memref<!tpu.dma_semaphore, #tpu.memory_space<semaphore_mem>>)
      %dma_wait3A_86 = arith.constant 0 : i32
      %dma_wait3A_87 = arith.constant 0 : i32
      %dma_wait3A_88 = tpu.memref_slice %arg3[%add3A_42, %dma_wait3A_86, %dma_wait3A_87] : memref<32x40x128xi32, #tpu.memory_space<hbm>> -> memref<1x40x128xi32, #tpu.memory_space<hbm>>
      %dma_wait3A_89 = tpu.memref_squeeze %dma_wait3A_88 : memref<1x40x128xi32, #tpu.memory_space<hbm>> -> memref<40x128xi32, #tpu.memory_space<hbm>>
      %dma_wait3A_90 = arith.constant 0 : i32
      %dma_wait3A_91 = arith.constant 0 : i32
      %dma_wait3A_92 = tpu.memref_slice %arg3[%add3A_42, %dma_wait3A_90, %dma_wait3A_91] : memref<32x40x128xi32, #tpu.memory_space<hbm>> -> memref<1x40x128xi32, #tpu.memory_space<hbm>>
      %dma_wait3A_93 = tpu.memref_squeeze %dma_wait3A_92 : memref<1x40x128xi32, #tpu.memory_space<hbm>> -> memref<40x128xi32, #tpu.memory_space<hbm>>
      tpu.wait_dma2 semaphore(%run_scoped3A : memref<!tpu.dma_semaphore, #tpu.memory_space<semaphore_mem>>) src(%dma_wait3A_93 : memref<40x128xi32, #tpu.memory_space<hbm>>) dst(%arg7 : memref<40x128xi32, #tpu.memory_space<vmem>>)
      tpu.yield
    }) : () -> ()
    "tpu.region"() ({
      %run_scoped3A = tpu.sem_alloc : memref<!tpu.dma_semaphore, #tpu.memory_space<semaphore_mem>>
      %dma_start3A_78 = arith.constant 0 : i32
      %dma_start3A_79 = arith.constant 0 : i32
      %dma_start3A_80 = tpu.memref_slice %arg4[%add3A_42, %dma_start3A_78, %dma_start3A_79] : memref<32x40x128xi32, #tpu.memory_space<hbm>> -> memref<1x40x128xi32, #tpu.memory_space<hbm>>
      %dma_start3A_81 = tpu.memref_squeeze %dma_start3A_80 : memref<1x40x128xi32, #tpu.memory_space<hbm>> -> memref<40x128xi32, #tpu.memory_space<hbm>>
      %dma_start3A_82 = arith.constant 0 : i32
      %dma_start3A_83 = arith.constant 0 : i32
      %dma_start3A_84 = tpu.memref_slice %arg4[%add3A_42, %dma_start3A_82, %dma_start3A_83] : memref<32x40x128xi32, #tpu.memory_space<hbm>> -> memref<1x40x128xi32, #tpu.memory_space<hbm>>
      %dma_start3A_85 = tpu.memref_squeeze %dma_start3A_84 : memref<1x40x128xi32, #tpu.memory_space<hbm>> -> memref<40x128xi32, #tpu.memory_space<hbm>>
      tpu.enqueue_dma source(%dma_start3A_85 : memref<40x128xi32, #tpu.memory_space<hbm>>) target(%arg8 : memref<40x128xi32, #tpu.memory_space<vmem>>) target_semaphore(%run_scoped3A : memref<!tpu.dma_semaphore, #tpu.memory_space<semaphore_mem>>)
      %dma_wait3A_86 = arith.constant 0 : i32
      %dma_wait3A_87 = arith.constant 0 : i32
      %dma_wait3A_88 = tpu.memref_slice %arg4[%add3A_42, %dma_wait3A_86, %dma_wait3A_87] : memref<32x40x128xi32, #tpu.memory_space<hbm>> -> memref<1x40x128xi32, #tpu.memory_space<hbm>>
      %dma_wait3A_89 = tpu.memref_squeeze %dma_wait3A_88 : memref<1x40x128xi32, #tpu.memory_space<hbm>> -> memref<40x128xi32, #tpu.memory_space<hbm>>
      %dma_wait3A_90 = arith.constant 0 : i32
      %dma_wait3A_91 = arith.constant 0 : i32
      %dma_wait3A_92 = tpu.memref_slice %arg4[%add3A_42, %dma_wait3A_90, %dma_wait3A_91] : memref<32x40x128xi32, #tpu.memory_space<hbm>> -> memref<1x40x128xi32, #tpu.memory_space<hbm>>
      %dma_wait3A_93 = tpu.memref_squeeze %dma_wait3A_92 : memref<1x40x128xi32, #tpu.memory_space<hbm>> -> memref<40x128xi32, #tpu.memory_space<hbm>>
      tpu.wait_dma2 semaphore(%run_scoped3A : memref<!tpu.dma_semaphore, #tpu.memory_space<semaphore_mem>>) src(%dma_wait3A_93 : memref<40x128xi32, #tpu.memory_space<hbm>>) dst(%arg8 : memref<40x128xi32, #tpu.memory_space<vmem>>)
      tpu.yield
    }) : () -> ()
    "tpu.region"() ({
      %run_scoped3A = tpu.sem_alloc : memref<!tpu.dma_semaphore, #tpu.memory_space<semaphore_mem>>
      %dma_start3A_78 = arith.constant 0 : i32
      %dma_start3A_79 = arith.constant 0 : i32
      %dma_start3A_80 = tpu.memref_slice %arg5[%add3A_42, %dma_start3A_78, %dma_start3A_79] : memref<32x40x128xf32, #tpu.memory_space<hbm>> -> memref<1x40x128xf32, #tpu.memory_space<hbm>>
      %dma_start3A_81 = tpu.memref_squeeze %dma_start3A_80 : memref<1x40x128xf32, #tpu.memory_space<hbm>> -> memref<40x128xf32, #tpu.memory_space<hbm>>
      %dma_start3A_82 = arith.constant 0 : i32
      %dma_start3A_83 = arith.constant 0 : i32
      %dma_start3A_84 = tpu.memref_slice %arg5[%add3A_42, %dma_start3A_82, %dma_start3A_83] : memref<32x40x128xf32, #tpu.memory_space<hbm>> -> memref<1x40x128xf32, #tpu.memory_space<hbm>>
      %dma_start3A_85 = tpu.memref_squeeze %dma_start3A_84 : memref<1x40x128xf32, #tpu.memory_space<hbm>> -> memref<40x128xf32, #tpu.memory_space<hbm>>
      tpu.enqueue_dma source(%dma_start3A_85 : memref<40x128xf32, #tpu.memory_space<hbm>>) target(%arg9 : memref<40x128xf32, #tpu.memory_space<vmem>>) target_semaphore(%run_scoped3A : memref<!tpu.dma_semaphore, #tpu.memory_space<semaphore_mem>>)
      %dma_wait3A_86 = arith.constant 0 : i32
      %dma_wait3A_87 = arith.constant 0 : i32
      %dma_wait3A_88 = tpu.memref_slice %arg5[%add3A_42, %dma_wait3A_86, %dma_wait3A_87] : memref<32x40x128xf32, #tpu.memory_space<hbm>> -> memref<1x40x128xf32, #tpu.memory_space<hbm>>
      %dma_wait3A_89 = tpu.memref_squeeze %dma_wait3A_88 : memref<1x40x128xf32, #tpu.memory_space<hbm>> -> memref<40x128xf32, #tpu.memory_space<hbm>>
      %dma_wait3A_90 = arith.constant 0 : i32
      %dma_wait3A_91 = arith.constant 0 : i32
      %dma_wait3A_92 = tpu.memref_slice %arg5[%add3A_42, %dma_wait3A_90, %dma_wait3A_91] : memref<32x40x128xf32, #tpu.memory_space<hbm>> -> memref<1x40x128xf32, #tpu.memory_space<hbm>>
      %dma_wait3A_93 = tpu.memref_squeeze %dma_wait3A_92 : memref<1x40x128xf32, #tpu.memory_space<hbm>> -> memref<40x128xf32, #tpu.memory_space<hbm>>
      tpu.wait_dma2 semaphore(%run_scoped3A : memref<!tpu.dma_semaphore, #tpu.memory_space<semaphore_mem>>) src(%dma_wait3A_93 : memref<40x128xf32, #tpu.memory_space<hbm>>) dst(%arg9 : memref<40x128xf32, #tpu.memory_space<vmem>>)
      tpu.yield
    }) : () -> ()
    %dma_start3A_43 = arith.constant 0 : i32
    %dma_start3A_44 = arith.constant 0 : i32
    %dma_start3A_45 = tpu.memref_slice %arg7[%dma_start3A_43, %dma_start3A_44] : memref<40x128xi32, #tpu.memory_space<vmem>> -> memref<1x128xi32, #tpu.memory_space<vmem>>
    %dma_start3A_46 = tpu.memref_squeeze %dma_start3A_45 : memref<1x128xi32, #tpu.memory_space<vmem>> -> memref<128xi32, #tpu.memory_space<vmem>>
    %dma_start3A_47 = arith.constant 0 : i32
    %dma_start3A_48 = arith.constant 0 : i32
    %dma_start3A_49 = tpu.memref_slice %arg2[%arg0, %dma_start3A_47, %dma_start3A_48] : memref<2x10240x128xf32, #tpu.memory_space<hbm>> -> memref<1x10240x128xf32, #tpu.memory_space<hbm>>
    %dma_start3A_50 = tpu.memref_squeeze %dma_start3A_49 : memref<1x10240x128xf32, #tpu.memory_space<hbm>> -> memref<10240x128xf32, #tpu.memory_space<hbm>>
    %dma_start3A_51 = arith.constant 0 : i32
    %dma_start3A_52 = arith.constant 0 : i32
    %dma_start3A_53 = tpu.memref_slice %dma_start3A_50[%dma_start3A_51, %dma_start3A_52] : memref<10240x128xf32, #tpu.memory_space<hbm>> -> memref<10240x128xf32, #tpu.memory_space<hbm>>
    tpu.enqueue_indirect_dma source(%dma_start3A_53 : memref<10240x128xf32, #tpu.memory_space<hbm>>) target(%arg10 : memref<128x128xf32, #tpu.memory_space<vmem>>) offsets(%dma_start3A_46 : memref<128xi32, #tpu.memory_space<vmem>>) semaphore(%arg13 : memref<!tpu.dma_semaphore, #tpu.memory_space<semaphore_mem>>)
    %scan3A_54 = arith.constant 0 : i32
    %scan3A_55 = arith.constant 20 : i32
    %scan3A_56 = arith.addi %scan3A_54, %scan3A_55 : i32
    %scan3A_57 = arith.constant 1 : i32
    scf.for %scan3A_78 = %scan3A_54 to %scan3A_56 step %scan3A_57  : i32 {
      %mul3A_79 = arith.constant 1 : i32
      %mul3A_80 = arith.muli %scan3A_78, %mul3A_79 : i32
      %add3A_81 = arith.constant 0 : i32
      %add3A_82 = arith.addi %add3A_81, %mul3A_80 : i32
      %mul3A_83 = arith.constant 2 : i32
      %mul3A_84 = arith.muli %add3A_82, %mul3A_83 : i32
      %gt3A = arith.constant 0 : i32
      %gt3A_85 = arith.cmpi sgt, %add3A_82, %gt3A : i32
      %convert_element_type3A = arith.extui %gt3A_85 : i1 to i32
      %cond3A = arith.constant 0 : i32
      %cond3A_86 = arith.cmpi ne, %convert_element_type3A, %cond3A : i32
      scf.if %cond3A_86 {
        %sub3A = arith.constant 1 : i32
        %sub3A_151 = arith.subi %mul3A_84, %sub3A : i32
        %dma_wait3A_152 = arith.constant 0 : i32
        %dma_wait3A_153 = tpu.memref_slice %arg8[%sub3A_151, %dma_wait3A_152] : memref<40x128xi32, #tpu.memory_space<vmem>> -> memref<1x128xi32, #tpu.memory_space<vmem>>
        %dma_wait3A_154 = tpu.memref_squeeze %dma_wait3A_153 : memref<1x128xi32, #tpu.memory_space<vmem>> -> memref<128xi32, #tpu.memory_space<vmem>>
        %dma_wait3A_155 = arith.constant 0 : i32
        %dma_wait3A_156 = arith.constant 0 : i32
        %dma_wait3A_157 = tpu.memref_slice %arg12[%dma_wait3A_155, %dma_wait3A_156] : memref<10240x128xf32, #tpu.memory_space<vmem_shared>> -> memref<10240x128xf32, #tpu.memory_space<vmem_shared>>
        tpu.wait_indirect_dma semaphore(%arg16 : memref<!tpu.dma_semaphore, #tpu.memory_space<semaphore_mem>>) src(%arg11 : memref<128x128xf32, #tpu.memory_space<vmem>>) dst(%dma_wait3A_157 : memref<10240x128xf32, #tpu.memory_space<vmem_shared>>)
      } else {
      }
      %add3A_87 = arith.constant 1 : i32
      %add3A_88 = arith.addi %mul3A_84, %add3A_87 : i32
      %dma_start3A_89 = arith.constant 0 : i32
      %dma_start3A_90 = tpu.memref_slice %arg7[%add3A_88, %dma_start3A_89] : memref<40x128xi32, #tpu.memory_space<vmem>> -> memref<1x128xi32, #tpu.memory_space<vmem>>
      %dma_start3A_91 = tpu.memref_squeeze %dma_start3A_90 : memref<1x128xi32, #tpu.memory_space<vmem>> -> memref<128xi32, #tpu.memory_space<vmem>>
      %dma_start3A_92 = arith.constant 0 : i32
      %dma_start3A_93 = arith.constant 0 : i32
      %dma_start3A_94 = tpu.memref_slice %arg2[%arg0, %dma_start3A_92, %dma_start3A_93] : memref<2x10240x128xf32, #tpu.memory_space<hbm>> -> memref<1x10240x128xf32, #tpu.memory_space<hbm>>
      %dma_start3A_95 = tpu.memref_squeeze %dma_start3A_94 : memref<1x10240x128xf32, #tpu.memory_space<hbm>> -> memref<10240x128xf32, #tpu.memory_space<hbm>>
      %dma_start3A_96 = arith.constant 0 : i32
      %dma_start3A_97 = arith.constant 0 : i32
      %dma_start3A_98 = tpu.memref_slice %dma_start3A_95[%dma_start3A_96, %dma_start3A_97] : memref<10240x128xf32, #tpu.memory_space<hbm>> -> memref<10240x128xf32, #tpu.memory_space<hbm>>
      tpu.enqueue_indirect_dma source(%dma_start3A_98 : memref<10240x128xf32, #tpu.memory_space<hbm>>) target(%arg11 : memref<128x128xf32, #tpu.memory_space<vmem>>) offsets(%dma_start3A_91 : memref<128xi32, #tpu.memory_space<vmem>>) semaphore(%arg14 : memref<!tpu.dma_semaphore, #tpu.memory_space<semaphore_mem>>)
      %dma_wait3A_99 = arith.constant 0 : i32
      %dma_wait3A_100 = tpu.memref_slice %arg7[%mul3A_84, %dma_wait3A_99] : memref<40x128xi32, #tpu.memory_space<vmem>> -> memref<1x128xi32, #tpu.memory_space<vmem>>
      %dma_wait3A_101 = tpu.memref_squeeze %dma_wait3A_100 : memref<1x128xi32, #tpu.memory_space<vmem>> -> memref<128xi32, #tpu.memory_space<vmem>>
      %dma_wait3A_102 = arith.constant 0 : i32
      %dma_wait3A_103 = arith.constant 0 : i32
      %dma_wait3A_104 = tpu.memref_slice %arg2[%arg0, %dma_wait3A_102, %dma_wait3A_103] : memref<2x10240x128xf32, #tpu.memory_space<hbm>> -> memref<1x10240x128xf32, #tpu.memory_space<hbm>>
      %dma_wait3A_105 = tpu.memref_squeeze %dma_wait3A_104 : memref<1x10240x128xf32, #tpu.memory_space<hbm>> -> memref<10240x128xf32, #tpu.memory_space<hbm>>
      %dma_wait3A_106 = arith.constant 0 : i32
      %dma_wait3A_107 = arith.constant 0 : i32
      %dma_wait3A_108 = tpu.memref_slice %dma_wait3A_105[%dma_wait3A_106, %dma_wait3A_107] : memref<10240x128xf32, #tpu.memory_space<hbm>> -> memref<10240x128xf32, #tpu.memory_space<hbm>>
      tpu.wait_indirect_dma semaphore(%arg13 : memref<!tpu.dma_semaphore, #tpu.memory_space<semaphore_mem>>) src(%dma_wait3A_108 : memref<10240x128xf32, #tpu.memory_space<hbm>>) dst(%arg10 : memref<128x128xf32, #tpu.memory_space<vmem>>)
      %scan3A_109 = arith.constant 0 : i32
      %scan3A_110 = arith.constant 128 : i32
      %scan3A_111 = arith.addi %scan3A_109, %scan3A_110 : i32
      %scan3A_112 = arith.constant 8 : i32
      scf.for %scan3A_151 = %scan3A_109 to %scan3A_111 step %scan3A_112  : i32 {
        %mul3A_152 = arith.constant 1 : i32
        %mul3A_153 = arith.muli %scan3A_151, %mul3A_152 : i32
        %add3A_154 = arith.constant 0 : i32
        %add3A_155 = arith.addi %add3A_154, %mul3A_153 : i32
        %broadcast_in_dim3A = vector.broadcast %mul3A_84 : i32 to vector<16xi32>
        %broadcast_in_dim3A_156 = vector.broadcast %add3A_155 : i32 to vector<16xi32>
        %gather3A = tpu.vector_load_idx %arg9[%broadcast_in_dim3A, %broadcast_in_dim3A_156] : memref<40x128xf32, #tpu.memory_space<vmem>>[vector<16xi32>, vector<16xi32>], vector<16xf32>,
        %get3A = arith.index_cast %add3A_155 : i32 to index
        %get3A_157 = arith.constant 0 : index
        %get3A_158 = tpu.vector_load %arg10[%get3A, %get3A_157] {strides = array<i32>} : memref<128x128xf32, #tpu.memory_space<vmem>>, vector<16xf32>,
        %mul3A_159 = arith.mulf %get3A_158, %gather3A : vector<16xf32>
        %swap3A = arith.index_cast %add3A_155 : i32 to index
        %swap3A_160 = arith.constant 0 : index
        %swap3A_161 = tpu.vector_load %arg10[%swap3A, %swap3A_160] {strides = array<i32>} : memref<128x128xf32, #tpu.memory_space<vmem>>, vector<16xf32>,
        tpu.vector_store %arg10[%swap3A, %swap3A_160], %mul3A_159 {strides = array<i32>} : memref<128x128xf32, #tpu.memory_space<vmem>>, vector<16xf32>,
        %get3A_162 = arith.index_cast %add3A_155 : i32 to index
        %get3A_163 = arith.constant 16 : index
        %get3A_164 = tpu.vector_load %arg10[%get3A_162, %get3A_163] {strides = array<i32>} : memref<128x128xf32, #tpu.memory_space<vmem>>, vector<16xf32>,
        %mul3A_165 = arith.mulf %get3A_164, %gather3A : vector<16xf32>
        %swap3A_166 = arith.index_cast %add3A_155 : i32 to index
        %swap3A_167 = arith.constant 16 : index
        %swap3A_168 = tpu.vector_load %arg10[%swap3A_166, %swap3A_167] {strides = array<i32>} : memref<128x128xf32, #tpu.memory_space<vmem>>, vector<16xf32>,
        tpu.vector_store %arg10[%swap3A_166, %swap3A_167], %mul3A_165 {strides = array<i32>} : memref<128x128xf32, #tpu.memory_space<vmem>>, vector<16xf32>,
        %get3A_169 = arith.index_cast %add3A_155 : i32 to index
        %get3A_170 = arith.constant 32 : index
        %get3A_171 = tpu.vector_load %arg10[%get3A_169, %get3A_170] {strides = array<i32>} : memref<128x128xf32, #tpu.memory_space<vmem>>, vector<16xf32>,
        %mul3A_172 = arith.mulf %get3A_171, %gather3A : vector<16xf32>
        %swap3A_173 = arith.index_cast %add3A_155 : i32 to index
        %swap3A_174 = arith.constant 32 : index
        %swap3A_175 = tpu.vector_load %arg10[%swap3A_173, %swap3A_174] {strides = array<i32>} : memref<128x128xf32, #tpu.memory_space<vmem>>, vector<16xf32>,
        tpu.vector_store %arg10[%swap3A_173, %swap3A_174], %mul3A_172 {strides = array<i32>} : memref<128x128xf32, #tpu.memory_space<vmem>>, vector<16xf32>,
        %get3A_176 = arith.index_cast %add3A_155 : i32 to index
        %get3A_177 = arith.constant 48 : index
        %get3A_178 = tpu.vector_load %arg10[%get3A_176, %get3A_177] {strides = array<i32>} : memref<128x128xf32, #tpu.memory_space<vmem>>, vector<16xf32>,
        %mul3A_179 = arith.mulf %get3A_178, %gather3A : vector<16xf32>
        %swap3A_180 = arith.index_cast %add3A_155 : i32 to index
        %swap3A_181 = arith.constant 48 : index
        %swap3A_182 = tpu.vector_load %arg10[%swap3A_180, %swap3A_181] {strides = array<i32>} : memref<128x128xf32, #tpu.memory_space<vmem>>, vector<16xf32>,
        tpu.vector_store %arg10[%swap3A_180, %swap3A_181], %mul3A_179 {strides = array<i32>} : memref<128x128xf32, #tpu.memory_space<vmem>>, vector<16xf32>,
        %get3A_183 = arith.index_cast %add3A_155 : i32 to index
        %get3A_184 = arith.constant 64 : index
        %get3A_185 = tpu.vector_load %arg10[%get3A_183, %get3A_184] {strides = array<i32>} : memref<128x128xf32, #tpu.memory_space<vmem>>, vector<16xf32>,
        %mul3A_186 = arith.mulf %get3A_185, %gather3A : vector<16xf32>
        %swap3A_187 = arith.index_cast %add3A_155 : i32 to index
        %swap3A_188 = arith.constant 64 : index
        %swap3A_189 = tpu.vector_load %arg10[%swap3A_187, %swap3A_188] {strides = array<i32>} : memref<128x128xf32, #tpu.memory_space<vmem>>, vector<16xf32>,
        tpu.vector_store %arg10[%swap3A_187, %swap3A_188], %mul3A_186 {strides = array<i32>} : memref<128x128xf32, #tpu.memory_space<vmem>>, vector<16xf32>,
        %get3A_190 = arith.index_cast %add3A_155 : i32 to index
        %get3A_191 = arith.constant 80 : index
        %get3A_192 = tpu.vector_load %arg10[%get3A_190, %get3A_191] {strides = array<i32>} : memref<128x128xf32, #tpu.memory_space<vmem>>, vector<16xf32>,
        %mul3A_193 = arith.mulf %get3A_192, %gather3A : vector<16xf32>
        %swap3A_194 = arith.index_cast %add3A_155 : i32 to index
        %swap3A_195 = arith.constant 80 : index
        %swap3A_196 = tpu.vector_load %arg10[%swap3A_194, %swap3A_195] {strides = array<i32>} : memref<128x128xf32, #tpu.memory_space<vmem>>, vector<16xf32>,
        tpu.vector_store %arg10[%swap3A_194, %swap3A_195], %mul3A_193 {strides = array<i32>} : memref<128x128xf32, #tpu.memory_space<vmem>>, vector<16xf32>,
        %get3A_197 = arith.index_cast %add3A_155 : i32 to index
        %get3A_198 = arith.constant 96 : index
        %get3A_199 = tpu.vector_load %arg10[%get3A_197, %get3A_198] {strides = array<i32>} : memref<128x128xf32, #tpu.memory_space<vmem>>, vector<16xf32>,
        %mul3A_200 = arith.mulf %get3A_199, %gather3A : vector<16xf32>
        %swap3A_201 = arith.index_cast %add3A_155 : i32 to index
        %swap3A_202 = arith.constant 96 : index
        %swap3A_203 = tpu.vector_load %arg10[%swap3A_201, %swap3A_202] {strides = array<i32>} : memref<128x128xf32, #tpu.memory_space<vmem>>, vector<16xf32>,
        tpu.vector_store %arg10[%swap3A_201, %swap3A_202], %mul3A_200 {strides = array<i32>} : memref<128x128xf32, #tpu.memory_space<vmem>>, vector<16xf32>,
        %get3A_204 = arith.index_cast %add3A_155 : i32 to index
        %get3A_205 = arith.constant 112 : index
        %get3A_206 = tpu.vector_load %arg10[%get3A_204, %get3A_205] {strides = array<i32>} : memref<128x128xf32, #tpu.memory_space<vmem>>, vector<16xf32>,
        %mul3A_207 = arith.mulf %get3A_206, %gather3A : vector<16xf32>
        %swap3A_208 = arith.index_cast %add3A_155 : i32 to index
        %swap3A_209 = arith.constant 112 : index
        %swap3A_210 = tpu.vector_load %arg10[%swap3A_208, %swap3A_209] {strides = array<i32>} : memref<128x128xf32, #tpu.memory_space<vmem>>, vector<16xf32>,
        tpu.vector_store %arg10[%swap3A_208, %swap3A_209], %mul3A_207 {strides = array<i32>} : memref<128x128xf32, #tpu.memory_space<vmem>>, vector<16xf32>,
        %scan3A_211 = arith.constant 1 : i32
        %scan3A_212 = arith.addi %scan3A_151, %scan3A_211 : i32
        %mul3A_213 = arith.constant 1 : i32
        %mul3A_214 = arith.muli %scan3A_212, %mul3A_213 : i32
        %add3A_215 = arith.constant 0 : i32
        %add3A_216 = arith.addi %add3A_215, %mul3A_214 : i32
        %broadcast_in_dim3A_217 = vector.broadcast %mul3A_84 : i32 to vector<16xi32>
        %broadcast_in_dim3A_218 = vector.broadcast %add3A_216 : i32 to vector<16xi32>
        %gather3A_219 = tpu.vector_load_idx %arg9[%broadcast_in_dim3A_217, %broadcast_in_dim3A_218] : memref<40x128xf32, #tpu.memory_space<vmem>>[vector<16xi32>, vector<16xi32>], vector<16xf32>,
        %get3A_220 = arith.index_cast %add3A_216 : i32 to index
        %get3A_221 = arith.constant 0 : index
        %get3A_222 = tpu.vector_load %arg10[%get3A_220, %get3A_221] {strides = array<i32>} : memref<128x128xf32, #tpu.memory_space<vmem>>, vector<16xf32>,
        %mul3A_223 = arith.mulf %get3A_222, %gather3A_219 : vector<16xf32>
        %swap3A_224 = arith.index_cast %add3A_216 : i32 to index
        %swap3A_225 = arith.constant 0 : index
        %swap3A_226 = tpu.vector_load %arg10[%swap3A_224, %swap3A_225] {strides = array<i32>} : memref<128x128xf32, #tpu.memory_space<vmem>>, vector<16xf32>,
        tpu.vector_store %arg10[%swap3A_224, %swap3A_225], %mul3A_223 {strides = array<i32>} : memref<128x128xf32, #tpu.memory_space<vmem>>, vector<16xf32>,
        %get3A_227 = arith.index_cast %add3A_216 : i32 to index
        %get3A_228 = arith.constant 16 : index
        %get3A_229 = tpu.vector_load %arg10[%get3A_227, %get3A_228] {strides = array<i32>} : memref<128x128xf32, #tpu.memory_space<vmem>>, vector<16xf32>,
        %mul3A_230 = arith.mulf %get3A_229, %gather3A_219 : vector<16xf32>
        %swap3A_231 = arith.index_cast %add3A_216 : i32 to index
        %swap3A_232 = arith.constant 16 : index
        %swap3A_233 = tpu.vector_load %arg10[%swap3A_231, %swap3A_232] {strides = array<i32>} : memref<128x128xf32, #tpu.memory_space<vmem>>, vector<16xf32>,
        tpu.vector_store %arg10[%swap3A_231, %swap3A_232], %mul3A_230 {strides = array<i32>} : memref<128x128xf32, #tpu.memory_space<vmem>>, vector<16xf32>,
        %get3A_234 = arith.index_cast %add3A_216 : i32 to index
        %get3A_235 = arith.constant 32 : index
        %get3A_236 = tpu.vector_load %arg10[%get3A_234, %get3A_235] {strides = array<i32>} : memref<128x128xf32, #tpu.memory_space<vmem>>, vector<16xf32>,
        %mul3A_237 = arith.mulf %get3A_236, %gather3A_219 : vector<16xf32>
        %swap3A_238 = arith.index_cast %add3A_216 : i32 to index
        %swap3A_239 = arith.constant 32 : index
        %swap3A_240 = tpu.vector_load %arg10[%swap3A_238, %swap3A_239] {strides = array<i32>} : memref<128x128xf32, #tpu.memory_space<vmem>>, vector<16xf32>,
        tpu.vector_store %arg10[%swap3A_238, %swap3A_239], %mul3A_237 {strides = array<i32>} : memref<128x128xf32, #tpu.memory_space<vmem>>, vector<16xf32>,
        %get3A_241 = arith.index_cast %add3A_216 : i32 to index
        %get3A_242 = arith.constant 48 : index
        %get3A_243 = tpu.vector_load %arg10[%get3A_241, %get3A_242] {strides = array<i32>} : memref<128x128xf32, #tpu.memory_space<vmem>>, vector<16xf32>,
        %mul3A_244 = arith.mulf %get3A_243, %gather3A_219 : vector<16xf32>
        %swap3A_245 = arith.index_cast %add3A_216 : i32 to index
        %swap3A_246 = arith.constant 48 : index
        %swap3A_247 = tpu.vector_load %arg10[%swap3A_245, %swap3A_246] {strides = array<i32>} : memref<128x128xf32, #tpu.memory_space<vmem>>, vector<16xf32>,
        tpu.vector_store %arg10[%swap3A_245, %swap3A_246], %mul3A_244 {strides = array<i32>} : memref<128x128xf32, #tpu.memory_space<vmem>>, vector<16xf32>,
        %get3A_248 = arith.index_cast %add3A_216 : i32 to index
        %get3A_249 = arith.constant 64 : index
        %get3A_250 = tpu.vector_load %arg10[%get3A_248, %get3A_249] {strides = array<i32>} : memref<128x128xf32, #tpu.memory_space<vmem>>, vector<16xf32>,
        %mul3A_251 = arith.mulf %get3A_250, %gather3A_219 : vector<16xf32>
        %swap3A_252 = arith.index_cast %add3A_216 : i32 to index
        %swap3A_253 = arith.constant 64 : index
        %swap3A_254 = tpu.vector_load %arg10[%swap3A_252, %swap3A_253] {strides = array<i32>} : memref<128x128xf32, #tpu.memory_space<vmem>>, vector<16xf32>,
        tpu.vector_store %arg10[%swap3A_252, %swap3A_253], %mul3A_251 {strides = array<i32>} : memref<128x128xf32, #tpu.memory_space<vmem>>, vector<16xf32>,
        %get3A_255 = arith.index_cast %add3A_216 : i32 to index
        %get3A_256 = arith.constant 80 : index
        %get3A_257 = tpu.vector_load %arg10[%get3A_255, %get3A_256] {strides = array<i32>} : memref<128x128xf32, #tpu.memory_space<vmem>>, vector<16xf32>,
        %mul3A_258 = arith.mulf %get3A_257, %gather3A_219 : vector<16xf32>
        %swap3A_259 = arith.index_cast %add3A_216 : i32 to index
        %swap3A_260 = arith.constant 80 : index
        %swap3A_261 = tpu.vector_load %arg10[%swap3A_259, %swap3A_260] {strides = array<i32>} : memref<128x128xf32, #tpu.memory_space<vmem>>, vector<16xf32>,
        tpu.vector_store %arg10[%swap3A_259, %swap3A_260], %mul3A_258 {strides = array<i32>} : memref<128x128xf32, #tpu.memory_space<vmem>>, vector<16xf32>,
        %get3A_262 = arith.index_cast %add3A_216 : i32 to index
        %get3A_263 = arith.constant 96 : index
        %get3A_264 = tpu.vector_load %arg10[%get3A_262, %get3A_263] {strides = array<i32>} : memref<128x128xf32, #tpu.memory_space<vmem>>, vector<16xf32>,
        %mul3A_265 = arith.mulf %get3A_264, %gather3A_219 : vector<16xf32>
        %swap3A_266 = arith.index_cast %add3A_216 : i32 to index
        %swap3A_267 = arith.constant 96 : index
        %swap3A_268 = tpu.vector_load %arg10[%swap3A_266, %swap3A_267] {strides = array<i32>} : memref<128x128xf32, #tpu.memory_space<vmem>>, vector<16xf32>,
        tpu.vector_store %arg10[%swap3A_266, %swap3A_267], %mul3A_265 {strides = array<i32>} : memref<128x128xf32, #tpu.memory_space<vmem>>, vector<16xf32>,
        %get3A_269 = arith.index_cast %add3A_216 : i32 to index
        %get3A_270 = arith.constant 112 : index
        %get3A_271 = tpu.vector_load %arg10[%get3A_269, %get3A_270] {strides = array<i32>} : memref<128x128xf32, #tpu.memory_space<vmem>>, vector<16xf32>,
        %mul3A_272 = arith.mulf %get3A_271, %gather3A_219 : vector<16xf32>
        %swap3A_273 = arith.index_cast %add3A_216 : i32 to index
        %swap3A_274 = arith.constant 112 : index
        %swap3A_275 = tpu.vector_load %arg10[%swap3A_273, %swap3A_274] {strides = array<i32>} : memref<128x128xf32, #tpu.memory_space<vmem>>, vector<16xf32>,
        tpu.vector_store %arg10[%swap3A_273, %swap3A_274], %mul3A_272 {strides = array<i32>} : memref<128x128xf32, #tpu.memory_space<vmem>>, vector<16xf32>,
        %scan3A_276 = arith.constant 2 : i32
        %scan3A_277 = arith.addi %scan3A_151, %scan3A_276 : i32
        %mul3A_278 = arith.constant 1 : i32
        %mul3A_279 = arith.muli %scan3A_277, %mul3A_278 : i32
        %add3A_280 = arith.constant 0 : i32
        %add3A_281 = arith.addi %add3A_280, %mul3A_279 : i32
        %broadcast_in_dim3A_282 = vector.broadcast %mul3A_84 : i32 to vector<16xi32>
        %broadcast_in_dim3A_283 = vector.broadcast %add3A_281 : i32 to vector<16xi32>
        %gather3A_284 = tpu.vector_load_idx %arg9[%broadcast_in_dim3A_282, %broadcast_in_dim3A_283] : memref<40x128xf32, #tpu.memory_space<vmem>>[vector<16xi32>, vector<16xi32>], vector<16xf32>,
        %get3A_285 = arith.index_cast %add3A_281 : i32 to index
        %get3A_286 = arith.constant 0 : index
        %get3A_287 = tpu.vector_load %arg10[%get3A_285, %get3A_286] {strides = array<i32>} : memref<128x128xf32, #tpu.memory_space<vmem>>, vector<16xf32>,
        %mul3A_288 = arith.mulf %get3A_287, %gather3A_284 : vector<16xf32>
        %swap3A_289 = arith.index_cast %add3A_281 : i32 to index
        %swap3A_290 = arith.constant 0 : index
        %swap3A_291 = tpu.vector_load %arg10[%swap3A_289, %swap3A_290] {strides = array<i32>} : memref<128x128xf32, #tpu.memory_space<vmem>>, vector<16xf32>,
        tpu.vector_store %arg10[%swap3A_289, %swap3A_290], %mul3A_288 {strides = array<i32>} : memref<128x128xf32, #tpu.memory_space<vmem>>, vector<16xf32>,
        %get3A_292 = arith.index_cast %add3A_281 : i32 to index
        %get3A_293 = arith.constant 16 : index
        %get3A_294 = tpu.vector_load %arg10[%get3A_292, %get3A_293] {strides = array<i32>} : memref<128x128xf32, #tpu.memory_space<vmem>>, vector<16xf32>,
        %mul3A_295 = arith.mulf %get3A_294, %gather3A_284 : vector<16xf32>
        %swap3A_296 = arith.index_cast %add3A_281 : i32 to index
        %swap3A_297 = arith.constant 16 : index
        %swap3A_298 = tpu.vector_load %arg10[%swap3A_296, %swap3A_297] {strides = array<i32>} : memref<128x128xf32, #tpu.memory_space<vmem>>, vector<16xf32>,
        tpu.vector_store %arg10[%swap3A_296, %swap3A_297], %mul3A_295 {strides = array<i32>} : memref<128x128xf32, #tpu.memory_space<vmem>>, vector<16xf32>,
        %get3A_299 = arith.index_cast %add3A_281 : i32 to index
        %get3A_300 = arith.constant 32 : index
        %get3A_301 = tpu.vector_load %arg10[%get3A_299, %get3A_300] {strides = array<i32>} : memref<128x128xf32, #tpu.memory_space<vmem>>, vector<16xf32>,
        %mul3A_302 = arith.mulf %get3A_301, %gather3A_284 : vector<16xf32>
        %swap3A_303 = arith.index_cast %add3A_281 : i32 to index
        %swap3A_304 = arith.constant 32 : index
        %swap3A_305 = tpu.vector_load %arg10[%swap3A_303, %swap3A_304] {strides = array<i32>} : memref<128x128xf32, #tpu.memory_space<vmem>>, vector<16xf32>,
        tpu.vector_store %arg10[%swap3A_303, %swap3A_304], %mul3A_302 {strides = array<i32>} : memref<128x128xf32, #tpu.memory_space<vmem>>, vector<16xf32>,
        %get3A_306 = arith.index_cast %add3A_281 : i32 to index
        %get3A_307 = arith.constant 48 : index
        %get3A_308 = tpu.vector_load %arg10[%get3A_306, %get3A_307] {strides = array<i32>} : memref<128x128xf32, #tpu.memory_space<vmem>>, vector<16xf32>,
        %mul3A_309 = arith.mulf %get3A_308, %gather3A_284 : vector<16xf32>
        %swap3A_310 = arith.index_cast %add3A_281 : i32 to index
        %swap3A_311 = arith.constant 48 : index
        %swap3A_312 = tpu.vector_load %arg10[%swap3A_310, %swap3A_311] {strides = array<i32>} : memref<128x128xf32, #tpu.memory_space<vmem>>, vector<16xf32>,
        tpu.vector_store %arg10[%swap3A_310, %swap3A_311], %mul3A_309 {strides = array<i32>} : memref<128x128xf32, #tpu.memory_space<vmem>>, vector<16xf32>,
        %get3A_313 = arith.index_cast %add3A_281 : i32 to index
        %get3A_314 = arith.constant 64 : index
        %get3A_315 = tpu.vector_load %arg10[%get3A_313, %get3A_314] {strides = array<i32>} : memref<128x128xf32, #tpu.memory_space<vmem>>, vector<16xf32>,
        %mul3A_316 = arith.mulf %get3A_315, %gather3A_284 : vector<16xf32>
        %swap3A_317 = arith.index_cast %add3A_281 : i32 to index
        %swap3A_318 = arith.constant 64 : index
        %swap3A_319 = tpu.vector_load %arg10[%swap3A_317, %swap3A_318] {strides = array<i32>} : memref<128x128xf32, #tpu.memory_space<vmem>>, vector<16xf32>,
        tpu.vector_store %arg10[%swap3A_317, %swap3A_318], %mul3A_316 {strides = array<i32>} : memref<128x128xf32, #tpu.memory_space<vmem>>, vector<16xf32>,
        %get3A_320 = arith.index_cast %add3A_281 : i32 to index
        %get3A_321 = arith.constant 80 : index
        %get3A_322 = tpu.vector_load %arg10[%get3A_320, %get3A_321] {strides = array<i32>} : memref<128x128xf32, #tpu.memory_space<vmem>>, vector<16xf32>,
        %mul3A_323 = arith.mulf %get3A_322, %gather3A_284 : vector<16xf32>
        %swap3A_324 = arith.index_cast %add3A_281 : i32 to index
        %swap3A_325 = arith.constant 80 : index
        %swap3A_326 = tpu.vector_load %arg10[%swap3A_324, %swap3A_325] {strides = array<i32>} : memref<128x128xf32, #tpu.memory_space<vmem>>, vector<16xf32>,
        tpu.vector_store %arg10[%swap3A_324, %swap3A_325], %mul3A_323 {strides = array<i32>} : memref<128x128xf32, #tpu.memory_space<vmem>>, vector<16xf32>,
        %get3A_327 = arith.index_cast %add3A_281 : i32 to index
        %get3A_328 = arith.constant 96 : index
        %get3A_329 = tpu.vector_load %arg10[%get3A_327, %get3A_328] {strides = array<i32>} : memref<128x128xf32, #tpu.memory_space<vmem>>, vector<16xf32>,
        %mul3A_330 = arith.mulf %get3A_329, %gather3A_284 : vector<16xf32>
        %swap3A_331 = arith.index_cast %add3A_281 : i32 to index
        %swap3A_332 = arith.constant 96 : index
        %swap3A_333 = tpu.vector_load %arg10[%swap3A_331, %swap3A_332] {strides = array<i32>} : memref<128x128xf32, #tpu.memory_space<vmem>>, vector<16xf32>,
        tpu.vector_store %arg10[%swap3A_331, %swap3A_332], %mul3A_330 {strides = array<i32>} : memref<128x128xf32, #tpu.memory_space<vmem>>, vector<16xf32>,
        %get3A_334 = arith.index_cast %add3A_281 : i32 to index
        %get3A_335 = arith.constant 112 : index
        %get3A_336 = tpu.vector_load %arg10[%get3A_334, %get3A_335] {strides = array<i32>} : memref<128x128xf32, #tpu.memory_space<vmem>>, vector<16xf32>,
        %mul3A_337 = arith.mulf %get3A_336, %gather3A_284 : vector<16xf32>
        %swap3A_338 = arith.index_cast %add3A_281 : i32 to index
        %swap3A_339 = arith.constant 112 : index
        %swap3A_340 = tpu.vector_load %arg10[%swap3A_338, %swap3A_339] {strides = array<i32>} : memref<128x128xf32, #tpu.memory_space<vmem>>, vector<16xf32>,
        tpu.vector_store %arg10[%swap3A_338, %swap3A_339], %mul3A_337 {strides = array<i32>} : memref<128x128xf32, #tpu.memory_space<vmem>>, vector<16xf32>,
        %scan3A_341 = arith.constant 3 : i32
        %scan3A_342 = arith.addi %scan3A_151, %scan3A_341 : i32
        %mul3A_343 = arith.constant 1 : i32
        %mul3A_344 = arith.muli %scan3A_342, %mul3A_343 : i32
        %add3A_345 = arith.constant 0 : i32
        %add3A_346 = arith.addi %add3A_345, %mul3A_344 : i32
        %broadcast_in_dim3A_347 = vector.broadcast %mul3A_84 : i32 to vector<16xi32>
        %broadcast_in_dim3A_348 = vector.broadcast %add3A_346 : i32 to vector<16xi32>
        %gather3A_349 = tpu.vector_load_idx %arg9[%broadcast_in_dim3A_347, %broadcast_in_dim3A_348] : memref<40x128xf32, #tpu.memory_space<vmem>>[vector<16xi32>, vector<16xi32>], vector<16xf32>,
        %get3A_350 = arith.index_cast %add3A_346 : i32 to index
        %get3A_351 = arith.constant 0 : index
        %get3A_352 = tpu.vector_load %arg10[%get3A_350, %get3A_351] {strides = array<i32>} : memref<128x128xf32, #tpu.memory_space<vmem>>, vector<16xf32>,
        %mul3A_353 = arith.mulf %get3A_352, %gather3A_349 : vector<16xf32>
        %swap3A_354 = arith.index_cast %add3A_346 : i32 to index
        %swap3A_355 = arith.constant 0 : index
        %swap3A_356 = tpu.vector_load %arg10[%swap3A_354, %swap3A_355] {strides = array<i32>} : memref<128x128xf32, #tpu.memory_space<vmem>>, vector<16xf32>,
        tpu.vector_store %arg10[%swap3A_354, %swap3A_355], %mul3A_353 {strides = array<i32>} : memref<128x128xf32, #tpu.memory_space<vmem>>, vector<16xf32>,
        %get3A_357 = arith.index_cast %add3A_346 : i32 to index
        %get3A_358 = arith.constant 16 : index
        %get3A_359 = tpu.vector_load %arg10[%get3A_357, %get3A_358] {strides = array<i32>} : memref<128x128xf32, #tpu.memory_space<vmem>>, vector<16xf32>,
        %mul3A_360 = arith.mulf %get3A_359, %gather3A_349 : vector<16xf32>
        %swap3A_361 = arith.index_cast %add3A_346 : i32 to index
        %swap3A_362 = arith.constant 16 : index
        %swap3A_363 = tpu.vector_load %arg10[%swap3A_361, %swap3A_362] {strides = array<i32>} : memref<128x128xf32, #tpu.memory_space<vmem>>, vector<16xf32>,
        tpu.vector_store %arg10[%swap3A_361, %swap3A_362], %mul3A_360 {strides = array<i32>} : memref<128x128xf32, #tpu.memory_space<vmem>>, vector<16xf32>,
        %get3A_364 = arith.index_cast %add3A_346 : i32 to index
        %get3A_365 = arith.constant 32 : index
        %get3A_366 = tpu.vector_load %arg10[%get3A_364, %get3A_365] {strides = array<i32>} : memref<128x128xf32, #tpu.memory_space<vmem>>, vector<16xf32>,
        %mul3A_367 = arith.mulf %get3A_366, %gather3A_349 : vector<16xf32>
        %swap3A_368 = arith.index_cast %add3A_346 : i32 to index
        %swap3A_369 = arith.constant 32 : index
        %swap3A_370 = tpu.vector_load %arg10[%swap3A_368, %swap3A_369] {strides = array<i32>} : memref<128x128xf32, #tpu.memory_space<vmem>>, vector<16xf32>,
        tpu.vector_store %arg10[%swap3A_368, %swap3A_369], %mul3A_367 {strides = array<i32>} : memref<128x128xf32, #tpu.memory_space<vmem>>, vector<16xf32>,
        %get3A_371 = arith.index_cast %add3A_346 : i32 to index
        %get3A_372 = arith.constant 48 : index
        %get3A_373 = tpu.vector_load %arg10[%get3A_371, %get3A_372] {strides = array<i32>} : memref<128x128xf32, #tpu.memory_space<vmem>>, vector<16xf32>,
        %mul3A_374 = arith.mulf %get3A_373, %gather3A_349 : vector<16xf32>
        %swap3A_375 = arith.index_cast %add3A_346 : i32 to index
        %swap3A_376 = arith.constant 48 : index
        %swap3A_377 = tpu.vector_load %arg10[%swap3A_375, %swap3A_376] {strides = array<i32>} : memref<128x128xf32, #tpu.memory_space<vmem>>, vector<16xf32>,
        tpu.vector_store %arg10[%swap3A_375, %swap3A_376], %mul3A_374 {strides = array<i32>} : memref<128x128xf32, #tpu.memory_space<vmem>>, vector<16xf32>,
        %get3A_378 = arith.index_cast %add3A_346 : i32 to index
        %get3A_379 = arith.constant 64 : index
        %get3A_380 = tpu.vector_load %arg10[%get3A_378, %get3A_379] {strides = array<i32>} : memref<128x128xf32, #tpu.memory_space<vmem>>, vector<16xf32>,
        %mul3A_381 = arith.mulf %get3A_380, %gather3A_349 : vector<16xf32>
        %swap3A_382 = arith.index_cast %add3A_346 : i32 to index
        %swap3A_383 = arith.constant 64 : index
        %swap3A_384 = tpu.vector_load %arg10[%swap3A_382, %swap3A_383] {strides = array<i32>} : memref<128x128xf32, #tpu.memory_space<vmem>>, vector<16xf32>,
        tpu.vector_store %arg10[%swap3A_382, %swap3A_383], %mul3A_381 {strides = array<i32>} : memref<128x128xf32, #tpu.memory_space<vmem>>, vector<16xf32>,
        %get3A_385 = arith.index_cast %add3A_346 : i32 to index
        %get3A_386 = arith.constant 80 : index
        %get3A_387 = tpu.vector_load %arg10[%get3A_385, %get3A_386] {strides = array<i32>} : memref<128x128xf32, #tpu.memory_space<vmem>>, vector<16xf32>,
        %mul3A_388 = arith.mulf %get3A_387, %gather3A_349 : vector<16xf32>
        %swap3A_389 = arith.index_cast %add3A_346 : i32 to index
        %swap3A_390 = arith.constant 80 : index
        %swap3A_391 = tpu.vector_load %arg10[%swap3A_389, %swap3A_390] {strides = array<i32>} : memref<128x128xf32, #tpu.memory_space<vmem>>, vector<16xf32>,
        tpu.vector_store %arg10[%swap3A_389, %swap3A_390], %mul3A_388 {strides = array<i32>} : memref<128x128xf32, #tpu.memory_space<vmem>>, vector<16xf32>,
        %get3A_392 = arith.index_cast %add3A_346 : i32 to index
        %get3A_393 = arith.constant 96 : index
        %get3A_394 = tpu.vector_load %arg10[%get3A_392, %get3A_393] {strides = array<i32>} : memref<128x128xf32, #tpu.memory_space<vmem>>, vector<16xf32>,
        %mul3A_395 = arith.mulf %get3A_394, %gather3A_349 : vector<16xf32>
        %swap3A_396 = arith.index_cast %add3A_346 : i32 to index
        %swap3A_397 = arith.constant 96 : index
        %swap3A_398 = tpu.vector_load %arg10[%swap3A_396, %swap3A_397] {strides = array<i32>} : memref<128x128xf32, #tpu.memory_space<vmem>>, vector<16xf32>,
        tpu.vector_store %arg10[%swap3A_396, %swap3A_397], %mul3A_395 {strides = array<i32>} : memref<128x128xf32, #tpu.memory_space<vmem>>, vector<16xf32>,
        %get3A_399 = arith.index_cast %add3A_346 : i32 to index
        %get3A_400 = arith.constant 112 : index
        %get3A_401 = tpu.vector_load %arg10[%get3A_399, %get3A_400] {strides = array<i32>} : memref<128x128xf32, #tpu.memory_space<vmem>>, vector<16xf32>,
        %mul3A_402 = arith.mulf %get3A_401, %gather3A_349 : vector<16xf32>
        %swap3A_403 = arith.index_cast %add3A_346 : i32 to index
        %swap3A_404 = arith.constant 112 : index
        %swap3A_405 = tpu.vector_load %arg10[%swap3A_403, %swap3A_404] {strides = array<i32>} : memref<128x128xf32, #tpu.memory_space<vmem>>, vector<16xf32>,
        tpu.vector_store %arg10[%swap3A_403, %swap3A_404], %mul3A_402 {strides = array<i32>} : memref<128x128xf32, #tpu.memory_space<vmem>>, vector<16xf32>,
        %scan3A_406 = arith.constant 4 : i32
        %scan3A_407 = arith.addi %scan3A_151, %scan3A_406 : i32
        %mul3A_408 = arith.constant 1 : i32
        %mul3A_409 = arith.muli %scan3A_407, %mul3A_408 : i32
        %add3A_410 = arith.constant 0 : i32
        %add3A_411 = arith.addi %add3A_410, %mul3A_409 : i32
        %broadcast_in_dim3A_412 = vector.broadcast %mul3A_84 : i32 to vector<16xi32>
        %broadcast_in_dim3A_413 = vector.broadcast %add3A_411 : i32 to vector<16xi32>
        %gather3A_414 = tpu.vector_load_idx %arg9[%broadcast_in_dim3A_412, %broadcast_in_dim3A_413] : memref<40x128xf32, #tpu.memory_space<vmem>>[vector<16xi32>, vector<16xi32>], vector<16xf32>,
        %get3A_415 = arith.index_cast %add3A_411 : i32 to index
        %get3A_416 = arith.constant 0 : index
        %get3A_417 = tpu.vector_load %arg10[%get3A_415, %get3A_416] {strides = array<i32>} : memref<128x128xf32, #tpu.memory_space<vmem>>, vector<16xf32>,
        %mul3A_418 = arith.mulf %get3A_417, %gather3A_414 : vector<16xf32>
        %swap3A_419 = arith.index_cast %add3A_411 : i32 to index
        %swap3A_420 = arith.constant 0 : index
        %swap3A_421 = tpu.vector_load %arg10[%swap3A_419, %swap3A_420] {strides = array<i32>} : memref<128x128xf32, #tpu.memory_space<vmem>>, vector<16xf32>,
        tpu.vector_store %arg10[%swap3A_419, %swap3A_420], %mul3A_418 {strides = array<i32>} : memref<128x128xf32, #tpu.memory_space<vmem>>, vector<16xf32>,
        %get3A_422 = arith.index_cast %add3A_411 : i32 to index
        %get3A_423 = arith.constant 16 : index
        %get3A_424 = tpu.vector_load %arg10[%get3A_422, %get3A_423] {strides = array<i32>} : memref<128x128xf32, #tpu.memory_space<vmem>>, vector<16xf32>,
        %mul3A_425 = arith.mulf %get3A_424, %gather3A_414 : vector<16xf32>
        %swap3A_426 = arith.index_cast %add3A_411 : i32 to index
        %swap3A_427 = arith.constant 16 : index
        %swap3A_428 = tpu.vector_load %arg10[%swap3A_426, %swap3A_427] {strides = array<i32>} : memref<128x128xf32, #tpu.memory_space<vmem>>, vector<16xf32>,
        tpu.vector_store %arg10[%swap3A_426, %swap3A_427], %mul3A_425 {strides = array<i32>} : memref<128x128xf32, #tpu.memory_space<vmem>>, vector<16xf32>,
        %get3A_429 = arith.index_cast %add3A_411 : i32 to index
        %get3A_430 = arith.constant 32 : index
        %get3A_431 = tpu.vector_load %arg10[%get3A_429, %get3A_430] {strides = array<i32>} : memref<128x128xf32, #tpu.memory_space<vmem>>, vector<16xf32>,
        %mul3A_432 = arith.mulf %get3A_431, %gather3A_414 : vector<16xf32>
        %swap3A_433 = arith.index_cast %add3A_411 : i32 to index
        %swap3A_434 = arith.constant 32 : index
        %swap3A_435 = tpu.vector_load %arg10[%swap3A_433, %swap3A_434] {strides = array<i32>} : memref<128x128xf32, #tpu.memory_space<vmem>>, vector<16xf32>,
        tpu.vector_store %arg10[%swap3A_433, %swap3A_434], %mul3A_432 {strides = array<i32>} : memref<128x128xf32, #tpu.memory_space<vmem>>, vector<16xf32>,
        %get3A_436 = arith.index_cast %add3A_411 : i32 to index
        %get3A_437 = arith.constant 48 : index
        %get3A_438 = tpu.vector_load %arg10[%get3A_436, %get3A_437] {strides = array<i32>} : memref<128x128xf32, #tpu.memory_space<vmem>>, vector<16xf32>,
        %mul3A_439 = arith.mulf %get3A_438, %gather3A_414 : vector<16xf32>
        %swap3A_440 = arith.index_cast %add3A_411 : i32 to index
        %swap3A_441 = arith.constant 48 : index
        %swap3A_442 = tpu.vector_load %arg10[%swap3A_440, %swap3A_441] {strides = array<i32>} : memref<128x128xf32, #tpu.memory_space<vmem>>, vector<16xf32>,
        tpu.vector_store %arg10[%swap3A_440, %swap3A_441], %mul3A_439 {strides = array<i32>} : memref<128x128xf32, #tpu.memory_space<vmem>>, vector<16xf32>,
        %get3A_443 = arith.index_cast %add3A_411 : i32 to index
        %get3A_444 = arith.constant 64 : index
        %get3A_445 = tpu.vector_load %arg10[%get3A_443, %get3A_444] {strides = array<i32>} : memref<128x128xf32, #tpu.memory_space<vmem>>, vector<16xf32>,
        %mul3A_446 = arith.mulf %get3A_445, %gather3A_414 : vector<16xf32>
        %swap3A_447 = arith.index_cast %add3A_411 : i32 to index
        %swap3A_448 = arith.constant 64 : index
        %swap3A_449 = tpu.vector_load %arg10[%swap3A_447, %swap3A_448] {strides = array<i32>} : memref<128x128xf32, #tpu.memory_space<vmem>>, vector<16xf32>,
        tpu.vector_store %arg10[%swap3A_447, %swap3A_448], %mul3A_446 {strides = array<i32>} : memref<128x128xf32, #tpu.memory_space<vmem>>, vector<16xf32>,
        %get3A_450 = arith.index_cast %add3A_411 : i32 to index
        %get3A_451 = arith.constant 80 : index
        %get3A_452 = tpu.vector_load %arg10[%get3A_450, %get3A_451] {strides = array<i32>} : memref<128x128xf32, #tpu.memory_space<vmem>>, vector<16xf32>,
        %mul3A_453 = arith.mulf %get3A_452, %gather3A_414 : vector<16xf32>
        %swap3A_454 = arith.index_cast %add3A_411 : i32 to index
        %swap3A_455 = arith.constant 80 : index
        %swap3A_456 = tpu.vector_load %arg10[%swap3A_454, %swap3A_455] {strides = array<i32>} : memref<128x128xf32, #tpu.memory_space<vmem>>, vector<16xf32>,
        tpu.vector_store %arg10[%swap3A_454, %swap3A_455], %mul3A_453 {strides = array<i32>} : memref<128x128xf32, #tpu.memory_space<vmem>>, vector<16xf32>,
        %get3A_457 = arith.index_cast %add3A_411 : i32 to index
        %get3A_458 = arith.constant 96 : index
        %get3A_459 = tpu.vector_load %arg10[%get3A_457, %get3A_458] {strides = array<i32>} : memref<128x128xf32, #tpu.memory_space<vmem>>, vector<16xf32>,
        %mul3A_460 = arith.mulf %get3A_459, %gather3A_414 : vector<16xf32>
        %swap3A_461 = arith.index_cast %add3A_411 : i32 to index
        %swap3A_462 = arith.constant 96 : index
        %swap3A_463 = tpu.vector_load %arg10[%swap3A_461, %swap3A_462] {strides = array<i32>} : memref<128x128xf32, #tpu.memory_space<vmem>>, vector<16xf32>,
        tpu.vector_store %arg10[%swap3A_461, %swap3A_462], %mul3A_460 {strides = array<i32>} : memref<128x128xf32, #tpu.memory_space<vmem>>, vector<16xf32>,
        %get3A_464 = arith.index_cast %add3A_411 : i32 to index
        %get3A_465 = arith.constant 112 : index
        %get3A_466 = tpu.vector_load %arg10[%get3A_464, %get3A_465] {strides = array<i32>} : memref<128x128xf32, #tpu.memory_space<vmem>>, vector<16xf32>,
        %mul3A_467 = arith.mulf %get3A_466, %gather3A_414 : vector<16xf32>
        %swap3A_468 = arith.index_cast %add3A_411 : i32 to index
        %swap3A_469 = arith.constant 112 : index
        %swap3A_470 = tpu.vector_load %arg10[%swap3A_468, %swap3A_469] {strides = array<i32>} : memref<128x128xf32, #tpu.memory_space<vmem>>, vector<16xf32>,
        tpu.vector_store %arg10[%swap3A_468, %swap3A_469], %mul3A_467 {strides = array<i32>} : memref<128x128xf32, #tpu.memory_space<vmem>>, vector<16xf32>,
        %scan3A_471 = arith.constant 5 : i32
        %scan3A_472 = arith.addi %scan3A_151, %scan3A_471 : i32
        %mul3A_473 = arith.constant 1 : i32
        %mul3A_474 = arith.muli %scan3A_472, %mul3A_473 : i32
        %add3A_475 = arith.constant 0 : i32
        %add3A_476 = arith.addi %add3A_475, %mul3A_474 : i32
        %broadcast_in_dim3A_477 = vector.broadcast %mul3A_84 : i32 to vector<16xi32>
        %broadcast_in_dim3A_478 = vector.broadcast %add3A_476 : i32 to vector<16xi32>
        %gather3A_479 = tpu.vector_load_idx %arg9[%broadcast_in_dim3A_477, %broadcast_in_dim3A_478] : memref<40x128xf32, #tpu.memory_space<vmem>>[vector<16xi32>, vector<16xi32>], vector<16xf32>,
        %get3A_480 = arith.index_cast %add3A_476 : i32 to index
        %get3A_481 = arith.constant 0 : index
        %get3A_482 = tpu.vector_load %arg10[%get3A_480, %get3A_481] {strides = array<i32>} : memref<128x128xf32, #tpu.memory_space<vmem>>, vector<16xf32>,
        %mul3A_483 = arith.mulf %get3A_482, %gather3A_479 : vector<16xf32>
        %swap3A_484 = arith.index_cast %add3A_476 : i32 to index
        %swap3A_485 = arith.constant 0 : index
        %swap3A_486 = tpu.vector_load %arg10[%swap3A_484, %swap3A_485] {strides = array<i32>} : memref<128x128xf32, #tpu.memory_space<vmem>>, vector<16xf32>,
        tpu.vector_store %arg10[%swap3A_484, %swap3A_485], %mul3A_483 {strides = array<i32>} : memref<128x128xf32, #tpu.memory_space<vmem>>, vector<16xf32>,
        %get3A_487 = arith.index_cast %add3A_476 : i32 to index
        %get3A_488 = arith.constant 16 : index
        %get3A_489 = tpu.vector_load %arg10[%get3A_487, %get3A_488] {strides = array<i32>} : memref<128x128xf32, #tpu.memory_space<vmem>>, vector<16xf32>,
        %mul3A_490 = arith.mulf %get3A_489, %gather3A_479 : vector<16xf32>
        %swap3A_491 = arith.index_cast %add3A_476 : i32 to index
        %swap3A_492 = arith.constant 16 : index
        %swap3A_493 = tpu.vector_load %arg10[%swap3A_491, %swap3A_492] {strides = array<i32>} : memref<128x128xf32, #tpu.memory_space<vmem>>, vector<16xf32>,
        tpu.vector_store %arg10[%swap3A_491, %swap3A_492], %mul3A_490 {strides = array<i32>} : memref<128x128xf32, #tpu.memory_space<vmem>>, vector<16xf32>,
        %get3A_494 = arith.index_cast %add3A_476 : i32 to index
        %get3A_495 = arith.constant 32 : index
        %get3A_496 = tpu.vector_load %arg10[%get3A_494, %get3A_495] {strides = array<i32>} : memref<128x128xf32, #tpu.memory_space<vmem>>, vector<16xf32>,
        %mul3A_497 = arith.mulf %get3A_496, %gather3A_479 : vector<16xf32>
        %swap3A_498 = arith.index_cast %add3A_476 : i32 to index
        %swap3A_499 = arith.constant 32 : index
        %swap3A_500 = tpu.vector_load %arg10[%swap3A_498, %swap3A_499] {strides = array<i32>} : memref<128x128xf32, #tpu.memory_space<vmem>>, vector<16xf32>,
        tpu.vector_store %arg10[%swap3A_498, %swap3A_499], %mul3A_497 {strides = array<i32>} : memref<128x128xf32, #tpu.memory_space<vmem>>, vector<16xf32>,
        %get3A_501 = arith.index_cast %add3A_476 : i32 to index
        %get3A_502 = arith.constant 48 : index
        %get3A_503 = tpu.vector_load %arg10[%get3A_501, %get3A_502] {strides = array<i32>} : memref<128x128xf32, #tpu.memory_space<vmem>>, vector<16xf32>,
        %mul3A_504 = arith.mulf %get3A_503, %gather3A_479 : vector<16xf32>
        %swap3A_505 = arith.index_cast %add3A_476 : i32 to index
        %swap3A_506 = arith.constant 48 : index
        %swap3A_507 = tpu.vector_load %arg10[%swap3A_505, %swap3A_506] {strides = array<i32>} : memref<128x128xf32, #tpu.memory_space<vmem>>, vector<16xf32>,
        tpu.vector_store %arg10[%swap3A_505, %swap3A_506], %mul3A_504 {strides = array<i32>} : memref<128x128xf32, #tpu.memory_space<vmem>>, vector<16xf32>,
        %get3A_508 = arith.index_cast %add3A_476 : i32 to index
        %get3A_509 = arith.constant 64 : index
        %get3A_510 = tpu.vector_load %arg10[%get3A_508, %get3A_509] {strides = array<i32>} : memref<128x128xf32, #tpu.memory_space<vmem>>, vector<16xf32>,
        %mul3A_511 = arith.mulf %get3A_510, %gather3A_479 : vector<16xf32>
        %swap3A_512 = arith.index_cast %add3A_476 : i32 to index
        %swap3A_513 = arith.constant 64 : index
        %swap3A_514 = tpu.vector_load %arg10[%swap3A_512, %swap3A_513] {strides = array<i32>} : memref<128x128xf32, #tpu.memory_space<vmem>>, vector<16xf32>,
        tpu.vector_store %arg10[%swap3A_512, %swap3A_513], %mul3A_511 {strides = array<i32>} : memref<128x128xf32, #tpu.memory_space<vmem>>, vector<16xf32>,
        %get3A_515 = arith.index_cast %add3A_476 : i32 to index
        %get3A_516 = arith.constant 80 : index
        %get3A_517 = tpu.vector_load %arg10[%get3A_515, %get3A_516] {strides = array<i32>} : memref<128x128xf32, #tpu.memory_space<vmem>>, vector<16xf32>,
        %mul3A_518 = arith.mulf %get3A_517, %gather3A_479 : vector<16xf32>
        %swap3A_519 = arith.index_cast %add3A_476 : i32 to index
        %swap3A_520 = arith.constant 80 : index
        %swap3A_521 = tpu.vector_load %arg10[%swap3A_519, %swap3A_520] {strides = array<i32>} : memref<128x128xf32, #tpu.memory_space<vmem>>, vector<16xf32>,
        tpu.vector_store %arg10[%swap3A_519, %swap3A_520], %mul3A_518 {strides = array<i32>} : memref<128x128xf32, #tpu.memory_space<vmem>>, vector<16xf32>,
        %get3A_522 = arith.index_cast %add3A_476 : i32 to index
        %get3A_523 = arith.constant 96 : index
        %get3A_524 = tpu.vector_load %arg10[%get3A_522, %get3A_523] {strides = array<i32>} : memref<128x128xf32, #tpu.memory_space<vmem>>, vector<16xf32>,
        %mul3A_525 = arith.mulf %get3A_524, %gather3A_479 : vector<16xf32>
        %swap3A_526 = arith.index_cast %add3A_476 : i32 to index
        %swap3A_527 = arith.constant 96 : index
        %swap3A_528 = tpu.vector_load %arg10[%swap3A_526, %swap3A_527] {strides = array<i32>} : memref<128x128xf32, #tpu.memory_space<vmem>>, vector<16xf32>,
        tpu.vector_store %arg10[%swap3A_526, %swap3A_527], %mul3A_525 {strides = array<i32>} : memref<128x128xf32, #tpu.memory_space<vmem>>, vector<16xf32>,
        %get3A_529 = arith.index_cast %add3A_476 : i32 to index
        %get3A_530 = arith.constant 112 : index
        %get3A_531 = tpu.vector_load %arg10[%get3A_529, %get3A_530] {strides = array<i32>} : memref<128x128xf32, #tpu.memory_space<vmem>>, vector<16xf32>,
        %mul3A_532 = arith.mulf %get3A_531, %gather3A_479 : vector<16xf32>
        %swap3A_533 = arith.index_cast %add3A_476 : i32 to index
        %swap3A_534 = arith.constant 112 : index
        %swap3A_535 = tpu.vector_load %arg10[%swap3A_533, %swap3A_534] {strides = array<i32>} : memref<128x128xf32, #tpu.memory_space<vmem>>, vector<16xf32>,
        tpu.vector_store %arg10[%swap3A_533, %swap3A_534], %mul3A_532 {strides = array<i32>} : memref<128x128xf32, #tpu.memory_space<vmem>>, vector<16xf32>,
        %scan3A_536 = arith.constant 6 : i32
        %scan3A_537 = arith.addi %scan3A_151, %scan3A_536 : i32
        %mul3A_538 = arith.constant 1 : i32
        %mul3A_539 = arith.muli %scan3A_537, %mul3A_538 : i32
        %add3A_540 = arith.constant 0 : i32
        %add3A_541 = arith.addi %add3A_540, %mul3A_539 : i32
        %broadcast_in_dim3A_542 = vector.broadcast %mul3A_84 : i32 to vector<16xi32>
        %broadcast_in_dim3A_543 = vector.broadcast %add3A_541 : i32 to vector<16xi32>
        %gather3A_544 = tpu.vector_load_idx %arg9[%broadcast_in_dim3A_542, %broadcast_in_dim3A_543] : memref<40x128xf32, #tpu.memory_space<vmem>>[vector<16xi32>, vector<16xi32>], vector<16xf32>,
        %get3A_545 = arith.index_cast %add3A_541 : i32 to index
        %get3A_546 = arith.constant 0 : index
        %get3A_547 = tpu.vector_load %arg10[%get3A_545, %get3A_546] {strides = array<i32>} : memref<128x128xf32, #tpu.memory_space<vmem>>, vector<16xf32>,
        %mul3A_548 = arith.mulf %get3A_547, %gather3A_544 : vector<16xf32>
        %swap3A_549 = arith.index_cast %add3A_541 : i32 to index
        %swap3A_550 = arith.constant 0 : index
        %swap3A_551 = tpu.vector_load %arg10[%swap3A_549, %swap3A_550] {strides = array<i32>} : memref<128x128xf32, #tpu.memory_space<vmem>>, vector<16xf32>,
        tpu.vector_store %arg10[%swap3A_549, %swap3A_550], %mul3A_548 {strides = array<i32>} : memref<128x128xf32, #tpu.memory_space<vmem>>, vector<16xf32>,
        %get3A_552 = arith.index_cast %add3A_541 : i32 to index
        %get3A_553 = arith.constant 16 : index
        %get3A_554 = tpu.vector_load %arg10[%get3A_552, %get3A_553] {strides = array<i32>} : memref<128x128xf32, #tpu.memory_space<vmem>>, vector<16xf32>,
        %mul3A_555 = arith.mulf %get3A_554, %gather3A_544 : vector<16xf32>
        %swap3A_556 = arith.index_cast %add3A_541 : i32 to index
        %swap3A_557 = arith.constant 16 : index
        %swap3A_558 = tpu.vector_load %arg10[%swap3A_556, %swap3A_557] {strides = array<i32>} : memref<128x128xf32, #tpu.memory_space<vmem>>, vector<16xf32>,
        tpu.vector_store %arg10[%swap3A_556, %swap3A_557], %mul3A_555 {strides = array<i32>} : memref<128x128xf32, #tpu.memory_space<vmem>>, vector<16xf32>,
        %get3A_559 = arith.index_cast %add3A_541 : i32 to index
        %get3A_560 = arith.constant 32 : index
        %get3A_561 = tpu.vector_load %arg10[%get3A_559, %get3A_560] {strides = array<i32>} : memref<128x128xf32, #tpu.memory_space<vmem>>, vector<16xf32>,
        %mul3A_562 = arith.mulf %get3A_561, %gather3A_544 : vector<16xf32>
        %swap3A_563 = arith.index_cast %add3A_541 : i32 to index
        %swap3A_564 = arith.constant 32 : index
        %swap3A_565 = tpu.vector_load %arg10[%swap3A_563, %swap3A_564] {strides = array<i32>} : memref<128x128xf32, #tpu.memory_space<vmem>>, vector<16xf32>,
        tpu.vector_store %arg10[%swap3A_563, %swap3A_564], %mul3A_562 {strides = array<i32>} : memref<128x128xf32, #tpu.memory_space<vmem>>, vector<16xf32>,
        %get3A_566 = arith.index_cast %add3A_541 : i32 to index
        %get3A_567 = arith.constant 48 : index
        %get3A_568 = tpu.vector_load %arg10[%get3A_566, %get3A_567] {strides = array<i32>} : memref<128x128xf32, #tpu.memory_space<vmem>>, vector<16xf32>,
        %mul3A_569 = arith.mulf %get3A_568, %gather3A_544 : vector<16xf32>
        %swap3A_570 = arith.index_cast %add3A_541 : i32 to index
        %swap3A_571 = arith.constant 48 : index
        %swap3A_572 = tpu.vector_load %arg10[%swap3A_570, %swap3A_571] {strides = array<i32>} : memref<128x128xf32, #tpu.memory_space<vmem>>, vector<16xf32>,
        tpu.vector_store %arg10[%swap3A_570, %swap3A_571], %mul3A_569 {strides = array<i32>} : memref<128x128xf32, #tpu.memory_space<vmem>>, vector<16xf32>,
        %get3A_573 = arith.index_cast %add3A_541 : i32 to index
        %get3A_574 = arith.constant 64 : index
        %get3A_575 = tpu.vector_load %arg10[%get3A_573, %get3A_574] {strides = array<i32>} : memref<128x128xf32, #tpu.memory_space<vmem>>, vector<16xf32>,
        %mul3A_576 = arith.mulf %get3A_575, %gather3A_544 : vector<16xf32>
        %swap3A_577 = arith.index_cast %add3A_541 : i32 to index
        %swap3A_578 = arith.constant 64 : index
        %swap3A_579 = tpu.vector_load %arg10[%swap3A_577, %swap3A_578] {strides = array<i32>} : memref<128x128xf32, #tpu.memory_space<vmem>>, vector<16xf32>,
        tpu.vector_store %arg10[%swap3A_577, %swap3A_578], %mul3A_576 {strides = array<i32>} : memref<128x128xf32, #tpu.memory_space<vmem>>, vector<16xf32>,
        %get3A_580 = arith.index_cast %add3A_541 : i32 to index
        %get3A_581 = arith.constant 80 : index
        %get3A_582 = tpu.vector_load %arg10[%get3A_580, %get3A_581] {strides = array<i32>} : memref<128x128xf32, #tpu.memory_space<vmem>>, vector<16xf32>,
        %mul3A_583 = arith.mulf %get3A_582, %gather3A_544 : vector<16xf32>
        %swap3A_584 = arith.index_cast %add3A_541 : i32 to index
        %swap3A_585 = arith.constant 80 : index
        %swap3A_586 = tpu.vector_load %arg10[%swap3A_584, %swap3A_585] {strides = array<i32>} : memref<128x128xf32, #tpu.memory_space<vmem>>, vector<16xf32>,
        tpu.vector_store %arg10[%swap3A_584, %swap3A_585], %mul3A_583 {strides = array<i32>} : memref<128x128xf32, #tpu.memory_space<vmem>>, vector<16xf32>,
        %get3A_587 = arith.index_cast %add3A_541 : i32 to index
        %get3A_588 = arith.constant 96 : index
        %get3A_589 = tpu.vector_load %arg10[%get3A_587, %get3A_588] {strides = array<i32>} : memref<128x128xf32, #tpu.memory_space<vmem>>, vector<16xf32>,
        %mul3A_590 = arith.mulf %get3A_589, %gather3A_544 : vector<16xf32>
        %swap3A_591 = arith.index_cast %add3A_541 : i32 to index
        %swap3A_592 = arith.constant 96 : index
        %swap3A_593 = tpu.vector_load %arg10[%swap3A_591, %swap3A_592] {strides = array<i32>} : memref<128x128xf32, #tpu.memory_space<vmem>>, vector<16xf32>,
        tpu.vector_store %arg10[%swap3A_591, %swap3A_592], %mul3A_590 {strides = array<i32>} : memref<128x128xf32, #tpu.memory_space<vmem>>, vector<16xf32>,
        %get3A_594 = arith.index_cast %add3A_541 : i32 to index
        %get3A_595 = arith.constant 112 : index
        %get3A_596 = tpu.vector_load %arg10[%get3A_594, %get3A_595] {strides = array<i32>} : memref<128x128xf32, #tpu.memory_space<vmem>>, vector<16xf32>,
        %mul3A_597 = arith.mulf %get3A_596, %gather3A_544 : vector<16xf32>
        %swap3A_598 = arith.index_cast %add3A_541 : i32 to index
        %swap3A_599 = arith.constant 112 : index
        %swap3A_600 = tpu.vector_load %arg10[%swap3A_598, %swap3A_599] {strides = array<i32>} : memref<128x128xf32, #tpu.memory_space<vmem>>, vector<16xf32>,
        tpu.vector_store %arg10[%swap3A_598, %swap3A_599], %mul3A_597 {strides = array<i32>} : memref<128x128xf32, #tpu.memory_space<vmem>>, vector<16xf32>,
        %scan3A_601 = arith.constant 7 : i32
        %scan3A_602 = arith.addi %scan3A_151, %scan3A_601 : i32
        %mul3A_603 = arith.constant 1 : i32
        %mul3A_604 = arith.muli %scan3A_602, %mul3A_603 : i32
        %add3A_605 = arith.constant 0 : i32
        %add3A_606 = arith.addi %add3A_605, %mul3A_604 : i32
        %broadcast_in_dim3A_607 = vector.broadcast %mul3A_84 : i32 to vector<16xi32>
        %broadcast_in_dim3A_608 = vector.broadcast %add3A_606 : i32 to vector<16xi32>
        %gather3A_609 = tpu.vector_load_idx %arg9[%broadcast_in_dim3A_607, %broadcast_in_dim3A_608] : memref<40x128xf32, #tpu.memory_space<vmem>>[vector<16xi32>, vector<16xi32>], vector<16xf32>,
        %get3A_610 = arith.index_cast %add3A_606 : i32 to index
        %get3A_611 = arith.constant 0 : index
        %get3A_612 = tpu.vector_load %arg10[%get3A_610, %get3A_611] {strides = array<i32>} : memref<128x128xf32, #tpu.memory_space<vmem>>, vector<16xf32>,
        %mul3A_613 = arith.mulf %get3A_612, %gather3A_609 : vector<16xf32>
        %swap3A_614 = arith.index_cast %add3A_606 : i32 to index
        %swap3A_615 = arith.constant 0 : index
        %swap3A_616 = tpu.vector_load %arg10[%swap3A_614, %swap3A_615] {strides = array<i32>} : memref<128x128xf32, #tpu.memory_space<vmem>>, vector<16xf32>,
        tpu.vector_store %arg10[%swap3A_614, %swap3A_615], %mul3A_613 {strides = array<i32>} : memref<128x128xf32, #tpu.memory_space<vmem>>, vector<16xf32>,
        %get3A_617 = arith.index_cast %add3A_606 : i32 to index
        %get3A_618 = arith.constant 16 : index
        %get3A_619 = tpu.vector_load %arg10[%get3A_617, %get3A_618] {strides = array<i32>} : memref<128x128xf32, #tpu.memory_space<vmem>>, vector<16xf32>,
        %mul3A_620 = arith.mulf %get3A_619, %gather3A_609 : vector<16xf32>
        %swap3A_621 = arith.index_cast %add3A_606 : i32 to index
        %swap3A_622 = arith.constant 16 : index
        %swap3A_623 = tpu.vector_load %arg10[%swap3A_621, %swap3A_622] {strides = array<i32>} : memref<128x128xf32, #tpu.memory_space<vmem>>, vector<16xf32>,
        tpu.vector_store %arg10[%swap3A_621, %swap3A_622], %mul3A_620 {strides = array<i32>} : memref<128x128xf32, #tpu.memory_space<vmem>>, vector<16xf32>,
        %get3A_624 = arith.index_cast %add3A_606 : i32 to index
        %get3A_625 = arith.constant 32 : index
        %get3A_626 = tpu.vector_load %arg10[%get3A_624, %get3A_625] {strides = array<i32>} : memref<128x128xf32, #tpu.memory_space<vmem>>, vector<16xf32>,
        %mul3A_627 = arith.mulf %get3A_626, %gather3A_609 : vector<16xf32>
        %swap3A_628 = arith.index_cast %add3A_606 : i32 to index
        %swap3A_629 = arith.constant 32 : index
        %swap3A_630 = tpu.vector_load %arg10[%swap3A_628, %swap3A_629] {strides = array<i32>} : memref<128x128xf32, #tpu.memory_space<vmem>>, vector<16xf32>,
        tpu.vector_store %arg10[%swap3A_628, %swap3A_629], %mul3A_627 {strides = array<i32>} : memref<128x128xf32, #tpu.memory_space<vmem>>, vector<16xf32>,
        %get3A_631 = arith.index_cast %add3A_606 : i32 to index
        %get3A_632 = arith.constant 48 : index
        %get3A_633 = tpu.vector_load %arg10[%get3A_631, %get3A_632] {strides = array<i32>} : memref<128x128xf32, #tpu.memory_space<vmem>>, vector<16xf32>,
        %mul3A_634 = arith.mulf %get3A_633, %gather3A_609 : vector<16xf32>
        %swap3A_635 = arith.index_cast %add3A_606 : i32 to index
        %swap3A_636 = arith.constant 48 : index
        %swap3A_637 = tpu.vector_load %arg10[%swap3A_635, %swap3A_636] {strides = array<i32>} : memref<128x128xf32, #tpu.memory_space<vmem>>, vector<16xf32>,
        tpu.vector_store %arg10[%swap3A_635, %swap3A_636], %mul3A_634 {strides = array<i32>} : memref<128x128xf32, #tpu.memory_space<vmem>>, vector<16xf32>,
        %get3A_638 = arith.index_cast %add3A_606 : i32 to index
        %get3A_639 = arith.constant 64 : index
        %get3A_640 = tpu.vector_load %arg10[%get3A_638, %get3A_639] {strides = array<i32>} : memref<128x128xf32, #tpu.memory_space<vmem>>, vector<16xf32>,
        %mul3A_641 = arith.mulf %get3A_640, %gather3A_609 : vector<16xf32>
        %swap3A_642 = arith.index_cast %add3A_606 : i32 to index
        %swap3A_643 = arith.constant 64 : index
        %swap3A_644 = tpu.vector_load %arg10[%swap3A_642, %swap3A_643] {strides = array<i32>} : memref<128x128xf32, #tpu.memory_space<vmem>>, vector<16xf32>,
        tpu.vector_store %arg10[%swap3A_642, %swap3A_643], %mul3A_641 {strides = array<i32>} : memref<128x128xf32, #tpu.memory_space<vmem>>, vector<16xf32>,
        %get3A_645 = arith.index_cast %add3A_606 : i32 to index
        %get3A_646 = arith.constant 80 : index
        %get3A_647 = tpu.vector_load %arg10[%get3A_645, %get3A_646] {strides = array<i32>} : memref<128x128xf32, #tpu.memory_space<vmem>>, vector<16xf32>,
        %mul3A_648 = arith.mulf %get3A_647, %gather3A_609 : vector<16xf32>
        %swap3A_649 = arith.index_cast %add3A_606 : i32 to index
        %swap3A_650 = arith.constant 80 : index
        %swap3A_651 = tpu.vector_load %arg10[%swap3A_649, %swap3A_650] {strides = array<i32>} : memref<128x128xf32, #tpu.memory_space<vmem>>, vector<16xf32>,
        tpu.vector_store %arg10[%swap3A_649, %swap3A_650], %mul3A_648 {strides = array<i32>} : memref<128x128xf32, #tpu.memory_space<vmem>>, vector<16xf32>,
        %get3A_652 = arith.index_cast %add3A_606 : i32 to index
        %get3A_653 = arith.constant 96 : index
        %get3A_654 = tpu.vector_load %arg10[%get3A_652, %get3A_653] {strides = array<i32>} : memref<128x128xf32, #tpu.memory_space<vmem>>, vector<16xf32>,
        %mul3A_655 = arith.mulf %get3A_654, %gather3A_609 : vector<16xf32>
        %swap3A_656 = arith.index_cast %add3A_606 : i32 to index
        %swap3A_657 = arith.constant 96 : index
        %swap3A_658 = tpu.vector_load %arg10[%swap3A_656, %swap3A_657] {strides = array<i32>} : memref<128x128xf32, #tpu.memory_space<vmem>>, vector<16xf32>,
        tpu.vector_store %arg10[%swap3A_656, %swap3A_657], %mul3A_655 {strides = array<i32>} : memref<128x128xf32, #tpu.memory_space<vmem>>, vector<16xf32>,
        %get3A_659 = arith.index_cast %add3A_606 : i32 to index
        %get3A_660 = arith.constant 112 : index
        %get3A_661 = tpu.vector_load %arg10[%get3A_659, %get3A_660] {strides = array<i32>} : memref<128x128xf32, #tpu.memory_space<vmem>>, vector<16xf32>,
        %mul3A_662 = arith.mulf %get3A_661, %gather3A_609 : vector<16xf32>
        %swap3A_663 = arith.index_cast %add3A_606 : i32 to index
        %swap3A_664 = arith.constant 112 : index
        %swap3A_665 = tpu.vector_load %arg10[%swap3A_663, %swap3A_664] {strides = array<i32>} : memref<128x128xf32, #tpu.memory_space<vmem>>, vector<16xf32>,
        tpu.vector_store %arg10[%swap3A_663, %swap3A_664], %mul3A_662 {strides = array<i32>} : memref<128x128xf32, #tpu.memory_space<vmem>>, vector<16xf32>,
      }
      %scan3A_113 = arith.constant 128 : i32
      %dma_start3A_114 = arith.constant 0 : i32
      %dma_start3A_115 = tpu.memref_slice %arg8[%mul3A_84, %dma_start3A_114] : memref<40x128xi32, #tpu.memory_space<vmem>> -> memref<1x128xi32, #tpu.memory_space<vmem>>
      %dma_start3A_116 = tpu.memref_squeeze %dma_start3A_115 : memref<1x128xi32, #tpu.memory_space<vmem>> -> memref<128xi32, #tpu.memory_space<vmem>>
      %dma_start3A_117 = arith.constant 0 : i32
      %dma_start3A_118 = arith.constant 0 : i32
      %dma_start3A_119 = tpu.memref_slice %arg12[%dma_start3A_117, %dma_start3A_118] : memref<10240x128xf32, #tpu.memory_space<vmem_shared>> -> memref<10240x128xf32, #tpu.memory_space<vmem_shared>>
      tpu.enqueue_indirect_dma source(%arg10 : memref<128x128xf32, #tpu.memory_space<vmem>>) target(%dma_start3A_119 : memref<10240x128xf32, #tpu.memory_space<vmem_shared>>) offsets(%dma_start3A_116 : memref<128xi32, #tpu.memory_space<vmem>>) semaphore(%arg15 : memref<!tpu.dma_semaphore, #tpu.memory_space<semaphore_mem>>) {add = true}
      %add3A_120 = arith.constant 1 : i32
      %add3A_121 = arith.addi %mul3A_84, %add3A_120 : i32
      %dma_wait3A_122 = arith.constant 0 : i32
      %dma_wait3A_123 = tpu.memref_slice %arg7[%add3A_121, %dma_wait3A_122] : memref<40x128xi32, #tpu.memory_space<vmem>> -> memref<1x128xi32, #tpu.memory_space<vmem>>
      %dma_wait3A_124 = tpu.memref_squeeze %dma_wait3A_123 : memref<1x128xi32, #tpu.memory_space<vmem>> -> memref<128xi32, #tpu.memory_space<vmem>>
      %dma_wait3A_125 = arith.constant 0 : i32
      %dma_wait3A_126 = arith.constant 0 : i32
      %dma_wait3A_127 = tpu.memref_slice %arg2[%arg0, %dma_wait3A_125, %dma_wait3A_126] : memref<2x10240x128xf32, #tpu.memory_space<hbm>> -> memref<1x10240x128xf32, #tpu.memory_space<hbm>>
      %dma_wait3A_128 = tpu.memref_squeeze %dma_wait3A_127 : memref<1x10240x128xf32, #tpu.memory_space<hbm>> -> memref<10240x128xf32, #tpu.memory_space<hbm>>
      %dma_wait3A_129 = arith.constant 0 : i32
      %dma_wait3A_130 = arith.constant 0 : i32
      %dma_wait3A_131 = tpu.memref_slice %dma_wait3A_128[%dma_wait3A_129, %dma_wait3A_130] : memref<10240x128xf32, #tpu.memory_space<hbm>> -> memref<10240x128xf32, #tpu.memory_space<hbm>>
      tpu.wait_indirect_dma semaphore(%arg14 : memref<!tpu.dma_semaphore, #tpu.memory_space<semaphore_mem>>) src(%dma_wait3A_131 : memref<10240x128xf32, #tpu.memory_space<hbm>>) dst(%arg11 : memref<128x128xf32, #tpu.memory_space<vmem>>)
      %add3A_132 = arith.constant 1 : i32
      %add3A_133 = arith.addi %mul3A_84, %add3A_132 : i32
      %scan3A_134 = arith.constant 0 : i32
      %scan3A_135 = arith.constant 128 : i32
      %scan3A_136 = arith.addi %scan3A_134, %scan3A_135 : i32
      %scan3A_137 = arith.constant 8 : i32
      scf.for %scan3A_151 = %scan3A_134 to %scan3A_136 step %scan3A_137  : i32 {
        %mul3A_152 = arith.constant 1 : i32
        %mul3A_153 = arith.muli %scan3A_151, %mul3A_152 : i32
        %add3A_154 = arith.constant 0 : i32
        %add3A_155 = arith.addi %add3A_154, %mul3A_153 : i32
        %broadcast_in_dim3A = vector.broadcast %add3A_133 : i32 to vector<16xi32>
        %broadcast_in_dim3A_156 = vector.broadcast %add3A_155 : i32 to vector<16xi32>
        %gather3A = tpu.vector_load_idx %arg9[%broadcast_in_dim3A, %broadcast_in_dim3A_156] : memref<40x128xf32, #tpu.memory_space<vmem>>[vector<16xi32>, vector<16xi32>], vector<16xf32>,
        %get3A = arith.index_cast %add3A_155 : i32 to index
        %get3A_157 = arith.constant 0 : index
        %get3A_158 = tpu.vector_load %arg11[%get3A, %get3A_157] {strides = array<i32>} : memref<128x128xf32, #tpu.memory_space<vmem>>, vector<16xf32>,
        %mul3A_159 = arith.mulf %get3A_158, %gather3A : vector<16xf32>
        %swap3A = arith.index_cast %add3A_155 : i32 to index
        %swap3A_160 = arith.constant 0 : index
        %swap3A_161 = tpu.vector_load %arg11[%swap3A, %swap3A_160] {strides = array<i32>} : memref<128x128xf32, #tpu.memory_space<vmem>>, vector<16xf32>,
        tpu.vector_store %arg11[%swap3A, %swap3A_160], %mul3A_159 {strides = array<i32>} : memref<128x128xf32, #tpu.memory_space<vmem>>, vector<16xf32>,
        %get3A_162 = arith.index_cast %add3A_155 : i32 to index
        %get3A_163 = arith.constant 16 : index
        %get3A_164 = tpu.vector_load %arg11[%get3A_162, %get3A_163] {strides = array<i32>} : memref<128x128xf32, #tpu.memory_space<vmem>>, vector<16xf32>,
        %mul3A_165 = arith.mulf %get3A_164, %gather3A : vector<16xf32>
        %swap3A_166 = arith.index_cast %add3A_155 : i32 to index
        %swap3A_167 = arith.constant 16 : index
        %swap3A_168 = tpu.vector_load %arg11[%swap3A_166, %swap3A_167] {strides = array<i32>} : memref<128x128xf32, #tpu.memory_space<vmem>>, vector<16xf32>,
        tpu.vector_store %arg11[%swap3A_166, %swap3A_167], %mul3A_165 {strides = array<i32>} : memref<128x128xf32, #tpu.memory_space<vmem>>, vector<16xf32>,
        %get3A_169 = arith.index_cast %add3A_155 : i32 to index
        %get3A_170 = arith.constant 32 : index
        %get3A_171 = tpu.vector_load %arg11[%get3A_169, %get3A_170] {strides = array<i32>} : memref<128x128xf32, #tpu.memory_space<vmem>>, vector<16xf32>,
        %mul3A_172 = arith.mulf %get3A_171, %gather3A : vector<16xf32>
        %swap3A_173 = arith.index_cast %add3A_155 : i32 to index
        %swap3A_174 = arith.constant 32 : index
        %swap3A_175 = tpu.vector_load %arg11[%swap3A_173, %swap3A_174] {strides = array<i32>} : memref<128x128xf32, #tpu.memory_space<vmem>>, vector<16xf32>,
        tpu.vector_store %arg11[%swap3A_173, %swap3A_174], %mul3A_172 {strides = array<i32>} : memref<128x128xf32, #tpu.memory_space<vmem>>, vector<16xf32>,
        %get3A_176 = arith.index_cast %add3A_155 : i32 to index
        %get3A_177 = arith.constant 48 : index
        %get3A_178 = tpu.vector_load %arg11[%get3A_176, %get3A_177] {strides = array<i32>} : memref<128x128xf32, #tpu.memory_space<vmem>>, vector<16xf32>,
        %mul3A_179 = arith.mulf %get3A_178, %gather3A : vector<16xf32>
        %swap3A_180 = arith.index_cast %add3A_155 : i32 to index
        %swap3A_181 = arith.constant 48 : index
        %swap3A_182 = tpu.vector_load %arg11[%swap3A_180, %swap3A_181] {strides = array<i32>} : memref<128x128xf32, #tpu.memory_space<vmem>>, vector<16xf32>,
        tpu.vector_store %arg11[%swap3A_180, %swap3A_181], %mul3A_179 {strides = array<i32>} : memref<128x128xf32, #tpu.memory_space<vmem>>, vector<16xf32>,
        %get3A_183 = arith.index_cast %add3A_155 : i32 to index
        %get3A_184 = arith.constant 64 : index
        %get3A_185 = tpu.vector_load %arg11[%get3A_183, %get3A_184] {strides = array<i32>} : memref<128x128xf32, #tpu.memory_space<vmem>>, vector<16xf32>,
        %mul3A_186 = arith.mulf %get3A_185, %gather3A : vector<16xf32>
        %swap3A_187 = arith.index_cast %add3A_155 : i32 to index
        %swap3A_188 = arith.constant 64 : index
        %swap3A_189 = tpu.vector_load %arg11[%swap3A_187, %swap3A_188] {strides = array<i32>} : memref<128x128xf32, #tpu.memory_space<vmem>>, vector<16xf32>,
        tpu.vector_store %arg11[%swap3A_187, %swap3A_188], %mul3A_186 {strides = array<i32>} : memref<128x128xf32, #tpu.memory_space<vmem>>, vector<16xf32>,
        %get3A_190 = arith.index_cast %add3A_155 : i32 to index
        %get3A_191 = arith.constant 80 : index
        %get3A_192 = tpu.vector_load %arg11[%get3A_190, %get3A_191] {strides = array<i32>} : memref<128x128xf32, #tpu.memory_space<vmem>>, vector<16xf32>,
        %mul3A_193 = arith.mulf %get3A_192, %gather3A : vector<16xf32>
        %swap3A_194 = arith.index_cast %add3A_155 : i32 to index
        %swap3A_195 = arith.constant 80 : index
        %swap3A_196 = tpu.vector_load %arg11[%swap3A_194, %swap3A_195] {strides = array<i32>} : memref<128x128xf32, #tpu.memory_space<vmem>>, vector<16xf32>,
        tpu.vector_store %arg11[%swap3A_194, %swap3A_195], %mul3A_193 {strides = array<i32>} : memref<128x128xf32, #tpu.memory_space<vmem>>, vector<16xf32>,
        %get3A_197 = arith.index_cast %add3A_155 : i32 to index
        %get3A_198 = arith.constant 96 : index
        %get3A_199 = tpu.vector_load %arg11[%get3A_197, %get3A_198] {strides = array<i32>} : memref<128x128xf32, #tpu.memory_space<vmem>>, vector<16xf32>,
        %mul3A_200 = arith.mulf %get3A_199, %gather3A : vector<16xf32>
        %swap3A_201 = arith.index_cast %add3A_155 : i32 to index
        %swap3A_202 = arith.constant 96 : index
        %swap3A_203 = tpu.vector_load %arg11[%swap3A_201, %swap3A_202] {strides = array<i32>} : memref<128x128xf32, #tpu.memory_space<vmem>>, vector<16xf32>,
        tpu.vector_store %arg11[%swap3A_201, %swap3A_202], %mul3A_200 {strides = array<i32>} : memref<128x128xf32, #tpu.memory_space<vmem>>, vector<16xf32>,
        %get3A_204 = arith.index_cast %add3A_155 : i32 to index
        %get3A_205 = arith.constant 112 : index
        %get3A_206 = tpu.vector_load %arg11[%get3A_204, %get3A_205] {strides = array<i32>} : memref<128x128xf32, #tpu.memory_space<vmem>>, vector<16xf32>,
        %mul3A_207 = arith.mulf %get3A_206, %gather3A : vector<16xf32>
        %swap3A_208 = arith.index_cast %add3A_155 : i32 to index
        %swap3A_209 = arith.constant 112 : index
        %swap3A_210 = tpu.vector_load %arg11[%swap3A_208, %swap3A_209] {strides = array<i32>} : memref<128x128xf32, #tpu.memory_space<vmem>>, vector<16xf32>,
        tpu.vector_store %arg11[%swap3A_208, %swap3A_209], %mul3A_207 {strides = array<i32>} : memref<128x128xf32, #tpu.memory_space<vmem>>, vector<16xf32>,
        %scan3A_211 = arith.constant 1 : i32
        %scan3A_212 = arith.addi %scan3A_151, %scan3A_211 : i32
        %mul3A_213 = arith.constant 1 : i32
        %mul3A_214 = arith.muli %scan3A_212, %mul3A_213 : i32
        %add3A_215 = arith.constant 0 : i32
        %add3A_216 = arith.addi %add3A_215, %mul3A_214 : i32
        %broadcast_in_dim3A_217 = vector.broadcast %add3A_133 : i32 to vector<16xi32>
        %broadcast_in_dim3A_218 = vector.broadcast %add3A_216 : i32 to vector<16xi32>
        %gather3A_219 = tpu.vector_load_idx %arg9[%broadcast_in_dim3A_217, %broadcast_in_dim3A_218] : memref<40x128xf32, #tpu.memory_space<vmem>>[vector<16xi32>, vector<16xi32>], vector<16xf32>,
        %get3A_220 = arith.index_cast %add3A_216 : i32 to index
        %get3A_221 = arith.constant 0 : index
        %get3A_222 = tpu.vector_load %arg11[%get3A_220, %get3A_221] {strides = array<i32>} : memref<128x128xf32, #tpu.memory_space<vmem>>, vector<16xf32>,
        %mul3A_223 = arith.mulf %get3A_222, %gather3A_219 : vector<16xf32>
        %swap3A_224 = arith.index_cast %add3A_216 : i32 to index
        %swap3A_225 = arith.constant 0 : index
        %swap3A_226 = tpu.vector_load %arg11[%swap3A_224, %swap3A_225] {strides = array<i32>} : memref<128x128xf32, #tpu.memory_space<vmem>>, vector<16xf32>,
        tpu.vector_store %arg11[%swap3A_224, %swap3A_225], %mul3A_223 {strides = array<i32>} : memref<128x128xf32, #tpu.memory_space<vmem>>, vector<16xf32>,
        %get3A_227 = arith.index_cast %add3A_216 : i32 to index
        %get3A_228 = arith.constant 16 : index
        %get3A_229 = tpu.vector_load %arg11[%get3A_227, %get3A_228] {strides = array<i32>} : memref<128x128xf32, #tpu.memory_space<vmem>>, vector<16xf32>,
        %mul3A_230 = arith.mulf %get3A_229, %gather3A_219 : vector<16xf32>
        %swap3A_231 = arith.index_cast %add3A_216 : i32 to index
        %swap3A_232 = arith.constant 16 : index
        %swap3A_233 = tpu.vector_load %arg11[%swap3A_231, %swap3A_232] {strides = array<i32>} : memref<128x128xf32, #tpu.memory_space<vmem>>, vector<16xf32>,
        tpu.vector_store %arg11[%swap3A_231, %swap3A_232], %mul3A_230 {strides = array<i32>} : memref<128x128xf32, #tpu.memory_space<vmem>>, vector<16xf32>,
        %get3A_234 = arith.index_cast %add3A_216 : i32 to index
        %get3A_235 = arith.constant 32 : index
        %get3A_236 = tpu.vector_load %arg11[%get3A_234, %get3A_235] {strides = array<i32>} : memref<128x128xf32, #tpu.memory_space<vmem>>, vector<16xf32>,
        %mul3A_237 = arith.mulf %get3A_236, %gather3A_219 : vector<16xf32>
        %swap3A_238 = arith.index_cast %add3A_216 : i32 to index
        %swap3A_239 = arith.constant 32 : index
        %swap3A_240 = tpu.vector_load %arg11[%swap3A_238, %swap3A_239] {strides = array<i32>} : memref<128x128xf32, #tpu.memory_space<vmem>>, vector<16xf32>,
        tpu.vector_store %arg11[%swap3A_238, %swap3A_239], %mul3A_237 {strides = array<i32>} : memref<128x128xf32, #tpu.memory_space<vmem>>, vector<16xf32>,
        %get3A_241 = arith.index_cast %add3A_216 : i32 to index
        %get3A_242 = arith.constant 48 : index
        %get3A_243 = tpu.vector_load %arg11[%get3A_241, %get3A_242] {strides = array<i32>} : memref<128x128xf32, #tpu.memory_space<vmem>>, vector<16xf32>,
        %mul3A_244 = arith.mulf %get3A_243, %gather3A_219 : vector<16xf32>
        %swap3A_245 = arith.index_cast %add3A_216 : i32 to index
        %swap3A_246 = arith.constant 48 : index
        %swap3A_247 = tpu.vector_load %arg11[%swap3A_245, %swap3A_246] {strides = array<i32>} : memref<128x128xf32, #tpu.memory_space<vmem>>, vector<16xf32>,
        tpu.vector_store %arg11[%swap3A_245, %swap3A_246], %mul3A_244 {strides = array<i32>} : memref<128x128xf32, #tpu.memory_space<vmem>>, vector<16xf32>,
        %get3A_248 = arith.index_cast %add3A_216 : i32 to index
        %get3A_249 = arith.constant 64 : index
        %get3A_250 = tpu.vector_load %arg11[%get3A_248, %get3A_249] {strides = array<i32>} : memref<128x128xf32, #tpu.memory_space<vmem>>, vector<16xf32>,
        %mul3A_251 = arith.mulf %get3A_250, %gather3A_219 : vector<16xf32>
        %swap3A_252 = arith.index_cast %add3A_216 : i32 to index
        %swap3A_253 = arith.constant 64 : index
        %swap3A_254 = tpu.vector_load %arg11[%swap3A_252, %swap3A_253] {strides = array<i32>} : memref<128x128xf32, #tpu.memory_space<vmem>>, vector<16xf32>,
        tpu.vector_store %arg11[%swap3A_252, %swap3A_253], %mul3A_251 {strides = array<i32>} : memref<128x128xf32, #tpu.memory_space<vmem>>, vector<16xf32>,
        %get3A_255 = arith.index_cast %add3A_216 : i32 to index
        %get3A_256 = arith.constant 80 : index
        %get3A_257 = tpu.vector_load %arg11[%get3A_255, %get3A_256] {strides = array<i32>} : memref<128x128xf32, #tpu.memory_space<vmem>>, vector<16xf32>,
        %mul3A_258 = arith.mulf %get3A_257, %gather3A_219 : vector<16xf32>
        %swap3A_259 = arith.index_cast %add3A_216 : i32 to index
        %swap3A_260 = arith.constant 80 : index
        %swap3A_261 = tpu.vector_load %arg11[%swap3A_259, %swap3A_260] {strides = array<i32>} : memref<128x128xf32, #tpu.memory_space<vmem>>, vector<16xf32>,
        tpu.vector_store %arg11[%swap3A_259, %swap3A_260], %mul3A_258 {strides = array<i32>} : memref<128x128xf32, #tpu.memory_space<vmem>>, vector<16xf32>,
        %get3A_262 = arith.index_cast %add3A_216 : i32 to index
        %get3A_263 = arith.constant 96 : index
        %get3A_264 = tpu.vector_load %arg11[%get3A_262, %get3A_263] {strides = array<i32>} : memref<128x128xf32, #tpu.memory_space<vmem>>, vector<16xf32>,
        %mul3A_265 = arith.mulf %get3A_264, %gather3A_219 : vector<16xf32>
        %swap3A_266 = arith.index_cast %add3A_216 : i32 to index
        %swap3A_267 = arith.constant 96 : index
        %swap3A_268 = tpu.vector_load %arg11[%swap3A_266, %swap3A_267] {strides = array<i32>} : memref<128x128xf32, #tpu.memory_space<vmem>>, vector<16xf32>,
        tpu.vector_store %arg11[%swap3A_266, %swap3A_267], %mul3A_265 {strides = array<i32>} : memref<128x128xf32, #tpu.memory_space<vmem>>, vector<16xf32>,
        %get3A_269 = arith.index_cast %add3A_216 : i32 to index
        %get3A_270 = arith.constant 112 : index
        %get3A_271 = tpu.vector_load %arg11[%get3A_269, %get3A_270] {strides = array<i32>} : memref<128x128xf32, #tpu.memory_space<vmem>>, vector<16xf32>,
        %mul3A_272 = arith.mulf %get3A_271, %gather3A_219 : vector<16xf32>
        %swap3A_273 = arith.index_cast %add3A_216 : i32 to index
        %swap3A_274 = arith.constant 112 : index
        %swap3A_275 = tpu.vector_load %arg11[%swap3A_273, %swap3A_274] {strides = array<i32>} : memref<128x128xf32, #tpu.memory_space<vmem>>, vector<16xf32>,
        tpu.vector_store %arg11[%swap3A_273, %swap3A_274], %mul3A_272 {strides = array<i32>} : memref<128x128xf32, #tpu.memory_space<vmem>>, vector<16xf32>,
        %scan3A_276 = arith.constant 2 : i32
        %scan3A_277 = arith.addi %scan3A_151, %scan3A_276 : i32
        %mul3A_278 = arith.constant 1 : i32
        %mul3A_279 = arith.muli %scan3A_277, %mul3A_278 : i32
        %add3A_280 = arith.constant 0 : i32
        %add3A_281 = arith.addi %add3A_280, %mul3A_279 : i32
        %broadcast_in_dim3A_282 = vector.broadcast %add3A_133 : i32 to vector<16xi32>
        %broadcast_in_dim3A_283 = vector.broadcast %add3A_281 : i32 to vector<16xi32>
        %gather3A_284 = tpu.vector_load_idx %arg9[%broadcast_in_dim3A_282, %broadcast_in_dim3A_283] : memref<40x128xf32, #tpu.memory_space<vmem>>[vector<16xi32>, vector<16xi32>], vector<16xf32>,
        %get3A_285 = arith.index_cast %add3A_281 : i32 to index
        %get3A_286 = arith.constant 0 : index
        %get3A_287 = tpu.vector_load %arg11[%get3A_285, %get3A_286] {strides = array<i32>} : memref<128x128xf32, #tpu.memory_space<vmem>>, vector<16xf32>,
        %mul3A_288 = arith.mulf %get3A_287, %gather3A_284 : vector<16xf32>
        %swap3A_289 = arith.index_cast %add3A_281 : i32 to index
        %swap3A_290 = arith.constant 0 : index
        %swap3A_291 = tpu.vector_load %arg11[%swap3A_289, %swap3A_290] {strides = array<i32>} : memref<128x128xf32, #tpu.memory_space<vmem>>, vector<16xf32>,
        tpu.vector_store %arg11[%swap3A_289, %swap3A_290], %mul3A_288 {strides = array<i32>} : memref<128x128xf32, #tpu.memory_space<vmem>>, vector<16xf32>,
        %get3A_292 = arith.index_cast %add3A_281 : i32 to index
        %get3A_293 = arith.constant 16 : index
        %get3A_294 = tpu.vector_load %arg11[%get3A_292, %get3A_293] {strides = array<i32>} : memref<128x128xf32, #tpu.memory_space<vmem>>, vector<16xf32>,
        %mul3A_295 = arith.mulf %get3A_294, %gather3A_284 : vector<16xf32>
        %swap3A_296 = arith.index_cast %add3A_281 : i32 to index
        %swap3A_297 = arith.constant 16 : index
        %swap3A_298 = tpu.vector_load %arg11[%swap3A_296, %swap3A_297] {strides = array<i32>} : memref<128x128xf32, #tpu.memory_space<vmem>>, vector<16xf32>,
        tpu.vector_store %arg11[%swap3A_296, %swap3A_297], %mul3A_295 {strides = array<i32>} : memref<128x128xf32, #tpu.memory_space<vmem>>, vector<16xf32>,
        %get3A_299 = arith.index_cast %add3A_281 : i32 to index
        %get3A_300 = arith.constant 32 : index
        %get3A_301 = tpu.vector_load %arg11[%get3A_299, %get3A_300] {strides = array<i32>} : memref<128x128xf32, #tpu.memory_space<vmem>>, vector<16xf32>,
        %mul3A_302 = arith.mulf %get3A_301, %gather3A_284 : vector<16xf32>
        %swap3A_303 = arith.index_cast %add3A_281 : i32 to index
        %swap3A_304 = arith.constant 32 : index
        %swap3A_305 = tpu.vector_load %arg11[%swap3A_303, %swap3A_304] {strides = array<i32>} : memref<128x128xf32, #tpu.memory_space<vmem>>, vector<16xf32>,
        tpu.vector_store %arg11[%swap3A_303, %swap3A_304], %mul3A_302 {strides = array<i32>} : memref<128x128xf32, #tpu.memory_space<vmem>>, vector<16xf32>,
        %get3A_306 = arith.index_cast %add3A_281 : i32 to index
        %get3A_307 = arith.constant 48 : index
        %get3A_308 = tpu.vector_load %arg11[%get3A_306, %get3A_307] {strides = array<i32>} : memref<128x128xf32, #tpu.memory_space<vmem>>, vector<16xf32>,
        %mul3A_309 = arith.mulf %get3A_308, %gather3A_284 : vector<16xf32>
        %swap3A_310 = arith.index_cast %add3A_281 : i32 to index
        %swap3A_311 = arith.constant 48 : index
        %swap3A_312 = tpu.vector_load %arg11[%swap3A_310, %swap3A_311] {strides = array<i32>} : memref<128x128xf32, #tpu.memory_space<vmem>>, vector<16xf32>,
        tpu.vector_store %arg11[%swap3A_310, %swap3A_311], %mul3A_309 {strides = array<i32>} : memref<128x128xf32, #tpu.memory_space<vmem>>, vector<16xf32>,
        %get3A_313 = arith.index_cast %add3A_281 : i32 to index
        %get3A_314 = arith.constant 64 : index
        %get3A_315 = tpu.vector_load %arg11[%get3A_313, %get3A_314] {strides = array<i32>} : memref<128x128xf32, #tpu.memory_space<vmem>>, vector<16xf32>,
        %mul3A_316 = arith.mulf %get3A_315, %gather3A_284 : vector<16xf32>
        %swap3A_317 = arith.index_cast %add3A_281 : i32 to index
        %swap3A_318 = arith.constant 64 : index
        %swap3A_319 = tpu.vector_load %arg11[%swap3A_317, %swap3A_318] {strides = array<i32>} : memref<128x128xf32, #tpu.memory_space<vmem>>, vector<16xf32>,
        tpu.vector_store %arg11[%swap3A_317, %swap3A_318], %mul3A_316 {strides = array<i32>} : memref<128x128xf32, #tpu.memory_space<vmem>>, vector<16xf32>,
        %get3A_320 = arith.index_cast %add3A_281 : i32 to index
        %get3A_321 = arith.constant 80 : index
        %get3A_322 = tpu.vector_load %arg11[%get3A_320, %get3A_321] {strides = array<i32>} : memref<128x128xf32, #tpu.memory_space<vmem>>, vector<16xf32>,
        %mul3A_323 = arith.mulf %get3A_322, %gather3A_284 : vector<16xf32>
        %swap3A_324 = arith.index_cast %add3A_281 : i32 to index
        %swap3A_325 = arith.constant 80 : index
        %swap3A_326 = tpu.vector_load %arg11[%swap3A_324, %swap3A_325] {strides = array<i32>} : memref<128x128xf32, #tpu.memory_space<vmem>>, vector<16xf32>,
        tpu.vector_store %arg11[%swap3A_324, %swap3A_325], %mul3A_323 {strides = array<i32>} : memref<128x128xf32, #tpu.memory_space<vmem>>, vector<16xf32>,
        %get3A_327 = arith.index_cast %add3A_281 : i32 to index
        %get3A_328 = arith.constant 96 : index
        %get3A_329 = tpu.vector_load %arg11[%get3A_327, %get3A_328] {strides = array<i32>} : memref<128x128xf32, #tpu.memory_space<vmem>>, vector<16xf32>,
        %mul3A_330 = arith.mulf %get3A_329, %gather3A_284 : vector<16xf32>
        %swap3A_331 = arith.index_cast %add3A_281 : i32 to index
        %swap3A_332 = arith.constant 96 : index
        %swap3A_333 = tpu.vector_load %arg11[%swap3A_331, %swap3A_332] {strides = array<i32>} : memref<128x128xf32, #tpu.memory_space<vmem>>, vector<16xf32>,
        tpu.vector_store %arg11[%swap3A_331, %swap3A_332], %mul3A_330 {strides = array<i32>} : memref<128x128xf32, #tpu.memory_space<vmem>>, vector<16xf32>,
        %get3A_334 = arith.index_cast %add3A_281 : i32 to index
        %get3A_335 = arith.constant 112 : index
        %get3A_336 = tpu.vector_load %arg11[%get3A_334, %get3A_335] {strides = array<i32>} : memref<128x128xf32, #tpu.memory_space<vmem>>, vector<16xf32>,
        %mul3A_337 = arith.mulf %get3A_336, %gather3A_284 : vector<16xf32>
        %swap3A_338 = arith.index_cast %add3A_281 : i32 to index
        %swap3A_339 = arith.constant 112 : index
        %swap3A_340 = tpu.vector_load %arg11[%swap3A_338, %swap3A_339] {strides = array<i32>} : memref<128x128xf32, #tpu.memory_space<vmem>>, vector<16xf32>,
        tpu.vector_store %arg11[%swap3A_338, %swap3A_339], %mul3A_337 {strides = array<i32>} : memref<128x128xf32, #tpu.memory_space<vmem>>, vector<16xf32>,
        %scan3A_341 = arith.constant 3 : i32
        %scan3A_342 = arith.addi %scan3A_151, %scan3A_341 : i32
        %mul3A_343 = arith.constant 1 : i32
        %mul3A_344 = arith.muli %scan3A_342, %mul3A_343 : i32
        %add3A_345 = arith.constant 0 : i32
        %add3A_346 = arith.addi %add3A_345, %mul3A_344 : i32
        %broadcast_in_dim3A_347 = vector.broadcast %add3A_133 : i32 to vector<16xi32>
        %broadcast_in_dim3A_348 = vector.broadcast %add3A_346 : i32 to vector<16xi32>
        %gather3A_349 = tpu.vector_load_idx %arg9[%broadcast_in_dim3A_347, %broadcast_in_dim3A_348] : memref<40x128xf32, #tpu.memory_space<vmem>>[vector<16xi32>, vector<16xi32>], vector<16xf32>,
        %get3A_350 = arith.index_cast %add3A_346 : i32 to index
        %get3A_351 = arith.constant 0 : index
        %get3A_352 = tpu.vector_load %arg11[%get3A_350, %get3A_351] {strides = array<i32>} : memref<128x128xf32, #tpu.memory_space<vmem>>, vector<16xf32>,
        %mul3A_353 = arith.mulf %get3A_352, %gather3A_349 : vector<16xf32>
        %swap3A_354 = arith.index_cast %add3A_346 : i32 to index
        %swap3A_355 = arith.constant 0 : index
        %swap3A_356 = tpu.vector_load %arg11[%swap3A_354, %swap3A_355] {strides = array<i32>} : memref<128x128xf32, #tpu.memory_space<vmem>>, vector<16xf32>,
        tpu.vector_store %arg11[%swap3A_354, %swap3A_355], %mul3A_353 {strides = array<i32>} : memref<128x128xf32, #tpu.memory_space<vmem>>, vector<16xf32>,
        %get3A_357 = arith.index_cast %add3A_346 : i32 to index
        %get3A_358 = arith.constant 16 : index
        %get3A_359 = tpu.vector_load %arg11[%get3A_357, %get3A_358] {strides = array<i32>} : memref<128x128xf32, #tpu.memory_space<vmem>>, vector<16xf32>,
        %mul3A_360 = arith.mulf %get3A_359, %gather3A_349 : vector<16xf32>
        %swap3A_361 = arith.index_cast %add3A_346 : i32 to index
        %swap3A_362 = arith.constant 16 : index
        %swap3A_363 = tpu.vector_load %arg11[%swap3A_361, %swap3A_362] {strides = array<i32>} : memref<128x128xf32, #tpu.memory_space<vmem>>, vector<16xf32>,
        tpu.vector_store %arg11[%swap3A_361, %swap3A_362], %mul3A_360 {strides = array<i32>} : memref<128x128xf32, #tpu.memory_space<vmem>>, vector<16xf32>,
        %get3A_364 = arith.index_cast %add3A_346 : i32 to index
        %get3A_365 = arith.constant 32 : index
        %get3A_366 = tpu.vector_load %arg11[%get3A_364, %get3A_365] {strides = array<i32>} : memref<128x128xf32, #tpu.memory_space<vmem>>, vector<16xf32>,
        %mul3A_367 = arith.mulf %get3A_366, %gather3A_349 : vector<16xf32>
        %swap3A_368 = arith.index_cast %add3A_346 : i32 to index
        %swap3A_369 = arith.constant 32 : index
        %swap3A_370 = tpu.vector_load %arg11[%swap3A_368, %swap3A_369] {strides = array<i32>} : memref<128x128xf32, #tpu.memory_space<vmem>>, vector<16xf32>,
        tpu.vector_store %arg11[%swap3A_368, %swap3A_369], %mul3A_367 {strides = array<i32>} : memref<128x128xf32, #tpu.memory_space<vmem>>, vector<16xf32>,
        %get3A_371 = arith.index_cast %add3A_346 : i32 to index
        %get3A_372 = arith.constant 48 : index
        %get3A_373 = tpu.vector_load %arg11[%get3A_371, %get3A_372] {strides = array<i32>} : memref<128x128xf32, #tpu.memory_space<vmem>>, vector<16xf32>,
        %mul3A_374 = arith.mulf %get3A_373, %gather3A_349 : vector<16xf32>
        %swap3A_375 = arith.index_cast %add3A_346 : i32 to index
        %swap3A_376 = arith.constant 48 : index
        %swap3A_377 = tpu.vector_load %arg11[%swap3A_375, %swap3A_376] {strides = array<i32>} : memref<128x128xf32, #tpu.memory_space<vmem>>, vector<16xf32>,
        tpu.vector_store %arg11[%swap3A_375, %swap3A_376], %mul3A_374 {strides = array<i32>} : memref<128x128xf32, #tpu.memory_space<vmem>>, vector<16xf32>,
        %get3A_378 = arith.index_cast %add3A_346 : i32 to index
        %get3A_379 = arith.constant 64 : index
        %get3A_380 = tpu.vector_load %arg11[%get3A_378, %get3A_379] {strides = array<i32>} : memref<128x128xf32, #tpu.memory_space<vmem>>, vector<16xf32>,
        %mul3A_381 = arith.mulf %get3A_380, %gather3A_349 : vector<16xf32>
        %swap3A_382 = arith.index_cast %add3A_346 : i32 to index
        %swap3A_383 = arith.constant 64 : index
        %swap3A_384 = tpu.vector_load %arg11[%swap3A_382, %swap3A_383] {strides = array<i32>} : memref<128x128xf32, #tpu.memory_space<vmem>>, vector<16xf32>,
        tpu.vector_store %arg11[%swap3A_382, %swap3A_383], %mul3A_381 {strides = array<i32>} : memref<128x128xf32, #tpu.memory_space<vmem>>, vector<16xf32>,
        %get3A_385 = arith.index_cast %add3A_346 : i32 to index
        %get3A_386 = arith.constant 80 : index
        %get3A_387 = tpu.vector_load %arg11[%get3A_385, %get3A_386] {strides = array<i32>} : memref<128x128xf32, #tpu.memory_space<vmem>>, vector<16xf32>,
        %mul3A_388 = arith.mulf %get3A_387, %gather3A_349 : vector<16xf32>
        %swap3A_389 = arith.index_cast %add3A_346 : i32 to index
        %swap3A_390 = arith.constant 80 : index
        %swap3A_391 = tpu.vector_load %arg11[%swap3A_389, %swap3A_390] {strides = array<i32>} : memref<128x128xf32, #tpu.memory_space<vmem>>, vector<16xf32>,
        tpu.vector_store %arg11[%swap3A_389, %swap3A_390], %mul3A_388 {strides = array<i32>} : memref<128x128xf32, #tpu.memory_space<vmem>>, vector<16xf32>,
        %get3A_392 = arith.index_cast %add3A_346 : i32 to index
        %get3A_393 = arith.constant 96 : index
        %get3A_394 = tpu.vector_load %arg11[%get3A_392, %get3A_393] {strides = array<i32>} : memref<128x128xf32, #tpu.memory_space<vmem>>, vector<16xf32>,
        %mul3A_395 = arith.mulf %get3A_394, %gather3A_349 : vector<16xf32>
        %swap3A_396 = arith.index_cast %add3A_346 : i32 to index
        %swap3A_397 = arith.constant 96 : index
        %swap3A_398 = tpu.vector_load %arg11[%swap3A_396, %swap3A_397] {strides = array<i32>} : memref<128x128xf32, #tpu.memory_space<vmem>>, vector<16xf32>,
        tpu.vector_store %arg11[%swap3A_396, %swap3A_397], %mul3A_395 {strides = array<i32>} : memref<128x128xf32, #tpu.memory_space<vmem>>, vector<16xf32>,
        %get3A_399 = arith.index_cast %add3A_346 : i32 to index
        %get3A_400 = arith.constant 112 : index
        %get3A_401 = tpu.vector_load %arg11[%get3A_399, %get3A_400] {strides = array<i32>} : memref<128x128xf32, #tpu.memory_space<vmem>>, vector<16xf32>,
        %mul3A_402 = arith.mulf %get3A_401, %gather3A_349 : vector<16xf32>
        %swap3A_403 = arith.index_cast %add3A_346 : i32 to index
        %swap3A_404 = arith.constant 112 : index
        %swap3A_405 = tpu.vector_load %arg11[%swap3A_403, %swap3A_404] {strides = array<i32>} : memref<128x128xf32, #tpu.memory_space<vmem>>, vector<16xf32>,
        tpu.vector_store %arg11[%swap3A_403, %swap3A_404], %mul3A_402 {strides = array<i32>} : memref<128x128xf32, #tpu.memory_space<vmem>>, vector<16xf32>,
        %scan3A_406 = arith.constant 4 : i32
        %scan3A_407 = arith.addi %scan3A_151, %scan3A_406 : i32
        %mul3A_408 = arith.constant 1 : i32
        %mul3A_409 = arith.muli %scan3A_407, %mul3A_408 : i32
        %add3A_410 = arith.constant 0 : i32
        %add3A_411 = arith.addi %add3A_410, %mul3A_409 : i32
        %broadcast_in_dim3A_412 = vector.broadcast %add3A_133 : i32 to vector<16xi32>
        %broadcast_in_dim3A_413 = vector.broadcast %add3A_411 : i32 to vector<16xi32>
        %gather3A_414 = tpu.vector_load_idx %arg9[%broadcast_in_dim3A_412, %broadcast_in_dim3A_413] : memref<40x128xf32, #tpu.memory_space<vmem>>[vector<16xi32>, vector<16xi32>], vector<16xf32>,
        %get3A_415 = arith.index_cast %add3A_411 : i32 to index
        %get3A_416 = arith.constant 0 : index
        %get3A_417 = tpu.vector_load %arg11[%get3A_415, %get3A_416] {strides = array<i32>} : memref<128x128xf32, #tpu.memory_space<vmem>>, vector<16xf32>,
        %mul3A_418 = arith.mulf %get3A_417, %gather3A_414 : vector<16xf32>
        %swap3A_419 = arith.index_cast %add3A_411 : i32 to index
        %swap3A_420 = arith.constant 0 : index
        %swap3A_421 = tpu.vector_load %arg11[%swap3A_419, %swap3A_420] {strides = array<i32>} : memref<128x128xf32, #tpu.memory_space<vmem>>, vector<16xf32>,
        tpu.vector_store %arg11[%swap3A_419, %swap3A_420], %mul3A_418 {strides = array<i32>} : memref<128x128xf32, #tpu.memory_space<vmem>>, vector<16xf32>,
        %get3A_422 = arith.index_cast %add3A_411 : i32 to index
        %get3A_423 = arith.constant 16 : index
        %get3A_424 = tpu.vector_load %arg11[%get3A_422, %get3A_423] {strides = array<i32>} : memref<128x128xf32, #tpu.memory_space<vmem>>, vector<16xf32>,
        %mul3A_425 = arith.mulf %get3A_424, %gather3A_414 : vector<16xf32>
        %swap3A_426 = arith.index_cast %add3A_411 : i32 to index
        %swap3A_427 = arith.constant 16 : index
        %swap3A_428 = tpu.vector_load %arg11[%swap3A_426, %swap3A_427] {strides = array<i32>} : memref<128x128xf32, #tpu.memory_space<vmem>>, vector<16xf32>,
        tpu.vector_store %arg11[%swap3A_426, %swap3A_427], %mul3A_425 {strides = array<i32>} : memref<128x128xf32, #tpu.memory_space<vmem>>, vector<16xf32>,
        %get3A_429 = arith.index_cast %add3A_411 : i32 to index
        %get3A_430 = arith.constant 32 : index
        %get3A_431 = tpu.vector_load %arg11[%get3A_429, %get3A_430] {strides = array<i32>} : memref<128x128xf32, #tpu.memory_space<vmem>>, vector<16xf32>,
        %mul3A_432 = arith.mulf %get3A_431, %gather3A_414 : vector<16xf32>
        %swap3A_433 = arith.index_cast %add3A_411 : i32 to index
        %swap3A_434 = arith.constant 32 : index
        %swap3A_435 = tpu.vector_load %arg11[%swap3A_433, %swap3A_434] {strides = array<i32>} : memref<128x128xf32, #tpu.memory_space<vmem>>, vector<16xf32>,
        tpu.vector_store %arg11[%swap3A_433, %swap3A_434], %mul3A_432 {strides = array<i32>} : memref<128x128xf32, #tpu.memory_space<vmem>>, vector<16xf32>,
        %get3A_436 = arith.index_cast %add3A_411 : i32 to index
        %get3A_437 = arith.constant 48 : index
        %get3A_438 = tpu.vector_load %arg11[%get3A_436, %get3A_437] {strides = array<i32>} : memref<128x128xf32, #tpu.memory_space<vmem>>, vector<16xf32>,
        %mul3A_439 = arith.mulf %get3A_438, %gather3A_414 : vector<16xf32>
        %swap3A_440 = arith.index_cast %add3A_411 : i32 to index
        %swap3A_441 = arith.constant 48 : index
        %swap3A_442 = tpu.vector_load %arg11[%swap3A_440, %swap3A_441] {strides = array<i32>} : memref<128x128xf32, #tpu.memory_space<vmem>>, vector<16xf32>,
        tpu.vector_store %arg11[%swap3A_440, %swap3A_441], %mul3A_439 {strides = array<i32>} : memref<128x128xf32, #tpu.memory_space<vmem>>, vector<16xf32>,
        %get3A_443 = arith.index_cast %add3A_411 : i32 to index
        %get3A_444 = arith.constant 64 : index
        %get3A_445 = tpu.vector_load %arg11[%get3A_443, %get3A_444] {strides = array<i32>} : memref<128x128xf32, #tpu.memory_space<vmem>>, vector<16xf32>,
        %mul3A_446 = arith.mulf %get3A_445, %gather3A_414 : vector<16xf32>
        %swap3A_447 = arith.index_cast %add3A_411 : i32 to index
        %swap3A_448 = arith.constant 64 : index
        %swap3A_449 = tpu.vector_load %arg11[%swap3A_447, %swap3A_448] {strides = array<i32>} : memref<128x128xf32, #tpu.memory_space<vmem>>, vector<16xf32>,
        tpu.vector_store %arg11[%swap3A_447, %swap3A_448], %mul3A_446 {strides = array<i32>} : memref<128x128xf32, #tpu.memory_space<vmem>>, vector<16xf32>,
        %get3A_450 = arith.index_cast %add3A_411 : i32 to index
        %get3A_451 = arith.constant 80 : index
        %get3A_452 = tpu.vector_load %arg11[%get3A_450, %get3A_451] {strides = array<i32>} : memref<128x128xf32, #tpu.memory_space<vmem>>, vector<16xf32>,
        %mul3A_453 = arith.mulf %get3A_452, %gather3A_414 : vector<16xf32>
        %swap3A_454 = arith.index_cast %add3A_411 : i32 to index
        %swap3A_455 = arith.constant 80 : index
        %swap3A_456 = tpu.vector_load %arg11[%swap3A_454, %swap3A_455] {strides = array<i32>} : memref<128x128xf32, #tpu.memory_space<vmem>>, vector<16xf32>,
        tpu.vector_store %arg11[%swap3A_454, %swap3A_455], %mul3A_453 {strides = array<i32>} : memref<128x128xf32, #tpu.memory_space<vmem>>, vector<16xf32>,
        %get3A_457 = arith.index_cast %add3A_411 : i32 to index
        %get3A_458 = arith.constant 96 : index
        %get3A_459 = tpu.vector_load %arg11[%get3A_457, %get3A_458] {strides = array<i32>} : memref<128x128xf32, #tpu.memory_space<vmem>>, vector<16xf32>,
        %mul3A_460 = arith.mulf %get3A_459, %gather3A_414 : vector<16xf32>
        %swap3A_461 = arith.index_cast %add3A_411 : i32 to index
        %swap3A_462 = arith.constant 96 : index
        %swap3A_463 = tpu.vector_load %arg11[%swap3A_461, %swap3A_462] {strides = array<i32>} : memref<128x128xf32, #tpu.memory_space<vmem>>, vector<16xf32>,
        tpu.vector_store %arg11[%swap3A_461, %swap3A_462], %mul3A_460 {strides = array<i32>} : memref<128x128xf32, #tpu.memory_space<vmem>>, vector<16xf32>,
        %get3A_464 = arith.index_cast %add3A_411 : i32 to index
        %get3A_465 = arith.constant 112 : index
        %get3A_466 = tpu.vector_load %arg11[%get3A_464, %get3A_465] {strides = array<i32>} : memref<128x128xf32, #tpu.memory_space<vmem>>, vector<16xf32>,
        %mul3A_467 = arith.mulf %get3A_466, %gather3A_414 : vector<16xf32>
        %swap3A_468 = arith.index_cast %add3A_411 : i32 to index
        %swap3A_469 = arith.constant 112 : index
        %swap3A_470 = tpu.vector_load %arg11[%swap3A_468, %swap3A_469] {strides = array<i32>} : memref<128x128xf32, #tpu.memory_space<vmem>>, vector<16xf32>,
        tpu.vector_store %arg11[%swap3A_468, %swap3A_469], %mul3A_467 {strides = array<i32>} : memref<128x128xf32, #tpu.memory_space<vmem>>, vector<16xf32>,
        %scan3A_471 = arith.constant 5 : i32
        %scan3A_472 = arith.addi %scan3A_151, %scan3A_471 : i32
        %mul3A_473 = arith.constant 1 : i32
        %mul3A_474 = arith.muli %scan3A_472, %mul3A_473 : i32
        %add3A_475 = arith.constant 0 : i32
        %add3A_476 = arith.addi %add3A_475, %mul3A_474 : i32
        %broadcast_in_dim3A_477 = vector.broadcast %add3A_133 : i32 to vector<16xi32>
        %broadcast_in_dim3A_478 = vector.broadcast %add3A_476 : i32 to vector<16xi32>
        %gather3A_479 = tpu.vector_load_idx %arg9[%broadcast_in_dim3A_477, %broadcast_in_dim3A_478] : memref<40x128xf32, #tpu.memory_space<vmem>>[vector<16xi32>, vector<16xi32>], vector<16xf32>,
        %get3A_480 = arith.index_cast %add3A_476 : i32 to index
        %get3A_481 = arith.constant 0 : index
        %get3A_482 = tpu.vector_load %arg11[%get3A_480, %get3A_481] {strides = array<i32>} : memref<128x128xf32, #tpu.memory_space<vmem>>, vector<16xf32>,
        %mul3A_483 = arith.mulf %get3A_482, %gather3A_479 : vector<16xf32>
        %swap3A_484 = arith.index_cast %add3A_476 : i32 to index
        %swap3A_485 = arith.constant 0 : index
        %swap3A_486 = tpu.vector_load %arg11[%swap3A_484, %swap3A_485] {strides = array<i32>} : memref<128x128xf32, #tpu.memory_space<vmem>>, vector<16xf32>,
        tpu.vector_store %arg11[%swap3A_484, %swap3A_485], %mul3A_483 {strides = array<i32>} : memref<128x128xf32, #tpu.memory_space<vmem>>, vector<16xf32>,
        %get3A_487 = arith.index_cast %add3A_476 : i32 to index
        %get3A_488 = arith.constant 16 : index
        %get3A_489 = tpu.vector_load %arg11[%get3A_487, %get3A_488] {strides = array<i32>} : memref<128x128xf32, #tpu.memory_space<vmem>>, vector<16xf32>,
        %mul3A_490 = arith.mulf %get3A_489, %gather3A_479 : vector<16xf32>
        %swap3A_491 = arith.index_cast %add3A_476 : i32 to index
        %swap3A_492 = arith.constant 16 : index
        %swap3A_493 = tpu.vector_load %arg11[%swap3A_491, %swap3A_492] {strides = array<i32>} : memref<128x128xf32, #tpu.memory_space<vmem>>, vector<16xf32>,
        tpu.vector_store %arg11[%swap3A_491, %swap3A_492], %mul3A_490 {strides = array<i32>} : memref<128x128xf32, #tpu.memory_space<vmem>>, vector<16xf32>,
        %get3A_494 = arith.index_cast %add3A_476 : i32 to index
        %get3A_495 = arith.constant 32 : index
        %get3A_496 = tpu.vector_load %arg11[%get3A_494, %get3A_495] {strides = array<i32>} : memref<128x128xf32, #tpu.memory_space<vmem>>, vector<16xf32>,
        %mul3A_497 = arith.mulf %get3A_496, %gather3A_479 : vector<16xf32>
        %swap3A_498 = arith.index_cast %add3A_476 : i32 to index
        %swap3A_499 = arith.constant 32 : index
        %swap3A_500 = tpu.vector_load %arg11[%swap3A_498, %swap3A_499] {strides = array<i32>} : memref<128x128xf32, #tpu.memory_space<vmem>>, vector<16xf32>,
        tpu.vector_store %arg11[%swap3A_498, %swap3A_499], %mul3A_497 {strides = array<i32>} : memref<128x128xf32, #tpu.memory_space<vmem>>, vector<16xf32>,
        %get3A_501 = arith.index_cast %add3A_476 : i32 to index
        %get3A_502 = arith.constant 48 : index
        %get3A_503 = tpu.vector_load %arg11[%get3A_501, %get3A_502] {strides = array<i32>} : memref<128x128xf32, #tpu.memory_space<vmem>>, vector<16xf32>,
        %mul3A_504 = arith.mulf %get3A_503, %gather3A_479 : vector<16xf32>
        %swap3A_505 = arith.index_cast %add3A_476 : i32 to index
        %swap3A_506 = arith.constant 48 : index
        %swap3A_507 = tpu.vector_load %arg11[%swap3A_505, %swap3A_506] {strides = array<i32>} : memref<128x128xf32, #tpu.memory_space<vmem>>, vector<16xf32>,
        tpu.vector_store %arg11[%swap3A_505, %swap3A_506], %mul3A_504 {strides = array<i32>} : memref<128x128xf32, #tpu.memory_space<vmem>>, vector<16xf32>,
        %get3A_508 = arith.index_cast %add3A_476 : i32 to index
        %get3A_509 = arith.constant 64 : index
        %get3A_510 = tpu.vector_load %arg11[%get3A_508, %get3A_509] {strides = array<i32>} : memref<128x128xf32, #tpu.memory_space<vmem>>, vector<16xf32>,
        %mul3A_511 = arith.mulf %get3A_510, %gather3A_479 : vector<16xf32>
        %swap3A_512 = arith.index_cast %add3A_476 : i32 to index
        %swap3A_513 = arith.constant 64 : index
        %swap3A_514 = tpu.vector_load %arg11[%swap3A_512, %swap3A_513] {strides = array<i32>} : memref<128x128xf32, #tpu.memory_space<vmem>>, vector<16xf32>,
        tpu.vector_store %arg11[%swap3A_512, %swap3A_513], %mul3A_511 {strides = array<i32>} : memref<128x128xf32, #tpu.memory_space<vmem>>, vector<16xf32>,
        %get3A_515 = arith.index_cast %add3A_476 : i32 to index
        %get3A_516 = arith.constant 80 : index
        %get3A_517 = tpu.vector_load %arg11[%get3A_515, %get3A_516] {strides = array<i32>} : memref<128x128xf32, #tpu.memory_space<vmem>>, vector<16xf32>,
        %mul3A_518 = arith.mulf %get3A_517, %gather3A_479 : vector<16xf32>
        %swap3A_519 = arith.index_cast %add3A_476 : i32 to index
        %swap3A_520 = arith.constant 80 : index
        %swap3A_521 = tpu.vector_load %arg11[%swap3A_519, %swap3A_520] {strides = array<i32>} : memref<128x128xf32, #tpu.memory_space<vmem>>, vector<16xf32>,
        tpu.vector_store %arg11[%swap3A_519, %swap3A_520], %mul3A_518 {strides = array<i32>} : memref<128x128xf32, #tpu.memory_space<vmem>>, vector<16xf32>,
        %get3A_522 = arith.index_cast %add3A_476 : i32 to index
        %get3A_523 = arith.constant 96 : index
        %get3A_524 = tpu.vector_load %arg11[%get3A_522, %get3A_523] {strides = array<i32>} : memref<128x128xf32, #tpu.memory_space<vmem>>, vector<16xf32>,
        %mul3A_525 = arith.mulf %get3A_524, %gather3A_479 : vector<16xf32>
        %swap3A_526 = arith.index_cast %add3A_476 : i32 to index
        %swap3A_527 = arith.constant 96 : index
        %swap3A_528 = tpu.vector_load %arg11[%swap3A_526, %swap3A_527] {strides = array<i32>} : memref<128x128xf32, #tpu.memory_space<vmem>>, vector<16xf32>,
        tpu.vector_store %arg11[%swap3A_526, %swap3A_527], %mul3A_525 {strides = array<i32>} : memref<128x128xf32, #tpu.memory_space<vmem>>, vector<16xf32>,
        %get3A_529 = arith.index_cast %add3A_476 : i32 to index
        %get3A_530 = arith.constant 112 : index
        %get3A_531 = tpu.vector_load %arg11[%get3A_529, %get3A_530] {strides = array<i32>} : memref<128x128xf32, #tpu.memory_space<vmem>>, vector<16xf32>,
        %mul3A_532 = arith.mulf %get3A_531, %gather3A_479 : vector<16xf32>
        %swap3A_533 = arith.index_cast %add3A_476 : i32 to index
        %swap3A_534 = arith.constant 112 : index
        %swap3A_535 = tpu.vector_load %arg11[%swap3A_533, %swap3A_534] {strides = array<i32>} : memref<128x128xf32, #tpu.memory_space<vmem>>, vector<16xf32>,
        tpu.vector_store %arg11[%swap3A_533, %swap3A_534], %mul3A_532 {strides = array<i32>} : memref<128x128xf32, #tpu.memory_space<vmem>>, vector<16xf32>,
        %scan3A_536 = arith.constant 6 : i32
        %scan3A_537 = arith.addi %scan3A_151, %scan3A_536 : i32
        %mul3A_538 = arith.constant 1 : i32
        %mul3A_539 = arith.muli %scan3A_537, %mul3A_538 : i32
        %add3A_540 = arith.constant 0 : i32
        %add3A_541 = arith.addi %add3A_540, %mul3A_539 : i32
        %broadcast_in_dim3A_542 = vector.broadcast %add3A_133 : i32 to vector<16xi32>
        %broadcast_in_dim3A_543 = vector.broadcast %add3A_541 : i32 to vector<16xi32>
        %gather3A_544 = tpu.vector_load_idx %arg9[%broadcast_in_dim3A_542, %broadcast_in_dim3A_543] : memref<40x128xf32, #tpu.memory_space<vmem>>[vector<16xi32>, vector<16xi32>], vector<16xf32>,
        %get3A_545 = arith.index_cast %add3A_541 : i32 to index
        %get3A_546 = arith.constant 0 : index
        %get3A_547 = tpu.vector_load %arg11[%get3A_545, %get3A_546] {strides = array<i32>} : memref<128x128xf32, #tpu.memory_space<vmem>>, vector<16xf32>,
        %mul3A_548 = arith.mulf %get3A_547, %gather3A_544 : vector<16xf32>
        %swap3A_549 = arith.index_cast %add3A_541 : i32 to index
        %swap3A_550 = arith.constant 0 : index
        %swap3A_551 = tpu.vector_load %arg11[%swap3A_549, %swap3A_550] {strides = array<i32>} : memref<128x128xf32, #tpu.memory_space<vmem>>, vector<16xf32>,
        tpu.vector_store %arg11[%swap3A_549, %swap3A_550], %mul3A_548 {strides = array<i32>} : memref<128x128xf32, #tpu.memory_space<vmem>>, vector<16xf32>,
        %get3A_552 = arith.index_cast %add3A_541 : i32 to index
        %get3A_553 = arith.constant 16 : index
        %get3A_554 = tpu.vector_load %arg11[%get3A_552, %get3A_553] {strides = array<i32>} : memref<128x128xf32, #tpu.memory_space<vmem>>, vector<16xf32>,
        %mul3A_555 = arith.mulf %get3A_554, %gather3A_544 : vector<16xf32>
        %swap3A_556 = arith.index_cast %add3A_541 : i32 to index
        %swap3A_557 = arith.constant 16 : index
        %swap3A_558 = tpu.vector_load %arg11[%swap3A_556, %swap3A_557] {strides = array<i32>} : memref<128x128xf32, #tpu.memory_space<vmem>>, vector<16xf32>,
        tpu.vector_store %arg11[%swap3A_556, %swap3A_557], %mul3A_555 {strides = array<i32>} : memref<128x128xf32, #tpu.memory_space<vmem>>, vector<16xf32>,
        %get3A_559 = arith.index_cast %add3A_541 : i32 to index
        %get3A_560 = arith.constant 32 : index
        %get3A_561 = tpu.vector_load %arg11[%get3A_559, %get3A_560] {strides = array<i32>} : memref<128x128xf32, #tpu.memory_space<vmem>>, vector<16xf32>,
        %mul3A_562 = arith.mulf %get3A_561, %gather3A_544 : vector<16xf32>
        %swap3A_563 = arith.index_cast %add3A_541 : i32 to index
        %swap3A_564 = arith.constant 32 : index
        %swap3A_565 = tpu.vector_load %arg11[%swap3A_563, %swap3A_564] {strides = array<i32>} : memref<128x128xf32, #tpu.memory_space<vmem>>, vector<16xf32>,
        tpu.vector_store %arg11[%swap3A_563, %swap3A_564], %mul3A_562 {strides = array<i32>} : memref<128x128xf32, #tpu.memory_space<vmem>>, vector<16xf32>,
        %get3A_566 = arith.index_cast %add3A_541 : i32 to index
        %get3A_567 = arith.constant 48 : index
        %get3A_568 = tpu.vector_load %arg11[%get3A_566, %get3A_567] {strides = array<i32>} : memref<128x128xf32, #tpu.memory_space<vmem>>, vector<16xf32>,
        %mul3A_569 = arith.mulf %get3A_568, %gather3A_544 : vector<16xf32>
        %swap3A_570 = arith.index_cast %add3A_541 : i32 to index
        %swap3A_571 = arith.constant 48 : index
        %swap3A_572 = tpu.vector_load %arg11[%swap3A_570, %swap3A_571] {strides = array<i32>} : memref<128x128xf32, #tpu.memory_space<vmem>>, vector<16xf32>,
        tpu.vector_store %arg11[%swap3A_570, %swap3A_571], %mul3A_569 {strides = array<i32>} : memref<128x128xf32, #tpu.memory_space<vmem>>, vector<16xf32>,
        %get3A_573 = arith.index_cast %add3A_541 : i32 to index
        %get3A_574 = arith.constant 64 : index
        %get3A_575 = tpu.vector_load %arg11[%get3A_573, %get3A_574] {strides = array<i32>} : memref<128x128xf32, #tpu.memory_space<vmem>>, vector<16xf32>,
        %mul3A_576 = arith.mulf %get3A_575, %gather3A_544 : vector<16xf32>
        %swap3A_577 = arith.index_cast %add3A_541 : i32 to index
        %swap3A_578 = arith.constant 64 : index
        %swap3A_579 = tpu.vector_load %arg11[%swap3A_577, %swap3A_578] {strides = array<i32>} : memref<128x128xf32, #tpu.memory_space<vmem>>, vector<16xf32>,
        tpu.vector_store %arg11[%swap3A_577, %swap3A_578], %mul3A_576 {strides = array<i32>} : memref<128x128xf32, #tpu.memory_space<vmem>>, vector<16xf32>,
        %get3A_580 = arith.index_cast %add3A_541 : i32 to index
        %get3A_581 = arith.constant 80 : index
        %get3A_582 = tpu.vector_load %arg11[%get3A_580, %get3A_581] {strides = array<i32>} : memref<128x128xf32, #tpu.memory_space<vmem>>, vector<16xf32>,
        %mul3A_583 = arith.mulf %get3A_582, %gather3A_544 : vector<16xf32>
        %swap3A_584 = arith.index_cast %add3A_541 : i32 to index
        %swap3A_585 = arith.constant 80 : index
        %swap3A_586 = tpu.vector_load %arg11[%swap3A_584, %swap3A_585] {strides = array<i32>} : memref<128x128xf32, #tpu.memory_space<vmem>>, vector<16xf32>,
        tpu.vector_store %arg11[%swap3A_584, %swap3A_585], %mul3A_583 {strides = array<i32>} : memref<128x128xf32, #tpu.memory_space<vmem>>, vector<16xf32>,
        %get3A_587 = arith.index_cast %add3A_541 : i32 to index
        %get3A_588 = arith.constant 96 : index
        %get3A_589 = tpu.vector_load %arg11[%get3A_587, %get3A_588] {strides = array<i32>} : memref<128x128xf32, #tpu.memory_space<vmem>>, vector<16xf32>,
        %mul3A_590 = arith.mulf %get3A_589, %gather3A_544 : vector<16xf32>
        %swap3A_591 = arith.index_cast %add3A_541 : i32 to index
        %swap3A_592 = arith.constant 96 : index
        %swap3A_593 = tpu.vector_load %arg11[%swap3A_591, %swap3A_592] {strides = array<i32>} : memref<128x128xf32, #tpu.memory_space<vmem>>, vector<16xf32>,
        tpu.vector_store %arg11[%swap3A_591, %swap3A_592], %mul3A_590 {strides = array<i32>} : memref<128x128xf32, #tpu.memory_space<vmem>>, vector<16xf32>,
        %get3A_594 = arith.index_cast %add3A_541 : i32 to index
        %get3A_595 = arith.constant 112 : index
        %get3A_596 = tpu.vector_load %arg11[%get3A_594, %get3A_595] {strides = array<i32>} : memref<128x128xf32, #tpu.memory_space<vmem>>, vector<16xf32>,
        %mul3A_597 = arith.mulf %get3A_596, %gather3A_544 : vector<16xf32>
        %swap3A_598 = arith.index_cast %add3A_541 : i32 to index
        %swap3A_599 = arith.constant 112 : index
        %swap3A_600 = tpu.vector_load %arg11[%swap3A_598, %swap3A_599] {strides = array<i32>} : memref<128x128xf32, #tpu.memory_space<vmem>>, vector<16xf32>,
        tpu.vector_store %arg11[%swap3A_598, %swap3A_599], %mul3A_597 {strides = array<i32>} : memref<128x128xf32, #tpu.memory_space<vmem>>, vector<16xf32>,
        %scan3A_601 = arith.constant 7 : i32
        %scan3A_602 = arith.addi %scan3A_151, %scan3A_601 : i32
        %mul3A_603 = arith.constant 1 : i32
        %mul3A_604 = arith.muli %scan3A_602, %mul3A_603 : i32
        %add3A_605 = arith.constant 0 : i32
        %add3A_606 = arith.addi %add3A_605, %mul3A_604 : i32
        %broadcast_in_dim3A_607 = vector.broadcast %add3A_133 : i32 to vector<16xi32>
        %broadcast_in_dim3A_608 = vector.broadcast %add3A_606 : i32 to vector<16xi32>
        %gather3A_609 = tpu.vector_load_idx %arg9[%broadcast_in_dim3A_607, %broadcast_in_dim3A_608] : memref<40x128xf32, #tpu.memory_space<vmem>>[vector<16xi32>, vector<16xi32>], vector<16xf32>,
        %get3A_610 = arith.index_cast %add3A_606 : i32 to index
        %get3A_611 = arith.constant 0 : index
        %get3A_612 = tpu.vector_load %arg11[%get3A_610, %get3A_611] {strides = array<i32>} : memref<128x128xf32, #tpu.memory_space<vmem>>, vector<16xf32>,
        %mul3A_613 = arith.mulf %get3A_612, %gather3A_609 : vector<16xf32>
        %swap3A_614 = arith.index_cast %add3A_606 : i32 to index
        %swap3A_615 = arith.constant 0 : index
        %swap3A_616 = tpu.vector_load %arg11[%swap3A_614, %swap3A_615] {strides = array<i32>} : memref<128x128xf32, #tpu.memory_space<vmem>>, vector<16xf32>,
        tpu.vector_store %arg11[%swap3A_614, %swap3A_615], %mul3A_613 {strides = array<i32>} : memref<128x128xf32, #tpu.memory_space<vmem>>, vector<16xf32>,
        %get3A_617 = arith.index_cast %add3A_606 : i32 to index
        %get3A_618 = arith.constant 16 : index
        %get3A_619 = tpu.vector_load %arg11[%get3A_617, %get3A_618] {strides = array<i32>} : memref<128x128xf32, #tpu.memory_space<vmem>>, vector<16xf32>,
        %mul3A_620 = arith.mulf %get3A_619, %gather3A_609 : vector<16xf32>
        %swap3A_621 = arith.index_cast %add3A_606 : i32 to index
        %swap3A_622 = arith.constant 16 : index
        %swap3A_623 = tpu.vector_load %arg11[%swap3A_621, %swap3A_622] {strides = array<i32>} : memref<128x128xf32, #tpu.memory_space<vmem>>, vector<16xf32>,
        tpu.vector_store %arg11[%swap3A_621, %swap3A_622], %mul3A_620 {strides = array<i32>} : memref<128x128xf32, #tpu.memory_space<vmem>>, vector<16xf32>,
        %get3A_624 = arith.index_cast %add3A_606 : i32 to index
        %get3A_625 = arith.constant 32 : index
        %get3A_626 = tpu.vector_load %arg11[%get3A_624, %get3A_625] {strides = array<i32>} : memref<128x128xf32, #tpu.memory_space<vmem>>, vector<16xf32>,
        %mul3A_627 = arith.mulf %get3A_626, %gather3A_609 : vector<16xf32>
        %swap3A_628 = arith.index_cast %add3A_606 : i32 to index
        %swap3A_629 = arith.constant 32 : index
        %swap3A_630 = tpu.vector_load %arg11[%swap3A_628, %swap3A_629] {strides = array<i32>} : memref<128x128xf32, #tpu.memory_space<vmem>>, vector<16xf32>,
        tpu.vector_store %arg11[%swap3A_628, %swap3A_629], %mul3A_627 {strides = array<i32>} : memref<128x128xf32, #tpu.memory_space<vmem>>, vector<16xf32>,
        %get3A_631 = arith.index_cast %add3A_606 : i32 to index
        %get3A_632 = arith.constant 48 : index
        %get3A_633 = tpu.vector_load %arg11[%get3A_631, %get3A_632] {strides = array<i32>} : memref<128x128xf32, #tpu.memory_space<vmem>>, vector<16xf32>,
        %mul3A_634 = arith.mulf %get3A_633, %gather3A_609 : vector<16xf32>
        %swap3A_635 = arith.index_cast %add3A_606 : i32 to index
        %swap3A_636 = arith.constant 48 : index
        %swap3A_637 = tpu.vector_load %arg11[%swap3A_635, %swap3A_636] {strides = array<i32>} : memref<128x128xf32, #tpu.memory_space<vmem>>, vector<16xf32>,
        tpu.vector_store %arg11[%swap3A_635, %swap3A_636], %mul3A_634 {strides = array<i32>} : memref<128x128xf32, #tpu.memory_space<vmem>>, vector<16xf32>,
        %get3A_638 = arith.index_cast %add3A_606 : i32 to index
        %get3A_639 = arith.constant 64 : index
        %get3A_640 = tpu.vector_load %arg11[%get3A_638, %get3A_639] {strides = array<i32>} : memref<128x128xf32, #tpu.memory_space<vmem>>, vector<16xf32>,
        %mul3A_641 = arith.mulf %get3A_640, %gather3A_609 : vector<16xf32>
        %swap3A_642 = arith.index_cast %add3A_606 : i32 to index
        %swap3A_643 = arith.constant 64 : index
        %swap3A_644 = tpu.vector_load %arg11[%swap3A_642, %swap3A_643] {strides = array<i32>} : memref<128x128xf32, #tpu.memory_space<vmem>>, vector<16xf32>,
        tpu.vector_store %arg11[%swap3A_642, %swap3A_643], %mul3A_641 {strides = array<i32>} : memref<128x128xf32, #tpu.memory_space<vmem>>, vector<16xf32>,
        %get3A_645 = arith.index_cast %add3A_606 : i32 to index
        %get3A_646 = arith.constant 80 : index
        %get3A_647 = tpu.vector_load %arg11[%get3A_645, %get3A_646] {strides = array<i32>} : memref<128x128xf32, #tpu.memory_space<vmem>>, vector<16xf32>,
        %mul3A_648 = arith.mulf %get3A_647, %gather3A_609 : vector<16xf32>
        %swap3A_649 = arith.index_cast %add3A_606 : i32 to index
        %swap3A_650 = arith.constant 80 : index
        %swap3A_651 = tpu.vector_load %arg11[%swap3A_649, %swap3A_650] {strides = array<i32>} : memref<128x128xf32, #tpu.memory_space<vmem>>, vector<16xf32>,
        tpu.vector_store %arg11[%swap3A_649, %swap3A_650], %mul3A_648 {strides = array<i32>} : memref<128x128xf32, #tpu.memory_space<vmem>>, vector<16xf32>,
        %get3A_652 = arith.index_cast %add3A_606 : i32 to index
        %get3A_653 = arith.constant 96 : index
        %get3A_654 = tpu.vector_load %arg11[%get3A_652, %get3A_653] {strides = array<i32>} : memref<128x128xf32, #tpu.memory_space<vmem>>, vector<16xf32>,
        %mul3A_655 = arith.mulf %get3A_654, %gather3A_609 : vector<16xf32>
        %swap3A_656 = arith.index_cast %add3A_606 : i32 to index
        %swap3A_657 = arith.constant 96 : index
        %swap3A_658 = tpu.vector_load %arg11[%swap3A_656, %swap3A_657] {strides = array<i32>} : memref<128x128xf32, #tpu.memory_space<vmem>>, vector<16xf32>,
        tpu.vector_store %arg11[%swap3A_656, %swap3A_657], %mul3A_655 {strides = array<i32>} : memref<128x128xf32, #tpu.memory_space<vmem>>, vector<16xf32>,
        %get3A_659 = arith.index_cast %add3A_606 : i32 to index
        %get3A_660 = arith.constant 112 : index
        %get3A_661 = tpu.vector_load %arg11[%get3A_659, %get3A_660] {strides = array<i32>} : memref<128x128xf32, #tpu.memory_space<vmem>>, vector<16xf32>,
        %mul3A_662 = arith.mulf %get3A_661, %gather3A_609 : vector<16xf32>
        %swap3A_663 = arith.index_cast %add3A_606 : i32 to index
        %swap3A_664 = arith.constant 112 : index
        %swap3A_665 = tpu.vector_load %arg11[%swap3A_663, %swap3A_664] {strides = array<i32>} : memref<128x128xf32, #tpu.memory_space<vmem>>, vector<16xf32>,
        tpu.vector_store %arg11[%swap3A_663, %swap3A_664], %mul3A_662 {strides = array<i32>} : memref<128x128xf32, #tpu.memory_space<vmem>>, vector<16xf32>,
      }
      %scan3A_138 = arith.constant 128 : i32
      %add3A_139 = arith.constant 1 : i32
      %add3A_140 = arith.addi %mul3A_84, %add3A_139 : i32
      %dma_start3A_141 = arith.constant 0 : i32
      %dma_start3A_142 = tpu.memref_slice %arg8[%add3A_140, %dma_start3A_141] : memref<40x128xi32, #tpu.memory_space<vmem>> -> memref<1x128xi32, #tpu.memory_space<vmem>>
      %dma_start3A_143 = tpu.memref_squeeze %dma_start3A_142 : memref<1x128xi32, #tpu.memory_space<vmem>> -> memref<128xi32, #tpu.memory_space<vmem>>
      %dma_start3A_144 = arith.constant 0 : i32
      %dma_start3A_145 = arith.constant 0 : i32
      %dma_start3A_146 = tpu.memref_slice %arg12[%dma_start3A_144, %dma_start3A_145] : memref<10240x128xf32, #tpu.memory_space<vmem_shared>> -> memref<10240x128xf32, #tpu.memory_space<vmem_shared>>
      tpu.enqueue_indirect_dma source(%arg11 : memref<128x128xf32, #tpu.memory_space<vmem>>) target(%dma_start3A_146 : memref<10240x128xf32, #tpu.memory_space<vmem_shared>>) offsets(%dma_start3A_143 : memref<128xi32, #tpu.memory_space<vmem>>) semaphore(%arg16 : memref<!tpu.dma_semaphore, #tpu.memory_space<semaphore_mem>>) {add = true}
      %lt3A = arith.constant 19 : i32
      %lt3A_147 = arith.cmpi slt, %add3A_82, %lt3A : i32
      %convert_element_type3A_148 = arith.extui %lt3A_147 : i1 to i32
      %cond3A_149 = arith.constant 0 : i32
      %cond3A_150 = arith.cmpi ne, %convert_element_type3A_148, %cond3A_149 : i32
      scf.if %cond3A_150 {
        %dma_wait3A_151 = arith.constant 0 : i32
        %dma_wait3A_152 = tpu.memref_slice %arg8[%mul3A_84, %dma_wait3A_151] : memref<40x128xi32, #tpu.memory_space<vmem>> -> memref<1x128xi32, #tpu.memory_space<vmem>>
        %dma_wait3A_153 = tpu.memref_squeeze %dma_wait3A_152 : memref<1x128xi32, #tpu.memory_space<vmem>> -> memref<128xi32, #tpu.memory_space<vmem>>
        %dma_wait3A_154 = arith.constant 0 : i32
        %dma_wait3A_155 = arith.constant 0 : i32
        %dma_wait3A_156 = tpu.memref_slice %arg12[%dma_wait3A_154, %dma_wait3A_155] : memref<10240x128xf32, #tpu.memory_space<vmem_shared>> -> memref<10240x128xf32, #tpu.memory_space<vmem_shared>>
        tpu.wait_indirect_dma semaphore(%arg15 : memref<!tpu.dma_semaphore, #tpu.memory_space<semaphore_mem>>) src(%arg10 : memref<128x128xf32, #tpu.memory_space<vmem>>) dst(%dma_wait3A_156 : memref<10240x128xf32, #tpu.memory_space<vmem_shared>>)
        %add3A_157 = arith.constant 2 : i32
        %add3A_158 = arith.addi %mul3A_84, %add3A_157 : i32
        %dma_start3A_159 = arith.constant 0 : i32
        %dma_start3A_160 = tpu.memref_slice %arg7[%add3A_158, %dma_start3A_159] : memref<40x128xi32, #tpu.memory_space<vmem>> -> memref<1x128xi32, #tpu.memory_space<vmem>>
        %dma_start3A_161 = tpu.memref_squeeze %dma_start3A_160 : memref<1x128xi32, #tpu.memory_space<vmem>> -> memref<128xi32, #tpu.memory_space<vmem>>
        %dma_start3A_162 = arith.constant 0 : i32
        %dma_start3A_163 = arith.constant 0 : i32
        %dma_start3A_164 = tpu.memref_slice %arg2[%arg0, %dma_start3A_162, %dma_start3A_163] : memref<2x10240x128xf32, #tpu.memory_space<hbm>> -> memref<1x10240x128xf32, #tpu.memory_space<hbm>>
        %dma_start3A_165 = tpu.memref_squeeze %dma_start3A_164 : memref<1x10240x128xf32, #tpu.memory_space<hbm>> -> memref<10240x128xf32, #tpu.memory_space<hbm>>
        %dma_start3A_166 = arith.constant 0 : i32
        %dma_start3A_167 = arith.constant 0 : i32
        %dma_start3A_168 = tpu.memref_slice %dma_start3A_165[%dma_start3A_166, %dma_start3A_167] : memref<10240x128xf32, #tpu.memory_space<hbm>> -> memref<10240x128xf32, #tpu.memory_space<hbm>>
        tpu.enqueue_indirect_dma source(%dma_start3A_168 : memref<10240x128xf32, #tpu.memory_space<hbm>>) target(%arg10 : memref<128x128xf32, #tpu.memory_space<vmem>>) offsets(%dma_start3A_161 : memref<128xi32, #tpu.memory_space<vmem>>) semaphore(%arg13 : memref<!tpu.dma_semaphore, #tpu.memory_space<semaphore_mem>>)
      } else {
      }
    }
    %scan3A_58 = arith.constant 20 : i32
    %dma_wait3A_59 = arith.constant 38 : i32
    %dma_wait3A_60 = arith.constant 0 : i32
    %dma_wait3A_61 = tpu.memref_slice %arg8[%dma_wait3A_59, %dma_wait3A_60] : memref<40x128xi32, #tpu.memory_space<vmem>> -> memref<1x128xi32, #tpu.memory_space<vmem>>
    %dma_wait3A_62 = tpu.memref_squeeze %dma_wait3A_61 : memref<1x128xi32, #tpu.memory_space<vmem>> -> memref<128xi32, #tpu.memory_space<vmem>>
    %dma_wait3A_63 = arith.constant 0 : i32
    %dma_wait3A_64 = arith.constant 0 : i32
    %dma_wait3A_65 = tpu.memref_slice %arg12[%dma_wait3A_63, %dma_wait3A_64] : memref<10240x128xf32, #tpu.memory_space<vmem_shared>> -> memref<10240x128xf32, #tpu.memory_space<vmem_shared>>
    tpu.wait_indirect_dma semaphore(%arg15 : memref<!tpu.dma_semaphore, #tpu.memory_space<semaphore_mem>>) src(%arg10 : memref<128x128xf32, #tpu.memory_space<vmem>>) dst(%dma_wait3A_65 : memref<10240x128xf32, #tpu.memory_space<vmem_shared>>)
    %dma_wait3A_66 = arith.constant 39 : i32
    %dma_wait3A_67 = arith.constant 0 : i32
    %dma_wait3A_68 = tpu.memref_slice %arg8[%dma_wait3A_66, %dma_wait3A_67] : memref<40x128xi32, #tpu.memory_space<vmem>> -> memref<1x128xi32, #tpu.memory_space<vmem>>
    %dma_wait3A_69 = tpu.memref_squeeze %dma_wait3A_68 : memref<1x128xi32, #tpu.memory_space<vmem>> -> memref<128xi32, #tpu.memory_space<vmem>>
    %dma_wait3A_70 = arith.constant 0 : i32
    %dma_wait3A_71 = arith.constant 0 : i32
    %dma_wait3A_72 = tpu.memref_slice %arg12[%dma_wait3A_70, %dma_wait3A_71] : memref<10240x128xf32, #tpu.memory_space<vmem_shared>> -> memref<10240x128xf32, #tpu.memory_space<vmem_shared>>
    tpu.wait_indirect_dma semaphore(%arg16 : memref<!tpu.dma_semaphore, #tpu.memory_space<semaphore_mem>>) src(%arg11 : memref<128x128xf32, #tpu.memory_space<vmem>>) dst(%dma_wait3A_72 : memref<10240x128xf32, #tpu.memory_space<vmem_shared>>)
    %barrier3A_73 = arith.constant 0 : index
    tpu.barrier barrier_id(%barrier3A_73)
    %mul3A_74 = arith.constant 640 : i32
    %mul3A_75 = arith.muli %arg1, %mul3A_74 : i32
    %mul3A_76 = arith.constant 640 : i32
    %mul3A_77 = arith.muli %arg1, %mul3A_76 : i32
    "tpu.region"() ({
      %run_scoped3A = tpu.sem_alloc : memref<!tpu.dma_semaphore, #tpu.memory_space<semaphore_mem>>
      %dma_start3A_78 = arith.constant 0 : i32
      %dma_start3A_79 = tpu.memref_slice %arg6[%arg0, %mul3A_77, %dma_start3A_78] : memref<2x10240x128xf32, #tpu.memory_space<hbm>> -> memref<1x640x128xf32, #tpu.memory_space<hbm>>
      %dma_start3A_80 = tpu.memref_squeeze %dma_start3A_79 : memref<1x640x128xf32, #tpu.memory_space<hbm>> -> memref<640x128xf32, #tpu.memory_space<hbm>>
      %dma_start3A_81 = arith.constant 0 : i32
      %dma_start3A_82 = tpu.memref_slice %arg12[%mul3A_75, %dma_start3A_81] : memref<10240x128xf32, #tpu.memory_space<vmem_shared>> -> memref<640x128xf32, #tpu.memory_space<vmem_shared>>
      tpu.enqueue_dma source(%dma_start3A_82 : memref<640x128xf32, #tpu.memory_space<vmem_shared>>) target(%dma_start3A_80 : memref<640x128xf32, #tpu.memory_space<hbm>>) target_semaphore(%run_scoped3A : memref<!tpu.dma_semaphore, #tpu.memory_space<semaphore_mem>>)
      %dma_wait3A_83 = arith.constant 0 : i32
      %dma_wait3A_84 = tpu.memref_slice %arg6[%arg0, %mul3A_77, %dma_wait3A_83] : memref<2x10240x128xf32, #tpu.memory_space<hbm>> -> memref<1x640x128xf32, #tpu.memory_space<hbm>>
      %dma_wait3A_85 = tpu.memref_squeeze %dma_wait3A_84 : memref<1x640x128xf32, #tpu.memory_space<hbm>> -> memref<640x128xf32, #tpu.memory_space<hbm>>
      %dma_wait3A_86 = arith.constant 0 : i32
      %dma_wait3A_87 = tpu.memref_slice %arg12[%mul3A_75, %dma_wait3A_86] : memref<10240x128xf32, #tpu.memory_space<vmem_shared>> -> memref<640x128xf32, #tpu.memory_space<vmem_shared>>
      tpu.wait_dma2 semaphore(%run_scoped3A : memref<!tpu.dma_semaphore, #tpu.memory_space<semaphore_mem>>) src(%dma_wait3A_87 : memref<640x128xf32, #tpu.memory_space<vmem_shared>>) dst(%dma_wait3A_85 : memref<640x128xf32, #tpu.memory_space<hbm>>)
      tpu.yield
    }) : () -> ()
    return
  }
}

module attributes {stable_mosaic.version = 14 : i64} {
  func.func @_t1_body(%arg0: i32, %arg1: memref<2048x256xf32, #tpu.memory_space<vmem>>, %arg2: memref<256x256xf32, #tpu.memory_space<vmem>>, %arg3: memref<256x2xf32, #tpu.memory_space<vmem>>, %arg4: memref<2x2048x128xf32, #tpu.memory_space<vmem>>, %arg5: memref<2x2048xf32, #tpu.memory_space<vmem>>) attributes {dimension_semantics = [#tpu.dimension_semantics<arbitrary>], iteration_bounds = array<i64: 5>, scalar_prefetch = 0 : i64, scratch_operands = 0 : i64, tpu.core_type = #tpu.core_type<tc>, window_params = [{transform_indices = @transform_0, window_bounds = array<i64: 2048, 256>}, {pipeline_mode = #tpu.pipeline_mode<synchronous>, transform_indices = @transform_1, window_bounds = array<i64: 256, 256>}, {pipeline_mode = #tpu.pipeline_mode<synchronous>, transform_indices = @transform_2, window_bounds = array<i64: 256, 2>}, {transform_indices = @transform_3, window_bounds = array<i64: 2, 2048, 128>}, {transform_indices = @transform_4, window_bounds = array<i64: 2, 2048>}]} {
    %get3A = arith.constant 0 : index
    %get3A_0 = arith.constant 0 : index
    %get3A_1 = vector.load %arg1[%get3A, %get3A_0] : memref<2048x256xf32, #tpu.memory_space<vmem>>, vector<2048x256xf32>
    %get3A_2 = arith.constant 0 : index
    %get3A_3 = arith.constant 0 : index
    %get3A_4 = vector.load %arg2[%get3A_2, %get3A_3] : memref<256x256xf32, #tpu.memory_space<vmem>>, vector<256x256xf32>
    %dot_general3A = arith.constant dense<0.000000e+00> : vector<2048x256xf32>
    %dot_general3A_5 = tpu.matmul %get3A_1, %get3A_4, %dot_general3A {dimension_numbers = #tpu.dot_dimension_numbers<[1], [0], [0], [1], [0, 0, 1, 1], [], []>, transpose_lhs_hint = false} : vector<2048x256xf32>, vector<256x256xf32>, vector<2048x256xf32> -> vector<2048x256xf32>
    %slice3A = vector.extract_strided_slice %dot_general3A_5 {offsets = [0, 0], sizes = [2048, 128], strides = [1, 1]} : vector<2048x256xf32> to vector<2048x128xf32>
    %swap3A = arith.constant 0 : index
    %swap3A_6 = arith.constant 0 : index
    %swap3A_7 = arith.constant 0 : index
    %swap3A_8 = vector.load %arg4[%swap3A, %swap3A_6, %swap3A_7] : memref<2x2048x128xf32, #tpu.memory_space<vmem>>, vector<1x2048x128xf32>
    %swap3A_9 = vector.shape_cast %swap3A_8 : vector<1x2048x128xf32> to vector<2048x128xf32>
    %swap3A_10 = vector.shape_cast %slice3A : vector<2048x128xf32> to vector<1x2048x128xf32>
    tpu.vector_store %arg4[%swap3A, %swap3A_6, %swap3A_7], %swap3A_10 {strides = array<i32>} : memref<2x2048x128xf32, #tpu.memory_space<vmem>>, vector<1x2048x128xf32>,
    %slice3A_11 = vector.extract_strided_slice %dot_general3A_5 {offsets = [0, 128], sizes = [2048, 128], strides = [1, 1]} : vector<2048x256xf32> to vector<2048x128xf32>
    %swap3A_12 = arith.constant 1 : index
    %swap3A_13 = arith.constant 0 : index
    %swap3A_14 = arith.constant 0 : index
    %swap3A_15 = vector.load %arg4[%swap3A_12, %swap3A_13, %swap3A_14] : memref<2x2048x128xf32, #tpu.memory_space<vmem>>, vector<1x2048x128xf32>
    %swap3A_16 = vector.shape_cast %swap3A_15 : vector<1x2048x128xf32> to vector<2048x128xf32>
    %swap3A_17 = vector.shape_cast %slice3A_11 : vector<2048x128xf32> to vector<1x2048x128xf32>
    tpu.vector_store %arg4[%swap3A_12, %swap3A_13, %swap3A_14], %swap3A_17 {strides = array<i32>} : memref<2x2048x128xf32, #tpu.memory_space<vmem>>, vector<1x2048x128xf32>,
    %get3A_18 = arith.constant 0 : index
    %get3A_19 = arith.constant 0 : index
    %get3A_20 = vector.load %arg3[%get3A_18, %get3A_19] : memref<256x2xf32, #tpu.memory_space<vmem>>, vector<256x2xf32>
    %dot_general3A_21 = arith.constant dense<0.000000e+00> : vector<2048x2xf32>
    %dot_general3A_22 = tpu.matmul %dot_general3A_5, %get3A_20, %dot_general3A_21 {dimension_numbers = #tpu.dot_dimension_numbers<[1], [0], [0], [1], [0, 0, 1, 1], [], []>, transpose_lhs_hint = false} : vector<2048x256xf32>, vector<256x2xf32>, vector<2048x2xf32> -> vector<2048x2xf32>
    %transpose3A = tpu.transpose %dot_general3A_22, [1, 0] : vector<2048x2xf32> -> vector<2x2048xf32>
    %swap3A_23 = arith.constant 0 : index
    %swap3A_24 = arith.constant 0 : index
    %swap3A_25 = vector.load %arg5[%swap3A_23, %swap3A_24] : memref<2x2048xf32, #tpu.memory_space<vmem>>, vector<2x2048xf32>
    tpu.vector_store %arg5[%swap3A_23, %swap3A_24], %transpose3A {strides = array<i32>} : memref<2x2048xf32, #tpu.memory_space<vmem>>, vector<2x2048xf32>,
    return
  }
  func.func @transform_0(%arg0: i32) -> (i32, i32) {
    %c0_i32 = arith.constant 0 : i32
    %c0_i32_0 = arith.constant 0 : i32
    return %arg0, %c0_i32 : i32, i32
  }
  func.func @transform_1(%arg0: i32) -> (i32, i32) {
    %c0_i32 = arith.constant 0 : i32
    %c0_i32_0 = arith.constant 0 : i32
    %c0_i32_1 = arith.constant 0 : i32
    return %c0_i32, %c0_i32_0 : i32, i32
  }
  func.func @transform_2(%arg0: i32) -> (i32, i32) {
    %c0_i32 = arith.constant 0 : i32
    %c0_i32_0 = arith.constant 0 : i32
    %c0_i32_1 = arith.constant 0 : i32
    return %c0_i32, %c0_i32_0 : i32, i32
  }
  func.func @transform_3(%arg0: i32) -> (i32, i32, i32) {
    %c0_i32 = arith.constant 0 : i32
    %c0_i32_0 = arith.constant 0 : i32
    %c0_i32_1 = arith.constant 0 : i32
    return %c0_i32, %arg0, %c0_i32_0 : i32, i32, i32
  }
  func.func @transform_4(%arg0: i32) -> (i32, i32) {
    %c0_i32 = arith.constant 0 : i32
    %c0_i32_0 = arith.constant 0 : i32
    return %c0_i32, %arg0 : i32, i32
  }
}

module attributes {stable_mosaic.version = 14 : i64} {
  func.func @_t2_body(%arg0: i32, %arg1: memref<1x2048x128xf32, #tpu.memory_space<vmem>>, %arg2: memref<1x2048x128xf32, #tpu.memory_space<vmem>>, %arg3: memref<2x2048xf32, #tpu.memory_space<vmem>>, %arg4: memref<1x256xf32, #tpu.memory_space<vmem>>, %arg5: memref<128x2xf32, #tpu.memory_space<vmem>>, %arg6: memref<128x2xf32, #tpu.memory_space<vmem>>, %arg7: memref<2x1xf32, #tpu.memory_space<vmem>>, %arg8: memref<2x2048xf32, #tpu.memory_space<vmem>>) attributes {dimension_semantics = [#tpu.dimension_semantics<arbitrary>], iteration_bounds = array<i64: 5>, scalar_prefetch = 0 : i64, scratch_operands = 0 : i64, tpu.core_type = #tpu.core_type<tc>, window_params = [{transform_indices = @transform_0, window_bounds = array<i64: 1, 2048, 128>}, {transform_indices = @transform_1, window_bounds = array<i64: 1, 2048, 128>}, {transform_indices = @transform_2, window_bounds = array<i64: 2, 2048>}, {pipeline_mode = #tpu.pipeline_mode<synchronous>, transform_indices = @transform_3, window_bounds = array<i64: 1, 256>}, {pipeline_mode = #tpu.pipeline_mode<synchronous>, transform_indices = @transform_4, window_bounds = array<i64: 128, 2>}, {pipeline_mode = #tpu.pipeline_mode<synchronous>, transform_indices = @transform_5, window_bounds = array<i64: 128, 2>}, {pipeline_mode = #tpu.pipeline_mode<synchronous>, transform_indices = @transform_6, window_bounds = array<i64: 2, 1>}, {transform_indices = @transform_7, window_bounds = array<i64: 2, 2048>}]} {
    %get3A = arith.constant 0 : index
    %get3A_0 = arith.constant 0 : index
    %get3A_1 = vector.load %arg3[%get3A, %get3A_0] : memref<2x2048xf32, #tpu.memory_space<vmem>>, vector<1x2048xf32>
    %get3A_2 = vector.shape_cast %get3A_1 : vector<1x2048xf32> to vector<2048xf32>
    %get3A_3 = arith.constant 1 : index
    %get3A_4 = arith.constant 0 : index
    %get3A_5 = vector.load %arg3[%get3A_3, %get3A_4] : memref<2x2048xf32, #tpu.memory_space<vmem>>, vector<1x2048xf32>
    %get3A_6 = vector.shape_cast %get3A_5 : vector<1x2048xf32> to vector<2048xf32>
    %add3A = arith.addf %get3A_2, %get3A_6 : vector<2048xf32>
    %add3A_7 = arith.constant 1.000000e-16 : f32
    %add3A_8 = vector.broadcast %add3A_7 : f32 to vector<2048xf32>
    %add3A_9 = arith.addf %add3A, %add3A_8 : vector<2048xf32>
    %div3A = arith.constant 1.000000e+00 : f32
    %div3A_10 = vector.broadcast %div3A : f32 to vector<2048xf32>
    %div3A_11 = arith.divf %div3A_10, %add3A_9 : vector<2048xf32>
    %get3A_12 = arith.constant 0 : index
    %get3A_13 = arith.constant 0 : index
    %get3A_14 = arith.constant 0 : index
    %get3A_15 = vector.load %arg1[%get3A_12, %get3A_13, %get3A_14] : memref<1x2048x128xf32, #tpu.memory_space<vmem>>, vector<1x2048x128xf32>
    %get3A_16 = vector.shape_cast %get3A_15 : vector<1x2048x128xf32> to vector<2048x128xf32>
    %broadcast_in_dim3A = vector.shape_cast %div3A_11 : vector<2048xf32> to vector<2048x1xf32>
    %mul3A = vector.broadcast %broadcast_in_dim3A : vector<2048x1xf32> to vector<2048x128xf32>
    %mul3A_17 = arith.mulf %get3A_16, %mul3A : vector<2048x128xf32>
    %get3A_18 = arith.constant 0 : index
    %get3A_19 = arith.constant 0 : index
    %get3A_20 = vector.load %arg4[%get3A_18, %get3A_19] : memref<1x256xf32, #tpu.memory_space<vmem>>, vector<1x128xf32>
    %get3A_21 = vector.shape_cast %get3A_20 : vector<1x128xf32> to vector<128xf32>
    %broadcast_in_dim3A_22 = vector.shape_cast %get3A_21 : vector<128xf32> to vector<1x128xf32>
    %add3A_23 = vector.broadcast %broadcast_in_dim3A_22 : vector<1x128xf32> to vector<2048x128xf32>
    %add3A_24 = arith.addf %mul3A_17, %add3A_23 : vector<2048x128xf32>
    %get3A_25 = arith.constant 0 : index
    %get3A_26 = arith.constant 0 : index
    %get3A_27 = arith.constant 0 : index
    %get3A_28 = vector.load %arg2[%get3A_25, %get3A_26, %get3A_27] : memref<1x2048x128xf32, #tpu.memory_space<vmem>>, vector<1x2048x128xf32>
    %get3A_29 = vector.shape_cast %get3A_28 : vector<1x2048x128xf32> to vector<2048x128xf32>
    %broadcast_in_dim3A_30 = vector.shape_cast %div3A_11 : vector<2048xf32> to vector<2048x1xf32>
    %mul3A_31 = vector.broadcast %broadcast_in_dim3A_30 : vector<2048x1xf32> to vector<2048x128xf32>
    %mul3A_32 = arith.mulf %get3A_29, %mul3A_31 : vector<2048x128xf32>
    %get3A_33 = arith.constant 0 : index
    %get3A_34 = arith.constant 128 : index
    %get3A_35 = vector.load %arg4[%get3A_33, %get3A_34] : memref<1x256xf32, #tpu.memory_space<vmem>>, vector<1x128xf32>
    %get3A_36 = vector.shape_cast %get3A_35 : vector<1x128xf32> to vector<128xf32>
    %broadcast_in_dim3A_37 = vector.shape_cast %get3A_36 : vector<128xf32> to vector<1x128xf32>
    %add3A_38 = vector.broadcast %broadcast_in_dim3A_37 : vector<1x128xf32> to vector<2048x128xf32>
    %add3A_39 = arith.addf %mul3A_32, %add3A_38 : vector<2048x128xf32>
    %gt3A = arith.constant 0.000000e+00 : f32
    %gt3A_40 = vector.broadcast %gt3A : f32 to vector<2048x128xf32>
    %gt3A_41 = arith.cmpf ogt, %add3A_24, %gt3A_40 : vector<2048x128xf32>
    %exp3A = math.exp %add3A_24 : vector<2048x128xf32>
    %sub3A = arith.constant 1.000000e+00 : f32
    %sub3A_42 = vector.broadcast %sub3A : f32 to vector<2048x128xf32>
    %sub3A_43 = arith.subf %exp3A, %sub3A_42 : vector<2048x128xf32>
    %select_n3A = arith.select %gt3A_41, %add3A_24, %sub3A_43 : vector<2048x128xi1>, vector<2048x128xf32>
    %gt3A_44 = arith.constant 0.000000e+00 : f32
    %gt3A_45 = vector.broadcast %gt3A_44 : f32 to vector<2048x128xf32>
    %gt3A_46 = arith.cmpf ogt, %add3A_39, %gt3A_45 : vector<2048x128xf32>
    %exp3A_47 = math.exp %add3A_39 : vector<2048x128xf32>
    %sub3A_48 = arith.constant 1.000000e+00 : f32
    %sub3A_49 = vector.broadcast %sub3A_48 : f32 to vector<2048x128xf32>
    %sub3A_50 = arith.subf %exp3A_47, %sub3A_49 : vector<2048x128xf32>
    %select_n3A_51 = arith.select %gt3A_46, %add3A_39, %sub3A_50 : vector<2048x128xi1>, vector<2048x128xf32>
    %get3A_52 = arith.constant 0 : index
    %get3A_53 = arith.constant 0 : index
    %get3A_54 = vector.load %arg5[%get3A_52, %get3A_53] : memref<128x2xf32, #tpu.memory_space<vmem>>, vector<128x2xf32>
    %dot_general3A = arith.constant dense<0.000000e+00> : vector<2048x2xf32>
    %dot_general3A_55 = tpu.matmul %select_n3A, %get3A_54, %dot_general3A {dimension_numbers = #tpu.dot_dimension_numbers<[1], [0], [0], [1], [0, 0, 1, 1], [], []>, transpose_lhs_hint = false} : vector<2048x128xf32>, vector<128x2xf32>, vector<2048x2xf32> -> vector<2048x2xf32>
    %get3A_56 = arith.constant 0 : index
    %get3A_57 = arith.constant 0 : index
    %get3A_58 = vector.load %arg6[%get3A_56, %get3A_57] : memref<128x2xf32, #tpu.memory_space<vmem>>, vector<128x2xf32>
    %dot_general3A_59 = arith.constant dense<0.000000e+00> : vector<2048x2xf32>
    %dot_general3A_60 = tpu.matmul %select_n3A_51, %get3A_58, %dot_general3A_59 {dimension_numbers = #tpu.dot_dimension_numbers<[1], [0], [0], [1], [0, 0, 1, 1], [], []>, transpose_lhs_hint = false} : vector<2048x128xf32>, vector<128x2xf32>, vector<2048x2xf32> -> vector<2048x2xf32>
    %add3A_61 = arith.addf %dot_general3A_55, %dot_general3A_60 : vector<2048x2xf32>
    %transpose3A = tpu.transpose %add3A_61, [1, 0] : vector<2048x2xf32> -> vector<2x2048xf32>
    %get3A_62 = arith.constant 0 : index
    %get3A_63 = arith.constant 0 : index
    %get3A_64 = vector.load %arg7[%get3A_62, %get3A_63] : memref<2x1xf32, #tpu.memory_space<vmem>>, vector<2x1xf32>
    %add3A_65 = vector.broadcast %get3A_64 : vector<2x1xf32> to vector<2x2048xf32>
    %add3A_66 = arith.addf %transpose3A, %add3A_65 : vector<2x2048xf32>
    %swap3A = arith.constant 0 : index
    %swap3A_67 = arith.constant 0 : index
    %swap3A_68 = vector.load %arg8[%swap3A, %swap3A_67] : memref<2x2048xf32, #tpu.memory_space<vmem>>, vector<2x2048xf32>
    tpu.vector_store %arg8[%swap3A, %swap3A_67], %add3A_66 {strides = array<i32>} : memref<2x2048xf32, #tpu.memory_space<vmem>>, vector<2x2048xf32>,
    return
  }
  func.func @transform_0(%arg0: i32) -> (i32, i32, i32) {
    %c0_i32 = arith.constant 0 : i32
    %c0_i32_0 = arith.constant 0 : i32
    %c0_i32_1 = arith.constant 0 : i32
    return %c0_i32, %arg0, %c0_i32_0 : i32, i32, i32
  }
  func.func @transform_1(%arg0: i32) -> (i32, i32, i32) {
    %c1_i32 = arith.constant 1 : i32
    %c0_i32 = arith.constant 0 : i32
    %c0_i32_0 = arith.constant 0 : i32
    return %c1_i32, %arg0, %c0_i32 : i32, i32, i32
  }
  func.func @transform_2(%arg0: i32) -> (i32, i32) {
    %c0_i32 = arith.constant 0 : i32
    %c0_i32_0 = arith.constant 0 : i32
    return %c0_i32, %arg0 : i32, i32
  }
  func.func @transform_3(%arg0: i32) -> (i32, i32) {
    %c0_i32 = arith.constant 0 : i32
    %c0_i32_0 = arith.constant 0 : i32
    %c0_i32_1 = arith.constant 0 : i32
    return %c0_i32, %c0_i32_0 : i32, i32
  }
  func.func @transform_4(%arg0: i32) -> (i32, i32) {
    %c0_i32 = arith.constant 0 : i32
    %c0_i32_0 = arith.constant 0 : i32
    %c0_i32_1 = arith.constant 0 : i32
    return %c0_i32, %c0_i32_0 : i32, i32
  }
  func.func @transform_5(%arg0: i32) -> (i32, i32) {
    %c0_i32 = arith.constant 0 : i32
    %c0_i32_0 = arith.constant 0 : i32
    %c0_i32_1 = arith.constant 0 : i32
    return %c0_i32, %c0_i32_0 : i32, i32
  }
  func.func @transform_6(%arg0: i32) -> (i32, i32) {
    %c0_i32 = arith.constant 0 : i32
    %c0_i32_0 = arith.constant 0 : i32
    %c0_i32_1 = arith.constant 0 : i32
    return %c0_i32, %c0_i32_0 : i32, i32
  }
  func.func @transform_7(%arg0: i32) -> (i32, i32) {
    %c0_i32 = arith.constant 0 : i32
    %c0_i32_0 = arith.constant 0 : i32
    return %c0_i32, %arg0 : i32, i32
  }
}

</mosaic_0001>

<sc_bundles>
// kernel: kernel.10.cloned.1.call-start
scs
__scs_entry_jumppad:
0x0: {  	(pc) =	sbr.rel $0x88, $3  }
0x1: {  	(tag) =	ssettag $0x0;
	lr =	simm.s32 $0x1  }
0x2: {  	[smem:$0x3F99] =	sst lr;
	_ =	strace $0xD0000000  }
0x3: {  	_ = 	snop  }
0x4: {  	_ = 	snop  }
0x5: {  	_ = 	snop  }
0x6: {  	_ = 	snop  }
0x7: {  	_ = 	snop  }
__scs_overlays_trampoline_lowered:
0x8: {  	[smem:$0x3FA8] =	sst s0  }
0x9: {  	[smem:$0x3FA9] =	sst s1  }
0xa: {  	[smem:$0x3FAA] =	sst s2  }
0xb: {  	[smem:$0x3FAB] =	sst s3  }
0xc: {  	[smem:$0x3FAC] =	sst s4  }
0xd: {  	[smem:$0x3FAD] =	sst s5  }
0xe: {  	[smem:$0x3FAE] =	sst s6  }
0xf: {  	[smem:$0x3FAF] =	sst s7  }
0x10: {  	[smem:$0x3FB0] =	sst s8  }
0x11: {  	[smem:$0x3FB1] =	sst s9;
	s0 =	simm.s32 @!p0 $0x0  }
0x12: {  	s1 =	sld [smem:$0x3F97];
	s0 =	simm.s32 @p0 $0x1  }
0x13: {  	[smem:$0x3FB2] =	sst s0;
	s0 =	simm.s32 @!p1 $0x0  }
0x14: {  	s2 =	sld [smem:$0x3F96];
	s0 =	simm.s32 @p1 $0x1  }
0x15: {  	[smem:$0x3FB3] =	sst s0;
	s0 =	simm.s32 @!p2 $0x0  }
0x16: {  	s3 =	sld [smem:$0x3FDB];
	s0 =	simm.s32 @p2 $0x1  }
0x17: {  	s4 =	simm.s32 $0x1BF5;
	[smem:$0x3FB5] =	sst s0  }
0x18: {  	s0 =	sld [smem:$0x3F98];
	_ =	swait.ge [sflag:s4], $0x0  }
0x19: {  	s7 =	sld [smem:$0x3F99]  }
0x1a: {  	s8 =	sadd.s32 $0xFFFFE003, lr  }
0x1b: {  	s9 =	sadd.s32 $0xFFFFFEF7, lr;
	s5 =	simm.s32 $0xFFFFFFFF;
	p2 =	slt.u32 s8, $0xFFFFF086  }
0x1c: {  	p1 =	slt.u32 s9, $0xF7A;
	s5 =	simm.s32 @!p2 $0x0  }
0x1d: {  	s5 =	simm.s32 @p1 $0x1;
	p0 =	seq.s32 s7, s2  }
0x1e: {  	s7 =	smul.u32 @!p0 $0xF7A, s2;
	p2 =	seq.s32 @!p0 s5, $0x0  }
0x1f: {  	s9 =	smul.u32 $0xF7A, s1;
	s8 =	simm.s32 @!p0 $0x1BF5;
	p2 =	por !p2, p0  }
0x20: {  	[sflag:s8] =	ssyncset.s32 @!p0 $0xFFFFF086;
	s6 =	sadd.s32 @!p0 s3, s7;
	s7 =	simm.s32 @!p0 $0x108  }
0x21: {  	s3 =	sadd.s32 s3, s9;
	s6 =	sadd.s32 @!p0 $0x88, s6;
	s7 =	simm.s32 @p2 $0x1082  }
0x22: {  	[simem:s7], [sflag:s8] =	dma.local @!p0 [hbm:s6], $0xF7A  }
0x23: {  	s9 =	sor.u32 $0xD0000000, s2;
	s6 =	simm.s32 $0x108;
	_ =	swait.ge @!p0 [sflag:s8], $0x0  }
0x24: {  	s3 =	sadd.s32 $0x88, s3;
	s6 =	simm.s32 @!p1 $0x1082;
	[sflag:s4] =	ssyncset.s32 $0xFFFFF086  }
0x25: {  	[simem:s6], [sflag:s4] =	dma.local [hbm:s3], $0xF7A  }
0x26: {  	[smem:$0x3F99] =	sst s1;
	(tag) =	ssettag s2;
	_ =	strace s9  }
0x27: {  	s1 =	sld [smem:$0x3FA9]  }
0x28: {  	s2 =	sld [smem:$0x3FAA]  }
0x29: {  	s4 =	sld [smem:$0x3FAC]  }
0x2a: {  	p0 =	seq.s32 s5, $0x0;
	s5 =	sld [smem:$0x3FAD]  }
0x2b: {  	s6 =	sld [smem:$0x3FAE]  }
0x2c: {  	s7 =	sld [smem:$0x3FAF]  }
0x2d: {  	s3 =	simm.s32 $0x108;
	s8 =	sld [smem:$0x3FB0]  }
0x2e: {  	s3 =	simm.s32 @!p0 $0x1082;
	s9 =	sld [smem:$0x3FB1]  }
0x2f: {  	lr =	sadd.s32 s0, s3;
	s0 =	sld [smem:$0x3FA8]  }
0x30: {  	s3 =	sld [smem:$0x3FAB]  }
0x31: {  	[smem:$0x3FB4] =	sst s10  }
0x32: {  	s10 =	sld [smem:$0x3FB2];
	_ =	sdelay $0x3  }
0x33: {  	p0 =	seq.s32 s10, $0x1;
	s10 =	sld [smem:$0x3FB4];
	_ =	sdelay $0x3  }
0x34: {  	[smem:$0x3FB4] =	sst s10  }
0x35: {  	s10 =	sld [smem:$0x3FB3];
	_ =	sdelay $0x3  }
0x36: {  	p1 =	seq.s32 s10, $0x1;
	s10 =	sld [smem:$0x3FB4];
	_ =	sdelay $0x3  }
0x37: {  	[smem:$0x3FB4] =	sst s10  }
0x38: {  	s10 =	sld [smem:$0x3FB5]  }
0x39: {  	_ = 	snop;
	(pc) =	sbr.ind lr, $3  }
0x3a: {  	_ = 	snop  }
0x3b: {  	_ = 	snop  }
0x3c: {  	p2 =	seq.s32 s10, $0x1;
	s10 =	sld [smem:$0x3FB4]  }
0x3d: {  	_ =	shalt  }
0x3e: {  	_ =	shalt  }
0x3f: {  	_ =	shalt  }
0x40: {  	_ =	shalt  }
0x41: {  	_ =	shalt  }
0x42: {  	_ =	shalt  }
0x43: {  	_ =	shalt  }
0x44: {  	_ =	shalt  }
0x45: {  	_ =	shalt  }
0x46: {  	_ =	shalt  }
0x47: {  	_ =	shalt  }
0x48: {  	_ =	shalt  }
0x49: {  	_ =	shalt  }
0x4a: {  	_ =	shalt  }
0x4b: {  	_ =	shalt  }
0x4c: {  	_ =	shalt  }
0x4d: {  	_ =	shalt  }
0x4e: {  	_ =	shalt  }
0x4f: {  	_ =	shalt  }
0x50: {  	_ =	shalt  }
0x51: {  	_ =	shalt  }
0x52: {  	_ =	shalt  }
0x53: {  	_ =	shalt  }
0x54: {  	_ =	shalt  }
0x55: {  	_ =	shalt  }
0x56: {  	_ =	shalt  }
0x57: {  	_ =	shalt  }
0x58: {  	_ =	shalt  }
0x59: {  	_ =	shalt  }
0x5a: {  	_ =	shalt  }
0x5b: {  	_ =	shalt  }
0x5c: {  	_ =	shalt  }
0x5d: {  	_ =	shalt  }
0x5e: {  	_ =	shalt  }
0x5f: {  	_ =	shalt  }
0x60: {  	_ =	shalt  }
0x61: {  	_ =	shalt  }
0x62: {  	_ =	shalt  }
0x63: {  	_ =	shalt  }
0x64: {  	_ =	shalt  }
0x65: {  	_ =	shalt  }
0x66: {  	_ =	shalt  }
0x67: {  	_ =	shalt  }
0x68: {  	_ =	shalt  }
0x69: {  	_ =	shalt  }
0x6a: {  	_ =	shalt  }
0x6b: {  	_ =	shalt  }
0x6c: {  	_ =	shalt  }
0x6d: {  	_ =	shalt  }
0x6e: {  	_ =	shalt  }
0x6f: {  	_ =	shalt  }
0x70: {  	_ =	shalt  }
0x71: {  	_ =	shalt  }
0x72: {  	_ =	shalt  }
0x73: {  	_ =	shalt  }
0x74: {  	_ =	shalt  }
0x75: {  	_ =	shalt  }
0x76: {  	_ =	shalt  }
0x77: {  	_ =	shalt  }
0x78: {  	_ =	shalt  }
0x79: {  	_ =	shalt  }
0x7a: {  	_ =	shalt  }
0x7b: {  	_ =	shalt  }
0x7c: {  	_ =	shalt  }
0x7d: {  	_ =	shalt  }
0x7e: {  	_ =	shalt  }
0x7f: {  	_ =	shalt  }
0x80: {  	_ =	shalt  }
0x81: {  	_ =	shalt  }
0x82: {  	_ =	shalt  }
0x83: {  	_ =	shalt  }
0x84: {  	_ =	shalt  }
0x85: {  	_ =	shalt  }
0x86: {  	_ =	shalt  }
0x87: {  	_ =	shalt  }
.Lfunc_end0:
.L_simem_size_0:
called_computation.1_lowered:
.L_overlay_start_0:
0x88: {  	s2 =	sld [smem:$0x3FD9]  }
0x89: {  	s3 =	sld [smem:$0x3FFE];
	_ =	sdelay $0x1  }
0x8a: {  	s1 =	srdreg.scid  }
0x8b: {  	s0 =	sand.u32 $0x1, s1  }
0x8c: {  	s16 =	sshll.u32 s0, $0xA;
	s2 =	sadd.s32 s3, s2  }
0x8d: {  	s2 =	sadd.s32 s2, s16  }
0x8e: {  	[smem:$0x3FC0] =	sst s2  }
0x8f: {  	_ = 	snop  }
0x90: {  	(tm) =	ssettm $0x1  }
0x91: {  	s17 =	sld [smem:$0x3FFB];
	_ =	sdelay $0x3  }
0x92: {  	_ =	strace s17  }
0x93: {  	s2 =	sld [smem:$0x3FFC];
	_ =	sdelay $0x3  }
0x94: {  	_ =	strace s2  }
0x95: {  	s2 =	sld [smem:$0x3FFD];
	_ =	sdelay $0x3  }
0x96: {  	_ =	strace s2  }
0x97: {  	_ =	strace $0x8FFFFFFF  }
0x98: {  	s18 =	sld [smem:$0x3FDB];
	_ =	sdelay $0x1  }
0x99: {  	s19 =	simm.s32 $_scs_section_size  }
0x9a: {  	s4 =	simm.s32 $_size__tile_overlayer_lowered;
	s5 =	simm.s32 $_tile_overlayer_lowered  }
0x9b: {  	s22 =	simm.s32 $0x1BFF;
	s21 =	sshll.u32 s5, $0x1;
	s2 =	sadd.s32 s19, s18  }
0x9c: {  	s6 =	simm.s32 $0x0;
	s20 =	sshll.u32 s4, $0x1;
	s4 =	sadd.s32 s21, s2  }
0x9d: {  	[timem:s6], [sflag:s22] =	dma.local [hbm:s4], s20  }
0x9e: {  	_ =	swait.ge [sflag:s22], s20  }
0x9f: {  	s3 =	ssub.s32 $0x0, s20;
	[sflag:s22] =	ssyncset.done $0x0  }
0xa0: {  	[sflag:s22] =	ssyncadd.s32 s3;
	_ =	sdelay $0x1  }
0xa1: {  	s23 =	simm.s32 $0x1B8B  }
0xa2: {  	_ =	swait.ge [sflag:s23], $0x1  }
0xa3: {  	[sflag:s23] =	ssyncset.done $0x0  }
0xa4: {  	s25 =	simm.s32 $0x1B8E;
	s24 =	sld [smem:$0x3FFE];
	[sflag:s23] =	ssyncadd.s32 $0xFFFFFFFF  }
0xa5: {  	s26 =	simm.s32 $execute0_lowered;
	[smem:$0x3FD2] =	sst s25  }
0xa6: {  	s4 =	sshll.u32 s26, $0x1;
	_ =	strace $0x80000049;
	[dreg:$0x1] =	wrdreg $0xFFFFFFFF  }
0xa7: {  	s28 =	simm.s32 $_size_execute0_lowered;
	s2 =	sadd.s32 s2, s4;
	[dreg:$0x0] =	wrdreg $0x0  }
0xa8: {  	s4 =	sshll.u32 s28, $0x1;
	[dreg:$0x2] =	wrdreg s2  }
0xa9: {  	[dreg:$0x3] =	wrdreg s4  }
0xaa: {  	[dreg:$0x4] =	wrdreg $0xC0  }
0xab: {  	_ =	task [dreg:s6], $0x5FFFF  }
0xac: {  	[dreg:$0x1] =	wrdreg $0xFFFFFFFF  }
0xad: {  	[dreg:$0x0] =	wrdreg $0x60  }
0xae: {  	[dreg:$0x2] =	wrdreg s24  }
0xaf: {  	[dreg:$0x3] =	wrdreg $0xBC000  }
0xb0: {  	[dreg:$0x4] =	wrdreg $0x9  }
0xb1: {  	_ =	task.clear_ibuf [dreg:s6], $0x5FFFF;
	_ =	strace $0x90000049  }
0xb2: {  	s29 =	simm.s32 $0x9;
	_ =	strace $0x8000004B  }
0xb3: {  	_ =	swait.ge [sflag:s29], $0x1  }
0xb4: {  	[sflag:s29] =	ssyncadd.s32 $0xFFFFFFFF  }
0xb5: {  	_ =	strace $0x9000004B  }
0xb6: {  	_ =	sfence  }
0xb7: {  	s30 =	sld [smem:$0x0];
	_ =	sdelay $0x2  }
0xb8: {  	s31 =	sshll.u32 s1, $0xD;
	s1 =	sshrl.u32 s1, $0x2  }
0xb9: {  	s3 =	sand.u32 $0x4000, s31;
	s1 =	sadd.s32 s1, s30  }
0xba: {  	s0 =	sor.u32 s3, s0;
	s1 =	sshll.u32 s1, $0x11  }
0xbb: {  	s0 =	sor.u32 s1, s0  }
0xbc: {  	s0 =	sadd.s32 $0x8F2B, s0  }
0xbd: {  	[sflag:s0] =	ssyncadd.remote.s32 $0x1  }
0xbe: {  	_ =	sfence.sel $0xFFFF  }
0xbf: {  	[dreg:$0x0] =	wrdreg $0xFFFFFFFF;
	(pc) =	sbr.abs _section_cstart, $3  }
0xc0: {  	[dreg:$0x1] =	wrdreg $0xFFFFFFFF  }
0xc1: {  	_ =	task.clear_ibuf [dreg:s6], $0x2FFFF;
	_ =	strace $0x9FFFFFFF  }
0xc2: {  	(tm) =	ssettm $0x7FFFFFFF  }
0xc3: {  	_ =	shalt  }
tec
execute0_lowered:
.L_overlay_start_1:
0x0: {  	(tag) =	ssettag $0x1  }
0x1: {  	s1 =	rddreg [dreg:$0x0]  }
0x2: {  	s0 =	srdreg.scid;
	s2 =	rddreg [dreg:$0x1];
	s3 =	simm.s32 $0x0  }
0x3: {  	s11 =	stileid.u32;
	s18 =	simm.s32 $0x3C00;
	s19 =	simm.s32 $0x5  }
0x4: {  	s21 =	simm.s32 $0x2800;
	s22 =	simm.s32 $0x80;
	s6 =	smul.u32 $0x14000, s11  }
0x5: {  	s28 =	simm.s32 $0x4;
	s0 =	sand.u32 $0x1, s0;
	s8 =	smul.u32 $0x50000, s11  }
0x6: {  	[smem:$0x7FF] =	sst s3;
	s7 =	sadd.s32 $0x52000, s1;
	s9 =	smul.u32 $0x2800, s11  }
0x7: {  	s10 =	sadd.s32 $0x57000, s1;
	s23 =	sadd.s32 $0x5C000, s1;
	s11 =	smul.u32 $0x500, s11  }
0x8: {  	s4 =	smul.u32 $0x140000, s0;
	_ =	strace $0x8000004A;
	s0 =	ssub.s32 $0x2, s0  }
0x9: {  	s24 =	sshrl.u32 s0, $0x1;
	s8 =	sshrl.u32 s8, $0x2;
	s25 =	sshrl.u32 s9, $0x3  }
0xa: {  	s26 =	sadd.s32 s7, s11;
	s29 =	sadd.s32 s10, s11;
	s30 =	sadd.s32 s23, s11  }
0xb: {  	s5 =	sshrl.u32 s4, $0x3;
	s4 =	sadd.s32 s6, s4;
	[dreg:$0x3] =	wrdreg s26  }
0xc: {  	s0 =	ssub.s32 s0, s24;
	[dreg:$0x4] =	wrdreg s29;
	s12 =	sadd.s32 $0x280, s25  }
0xd: {  	[dreg:$0x5] =	wrdreg s30;
	s24 =	simm.s32 $0x1;
	s25 =	simm.s32 $0x2  }
0xe: {  	s26 =	simm.s32 $0x3;
	s5 =	sadd.s32 s5, s1;
	s4 =	sshrl.u32 s4, $0x3  }
.Ltmp0:
0xf: {  	s31 =	sadd.s32 s7, s12;
	s10 =	sadd.s32 s10, s12;
	(pc) =	sbr.rel .LBB2_1-.Ltmp0, $4  }
0x10: {  	s11 =	sadd.s32 s23, s12;
	s13 =	smax.u32 s0, $0x1;
	s23 =	simm.s32 $0x7C00  }
0x11: {  	s1 =	sadd.s32 s4, s1;
	s4 =	sadd.s32 s8, s2;
	s8 =	sadd.s32 $0x2000, s5  }
0x12: {  	[dreg:$0x6] =	wrdreg s31;
	s12 =	sadd.s32 $0x61A00, s1;
	s14 =	sadd.s32 $0x4000, s4  }
0x13: {  	v0 =	vimm.f32 $0.0e+00;
	s15 =	sadd.s32 $0x8000, s4;
	s16 =	sadd.s32 $0xC000, s4;
	s17 =	sadd.s32 $0x10000, s4  }
.LBB2_17:
0x14: {  	_ =	swait.ge [sflag:s28], $0x4000;
	s0 =	stileid.u32  }
0x15: {  	s1 =	sshrl.u32 s4, $0x3;
	s3 =	sadd.s32 $0x1, s3;
	[sflag:s28] =	ssyncset.done $0x0  }
0x16: {  	s0 =	sshll.u32 s0, $0x6;
	p0 =	sne.s32 s3, s13;
	[sflag:s28] =	ssyncadd.s32 $0xFFFFC000  }
.Ltmp1:
0x17: {  	s0 =	sor.u32 $0x1C05, s0;
	[bflag:$0x0] =	sbarrier.arrive $0xFFFF;
	(pc) =	sbr.rel @!p0 .LBB2_18-.Ltmp1, $4  }
0x18: {  	[hbm:s12], [sflag:s0] =	dma.local [spmem:s1], $0x2800  }
0x19: {  	_ =	swait.ge [sflag:s19], $0x2800  }
0x1a: {  	[sflag:s19] =	ssyncset.done $0x0  }
0x1b: {  	[sflag:s19] =	ssyncadd.s32 $0xFFFFD800  }
.LBB2_1:
0x1c: {  	s0 =	simm.s32 $0x0;
	s1 =	simm.s32 $0x200  }
.LBB2_2:
0x1d: {  	p0 =	sne.s32 s1, $0xFE00;
	[tilespmem:s0+$0x3C70] =	vst v0  }
0x1e: {  	[tilespmem:s0+$0x3C00] =	vst v0  }
0x1f: {  	[tilespmem:s0+$0x3C10] =	vst v0  }
.Ltmp2:
0x20: {  	[tilespmem:s0+$0x3C20] =	vst v0;
	(pc) =	sbr.rel @p0 .LBB2_2-.Ltmp2, $4  }
0x21: {  	[tilespmem:s0+$0x3C30] =	vst v0  }
0x22: {  	[tilespmem:s0+$0x3C40] =	vst v0  }
0x23: {  	[tilespmem:s0+$0x3C50] =	vst v0  }
0x24: {  	[tilespmem:s0+$0x3C60] =	vst v0;
	s0 =	sshra.s32 s1, $0x2;
	s1 =	sadd.s32 $0x200, s1  }
0x25: {  	[tilespmem:s0+$0x3C70] =	vst v0  }
0x26: {  	[tilespmem:s0+$0x3C00] =	vst v0  }
0x27: {  	[tilespmem:s0+$0x3C10] =	vst v0  }
0x28: {  	[tilespmem:s0+$0x3C20] =	vst v0  }
0x29: {  	[tilespmem:s0+$0x3C30] =	vst v0  }
0x2a: {  	[tilespmem:s0+$0x3C40] =	vst v0  }
0x2b: {  	[tilespmem:s0+$0x3C50] =	vst v0  }
0x2c: {  	[tilespmem:s0+$0x3C60] =	vst v0  }
0x2d: {  	[spmem:s4] =	stream.linear.scatter [tilespmem:s18], [sflag:$0x5], $0x4000, $0x38;
	[tilespmem:$0x1FC00] =	vst v63  }
0x2e: {  	_ =	swait.ge [sflag:s19], $0x4000  }
0x2f: {  	[sflag:s19] =	ssyncset.done $0x0  }
0x30: {  	[sflag:s19] =	ssyncadd.s32 $0xFFFFC000  }
0x31: {  	[spmem:s14] =	stream.linear.scatter [tilespmem:s18], [sflag:$0x5], $0x4000, $0x38;
	[tilespmem:$0x1FC00] =	vst v63  }
0x32: {  	_ =	swait.ge [sflag:s19], $0x4000  }
0x33: {  	[sflag:s19] =	ssyncset.done $0x0  }
0x34: {  	[sflag:s19] =	ssyncadd.s32 $0xFFFFC000  }
0x35: {  	[spmem:s15] =	stream.linear.scatter [tilespmem:s18], [sflag:$0x5], $0x4000, $0x38;
	[tilespmem:$0x1FC00] =	vst v63  }
0x36: {  	_ =	swait.ge [sflag:s19], $0x4000  }
0x37: {  	[sflag:s19] =	ssyncset.done $0x0  }
0x38: {  	[sflag:s19] =	ssyncadd.s32 $0xFFFFC000  }
0x39: {  	[spmem:s16] =	stream.linear.scatter [tilespmem:s18], [sflag:$0x5], $0x4000, $0x38;
	[tilespmem:$0x1FC00] =	vst v63  }
0x3a: {  	_ =	swait.ge [sflag:s19], $0x4000  }
0x3b: {  	[sflag:s19] =	ssyncset.done $0x0  }
0x3c: {  	[sflag:s19] =	ssyncadd.s32 $0xFFFFC000  }
0x3d: {  	[spmem:s17] =	stream.linear.scatter [tilespmem:s18], [sflag:$0x5], $0x4000, $0x38;
	[tilespmem:$0x1FC00] =	vst v63  }
0x3e: {  	_ =	swait.ge [sflag:s19], $0x4000  }
0x3f: {  	[sflag:s19] =	ssyncset.done $0x0  }
0x40: {  	[sflag:s19] =	ssyncadd.s32 $0xFFFFC000  }
0x41: {  	[bflag:$0x0] =	sbarrier.arrive $0xFFFF  }
0x42: {  	s29 =	simm.s32 $0x0;
	s9 =	rddreg [dreg:$0x3]  }
0x43: {  	[tilespmem:s29], [sflag:$0x5] =	stream.linear.gather [hbm4b:s9+s29], $0x1400, $0x38;
	[tilespmem:$0x1FC00] =	vst v63  }
0x44: {  	_ =	swait.ge [sflag:s19], $0x1400  }
0x45: {  	[sflag:s19] =	ssyncset.done $0x0  }
0x46: {  	s1 =	simm.s32 $0x1400;
	s20 =	rddreg [dreg:$0x4];
	[sflag:s19] =	ssyncadd.s32 $0xFFFFEC00  }
0x47: {  	[tilespmem:s1], [sflag:$0x5] =	stream.linear.gather [hbm4b:s20+s29], $0x1400, $0x38;
	[tilespmem:$0x1FC00] =	vst v63  }
0x48: {  	_ =	swait.ge [sflag:s19], $0x1400  }
0x49: {  	[sflag:s19] =	ssyncset.done $0x0  }
0x4a: {  	s31 =	rddreg [dreg:$0x5];
	[sflag:s19] =	ssyncadd.s32 $0xFFFFEC00  }
0x4b: {  	[tilespmem:s21], [sflag:$0x5] =	stream.linear.gather [hbm4b:s31+s29], $0x1400, $0x38;
	[tilespmem:$0x1FC00] =	vst v63  }
0x4c: {  	_ =	swait.ge [sflag:s19], $0x1400  }
0x4d: {  	[sflag:s19] =	ssyncset.done $0x0  }
0x4e: {  	s30 =	simm.s32 $0x0;
	[sflag:s19] =	ssyncadd.s32 $0xFFFFEC00  }
0x4f: {  	[tilespmem:s18], [sflag:$0x1] =	stream.indirect.gather [hbm4b:s8+s22], $0x80, s29, s22, $0xb8;
	[tilespmem:$0x1FC00] =	vst v63  }
.LBB2_4:
0x50: {  	p0 =	seq.s32 s30, $0x0;
	s0 =	sshll.u32 s30, $0x1  }
0x51: {  	v2 =	vmov s29;
	s1 =	simm.s32 @!p0 $0x4;
	s5 =	sshll.u32 s0, $0x7  }
0x52: {  	v2 =	vand.u32 $0x78, v2;
	_ =	swait.ge @!p0 [sflag:s1], $0x4000;
	v1 =	vmov s5  }
0x53: {  	s0 =	sor.u32 $0x1, s0;
	[sflag:s1] =	ssyncset.done @!p0 $0x0;
	v2 =	vor.u32 v1, v2  }
0x54: {  	s31 =	sshll.u32 s0, $0x7;
	[sflag:s1] =	ssyncadd.s32 @!p0 $0xFFFFC000;
	v2 =	vbroadcast v2, $0x0  }
0x55: {  	[tilespmem:s23], [sflag:$0x2] =	stream.indirect.gather [hbm4b:s8+s22], $0x80, s31, s22, $0xb8;
	[tilespmem:$0x1FC00] =	vst v63  }
0x56: {  	_ =	swait.ge [sflag:s24], $0x4000  }
0x57: {  	[sflag:s24] =	ssyncset.done $0x0  }
0x58: {  	s0 =	simm.s32 $0x3E00;
	[sflag:s24] =	ssyncadd.s32 $0xFFFFC000  }
0x59: {  	v4 =	vld [tilespmem:s0+$0xFFFFFE70]  }
0x5a: {  	v2 =	vld.idx.msk [tilespmem:v2+s21+$0x0], $0xffff  }
0x5b: {  	v5 =	vld [tilespmem:s0+$0xFFFFFE00]  }
0x5c: {  	v6 =	vld [tilespmem:s0+$0xFFFFFE20]  }
0x5d: {  	v7 =	vld [tilespmem:s0+$0xFFFFFE30]  }
0x5e: {  	v3 =	vld [tilespmem:s0+$0xFFFFFE50]  }
0x5f: {  	s6 =	simm.s32 $0x1;
	v9 =	vld [tilespmem:s0+$0xFFFFFE10];
	v4 =	vmul.f32 v4, v2  }
0x60: {  	v11 =	vmov s6;
	v8 =	vld [tilespmem:s0+$0xFFFFFE60];
	v5 =	vmul.f32 v5, v2  }
0x61: {  	v10 =	vld [tilespmem:s0+$0xFFFFFE40];
	v6 =	vmul.f32 v6, v2;
	[tilespmem:s0+$0xFFFFFE70] =	vst v4;
	v4 =	vand.u32 $0x79, v11  }
0x62: {  	v7 =	vmul.f32 v7, v2;
	[tilespmem:s0+$0xFFFFFE00] =	vst v5;
	v4 =	vor.u32 v1, v4  }
0x63: {  	v3 =	vmul.f32 v3, v2;
	[tilespmem:s0+$0xFFFFFE20] =	vst v6;
	v4 =	vbroadcast v4, $0x0  }
0x64: {  	v5 =	vmul.f32 v9, v2;
	[tilespmem:s0+$0xFFFFFE30] =	vst v7  }
0x65: {  	v6 =	vmul.f32 v8, v2;
	[tilespmem:s0+$0xFFFFFE50] =	vst v3  }
0x66: {  	v2 =	vmul.f32 v10, v2;
	[tilespmem:s0+$0xFFFFFE10] =	vst v5  }
0x67: {  	[tilespmem:s0+$0xFFFFFE60] =	vst v6  }
0x68: {  	[tilespmem:s0+$0xFFFFFE40] =	vst v2  }
0x69: {  	v2 =	vld.idx.msk [tilespmem:v4+s21+$0x0], $0xffff  }
0x6a: {  	v4 =	vld [tilespmem:s0+$0xFFFFFE80]  }
0x6b: {  	v5 =	vld [tilespmem:s0+$0xFFFFFEE0]  }
0x6c: {  	v6 =	vld [tilespmem:s0+$0xFFFFFE90]  }
0x6d: {  	v7 =	vld [tilespmem:s0+$0xFFFFFED0]  }
0x6e: {  	v3 =	vld [tilespmem:s0+$0xFFFFFEF0]  }
0x6f: {  	s7 =	simm.s32 $0x2;
	v8 =	vld [tilespmem:s0+$0xFFFFFEB0];
	v4 =	vmul.f32 v4, v2  }
0x70: {  	v10 =	vld [tilespmem:s0+$0xFFFFFEC0];
	v11 =	vmov s7;
	v5 =	vmul.f32 v5, v2  }
0x71: {  	v9 =	vld [tilespmem:s0+$0xFFFFFEA0];
	v6 =	vmul.f32 v6, v2;
	[tilespmem:s0+$0xFFFFFE80] =	vst v4;
	v4 =	vand.u32 $0x7A, v11  }
0x72: {  	v7 =	vmul.f32 v7, v2;
	[tilespmem:s0+$0xFFFFFEE0] =	vst v5;
	v4 =	vor.u32 v1, v4  }
0x73: {  	v3 =	vmul.f32 v3, v2;
	[tilespmem:s0+$0xFFFFFE90] =	vst v6;
	v4 =	vbroadcast v4, $0x0  }
0x74: {  	v5 =	vmul.f32 v8, v2;
	[tilespmem:s0+$0xFFFFFED0] =	vst v7  }
0x75: {  	v6 =	vmul.f32 v10, v2;
	[tilespmem:s0+$0xFFFFFEF0] =	vst v3  }
0x76: {  	v2 =	vmul.f32 v9, v2;
	[tilespmem:s0+$0xFFFFFEB0] =	vst v5  }
0x77: {  	[tilespmem:s0+$0xFFFFFEC0] =	vst v6  }
0x78: {  	[tilespmem:s0+$0xFFFFFEA0] =	vst v2;
	v2 =	vld [tilespmem:s0+$0xFFFFFF40]  }
0x79: {  	v4 =	vld.idx.msk [tilespmem:v4+s21+$0x0], $0xffff  }
0x7a: {  	v5 =	vld [tilespmem:s0+$0xFFFFFF20]  }
0x7b: {  	v6 =	vld [tilespmem:s0+$0xFFFFFF10]  }
0x7c: {  	v7 =	vld [tilespmem:s0+$0xFFFFFF50]  }
0x7d: {  	v3 =	vld [tilespmem:s0+$0xFFFFFF70]  }
0x7e: {  	s9 =	simm.s32 $0x3;
	v8 =	vld [tilespmem:s0+$0xFFFFFF00];
	v2 =	vmul.f32 v2, v4  }
0x7f: {  	v9 =	vld [tilespmem:s0+$0xFFFFFF30];
	v11 =	vmov s9;
	v5 =	vmul.f32 v5, v4  }
0x80: {  	v10 =	vld [tilespmem:s0+$0xFFFFFF60];
	v6 =	vmul.f32 v6, v4;
	[tilespmem:s0+$0xFFFFFF40] =	vst v2;
	v2 =	vand.u32 $0x7B, v11  }
0x81: {  	v7 =	vmul.f32 v7, v4;
	[tilespmem:s0+$0xFFFFFF20] =	vst v5;
	v2 =	vor.u32 v1, v2  }
0x82: {  	v3 =	vmul.f32 v3, v4;
	[tilespmem:s0+$0xFFFFFF10] =	vst v6;
	v2 =	vbroadcast v2, $0x0  }
0x83: {  	v5 =	vmul.f32 v8, v4;
	[tilespmem:s0+$0xFFFFFF50] =	vst v7  }
0x84: {  	v6 =	vmul.f32 v9, v4;
	[tilespmem:s0+$0xFFFFFF70] =	vst v3  }
0x85: {  	v4 =	vmul.f32 v10, v4;
	[tilespmem:s0+$0xFFFFFF00] =	vst v5  }
0x86: {  	v3 =	vld [tilespmem:s0+$0xFFFFFF90];
	[tilespmem:s0+$0xFFFFFF30] =	vst v6  }
0x87: {  	[tilespmem:s0+$0xFFFFFF60] =	vst v4;
	v4 =	vld [tilespmem:s0+$0xFFFFFF80]  }
0x88: {  	v2 =	vld.idx.msk [tilespmem:v2+s21+$0x0], $0xffff  }
0x89: {  	v5 =	vld [tilespmem:s0+$0xFFFFFFA0]  }
0x8a: {  	v6 =	vld [tilespmem:s0+$0xFFFFFFD0];
	_ =	sdelay $0x1  }
0x8b: {  	v7 =	vld [tilespmem:s0+$0xFFFFFFB0]  }
0x8c: {  	s20 =	simm.s32 $0x4;
	v8 =	vld [tilespmem:s0+$0xFFFFFFE0];
	v3 =	vmul.f32 v3, v2  }
0x8d: {  	v9 =	vld [tilespmem:s0+$0xFFFFFFC0];
	v11 =	vmov s20;
	v4 =	vmul.f32 v4, v2  }
0x8e: {  	v10 =	vld [tilespmem:s0+$0xFFFFFFF0];
	v5 =	vmul.f32 v5, v2;
	[tilespmem:s0+$0xFFFFFF90] =	vst v3;
	v3 =	vmul.f32 v6, v2;
	v6 =	vand.u32 $0x7C, v11  }
0x8f: {  	[tilespmem:s0+$0xFFFFFF80] =	vst v4;
	v6 =	vor.u32 v1, v6  }
0x90: {  	v4 =	vmul.f32 v7, v2;
	[tilespmem:s0+$0xFFFFFFA0] =	vst v5;
	v6 =	vbroadcast v6, $0x0  }
0x91: {  	v5 =	vmul.f32 v8, v2;
	[tilespmem:s0+$0xFFFFFFD0] =	vst v3  }
0x92: {  	v8 =	vld [tilespmem:s0+$0x20];
	v3 =	vmul.f32 v9, v2;
	[tilespmem:s0+$0xFFFFFFB0] =	vst v4  }
0x93: {  	v11 =	vld [tilespmem:s0+$0x40];
	v2 =	vmul.f32 v10, v2;
	[tilespmem:s0+$0xFFFFFFE0] =	vst v5  }
0x94: {  	v7 =	vld [tilespmem:s0+$0x50];
	[tilespmem:s0+$0xFFFFFFC0] =	vst v3  }
0x95: {  	v5 =	vld [tilespmem:s0+$0x0];
	[tilespmem:s0+$0xFFFFFFF0] =	vst v2  }
0x96: {  	v3 =	vld.idx.msk [tilespmem:v6+s21+$0x0], $0xffff  }
0x97: {  	v4 =	vld [tilespmem:s0+$0x70]  }
0x98: {  	v9 =	vld [tilespmem:s0+$0x30]  }
0x99: {  	v6 =	vld [tilespmem:s0+$0x10]  }
0x9a: {  	s6 =	simm.s32 $0x5;
	v2 =	vld [tilespmem:s0+$0x60]  }
0x9b: {  	s5 =	simm.s32 $0x8;
	s1 =	simm.s32 $0x0;
	s20 =	simm.s32 $0x3E00;
	v10 =	vmul.f32 v5, v3;
	v5 =	vmul.f32 v11, v3  }
.LBB2_5:
0x9c: {  	p0 =	slt.u32 s5, $0x78  }
0x9d: {  	v8 =	vmul.f32 v8, v3;
	v9 =	vmul.f32 v9, v3;
	v11 =	vmov s6;
	s0 =	sadd.s32 $0x400, s0;
	s6 =	smov.u32 s5;
	s5 =	sadd.s32 $0x8, s5  }
0x9e: {  	v4 =	vmul.f32 v4, v3;
	[tilespmem:s20+$0x0] =	vst v10;
	v6 =	vmul.f32 v6, v3;
	v10 =	vand.u32 $0x7D, v11  }
0x9f: {  	v2 =	vmul.f32 v2, v3;
	[tilespmem:s20+$0x20] =	vst v8;
	v7 =	vmul.f32 v7, v3;
	v3 =	vor.u32 v1, v10  }
0xa0: {  	[tilespmem:s20+$0x70] =	vst v4;
	v3 =	vbroadcast v3, $0x0  }
0xa1: {  	[tilespmem:s20+$0x60] =	vst v2  }
0xa2: {  	[tilespmem:s20+$0x40] =	vst v5;
	v2 =	vld [tilespmem:s20+$0xA0]  }
0xa3: {  	[tilespmem:s20+$0x30] =	vst v9;
	v4 =	vld [tilespmem:s20+$0xE0]  }
0xa4: {  	[tilespmem:s20+$0x50] =	vst v7;
	v5 =	vld [tilespmem:s20+$0xF0]  }
0xa5: {  	[tilespmem:s20+$0x10] =	vst v6;
	v6 =	vld [tilespmem:s20+$0x90]  }
0xa6: {  	v3 =	vld.idx.msk [tilespmem:v3+s21+$0x0], $0xffff  }
0xa7: {  	v7 =	vld [tilespmem:s20+$0x80]  }
0xa8: {  	v8 =	vld [tilespmem:s20+$0xB0]  }
0xa9: {  	v9 =	vld [tilespmem:s20+$0xD0]  }
0xaa: {  	v10 =	vld [tilespmem:s20+$0xC0];
	_ =	sdelay $0x1  }
0xab: {  	s7 =	sadd.s32 $0x6, s1;
	v4 =	vmul.f32 v4, v3;
	v7 =	vmul.f32 v7, v3  }
0xac: {  	v11 =	vmov s7;
	v2 =	vmul.f32 v2, v3;
	v8 =	vmul.f32 v8, v3  }
0xad: {  	v6 =	vmul.f32 v6, v3;
	[tilespmem:s20+$0xE0] =	vst v4;
	v4 =	vmul.f32 v5, v3;
	v5 =	vand.u32 $0x7E, v11  }
0xae: {  	[tilespmem:s20+$0xA0] =	vst v2;
	v2 =	vmul.f32 v10, v3;
	v3 =	vmul.f32 v9, v3;
	v5 =	vor.u32 v1, v5  }
0xaf: {  	[tilespmem:s20+$0x80] =	vst v7;
	v5 =	vbroadcast v5, $0x0  }
0xb0: {  	[tilespmem:s20+$0xF0] =	vst v4  }
0xb1: {  	[tilespmem:s20+$0x90] =	vst v6;
	v4 =	vld [tilespmem:s20+$0x120]  }
0xb2: {  	[tilespmem:s20+$0xB0] =	vst v8;
	v6 =	vld [tilespmem:s20+$0x170]  }
0xb3: {  	[tilespmem:s20+$0xD0] =	vst v3;
	v3 =	vld [tilespmem:s20+$0x160]  }
0xb4: {  	[tilespmem:s20+$0xC0] =	vst v2;
	v2 =	vld [tilespmem:s20+$0x110]  }
0xb5: {  	v5 =	vld.idx.msk [tilespmem:v5+s21+$0x0], $0xffff  }
0xb6: {  	v7 =	vld [tilespmem:s20+$0x100]  }
0xb7: {  	v8 =	vld [tilespmem:s20+$0x130]  }
0xb8: {  	v9 =	vld [tilespmem:s20+$0x140]  }
0xb9: {  	v10 =	vld [tilespmem:s20+$0x150];
	_ =	sdelay $0x1  }
0xba: {  	s7 =	sadd.s32 $0x7, s1;
	s1 =	smov.u32 s6;
	v2 =	vmul.f32 v2, v5;
	v7 =	vmul.f32 v7, v5  }
0xbb: {  	v11 =	vmov s7;
	v4 =	vmul.f32 v4, v5;
	v8 =	vmul.f32 v8, v5  }
0xbc: {  	v3 =	vmul.f32 v3, v5;
	[tilespmem:s20+$0x100] =	vst v7;
	v7 =	vmul.f32 v9, v5;
	v9 =	vand.u32 $0x7F, v11  }
0xbd: {  	[tilespmem:s20+$0x120] =	vst v4;
	v4 =	vmul.f32 v10, v5;
	v5 =	vmul.f32 v6, v5;
	v6 =	vor.u32 v1, v9  }
0xbe: {  	[tilespmem:s20+$0x110] =	vst v2;
	v2 =	vbroadcast v6, $0x0  }
0xbf: {  	[tilespmem:s20+$0x160] =	vst v3  }
0xc0: {  	[tilespmem:s20+$0x170] =	vst v5;
	v3 =	vld [tilespmem:s20+$0x180]  }
0xc1: {  	[tilespmem:s20+$0x130] =	vst v8;
	v5 =	vld [tilespmem:s20+$0x1D0]  }
0xc2: {  	[tilespmem:s20+$0x150] =	vst v4;
	v4 =	vld [tilespmem:s20+$0x1F0]  }
0xc3: {  	[tilespmem:s20+$0x140] =	vst v7;
	v6 =	vld [tilespmem:s20+$0x1B0]  }
0xc4: {  	v2 =	vld.idx.msk [tilespmem:v2+s21+$0x0], $0xffff  }
0xc5: {  	v7 =	vld [tilespmem:s20+$0x190]  }
0xc6: {  	v8 =	vld [tilespmem:s20+$0x1A0]  }
0xc7: {  	v9 =	vld [tilespmem:s20+$0x1C0]  }
0xc8: {  	v10 =	vld [tilespmem:s20+$0x1E0];
	_ =	sdelay $0x1  }
0xc9: {  	v3 =	vmul.f32 v3, v2;
	v7 =	vmul.f32 v7, v2  }
0xca: {  	v11 =	vmov s1;
	v6 =	vmul.f32 v6, v2;
	v8 =	vmul.f32 v8, v2  }
0xcb: {  	v11 =	vand.u32 $0x78, v11;
	v5 =	vmul.f32 v5, v2;
	[tilespmem:s20+$0x180] =	vst v3;
	v3 =	vmul.f32 v9, v2  }
0xcc: {  	v9 =	vor.u32 v1, v11;
	[tilespmem:s20+$0x1B0] =	vst v6;
	v6 =	vmul.f32 v10, v2;
	v2 =	vmul.f32 v4, v2  }
0xcd: {  	v4 =	vbroadcast v9, $0x0;
	[tilespmem:s20+$0x1D0] =	vst v5  }
0xce: {  	[tilespmem:s20+$0x1F0] =	vst v2  }
0xcf: {  	v2 =	vld [tilespmem:s0+$0xFFFFFE50];
	[tilespmem:s20+$0x1A0] =	vst v8  }
0xd0: {  	v5 =	vld [tilespmem:s0+$0xFFFFFE30];
	[tilespmem:s20+$0x1E0] =	vst v6  }
0xd1: {  	v6 =	vld [tilespmem:s0+$0xFFFFFE60];
	[tilespmem:s20+$0x1C0] =	vst v3  }
0xd2: {  	v3 =	vld [tilespmem:s0+$0xFFFFFE70];
	[tilespmem:s20+$0x190] =	vst v7;
	s20 =	smov.u32 s0  }
0xd3: {  	v4 =	vld.idx.msk [tilespmem:v4+s21+$0x0], $0xffff  }
0xd4: {  	v7 =	vld [tilespmem:s0+$0xFFFFFE00]  }
0xd5: {  	v8 =	vld [tilespmem:s0+$0xFFFFFE20]  }
0xd6: {  	v9 =	vld [tilespmem:s0+$0xFFFFFE10]  }
0xd7: {  	v10 =	vld [tilespmem:s0+$0xFFFFFE40];
	_ =	sdelay $0x1  }
0xd8: {  	s6 =	sadd.s32 $0x1, s1;
	v3 =	vmul.f32 v3, v4;
	v7 =	vmul.f32 v7, v4  }
0xd9: {  	v11 =	vmov s6;
	v6 =	vmul.f32 v6, v4;
	v8 =	vmul.f32 v8, v4  }
0xda: {  	v5 =	vmul.f32 v5, v4;
	v9 =	vmul.f32 v9, v4;
	[tilespmem:s0+$0xFFFFFE70] =	vst v3;
	v3 =	vand.u32 $0x79, v11  }
0xdb: {  	v2 =	vmul.f32 v2, v4;
	[tilespmem:s0+$0xFFFFFE00] =	vst v7;
	v7 =	vmul.f32 v10, v4;
	v3 =	vor.u32 v1, v3  }
0xdc: {  	[tilespmem:s0+$0xFFFFFE20] =	vst v8;
	v3 =	vbroadcast v3, $0x0  }
0xdd: {  	[tilespmem:s0+$0xFFFFFE30] =	vst v5  }
0xde: {  	[tilespmem:s0+$0xFFFFFE50] =	vst v2;
	v2 =	vld [tilespmem:s0+$0xFFFFFEF0]  }
0xdf: {  	[tilespmem:s0+$0xFFFFFE10] =	vst v9;
	v4 =	vld [tilespmem:s0+$0xFFFFFED0]  }
0xe0: {  	[tilespmem:s0+$0xFFFFFE60] =	vst v6;
	v5 =	vld [tilespmem:s0+$0xFFFFFEB0]  }
0xe1: {  	[tilespmem:s0+$0xFFFFFE40] =	vst v7;
	v6 =	vld [tilespmem:s0+$0xFFFFFEE0]  }
0xe2: {  	v3 =	vld.idx.msk [tilespmem:v3+s21+$0x0], $0xffff  }
0xe3: {  	v7 =	vld [tilespmem:s0+$0xFFFFFE80]  }
0xe4: {  	v8 =	vld [tilespmem:s0+$0xFFFFFE90]  }
0xe5: {  	v9 =	vld [tilespmem:s0+$0xFFFFFEA0]  }
0xe6: {  	v10 =	vld [tilespmem:s0+$0xFFFFFEC0];
	_ =	sdelay $0x1  }
0xe7: {  	s6 =	sadd.s32 $0x2, s1;
	v6 =	vmul.f32 v6, v3;
	v7 =	vmul.f32 v7, v3  }
0xe8: {  	v11 =	vmov s6;
	v5 =	vmul.f32 v5, v3;
	v8 =	vmul.f32 v8, v3  }
0xe9: {  	v4 =	vmul.f32 v4, v3;
	[tilespmem:s0+$0xFFFFFE80] =	vst v7;
	v7 =	vmul.f32 v9, v3;
	v9 =	vand.u32 $0x7A, v11  }
0xea: {  	v2 =	vmul.f32 v2, v3;
	v10 =	vmul.f32 v10, v3;
	[tilespmem:s0+$0xFFFFFEE0] =	vst v6;
	v3 =	vor.u32 v1, v9  }
0xeb: {  	[tilespmem:s0+$0xFFFFFE90] =	vst v8;
	v3 =	vbroadcast v3, $0x0  }
0xec: {  	[tilespmem:s0+$0xFFFFFED0] =	vst v4  }
0xed: {  	[tilespmem:s0+$0xFFFFFEF0] =	vst v2;
	v2 =	vld [tilespmem:s0+$0xFFFFFF70]  }
0xee: {  	[tilespmem:s0+$0xFFFFFEB0] =	vst v5;
	v4 =	vld [tilespmem:s0+$0xFFFFFF50]  }
0xef: {  	[tilespmem:s0+$0xFFFFFEC0] =	vst v10;
	v5 =	vld [tilespmem:s0+$0xFFFFFF30]  }
0xf0: {  	[tilespmem:s0+$0xFFFFFEA0] =	vst v7;
	v6 =	vld [tilespmem:s0+$0xFFFFFF40]  }
0xf1: {  	v3 =	vld.idx.msk [tilespmem:v3+s21+$0x0], $0xffff  }
0xf2: {  	v7 =	vld [tilespmem:s0+$0xFFFFFF20]  }
0xf3: {  	v8 =	vld [tilespmem:s0+$0xFFFFFF10]  }
0xf4: {  	v9 =	vld [tilespmem:s0+$0xFFFFFF00]  }
0xf5: {  	v10 =	vld [tilespmem:s0+$0xFFFFFF60];
	_ =	sdelay $0x1  }
0xf6: {  	s6 =	sadd.s32 $0x3, s1;
	v6 =	vmul.f32 v6, v3;
	v7 =	vmul.f32 v7, v3  }
0xf7: {  	v11 =	vmov s6;
	v5 =	vmul.f32 v5, v3;
	v8 =	vmul.f32 v8, v3  }
0xf8: {  	v4 =	vmul.f32 v4, v3;
	v9 =	vmul.f32 v9, v3;
	[tilespmem:s0+$0xFFFFFF40] =	vst v6;
	v6 =	vand.u32 $0x7B, v11  }
0xf9: {  	v2 =	vmul.f32 v2, v3;
	[tilespmem:s0+$0xFFFFFF20] =	vst v7;
	v7 =	vmul.f32 v10, v3;
	v3 =	vor.u32 v1, v6  }
0xfa: {  	[tilespmem:s0+$0xFFFFFF10] =	vst v8;
	v3 =	vbroadcast v3, $0x0  }
0xfb: {  	[tilespmem:s0+$0xFFFFFF50] =	vst v4  }
0xfc: {  	[tilespmem:s0+$0xFFFFFF00] =	vst v9;
	v4 =	vld [tilespmem:s0+$0xFFFFFFF0]  }
0xfd: {  	[tilespmem:s0+$0xFFFFFF30] =	vst v5;
	v5 =	vld [tilespmem:s0+$0xFFFFFFD0]  }
0xfe: {  	[tilespmem:s0+$0xFFFFFF70] =	vst v2;
	v2 =	vld [tilespmem:s0+$0xFFFFFFC0]  }
0xff: {  	[tilespmem:s0+$0xFFFFFF60] =	vst v7;
	v6 =	vld [tilespmem:s0+$0xFFFFFFA0]  }
0x100: {  	v3 =	vld.idx.msk [tilespmem:v3+s21+$0x0], $0xffff  }
0x101: {  	v7 =	vld [tilespmem:s0+$0xFFFFFF90]  }
0x102: {  	v8 =	vld [tilespmem:s0+$0xFFFFFF80]  }
0x103: {  	v9 =	vld [tilespmem:s0+$0xFFFFFFB0]  }
0x104: {  	v10 =	vld [tilespmem:s0+$0xFFFFFFE0];
	_ =	sdelay $0x1  }
0x105: {  	s6 =	sadd.s32 $0x4, s1;
	v6 =	vmul.f32 v6, v3;
	v7 =	vmul.f32 v7, v3  }
0x106: {  	v11 =	vmul.f32 v2, v3;
	v2 =	vmov s6;
	v8 =	vmul.f32 v8, v3  }
0x107: {  	v5 =	vmul.f32 v5, v3;
	v2 =	vand.u32 $0x7C, v2;
	[tilespmem:s0+$0xFFFFFF90] =	vst v7;
	v7 =	vmul.f32 v9, v3  }
0x108: {  	v2 =	vor.u32 v1, v2;
	[tilespmem:s0+$0xFFFFFF80] =	vst v8;
	v8 =	vmul.f32 v10, v3;
	v3 =	vmul.f32 v4, v3  }
0x109: {  	[tilespmem:s0+$0xFFFFFFA0] =	vst v6;
	v6 =	vbroadcast v2, $0x0  }
0x10a: {  	[tilespmem:s0+$0xFFFFFFD0] =	vst v5  }
0x10b: {  	[tilespmem:s0+$0xFFFFFFB0] =	vst v7;
	v2 =	vld [tilespmem:s0+$0x60]  }
0x10c: {  	[tilespmem:s0+$0xFFFFFFE0] =	vst v8;
	v4 =	vld [tilespmem:s0+$0x70]  }
0x10d: {  	[tilespmem:s0+$0xFFFFFFC0] =	vst v11;
	v8 =	vld [tilespmem:s0+$0x20]  }
0x10e: {  	[tilespmem:s0+$0xFFFFFFF0] =	vst v3;
	v5 =	vld [tilespmem:s0+$0x0]  }
0x10f: {  	v3 =	vld.idx.msk [tilespmem:v6+s21+$0x0], $0xffff  }
0x110: {  	v11 =	vld [tilespmem:s0+$0x40]  }
.Ltmp3:
0x111: {  	v9 =	vld [tilespmem:s0+$0x30];
	(pc) =	sbr.rel @p0 .LBB2_5-.Ltmp3, $3  }
0x112: {  	v6 =	vld [tilespmem:s0+$0x10]  }
0x113: {  	v7 =	vld [tilespmem:s0+$0x50];
	_ =	sdelay $0x1  }
0x114: {  	s6 =	sadd.s32 $0x5, s1;
	v10 =	vmul.f32 v5, v3;
	v5 =	vmul.f32 v11, v3  }
0x115: {  	v8 =	vmul.f32 v8, v3;
	v11 =	vmov s6  }
0x116: {  	v4 =	vmul.f32 v4, v3;
	[tilespmem:s20+$0x0] =	vst v10;
	v10 =	vand.u32 $0x7D, v11  }
0x117: {  	v2 =	vmul.f32 v2, v3;
	[tilespmem:s20+$0x20] =	vst v8;
	v8 =	vor.u32 v1, v10  }
0x118: {  	[tilespmem:s20+$0x70] =	vst v4;
	v4 =	vbroadcast v8, $0x0  }
0x119: {  	[tilespmem:s20+$0x60] =	vst v2;
	v2 =	vmul.f32 v7, v3  }
0x11a: {  	[tilespmem:s20+$0x40] =	vst v5;
	v8 =	vmul.f32 v9, v3  }
0x11b: {  	v3 =	vmul.f32 v6, v3;
	[tilespmem:s20+$0x50] =	vst v2  }
0x11c: {  	[tilespmem:s20+$0x30] =	vst v8  }
0x11d: {  	v2 =	vld [tilespmem:s20+$0xE0];
	[tilespmem:s20+$0x10] =	vst v3  }
0x11e: {  	v3 =	vld.idx.msk [tilespmem:v4+s21+$0x0], $0xffff  }
0x11f: {  	v5 =	vld [tilespmem:s20+$0xA0]  }
0x120: {  	v6 =	vld [tilespmem:s20+$0x80]  }
0x121: {  	v4 =	vld [tilespmem:s20+$0xF0]  }
0x122: {  	v7 =	vld [tilespmem:s20+$0x90]  }
0x123: {  	s0 =	sadd.s32 $0x6, s1;
	v8 =	vld [tilespmem:s20+$0xB0];
	v2 =	vmul.f32 v2, v3  }
0x124: {  	v11 =	vmov s0;
	v9 =	vld [tilespmem:s20+$0xD0];
	v5 =	vmul.f32 v5, v3  }
0x125: {  	v10 =	vld [tilespmem:s20+$0xC0];
	v6 =	vmul.f32 v6, v3;
	[tilespmem:s20+$0xE0] =	vst v2;
	v2 =	vand.u32 $0x7E, v11  }
0x126: {  	v4 =	vmul.f32 v4, v3;
	[tilespmem:s20+$0xA0] =	vst v5;
	v2 =	vor.u32 v1, v2  }
0x127: {  	v5 =	vmul.f32 v7, v3;
	[tilespmem:s20+$0x80] =	vst v6;
	v2 =	vbroadcast v2, $0x0  }
0x128: {  	v6 =	vmul.f32 v8, v3;
	[tilespmem:s20+$0xF0] =	vst v4  }
0x129: {  	v4 =	vmul.f32 v9, v3;
	[tilespmem:s20+$0x90] =	vst v5  }
0x12a: {  	v3 =	vmul.f32 v10, v3;
	[tilespmem:s20+$0xB0] =	vst v6  }
0x12b: {  	[tilespmem:s20+$0xD0] =	vst v4  }
0x12c: {  	[tilespmem:s20+$0xC0] =	vst v3;
	v3 =	vld [tilespmem:s20+$0x100]  }
0x12d: {  	v2 =	vld.idx.msk [tilespmem:v2+s21+$0x0], $0xffff  }
0x12e: {  	v4 =	vld [tilespmem:s20+$0x120]  }
0x12f: {  	v5 =	vld [tilespmem:s20+$0x110]  }
0x130: {  	v6 =	vld [tilespmem:s20+$0x160]  }
0x131: {  	v8 =	vld [tilespmem:s20+$0x130]  }
0x132: {  	s6 =	sadd.s32 $0x7, s1;
	v9 =	vld [tilespmem:s20+$0x150];
	v3 =	vmul.f32 v3, v2  }
0x133: {  	v7 =	vld [tilespmem:s20+$0x170];
	v10 =	vmov s6;
	v4 =	vmul.f32 v4, v2  }
0x134: {  	v11 =	vld [tilespmem:s20+$0x140];
	v5 =	vmul.f32 v5, v2;
	[tilespmem:s20+$0x100] =	vst v3;
	v3 =	vand.u32 $0x7F, v10  }
0x135: {  	v6 =	vmul.f32 v6, v2;
	[tilespmem:s20+$0x120] =	vst v4;
	v1 =	vor.u32 v1, v3  }
0x136: {  	[tilespmem:s20+$0x110] =	vst v5;
	v4 =	vmul.f32 v8, v2;
	v1 =	vbroadcast v1, $0x0  }
0x137: {  	[tilespmem:s20+$0x160] =	vst v6;
	v5 =	vmul.f32 v9, v2  }
0x138: {  	v3 =	vmul.f32 v7, v2;
	[tilespmem:s20+$0x130] =	vst v4  }
0x139: {  	v2 =	vmul.f32 v11, v2;
	[tilespmem:s20+$0x150] =	vst v5  }
0x13a: {  	[tilespmem:s20+$0x170] =	vst v3  }
0x13b: {  	v3 =	vld [tilespmem:s20+$0x180];
	[tilespmem:s20+$0x140] =	vst v2  }
0x13c: {  	v1 =	vld.idx.msk [tilespmem:v1+s21+$0x0], $0xffff  }
0x13d: {  	v2 =	vld [tilespmem:s20+$0x1B0]  }
0x13e: {  	v4 =	vld [tilespmem:s20+$0x1D0]  }
0x13f: {  	v5 =	vld [tilespmem:s20+$0x1F0]  }
0x140: {  	v7 =	vld [tilespmem:s20+$0x1A0]  }
0x141: {  	v8 =	vld [tilespmem:s20+$0x1E0];
	v3 =	vmul.f32 v3, v1  }
0x142: {  	v9 =	vld [tilespmem:s20+$0x1C0];
	v2 =	vmul.f32 v2, v1  }
0x143: {  	[tilespmem:s20+$0x180] =	vst v3;
	v3 =	vmul.f32 v4, v1  }
0x144: {  	v6 =	vld [tilespmem:s20+$0x190];
	[tilespmem:s20+$0x1B0] =	vst v2;
	v2 =	vmul.f32 v5, v1  }
0x145: {  	v4 =	vmul.f32 v7, v1;
	[tilespmem:s20+$0x1D0] =	vst v3  }
0x146: {  	v3 =	vmul.f32 v8, v1;
	[tilespmem:s20+$0x1F0] =	vst v2  }
0x147: {  	s1 =	simm.s32 $0x0;
	v2 =	vmul.f32 v9, v1;
	[tilespmem:s20+$0x1A0] =	vst v4  }
0x148: {  	[tilespmem:s20+$0x1E0] =	vst v3;
	v3 =	vmov s1  }
0x149: {  	s7 =	sshll.u32 s30, $0xA;
	v4 =	vmul.f32 v6, v1;
	v1 =	vmov s31;
	[tilespmem:s20+$0x1C0] =	vst v2;
	v2 =	vand.u32 $0x78, v3  }
0x14a: {  	s0 =	sshrl.u32 s7, $0x2;
	v2 =	vor.u32 v1, v2  }
0x14b: {  	s5 =	sadd.s32 $0x1400, s0;
	[tilespmem:s20+$0x190] =	vst v4;
	v2 =	vbroadcast v2, $0x0  }
0x14c: {  	[spmem:s2] =	stream.indirect.scatter.add.f32 [tilespmem:s18], [sflag:$0x3], $0x80, s5, s22, $0xb8;
	[tilespmem:$0x1FC00] =	vst v63  }
0x14d: {  	_ =	swait.ge [sflag:s25], $0x4000  }
0x14e: {  	[sflag:s25] =	ssyncset.done $0x0  }
0x14f: {  	s20 =	simm.s32 $0x7E00;
	[sflag:s25] =	ssyncadd.s32 $0xFFFFC000  }
0x150: {  	v4 =	vld [tilespmem:s20+$0xFFFFFE70]  }
0x151: {  	v2 =	vld.idx.msk [tilespmem:v2+s21+$0x0], $0xffff  }
0x152: {  	v5 =	vld [tilespmem:s20+$0xFFFFFE00]  }
0x153: {  	v6 =	vld [tilespmem:s20+$0xFFFFFE20]  }
0x154: {  	v7 =	vld [tilespmem:s20+$0xFFFFFE30]  }
0x155: {  	v3 =	vld [tilespmem:s20+$0xFFFFFE50]  }
0x156: {  	s9 =	simm.s32 $0x1;
	v9 =	vld [tilespmem:s20+$0xFFFFFE10];
	v4 =	vmul.f32 v4, v2  }
0x157: {  	v11 =	vmov s9;
	v8 =	vld [tilespmem:s20+$0xFFFFFE60];
	v5 =	vmul.f32 v5, v2  }
0x158: {  	v10 =	vld [tilespmem:s20+$0xFFFFFE40];
	v6 =	vmul.f32 v6, v2;
	[tilespmem:s20+$0xFFFFFE70] =	vst v4;
	v4 =	vand.u32 $0x79, v11  }
0x159: {  	v7 =	vmul.f32 v7, v2;
	[tilespmem:s20+$0xFFFFFE00] =	vst v5;
	v4 =	vor.u32 v1, v4  }
0x15a: {  	v3 =	vmul.f32 v3, v2;
	[tilespmem:s20+$0xFFFFFE20] =	vst v6;
	v4 =	vbroadcast v4, $0x0  }
0x15b: {  	v5 =	vmul.f32 v9, v2;
	[tilespmem:s20+$0xFFFFFE30] =	vst v7  }
0x15c: {  	v6 =	vmul.f32 v8, v2;
	[tilespmem:s20+$0xFFFFFE50] =	vst v3  }
0x15d: {  	v2 =	vmul.f32 v10, v2;
	[tilespmem:s20+$0xFFFFFE10] =	vst v5  }
0x15e: {  	[tilespmem:s20+$0xFFFFFE60] =	vst v6  }
0x15f: {  	[tilespmem:s20+$0xFFFFFE40] =	vst v2  }
0x160: {  	v2 =	vld.idx.msk [tilespmem:v4+s21+$0x0], $0xffff  }
0x161: {  	v4 =	vld [tilespmem:s20+$0xFFFFFE80]  }
0x162: {  	v5 =	vld [tilespmem:s20+$0xFFFFFEE0]  }
0x163: {  	v6 =	vld [tilespmem:s20+$0xFFFFFE90]  }
0x164: {  	v7 =	vld [tilespmem:s20+$0xFFFFFED0]  }
0x165: {  	v3 =	vld [tilespmem:s20+$0xFFFFFEF0]  }
0x166: {  	s6 =	simm.s32 $0x2;
	v8 =	vld [tilespmem:s20+$0xFFFFFEB0];
	v4 =	vmul.f32 v4, v2  }
0x167: {  	v10 =	vld [tilespmem:s20+$0xFFFFFEC0];
	v11 =	vmov s6;
	v5 =	vmul.f32 v5, v2  }
0x168: {  	v9 =	vld [tilespmem:s20+$0xFFFFFEA0];
	v6 =	vmul.f32 v6, v2;
	[tilespmem:s20+$0xFFFFFE80] =	vst v4;
	v4 =	vand.u32 $0x7A, v11  }
0x169: {  	v7 =	vmul.f32 v7, v2;
	[tilespmem:s20+$0xFFFFFEE0] =	vst v5;
	v4 =	vor.u32 v1, v4  }
0x16a: {  	v3 =	vmul.f32 v3, v2;
	[tilespmem:s20+$0xFFFFFE90] =	vst v6;
	v4 =	vbroadcast v4, $0x0  }
0x16b: {  	v5 =	vmul.f32 v8, v2;
	[tilespmem:s20+$0xFFFFFED0] =	vst v7  }
0x16c: {  	v6 =	vmul.f32 v10, v2;
	[tilespmem:s20+$0xFFFFFEF0] =	vst v3  }
0x16d: {  	v2 =	vmul.f32 v9, v2;
	[tilespmem:s20+$0xFFFFFEB0] =	vst v5  }
0x16e: {  	[tilespmem:s20+$0xFFFFFEC0] =	vst v6  }
0x16f: {  	[tilespmem:s20+$0xFFFFFEA0] =	vst v2;
	v2 =	vld [tilespmem:s20+$0xFFFFFF40]  }
0x170: {  	v4 =	vld.idx.msk [tilespmem:v4+s21+$0x0], $0xffff  }
0x171: {  	v5 =	vld [tilespmem:s20+$0xFFFFFF20]  }
0x172: {  	v6 =	vld [tilespmem:s20+$0xFFFFFF10]  }
0x173: {  	v7 =	vld [tilespmem:s20+$0xFFFFFF50]  }
0x174: {  	v3 =	vld [tilespmem:s20+$0xFFFFFF70]  }
0x175: {  	s7 =	simm.s32 $0x3;
	v8 =	vld [tilespmem:s20+$0xFFFFFF00];
	v2 =	vmul.f32 v2, v4  }
0x176: {  	v9 =	vld [tilespmem:s20+$0xFFFFFF30];
	v11 =	vmov s7;
	v5 =	vmul.f32 v5, v4  }
0x177: {  	v10 =	vld [tilespmem:s20+$0xFFFFFF60];
	v6 =	vmul.f32 v6, v4;
	[tilespmem:s20+$0xFFFFFF40] =	vst v2;
	v2 =	vand.u32 $0x7B, v11  }
0x178: {  	v7 =	vmul.f32 v7, v4;
	[tilespmem:s20+$0xFFFFFF20] =	vst v5;
	v2 =	vor.u32 v1, v2  }
0x179: {  	v3 =	vmul.f32 v3, v4;
	[tilespmem:s20+$0xFFFFFF10] =	vst v6;
	v2 =	vbroadcast v2, $0x0  }
0x17a: {  	v5 =	vmul.f32 v8, v4;
	[tilespmem:s20+$0xFFFFFF50] =	vst v7  }
0x17b: {  	v6 =	vmul.f32 v9, v4;
	[tilespmem:s20+$0xFFFFFF70] =	vst v3  }
0x17c: {  	v4 =	vmul.f32 v10, v4;
	[tilespmem:s20+$0xFFFFFF00] =	vst v5  }
0x17d: {  	v3 =	vld [tilespmem:s20+$0xFFFFFF90];
	[tilespmem:s20+$0xFFFFFF30] =	vst v6  }
0x17e: {  	[tilespmem:s20+$0xFFFFFF60] =	vst v4;
	v4 =	vld [tilespmem:s20+$0xFFFFFF80]  }
0x17f: {  	v2 =	vld.idx.msk [tilespmem:v2+s21+$0x0], $0xffff  }
0x180: {  	v5 =	vld [tilespmem:s20+$0xFFFFFFA0]  }
0x181: {  	v6 =	vld [tilespmem:s20+$0xFFFFFFD0];
	_ =	sdelay $0x1  }
0x182: {  	v7 =	vld [tilespmem:s20+$0xFFFFFFB0]  }
0x183: {  	s9 =	simm.s32 $0x4;
	v8 =	vld [tilespmem:s20+$0xFFFFFFE0];
	v3 =	vmul.f32 v3, v2  }
0x184: {  	v9 =	vld [tilespmem:s20+$0xFFFFFFC0];
	v11 =	vmov s9;
	v4 =	vmul.f32 v4, v2  }
0x185: {  	v10 =	vld [tilespmem:s20+$0xFFFFFFF0];
	v5 =	vmul.f32 v5, v2;
	[tilespmem:s20+$0xFFFFFF90] =	vst v3;
	v3 =	vmul.f32 v6, v2;
	v6 =	vand.u32 $0x7C, v11  }
0x186: {  	[tilespmem:s20+$0xFFFFFF80] =	vst v4;
	v6 =	vor.u32 v1, v6  }
0x187: {  	v4 =	vmul.f32 v7, v2;
	[tilespmem:s20+$0xFFFFFFA0] =	vst v5;
	v6 =	vbroadcast v6, $0x0  }
0x188: {  	v5 =	vmul.f32 v8, v2;
	[tilespmem:s20+$0xFFFFFFD0] =	vst v3  }
0x189: {  	v8 =	vld [tilespmem:s20+$0x20];
	v3 =	vmul.f32 v9, v2;
	[tilespmem:s20+$0xFFFFFFB0] =	vst v4  }
0x18a: {  	v11 =	vld [tilespmem:s20+$0x40];
	v2 =	vmul.f32 v10, v2;
	[tilespmem:s20+$0xFFFFFFE0] =	vst v5  }
0x18b: {  	v7 =	vld [tilespmem:s20+$0x50];
	[tilespmem:s20+$0xFFFFFFC0] =	vst v3  }
0x18c: {  	v5 =	vld [tilespmem:s20+$0x0];
	[tilespmem:s20+$0xFFFFFFF0] =	vst v2  }
0x18d: {  	v3 =	vld.idx.msk [tilespmem:v6+s21+$0x0], $0xffff  }
0x18e: {  	v4 =	vld [tilespmem:s20+$0x70]  }
0x18f: {  	v9 =	vld [tilespmem:s20+$0x30]  }
0x190: {  	v6 =	vld [tilespmem:s20+$0x10]  }
0x191: {  	v2 =	vld [tilespmem:s20+$0x60]  }
0x192: {  	s5 =	simm.s32 $0x7E00;
	s6 =	simm.s32 $0x8;
	s7 =	simm.s32 $0x5;
	v10 =	vmul.f32 v5, v3;
	v5 =	vmul.f32 v11, v3  }
.LBB2_7:
0x193: {  	p0 =	slt.u32 s6, $0x78  }
0x194: {  	v8 =	vmul.f32 v8, v3;
	v9 =	vmul.f32 v9, v3;
	v11 =	vmov s7;
	s20 =	sadd.s32 $0x400, s20;
	s7 =	smov.u32 s6;
	s6 =	sadd.s32 $0x8, s6  }
0x195: {  	v4 =	vmul.f32 v4, v3;
	[tilespmem:s5+$0x0] =	vst v10;
	v6 =	vmul.f32 v6, v3;
	v10 =	vand.u32 $0x7D, v11  }
0x196: {  	v2 =	vmul.f32 v2, v3;
	[tilespmem:s5+$0x20] =	vst v8;
	v7 =	vmul.f32 v7, v3;
	v3 =	vor.u32 v1, v10  }
0x197: {  	[tilespmem:s5+$0x70] =	vst v4;
	v3 =	vbroadcast v3, $0x0  }
0x198: {  	[tilespmem:s5+$0x60] =	vst v2  }
0x199: {  	[tilespmem:s5+$0x40] =	vst v5;
	v2 =	vld [tilespmem:s5+$0xA0]  }
0x19a: {  	[tilespmem:s5+$0x30] =	vst v9;
	v4 =	vld [tilespmem:s5+$0xE0]  }
0x19b: {  	[tilespmem:s5+$0x50] =	vst v7;
	v5 =	vld [tilespmem:s5+$0xF0]  }
0x19c: {  	[tilespmem:s5+$0x10] =	vst v6;
	v6 =	vld [tilespmem:s5+$0x90]  }
0x19d: {  	v3 =	vld.idx.msk [tilespmem:v3+s21+$0x0], $0xffff  }
0x19e: {  	v7 =	vld [tilespmem:s5+$0x80]  }
0x19f: {  	v8 =	vld [tilespmem:s5+$0xB0]  }
0x1a0: {  	v9 =	vld [tilespmem:s5+$0xD0]  }
0x1a1: {  	v10 =	vld [tilespmem:s5+$0xC0];
	_ =	sdelay $0x1  }
0x1a2: {  	s9 =	sadd.s32 $0x6, s1;
	v4 =	vmul.f32 v4, v3;
	v7 =	vmul.f32 v7, v3  }
0x1a3: {  	v11 =	vmov s9;
	v2 =	vmul.f32 v2, v3;
	v8 =	vmul.f32 v8, v3  }
0x1a4: {  	v6 =	vmul.f32 v6, v3;
	[tilespmem:s5+$0xE0] =	vst v4;
	v4 =	vmul.f32 v5, v3;
	v5 =	vand.u32 $0x7E, v11  }
0x1a5: {  	[tilespmem:s5+$0xA0] =	vst v2;
	v2 =	vmul.f32 v10, v3;
	v3 =	vmul.f32 v9, v3;
	v5 =	vor.u32 v1, v5  }
0x1a6: {  	[tilespmem:s5+$0x80] =	vst v7;
	v5 =	vbroadcast v5, $0x0  }
0x1a7: {  	[tilespmem:s5+$0xF0] =	vst v4  }
0x1a8: {  	[tilespmem:s5+$0x90] =	vst v6;
	v4 =	vld [tilespmem:s5+$0x120]  }
0x1a9: {  	[tilespmem:s5+$0xB0] =	vst v8;
	v6 =	vld [tilespmem:s5+$0x170]  }
0x1aa: {  	[tilespmem:s5+$0xD0] =	vst v3;
	v3 =	vld [tilespmem:s5+$0x160]  }
0x1ab: {  	[tilespmem:s5+$0xC0] =	vst v2;
	v2 =	vld [tilespmem:s5+$0x110]  }
0x1ac: {  	v5 =	vld.idx.msk [tilespmem:v5+s21+$0x0], $0xffff  }
0x1ad: {  	v7 =	vld [tilespmem:s5+$0x100]  }
0x1ae: {  	v8 =	vld [tilespmem:s5+$0x130]  }
0x1af: {  	v9 =	vld [tilespmem:s5+$0x140]  }
0x1b0: {  	v10 =	vld [tilespmem:s5+$0x150];
	_ =	sdelay $0x1  }
0x1b1: {  	s9 =	sadd.s32 $0x7, s1;
	s1 =	smov.u32 s7;
	v2 =	vmul.f32 v2, v5;
	v7 =	vmul.f32 v7, v5  }
0x1b2: {  	v11 =	vmov s9;
	v4 =	vmul.f32 v4, v5;
	v8 =	vmul.f32 v8, v5  }
0x1b3: {  	v3 =	vmul.f32 v3, v5;
	[tilespmem:s5+$0x100] =	vst v7;
	v7 =	vmul.f32 v9, v5;
	v9 =	vand.u32 $0x7F, v11  }
0x1b4: {  	[tilespmem:s5+$0x120] =	vst v4;
	v4 =	vmul.f32 v10, v5;
	v5 =	vmul.f32 v6, v5;
	v6 =	vor.u32 v1, v9  }
0x1b5: {  	[tilespmem:s5+$0x110] =	vst v2;
	v2 =	vbroadcast v6, $0x0  }
0x1b6: {  	[tilespmem:s5+$0x160] =	vst v3  }
0x1b7: {  	[tilespmem:s5+$0x170] =	vst v5;
	v3 =	vld [tilespmem:s5+$0x180]  }
0x1b8: {  	[tilespmem:s5+$0x130] =	vst v8;
	v5 =	vld [tilespmem:s5+$0x1D0]  }
0x1b9: {  	[tilespmem:s5+$0x150] =	vst v4;
	v4 =	vld [tilespmem:s5+$0x1F0]  }
0x1ba: {  	[tilespmem:s5+$0x140] =	vst v7;
	v6 =	vld [tilespmem:s5+$0x1B0]  }
0x1bb: {  	v2 =	vld.idx.msk [tilespmem:v2+s21+$0x0], $0xffff  }
0x1bc: {  	v7 =	vld [tilespmem:s5+$0x190]  }
0x1bd: {  	v8 =	vld [tilespmem:s5+$0x1A0]  }
0x1be: {  	v9 =	vld [tilespmem:s5+$0x1C0]  }
0x1bf: {  	v10 =	vld [tilespmem:s5+$0x1E0];
	_ =	sdelay $0x1  }
0x1c0: {  	v3 =	vmul.f32 v3, v2;
	v7 =	vmul.f32 v7, v2  }
0x1c1: {  	v11 =	vmov s1;
	v6 =	vmul.f32 v6, v2;
	v8 =	vmul.f32 v8, v2  }
0x1c2: {  	v11 =	vand.u32 $0x78, v11;
	v5 =	vmul.f32 v5, v2;
	[tilespmem:s5+$0x180] =	vst v3;
	v3 =	vmul.f32 v9, v2  }
0x1c3: {  	v9 =	vor.u32 v1, v11;
	[tilespmem:s5+$0x1B0] =	vst v6;
	v6 =	vmul.f32 v10, v2;
	v2 =	vmul.f32 v4, v2  }
0x1c4: {  	v4 =	vbroadcast v9, $0x0;
	[tilespmem:s5+$0x1D0] =	vst v5  }
0x1c5: {  	[tilespmem:s5+$0x1F0] =	vst v2  }
0x1c6: {  	v2 =	vld [tilespmem:s20+$0xFFFFFE50];
	[tilespmem:s5+$0x1A0] =	vst v8  }
0x1c7: {  	v5 =	vld [tilespmem:s20+$0xFFFFFE30];
	[tilespmem:s5+$0x1E0] =	vst v6  }
0x1c8: {  	v6 =	vld [tilespmem:s20+$0xFFFFFE60];
	[tilespmem:s5+$0x1C0] =	vst v3  }
0x1c9: {  	v3 =	vld [tilespmem:s20+$0xFFFFFE70];
	[tilespmem:s5+$0x190] =	vst v7;
	s5 =	smov.u32 s20  }
0x1ca: {  	v4 =	vld.idx.msk [tilespmem:v4+s21+$0x0], $0xffff  }
0x1cb: {  	v7 =	vld [tilespmem:s20+$0xFFFFFE00]  }
0x1cc: {  	v8 =	vld [tilespmem:s20+$0xFFFFFE20]  }
0x1cd: {  	v9 =	vld [tilespmem:s20+$0xFFFFFE10]  }
0x1ce: {  	v10 =	vld [tilespmem:s20+$0xFFFFFE40];
	_ =	sdelay $0x1  }
0x1cf: {  	s7 =	sadd.s32 $0x1, s1;
	v3 =	vmul.f32 v3, v4;
	v7 =	vmul.f32 v7, v4  }
0x1d0: {  	v11 =	vmov s7;
	v6 =	vmul.f32 v6, v4;
	v8 =	vmul.f32 v8, v4  }
0x1d1: {  	v5 =	vmul.f32 v5, v4;
	v9 =	vmul.f32 v9, v4;
	[tilespmem:s20+$0xFFFFFE70] =	vst v3;
	v3 =	vand.u32 $0x79, v11  }
0x1d2: {  	v2 =	vmul.f32 v2, v4;
	[tilespmem:s20+$0xFFFFFE00] =	vst v7;
	v7 =	vmul.f32 v10, v4;
	v3 =	vor.u32 v1, v3  }
0x1d3: {  	[tilespmem:s20+$0xFFFFFE20] =	vst v8;
	v3 =	vbroadcast v3, $0x0  }
0x1d4: {  	[tilespmem:s20+$0xFFFFFE30] =	vst v5  }
0x1d5: {  	[tilespmem:s20+$0xFFFFFE50] =	vst v2;
	v2 =	vld [tilespmem:s20+$0xFFFFFEF0]  }
0x1d6: {  	[tilespmem:s20+$0xFFFFFE10] =	vst v9;
	v4 =	vld [tilespmem:s20+$0xFFFFFED0]  }
0x1d7: {  	[tilespmem:s20+$0xFFFFFE60] =	vst v6;
	v5 =	vld [tilespmem:s20+$0xFFFFFEB0]  }
0x1d8: {  	[tilespmem:s20+$0xFFFFFE40] =	vst v7;
	v6 =	vld [tilespmem:s20+$0xFFFFFEE0]  }
0x1d9: {  	v3 =	vld.idx.msk [tilespmem:v3+s21+$0x0], $0xffff  }
0x1da: {  	v7 =	vld [tilespmem:s20+$0xFFFFFE80]  }
0x1db: {  	v8 =	vld [tilespmem:s20+$0xFFFFFE90]  }
0x1dc: {  	v9 =	vld [tilespmem:s20+$0xFFFFFEA0]  }
0x1dd: {  	v10 =	vld [tilespmem:s20+$0xFFFFFEC0];
	_ =	sdelay $0x1  }
0x1de: {  	s7 =	sadd.s32 $0x2, s1;
	v6 =	vmul.f32 v6, v3;
	v7 =	vmul.f32 v7, v3  }
0x1df: {  	v11 =	vmov s7;
	v5 =	vmul.f32 v5, v3;
	v8 =	vmul.f32 v8, v3  }
0x1e0: {  	v4 =	vmul.f32 v4, v3;
	[tilespmem:s20+$0xFFFFFE80] =	vst v7;
	v7 =	vmul.f32 v9, v3;
	v9 =	vand.u32 $0x7A, v11  }
0x1e1: {  	v2 =	vmul.f32 v2, v3;
	v10 =	vmul.f32 v10, v3;
	[tilespmem:s20+$0xFFFFFEE0] =	vst v6;
	v3 =	vor.u32 v1, v9  }
0x1e2: {  	[tilespmem:s20+$0xFFFFFE90] =	vst v8;
	v3 =	vbroadcast v3, $0x0  }
0x1e3: {  	[tilespmem:s20+$0xFFFFFED0] =	vst v4  }
0x1e4: {  	[tilespmem:s20+$0xFFFFFEF0] =	vst v2;
	v2 =	vld [tilespmem:s20+$0xFFFFFF70]  }
0x1e5: {  	[tilespmem:s20+$0xFFFFFEB0] =	vst v5;
	v4 =	vld [tilespmem:s20+$0xFFFFFF50]  }
0x1e6: {  	[tilespmem:s20+$0xFFFFFEC0] =	vst v10;
	v5 =	vld [tilespmem:s20+$0xFFFFFF30]  }
0x1e7: {  	[tilespmem:s20+$0xFFFFFEA0] =	vst v7;
	v6 =	vld [tilespmem:s20+$0xFFFFFF40]  }
0x1e8: {  	v3 =	vld.idx.msk [tilespmem:v3+s21+$0x0], $0xffff  }
0x1e9: {  	v7 =	vld [tilespmem:s20+$0xFFFFFF20]  }
0x1ea: {  	v8 =	vld [tilespmem:s20+$0xFFFFFF10]  }
0x1eb: {  	v9 =	vld [tilespmem:s20+$0xFFFFFF00]  }
0x1ec: {  	v10 =	vld [tilespmem:s20+$0xFFFFFF60];
	_ =	sdelay $0x1  }
0x1ed: {  	s7 =	sadd.s32 $0x3, s1;
	v6 =	vmul.f32 v6, v3;
	v7 =	vmul.f32 v7, v3  }
0x1ee: {  	v11 =	vmov s7;
	v5 =	vmul.f32 v5, v3;
	v8 =	vmul.f32 v8, v3  }
0x1ef: {  	v4 =	vmul.f32 v4, v3;
	v9 =	vmul.f32 v9, v3;
	[tilespmem:s20+$0xFFFFFF40] =	vst v6;
	v6 =	vand.u32 $0x7B, v11  }
0x1f0: {  	v2 =	vmul.f32 v2, v3;
	[tilespmem:s20+$0xFFFFFF20] =	vst v7;
	v7 =	vmul.f32 v10, v3;
	v3 =	vor.u32 v1, v6  }
0x1f1: {  	[tilespmem:s20+$0xFFFFFF10] =	vst v8;
	v3 =	vbroadcast v3, $0x0  }
0x1f2: {  	[tilespmem:s20+$0xFFFFFF50] =	vst v4  }
0x1f3: {  	[tilespmem:s20+$0xFFFFFF00] =	vst v9;
	v4 =	vld [tilespmem:s20+$0xFFFFFFF0]  }
0x1f4: {  	[tilespmem:s20+$0xFFFFFF30] =	vst v5;
	v5 =	vld [tilespmem:s20+$0xFFFFFFD0]  }
0x1f5: {  	[tilespmem:s20+$0xFFFFFF70] =	vst v2;
	v2 =	vld [tilespmem:s20+$0xFFFFFFC0]  }
0x1f6: {  	[tilespmem:s20+$0xFFFFFF60] =	vst v7;
	v6 =	vld [tilespmem:s20+$0xFFFFFFA0]  }
0x1f7: {  	v3 =	vld.idx.msk [tilespmem:v3+s21+$0x0], $0xffff  }
0x1f8: {  	v7 =	vld [tilespmem:s20+$0xFFFFFF90]  }
0x1f9: {  	v8 =	vld [tilespmem:s20+$0xFFFFFF80]  }
0x1fa: {  	v9 =	vld [tilespmem:s20+$0xFFFFFFB0]  }
0x1fb: {  	v10 =	vld [tilespmem:s20+$0xFFFFFFE0];
	_ =	sdelay $0x1  }
0x1fc: {  	s7 =	sadd.s32 $0x4, s1;
	v6 =	vmul.f32 v6, v3;
	v7 =	vmul.f32 v7, v3  }
0x1fd: {  	v11 =	vmul.f32 v2, v3;
	v2 =	vmov s7;
	v8 =	vmul.f32 v8, v3  }
0x1fe: {  	v5 =	vmul.f32 v5, v3;
	v2 =	vand.u32 $0x7C, v2;
	[tilespmem:s20+$0xFFFFFF90] =	vst v7;
	v7 =	vmul.f32 v9, v3  }
0x1ff: {  	v2 =	vor.u32 v1, v2;
	[tilespmem:s20+$0xFFFFFF80] =	vst v8;
	v8 =	vmul.f32 v10, v3;
	v3 =	vmul.f32 v4, v3  }
0x200: {  	[tilespmem:s20+$0xFFFFFFA0] =	vst v6;
	v6 =	vbroadcast v2, $0x0  }
0x201: {  	[tilespmem:s20+$0xFFFFFFD0] =	vst v5  }
0x202: {  	[tilespmem:s20+$0xFFFFFFB0] =	vst v7;
	v2 =	vld [tilespmem:s20+$0x60]  }
0x203: {  	[tilespmem:s20+$0xFFFFFFE0] =	vst v8;
	v4 =	vld [tilespmem:s20+$0x70]  }
0x204: {  	[tilespmem:s20+$0xFFFFFFC0] =	vst v11;
	v8 =	vld [tilespmem:s20+$0x20]  }
0x205: {  	[tilespmem:s20+$0xFFFFFFF0] =	vst v3;
	v5 =	vld [tilespmem:s20+$0x0]  }
0x206: {  	v3 =	vld.idx.msk [tilespmem:v6+s21+$0x0], $0xffff  }
0x207: {  	v11 =	vld [tilespmem:s20+$0x40]  }
.Ltmp4:
0x208: {  	v9 =	vld [tilespmem:s20+$0x30];
	(pc) =	sbr.rel @p0 .LBB2_7-.Ltmp4, $3  }
0x209: {  	v6 =	vld [tilespmem:s20+$0x10]  }
0x20a: {  	v7 =	vld [tilespmem:s20+$0x50];
	_ =	sdelay $0x1  }
0x20b: {  	s7 =	sadd.s32 $0x5, s1;
	v10 =	vmul.f32 v5, v3;
	v5 =	vmul.f32 v11, v3  }
0x20c: {  	v11 =	vmov s7  }
0x20d: {  	v8 =	vmul.f32 v8, v3;
	[tilespmem:s5+$0x0] =	vst v10;
	v32 =	vand.u32 $0x7D, v11  }
0x20e: {  	v4 =	vmul.f32 v4, v3;
	[tilespmem:s5+$0x40] =	vst v5;
	v33 =	vor.u32 v1, v32  }
0x20f: {  	v2 =	vmul.f32 v2, v3;
	[tilespmem:s5+$0x20] =	vst v8;
	v34 =	vbroadcast v33, $0x0  }
0x210: {  	v35 =	vmul.f32 v9, v3;
	[tilespmem:s5+$0x70] =	vst v4  }
0x211: {  	[tilespmem:s5+$0x60] =	vst v2;
	v2 =	vmul.f32 v7, v3  }
0x212: {  	v3 =	vmul.f32 v6, v3;
	[tilespmem:s5+$0x30] =	vst v35  }
0x213: {  	[tilespmem:s5+$0x50] =	vst v2  }
0x214: {  	v2 =	vld [tilespmem:s5+$0xE0];
	[tilespmem:s5+$0x10] =	vst v3  }
0x215: {  	v3 =	vld.idx.msk [tilespmem:v34+s21+$0x0], $0xffff  }
0x216: {  	v36 =	vld [tilespmem:s5+$0xA0]  }
0x217: {  	v38 =	vld [tilespmem:s5+$0x80]  }
0x218: {  	v37 =	vld [tilespmem:s5+$0xF0]  }
0x219: {  	v39 =	vld [tilespmem:s5+$0x90]  }
0x21a: {  	v40 =	vld [tilespmem:s5+$0xB0];
	s6 =	sadd.s32 $0x6, s1;
	v2 =	vmul.f32 v2, v3  }
0x21b: {  	v41 =	vld [tilespmem:s5+$0xD0];
	v43 =	vmov s6;
	v5 =	vmul.f32 v36, v3  }
0x21c: {  	v42 =	vld [tilespmem:s5+$0xC0];
	v6 =	vmul.f32 v38, v3;
	[tilespmem:s5+$0xE0] =	vst v2;
	v2 =	vand.u32 $0x7E, v43  }
0x21d: {  	v4 =	vmul.f32 v37, v3;
	[tilespmem:s5+$0xA0] =	vst v5;
	v2 =	vor.u32 v1, v2  }
0x21e: {  	v44 =	vmul.f32 v39, v3;
	[tilespmem:s5+$0x80] =	vst v6;
	v2 =	vbroadcast v2, $0x0  }
0x21f: {  	v45 =	vmul.f32 v40, v3;
	[tilespmem:s5+$0xF0] =	vst v4  }
0x220: {  	v46 =	vmul.f32 v41, v3;
	[tilespmem:s5+$0x90] =	vst v44  }
0x221: {  	v3 =	vmul.f32 v42, v3;
	[tilespmem:s5+$0xB0] =	vst v45  }
0x222: {  	[tilespmem:s5+$0xD0] =	vst v46  }
0x223: {  	[tilespmem:s5+$0xC0] =	vst v3;
	v3 =	vld [tilespmem:s5+$0x100]  }
0x224: {  	v2 =	vld.idx.msk [tilespmem:v2+s21+$0x0], $0xffff  }
0x225: {  	v47 =	vld [tilespmem:s5+$0x120]  }
0x226: {  	v48 =	vld [tilespmem:s5+$0x110]  }
0x227: {  	v49 =	vld [tilespmem:s5+$0x160]  }
0x228: {  	v51 =	vld [tilespmem:s5+$0x130]  }
0x229: {  	s20 =	sadd.s32 $0x7, s1;
	v52 =	vld [tilespmem:s5+$0x150];
	v3 =	vmul.f32 v3, v2  }
0x22a: {  	v50 =	vld [tilespmem:s5+$0x170];
	v53 =	vmov s20;
	v4 =	vmul.f32 v47, v2  }
0x22b: {  	v54 =	vld [tilespmem:s5+$0x140];
	v5 =	vmul.f32 v48, v2;
	[tilespmem:s5+$0x100] =	vst v3;
	v3 =	vand.u32 $0x7F, v53  }
0x22c: {  	v6 =	vmul.f32 v49, v2;
	[tilespmem:s5+$0x120] =	vst v4;
	v1 =	vor.u32 v1, v3  }
0x22d: {  	v55 =	vmul.f32 v51, v2;
	[tilespmem:s5+$0x110] =	vst v5;
	v1 =	vbroadcast v1, $0x0  }
0x22e: {  	v56 =	vmul.f32 v52, v2;
	[tilespmem:s5+$0x160] =	vst v6  }
0x22f: {  	[tilespmem:s5+$0x130] =	vst v55;
	v3 =	vmul.f32 v50, v2  }
0x230: {  	[tilespmem:s5+$0x150] =	vst v56;
	v2 =	vmul.f32 v54, v2  }
0x231: {  	[tilespmem:s5+$0x170] =	vst v3  }
0x232: {  	v3 =	vld [tilespmem:s5+$0x180];
	[tilespmem:s5+$0x140] =	vst v2  }
0x233: {  	v1 =	vld.idx.msk [tilespmem:v1+s21+$0x0], $0xffff  }
0x234: {  	v2 =	vld [tilespmem:s5+$0x1B0]  }
0x235: {  	v60 =	vld [tilespmem:s5+$0x1A0]  }
0x236: {  	v57 =	vld [tilespmem:s5+$0x1D0]  }
0x237: {  	v58 =	vld [tilespmem:s5+$0x1F0]  }
0x238: {  	v61 =	vld [tilespmem:s5+$0x1E0];
	v3 =	vmul.f32 v3, v1  }
0x239: {  	v62 =	vld [tilespmem:s5+$0x1C0];
	v2 =	vmul.f32 v2, v1  }
0x23a: {  	v59 =	vld [tilespmem:s5+$0x190];
	v63 =	vmul.f32 v60, v1;
	[tilespmem:s5+$0x180] =	vst v3  }
0x23b: {  	v3 =	vmul.f32 v57, v1;
	[tilespmem:s5+$0x1B0] =	vst v2  }
0x23c: {  	v2 =	vmul.f32 v58, v1;
	[tilespmem:s5+$0x1A0] =	vst v63  }
0x23d: {  	[tilespmem:s5+$0x1D0] =	vst v3;
	v3 =	vmul.f32 v61, v1  }
0x23e: {  	[tilespmem:s5+$0x1F0] =	vst v2;
	v2 =	vmul.f32 v62, v1  }
0x23f: {  	v1 =	vmul.f32 v59, v1;
	[tilespmem:s5+$0x1E0] =	vst v3  }
0x240: {  	p0 =	seq.s32 s30, $0x13;
	[tilespmem:s5+$0x1C0] =	vst v2  }
.Ltmp5:
0x241: {  	s31 =	sadd.s32 $0x1400, s31;
	[tilespmem:s5+$0x190] =	vst v1;
	(pc) =	sbr.rel @p0 .LBB2_10-.Ltmp5, $4  }
0x242: {  	[spmem:s2] =	stream.indirect.scatter.add.f32 [tilespmem:s23], [sflag:$0x4], $0x80, s31, s22, $0xb8;
	[tilespmem:$0x1FC00] =	vst v63  }
0x243: {  	_ =	swait.ge [sflag:s26], $0x4000  }
0x244: {  	[sflag:s26] =	ssyncset.done $0x0  }
0x245: {  	[sflag:s26] =	ssyncadd.s32 $0xFFFFC000  }
.Ltmp6:
0x246: {  	(pc) =	sbr.rel .LBB2_4-.Ltmp6, $3  }
0x247: {  	_ =	sdelay $0x1  }
0x248: {  	s0 =	sadd.s32 $0x100, s0;
	s30 =	sadd.s32 $0x1, s30  }
0x249: {  	[tilespmem:s18], [sflag:$0x1] =	stream.indirect.gather [hbm4b:s8+s22], $0x80, s0, s22, $0xb8;
	[tilespmem:$0x1FC00] =	vst v63  }
.LBB2_10:
0x24a: {  	_ =	swait.ge [sflag:s28], $0x4000  }
0x24b: {  	[sflag:s28] =	ssyncset.done $0x0  }
0x24c: {  	s29 =	simm.s32 $0x0;
	s0 =	rddreg [dreg:$0x6];
	[sflag:s28] =	ssyncadd.s32 $0xFFFFC000  }
0x24d: {  	[tilespmem:s29], [sflag:$0x5] =	stream.linear.gather [hbm4b:s0+s29], $0x1400, $0x38;
	[tilespmem:$0x1FC00] =	vst v63  }
0x24e: {  	_ =	swait.ge [sflag:s19], $0x1400  }
0x24f: {  	[sflag:s19] =	ssyncset.done $0x0  }
0x250: {  	s31 =	simm.s32 $0x1400;
	[sflag:s19] =	ssyncadd.s32 $0xFFFFEC00  }
0x251: {  	[tilespmem:s31], [sflag:$0x5] =	stream.linear.gather [hbm4b:s10+s29], $0x1400, $0x38;
	[tilespmem:$0x1FC00] =	vst v63  }
0x252: {  	_ =	swait.ge [sflag:s19], $0x1400  }
0x253: {  	[sflag:s19] =	ssyncset.done $0x0  }
0x254: {  	[sflag:s19] =	ssyncadd.s32 $0xFFFFEC00  }
0x255: {  	[tilespmem:s21], [sflag:$0x5] =	stream.linear.gather [hbm4b:s11+s29], $0x1400, $0x38;
	[tilespmem:$0x1FC00] =	vst v63  }
0x256: {  	_ =	swait.ge [sflag:s19], $0x1400  }
0x257: {  	[sflag:s19] =	ssyncset.done $0x0  }
0x258: {  	s30 =	simm.s32 $0x0;
	[sflag:s19] =	ssyncadd.s32 $0xFFFFEC00  }
0x259: {  	[tilespmem:s18], [sflag:$0x1] =	stream.indirect.gather [hbm4b:s8+s22], $0x80, s29, s22, $0xb8;
	[tilespmem:$0x1FC00] =	vst v63  }
.LBB2_11:
0x25a: {  	p0 =	seq.s32 s30, $0x0;
	s0 =	sshll.u32 s30, $0x1  }
0x25b: {  	v2 =	vmov s29;
	s1 =	simm.s32 @!p0 $0x4;
	s5 =	sshll.u32 s0, $0x7  }
0x25c: {  	v2 =	vand.u32 $0x78, v2;
	_ =	swait.ge @!p0 [sflag:s1], $0x4000;
	v1 =	vmov s5  }
0x25d: {  	s0 =	sor.u32 $0x1, s0;
	[sflag:s1] =	ssyncset.done @!p0 $0x0;
	v2 =	vor.u32 v1, v2  }
0x25e: {  	s31 =	sshll.u32 s0, $0x7;
	[sflag:s1] =	ssyncadd.s32 @!p0 $0xFFFFC000;
	v2 =	vbroadcast v2, $0x0  }
0x25f: {  	[tilespmem:s23], [sflag:$0x2] =	stream.indirect.gather [hbm4b:s8+s22], $0x80, s31, s22, $0xb8;
	[tilespmem:$0x1FC00] =	vst v63  }
0x260: {  	_ =	swait.ge [sflag:s24], $0x4000  }
0x261: {  	[sflag:s24] =	ssyncset.done $0x0  }
0x262: {  	s0 =	simm.s32 $0x3E00;
	[sflag:s24] =	ssyncadd.s32 $0xFFFFC000  }
0x263: {  	v4 =	vld [tilespmem:s0+$0xFFFFFE70]  }
0x264: {  	v2 =	vld.idx.msk [tilespmem:v2+s21+$0x0], $0xffff  }
0x265: {  	v5 =	vld [tilespmem:s0+$0xFFFFFE00]  }
0x266: {  	v6 =	vld [tilespmem:s0+$0xFFFFFE20]  }
0x267: {  	v7 =	vld [tilespmem:s0+$0xFFFFFE30]  }
0x268: {  	v3 =	vld [tilespmem:s0+$0xFFFFFE50]  }
0x269: {  	s6 =	simm.s32 $0x1;
	v9 =	vld [tilespmem:s0+$0xFFFFFE10];
	v4 =	vmul.f32 v4, v2  }
0x26a: {  	v11 =	vmov s6;
	v8 =	vld [tilespmem:s0+$0xFFFFFE60];
	v5 =	vmul.f32 v5, v2  }
0x26b: {  	v10 =	vld [tilespmem:s0+$0xFFFFFE40];
	v6 =	vmul.f32 v6, v2;
	[tilespmem:s0+$0xFFFFFE70] =	vst v4;
	v4 =	vand.u32 $0x79, v11  }
0x26c: {  	v7 =	vmul.f32 v7, v2;
	[tilespmem:s0+$0xFFFFFE00] =	vst v5;
	v4 =	vor.u32 v1, v4  }
0x26d: {  	v3 =	vmul.f32 v3, v2;
	[tilespmem:s0+$0xFFFFFE20] =	vst v6;
	v4 =	vbroadcast v4, $0x0  }
0x26e: {  	v5 =	vmul.f32 v9, v2;
	[tilespmem:s0+$0xFFFFFE30] =	vst v7  }
0x26f: {  	v6 =	vmul.f32 v8, v2;
	[tilespmem:s0+$0xFFFFFE50] =	vst v3  }
0x270: {  	v2 =	vmul.f32 v10, v2;
	[tilespmem:s0+$0xFFFFFE10] =	vst v5  }
0x271: {  	[tilespmem:s0+$0xFFFFFE60] =	vst v6  }
0x272: {  	[tilespmem:s0+$0xFFFFFE40] =	vst v2  }
0x273: {  	v2 =	vld.idx.msk [tilespmem:v4+s21+$0x0], $0xffff  }
0x274: {  	v4 =	vld [tilespmem:s0+$0xFFFFFE80]  }
0x275: {  	v5 =	vld [tilespmem:s0+$0xFFFFFEE0]  }
0x276: {  	v6 =	vld [tilespmem:s0+$0xFFFFFE90]  }
0x277: {  	v7 =	vld [tilespmem:s0+$0xFFFFFED0]  }
0x278: {  	v3 =	vld [tilespmem:s0+$0xFFFFFEF0]  }
0x279: {  	s7 =	simm.s32 $0x2;
	v8 =	vld [tilespmem:s0+$0xFFFFFEB0];
	v4 =	vmul.f32 v4, v2  }
0x27a: {  	v10 =	vld [tilespmem:s0+$0xFFFFFEC0];
	v11 =	vmov s7;
	v5 =	vmul.f32 v5, v2  }
0x27b: {  	v9 =	vld [tilespmem:s0+$0xFFFFFEA0];
	v6 =	vmul.f32 v6, v2;
	[tilespmem:s0+$0xFFFFFE80] =	vst v4;
	v4 =	vand.u32 $0x7A, v11  }
0x27c: {  	v7 =	vmul.f32 v7, v2;
	[tilespmem:s0+$0xFFFFFEE0] =	vst v5;
	v4 =	vor.u32 v1, v4  }
0x27d: {  	v3 =	vmul.f32 v3, v2;
	[tilespmem:s0+$0xFFFFFE90] =	vst v6;
	v4 =	vbroadcast v4, $0x0  }
0x27e: {  	v5 =	vmul.f32 v8, v2;
	[tilespmem:s0+$0xFFFFFED0] =	vst v7  }
0x27f: {  	v6 =	vmul.f32 v10, v2;
	[tilespmem:s0+$0xFFFFFEF0] =	vst v3  }
0x280: {  	v2 =	vmul.f32 v9, v2;
	[tilespmem:s0+$0xFFFFFEB0] =	vst v5  }
0x281: {  	[tilespmem:s0+$0xFFFFFEC0] =	vst v6  }
0x282: {  	[tilespmem:s0+$0xFFFFFEA0] =	vst v2;
	v2 =	vld [tilespmem:s0+$0xFFFFFF40]  }
0x283: {  	v4 =	vld.idx.msk [tilespmem:v4+s21+$0x0], $0xffff  }
0x284: {  	v5 =	vld [tilespmem:s0+$0xFFFFFF20]  }
0x285: {  	v6 =	vld [tilespmem:s0+$0xFFFFFF10]  }
0x286: {  	v7 =	vld [tilespmem:s0+$0xFFFFFF50]  }
0x287: {  	v3 =	vld [tilespmem:s0+$0xFFFFFF70]  }
0x288: {  	s9 =	simm.s32 $0x3;
	v8 =	vld [tilespmem:s0+$0xFFFFFF00];
	v2 =	vmul.f32 v2, v4  }
0x289: {  	v9 =	vld [tilespmem:s0+$0xFFFFFF30];
	v11 =	vmov s9;
	v5 =	vmul.f32 v5, v4  }
0x28a: {  	v10 =	vld [tilespmem:s0+$0xFFFFFF60];
	v6 =	vmul.f32 v6, v4;
	[tilespmem:s0+$0xFFFFFF40] =	vst v2;
	v2 =	vand.u32 $0x7B, v11  }
0x28b: {  	v7 =	vmul.f32 v7, v4;
	[tilespmem:s0+$0xFFFFFF20] =	vst v5;
	v2 =	vor.u32 v1, v2  }
0x28c: {  	v3 =	vmul.f32 v3, v4;
	[tilespmem:s0+$0xFFFFFF10] =	vst v6;
	v2 =	vbroadcast v2, $0x0  }
0x28d: {  	v5 =	vmul.f32 v8, v4;
	[tilespmem:s0+$0xFFFFFF50] =	vst v7  }
0x28e: {  	v6 =	vmul.f32 v9, v4;
	[tilespmem:s0+$0xFFFFFF70] =	vst v3  }
0x28f: {  	v4 =	vmul.f32 v10, v4;
	[tilespmem:s0+$0xFFFFFF00] =	vst v5  }
0x290: {  	v3 =	vld [tilespmem:s0+$0xFFFFFF90];
	[tilespmem:s0+$0xFFFFFF30] =	vst v6  }
0x291: {  	[tilespmem:s0+$0xFFFFFF60] =	vst v4;
	v4 =	vld [tilespmem:s0+$0xFFFFFF80]  }
0x292: {  	v2 =	vld.idx.msk [tilespmem:v2+s21+$0x0], $0xffff  }
0x293: {  	v5 =	vld [tilespmem:s0+$0xFFFFFFA0]  }
0x294: {  	v6 =	vld [tilespmem:s0+$0xFFFFFFD0];
	_ =	sdelay $0x1  }
0x295: {  	v7 =	vld [tilespmem:s0+$0xFFFFFFB0]  }
0x296: {  	s20 =	simm.s32 $0x4;
	v8 =	vld [tilespmem:s0+$0xFFFFFFE0];
	v3 =	vmul.f32 v3, v2  }
0x297: {  	v9 =	vld [tilespmem:s0+$0xFFFFFFC0];
	v11 =	vmov s20;
	v4 =	vmul.f32 v4, v2  }
0x298: {  	v10 =	vld [tilespmem:s0+$0xFFFFFFF0];
	v5 =	vmul.f32 v5, v2;
	[tilespmem:s0+$0xFFFFFF90] =	vst v3;
	v3 =	vmul.f32 v6, v2;
	v6 =	vand.u32 $0x7C, v11  }
0x299: {  	[tilespmem:s0+$0xFFFFFF80] =	vst v4;
	v6 =	vor.u32 v1, v6  }
0x29a: {  	v4 =	vmul.f32 v7, v2;
	[tilespmem:s0+$0xFFFFFFA0] =	vst v5;
	v6 =	vbroadcast v6, $0x0  }
0x29b: {  	v5 =	vmul.f32 v8, v2;
	[tilespmem:s0+$0xFFFFFFD0] =	vst v3  }
0x29c: {  	v8 =	vld [tilespmem:s0+$0x20];
	v3 =	vmul.f32 v9, v2;
	[tilespmem:s0+$0xFFFFFFB0] =	vst v4  }
0x29d: {  	v11 =	vld [tilespmem:s0+$0x40];
	v2 =	vmul.f32 v10, v2;
	[tilespmem:s0+$0xFFFFFFE0] =	vst v5  }
0x29e: {  	v7 =	vld [tilespmem:s0+$0x50];
	[tilespmem:s0+$0xFFFFFFC0] =	vst v3  }
0x29f: {  	v5 =	vld [tilespmem:s0+$0x0];
	[tilespmem:s0+$0xFFFFFFF0] =	vst v2  }
0x2a0: {  	v3 =	vld.idx.msk [tilespmem:v6+s21+$0x0], $0xffff  }
0x2a1: {  	v4 =	vld [tilespmem:s0+$0x70]  }
0x2a2: {  	v9 =	vld [tilespmem:s0+$0x30]  }
0x2a3: {  	v6 =	vld [tilespmem:s0+$0x10]  }
0x2a4: {  	s6 =	simm.s32 $0x5;
	v2 =	vld [tilespmem:s0+$0x60]  }
0x2a5: {  	s5 =	simm.s32 $0x8;
	s1 =	simm.s32 $0x0;
	s20 =	simm.s32 $0x3E00;
	v10 =	vmul.f32 v5, v3;
	v5 =	vmul.f32 v11, v3  }
.LBB2_12:
0x2a6: {  	p0 =	slt.u32 s5, $0x78  }
0x2a7: {  	v8 =	vmul.f32 v8, v3;
	v9 =	vmul.f32 v9, v3;
	v11 =	vmov s6;
	s0 =	sadd.s32 $0x400, s0;
	s6 =	smov.u32 s5;
	s5 =	sadd.s32 $0x8, s5  }
0x2a8: {  	v4 =	vmul.f32 v4, v3;
	[tilespmem:s20+$0x0] =	vst v10;
	v6 =	vmul.f32 v6, v3;
	v10 =	vand.u32 $0x7D, v11  }
0x2a9: {  	v2 =	vmul.f32 v2, v3;
	[tilespmem:s20+$0x20] =	vst v8;
	v7 =	vmul.f32 v7, v3;
	v3 =	vor.u32 v1, v10  }
0x2aa: {  	[tilespmem:s20+$0x70] =	vst v4;
	v3 =	vbroadcast v3, $0x0  }
0x2ab: {  	[tilespmem:s20+$0x60] =	vst v2  }
0x2ac: {  	[tilespmem:s20+$0x40] =	vst v5;
	v2 =	vld [tilespmem:s20+$0xA0]  }
0x2ad: {  	[tilespmem:s20+$0x30] =	vst v9;
	v4 =	vld [tilespmem:s20+$0xE0]  }
0x2ae: {  	[tilespmem:s20+$0x50] =	vst v7;
	v5 =	vld [tilespmem:s20+$0xF0]  }
0x2af: {  	[tilespmem:s20+$0x10] =	vst v6;
	v6 =	vld [tilespmem:s20+$0x90]  }
0x2b0: {  	v3 =	vld.idx.msk [tilespmem:v3+s21+$0x0], $0xffff  }
0x2b1: {  	v7 =	vld [tilespmem:s20+$0x80]  }
0x2b2: {  	v8 =	vld [tilespmem:s20+$0xB0]  }
0x2b3: {  	v9 =	vld [tilespmem:s20+$0xD0]  }
0x2b4: {  	v10 =	vld [tilespmem:s20+$0xC0];
	_ =	sdelay $0x1  }
0x2b5: {  	s7 =	sadd.s32 $0x6, s1;
	v4 =	vmul.f32 v4, v3;
	v7 =	vmul.f32 v7, v3  }
0x2b6: {  	v11 =	vmov s7;
	v2 =	vmul.f32 v2, v3;
	v8 =	vmul.f32 v8, v3  }
0x2b7: {  	v6 =	vmul.f32 v6, v3;
	[tilespmem:s20+$0xE0] =	vst v4;
	v4 =	vmul.f32 v5, v3;
	v5 =	vand.u32 $0x7E, v11  }
0x2b8: {  	[tilespmem:s20+$0xA0] =	vst v2;
	v2 =	vmul.f32 v10, v3;
	v3 =	vmul.f32 v9, v3;
	v5 =	vor.u32 v1, v5  }
0x2b9: {  	[tilespmem:s20+$0x80] =	vst v7;
	v5 =	vbroadcast v5, $0x0  }
0x2ba: {  	[tilespmem:s20+$0xF0] =	vst v4  }
0x2bb: {  	[tilespmem:s20+$0x90] =	vst v6;
	v4 =	vld [tilespmem:s20+$0x120]  }
0x2bc: {  	[tilespmem:s20+$0xB0] =	vst v8;
	v6 =	vld [tilespmem:s20+$0x170]  }
0x2bd: {  	[tilespmem:s20+$0xD0] =	vst v3;
	v3 =	vld [tilespmem:s20+$0x160]  }
0x2be: {  	[tilespmem:s20+$0xC0] =	vst v2;
	v2 =	vld [tilespmem:s20+$0x110]  }
0x2bf: {  	v5 =	vld.idx.msk [tilespmem:v5+s21+$0x0], $0xffff  }
0x2c0: {  	v7 =	vld [tilespmem:s20+$0x100]  }
0x2c1: {  	v8 =	vld [tilespmem:s20+$0x130]  }
0x2c2: {  	v9 =	vld [tilespmem:s20+$0x140]  }
0x2c3: {  	v10 =	vld [tilespmem:s20+$0x150];
	_ =	sdelay $0x1  }
0x2c4: {  	s7 =	sadd.s32 $0x7, s1;
	s1 =	smov.u32 s6;
	v2 =	vmul.f32 v2, v5;
	v7 =	vmul.f32 v7, v5  }
0x2c5: {  	v11 =	vmov s7;
	v4 =	vmul.f32 v4, v5;
	v8 =	vmul.f32 v8, v5  }
0x2c6: {  	v3 =	vmul.f32 v3, v5;
	[tilespmem:s20+$0x100] =	vst v7;
	v7 =	vmul.f32 v9, v5;
	v9 =	vand.u32 $0x7F, v11  }
0x2c7: {  	[tilespmem:s20+$0x120] =	vst v4;
	v4 =	vmul.f32 v10, v5;
	v5 =	vmul.f32 v6, v5;
	v6 =	vor.u32 v1, v9  }
0x2c8: {  	[tilespmem:s20+$0x110] =	vst v2;
	v2 =	vbroadcast v6, $0x0  }
0x2c9: {  	[tilespmem:s20+$0x160] =	vst v3  }
0x2ca: {  	[tilespmem:s20+$0x170] =	vst v5;
	v3 =	vld [tilespmem:s20+$0x180]  }
0x2cb: {  	[tilespmem:s20+$0x130] =	vst v8;
	v5 =	vld [tilespmem:s20+$0x1D0]  }
0x2cc: {  	[tilespmem:s20+$0x150] =	vst v4;
	v4 =	vld [tilespmem:s20+$0x1F0]  }
0x2cd: {  	[tilespmem:s20+$0x140] =	vst v7;
	v6 =	vld [tilespmem:s20+$0x1B0]  }
0x2ce: {  	v2 =	vld.idx.msk [tilespmem:v2+s21+$0x0], $0xffff  }
0x2cf: {  	v7 =	vld [tilespmem:s20+$0x190]  }
0x2d0: {  	v8 =	vld [tilespmem:s20+$0x1A0]  }
0x2d1: {  	v9 =	vld [tilespmem:s20+$0x1C0]  }
0x2d2: {  	v10 =	vld [tilespmem:s20+$0x1E0];
	_ =	sdelay $0x1  }
0x2d3: {  	v3 =	vmul.f32 v3, v2;
	v7 =	vmul.f32 v7, v2  }
0x2d4: {  	v11 =	vmov s1;
	v6 =	vmul.f32 v6, v2;
	v8 =	vmul.f32 v8, v2  }
0x2d5: {  	v11 =	vand.u32 $0x78, v11;
	v5 =	vmul.f32 v5, v2;
	[tilespmem:s20+$0x180] =	vst v3;
	v3 =	vmul.f32 v9, v2  }
0x2d6: {  	v9 =	vor.u32 v1, v11;
	[tilespmem:s20+$0x1B0] =	vst v6;
	v6 =	vmul.f32 v10, v2;
	v2 =	vmul.f32 v4, v2  }
0x2d7: {  	v4 =	vbroadcast v9, $0x0;
	[tilespmem:s20+$0x1D0] =	vst v5  }
0x2d8: {  	[tilespmem:s20+$0x1F0] =	vst v2  }
0x2d9: {  	v2 =	vld [tilespmem:s0+$0xFFFFFE50];
	[tilespmem:s20+$0x1A0] =	vst v8  }
0x2da: {  	v5 =	vld [tilespmem:s0+$0xFFFFFE30];
	[tilespmem:s20+$0x1E0] =	vst v6  }
0x2db: {  	v6 =	vld [tilespmem:s0+$0xFFFFFE60];
	[tilespmem:s20+$0x1C0] =	vst v3  }
0x2dc: {  	v3 =	vld [tilespmem:s0+$0xFFFFFE70];
	[tilespmem:s20+$0x190] =	vst v7;
	s20 =	smov.u32 s0  }
0x2dd: {  	v4 =	vld.idx.msk [tilespmem:v4+s21+$0x0], $0xffff  }
0x2de: {  	v7 =	vld [tilespmem:s0+$0xFFFFFE00]  }
0x2df: {  	v8 =	vld [tilespmem:s0+$0xFFFFFE20]  }
0x2e0: {  	v9 =	vld [tilespmem:s0+$0xFFFFFE10]  }
0x2e1: {  	v10 =	vld [tilespmem:s0+$0xFFFFFE40];
	_ =	sdelay $0x1  }
0x2e2: {  	s6 =	sadd.s32 $0x1, s1;
	v3 =	vmul.f32 v3, v4;
	v7 =	vmul.f32 v7, v4  }
0x2e3: {  	v11 =	vmov s6;
	v6 =	vmul.f32 v6, v4;
	v8 =	vmul.f32 v8, v4  }
0x2e4: {  	v5 =	vmul.f32 v5, v4;
	v9 =	vmul.f32 v9, v4;
	[tilespmem:s0+$0xFFFFFE70] =	vst v3;
	v3 =	vand.u32 $0x79, v11  }
0x2e5: {  	v2 =	vmul.f32 v2, v4;
	[tilespmem:s0+$0xFFFFFE00] =	vst v7;
	v7 =	vmul.f32 v10, v4;
	v3 =	vor.u32 v1, v3  }
0x2e6: {  	[tilespmem:s0+$0xFFFFFE20] =	vst v8;
	v3 =	vbroadcast v3, $0x0  }
0x2e7: {  	[tilespmem:s0+$0xFFFFFE30] =	vst v5  }
0x2e8: {  	[tilespmem:s0+$0xFFFFFE50] =	vst v2;
	v2 =	vld [tilespmem:s0+$0xFFFFFEF0]  }
0x2e9: {  	[tilespmem:s0+$0xFFFFFE10] =	vst v9;
	v4 =	vld [tilespmem:s0+$0xFFFFFED0]  }
0x2ea: {  	[tilespmem:s0+$0xFFFFFE60] =	vst v6;
	v5 =	vld [tilespmem:s0+$0xFFFFFEB0]  }
0x2eb: {  	[tilespmem:s0+$0xFFFFFE40] =	vst v7;
	v6 =	vld [tilespmem:s0+$0xFFFFFEE0]  }
0x2ec: {  	v3 =	vld.idx.msk [tilespmem:v3+s21+$0x0], $0xffff  }
0x2ed: {  	v7 =	vld [tilespmem:s0+$0xFFFFFE80]  }
0x2ee: {  	v8 =	vld [tilespmem:s0+$0xFFFFFE90]  }
0x2ef: {  	v9 =	vld [tilespmem:s0+$0xFFFFFEA0]  }
0x2f0: {  	v10 =	vld [tilespmem:s0+$0xFFFFFEC0];
	_ =	sdelay $0x1  }
0x2f1: {  	s6 =	sadd.s32 $0x2, s1;
	v6 =	vmul.f32 v6, v3;
	v7 =	vmul.f32 v7, v3  }
0x2f2: {  	v11 =	vmov s6;
	v5 =	vmul.f32 v5, v3;
	v8 =	vmul.f32 v8, v3  }
0x2f3: {  	v4 =	vmul.f32 v4, v3;
	[tilespmem:s0+$0xFFFFFE80] =	vst v7;
	v7 =	vmul.f32 v9, v3;
	v9 =	vand.u32 $0x7A, v11  }
0x2f4: {  	v2 =	vmul.f32 v2, v3;
	v10 =	vmul.f32 v10, v3;
	[tilespmem:s0+$0xFFFFFEE0] =	vst v6;
	v3 =	vor.u32 v1, v9  }
0x2f5: {  	[tilespmem:s0+$0xFFFFFE90] =	vst v8;
	v3 =	vbroadcast v3, $0x0  }
0x2f6: {  	[tilespmem:s0+$0xFFFFFED0] =	vst v4  }
0x2f7: {  	[tilespmem:s0+$0xFFFFFEF0] =	vst v2;
	v2 =	vld [tilespmem:s0+$0xFFFFFF70]  }
0x2f8: {  	[tilespmem:s0+$0xFFFFFEB0] =	vst v5;
	v4 =	vld [tilespmem:s0+$0xFFFFFF50]  }
0x2f9: {  	[tilespmem:s0+$0xFFFFFEC0] =	vst v10;
	v5 =	vld [tilespmem:s0+$0xFFFFFF30]  }
0x2fa: {  	[tilespmem:s0+$0xFFFFFEA0] =	vst v7;
	v6 =	vld [tilespmem:s0+$0xFFFFFF40]  }
0x2fb: {  	v3 =	vld.idx.msk [tilespmem:v3+s21+$0x0], $0xffff  }
0x2fc: {  	v7 =	vld [tilespmem:s0+$0xFFFFFF20]  }
0x2fd: {  	v8 =	vld [tilespmem:s0+$0xFFFFFF10]  }
0x2fe: {  	v9 =	vld [tilespmem:s0+$0xFFFFFF00]  }
0x2ff: {  	v10 =	vld [tilespmem:s0+$0xFFFFFF60];
	_ =	sdelay $0x1  }
0x300: {  	s6 =	sadd.s32 $0x3, s1;
	v6 =	vmul.f32 v6, v3;
	v7 =	vmul.f32 v7, v3  }
0x301: {  	v11 =	vmov s6;
	v5 =	vmul.f32 v5, v3;
	v8 =	vmul.f32 v8, v3  }
0x302: {  	v4 =	vmul.f32 v4, v3;
	v9 =	vmul.f32 v9, v3;
	[tilespmem:s0+$0xFFFFFF40] =	vst v6;
	v6 =	vand.u32 $0x7B, v11  }
0x303: {  	v2 =	vmul.f32 v2, v3;
	[tilespmem:s0+$0xFFFFFF20] =	vst v7;
	v7 =	vmul.f32 v10, v3;
	v3 =	vor.u32 v1, v6  }
0x304: {  	[tilespmem:s0+$0xFFFFFF10] =	vst v8;
	v3 =	vbroadcast v3, $0x0  }
0x305: {  	[tilespmem:s0+$0xFFFFFF50] =	vst v4  }
0x306: {  	[tilespmem:s0+$0xFFFFFF00] =	vst v9;
	v4 =	vld [tilespmem:s0+$0xFFFFFFF0]  }
0x307: {  	[tilespmem:s0+$0xFFFFFF30] =	vst v5;
	v5 =	vld [tilespmem:s0+$0xFFFFFFD0]  }
0x308: {  	[tilespmem:s0+$0xFFFFFF70] =	vst v2;
	v2 =	vld [tilespmem:s0+$0xFFFFFFC0]  }
0x309: {  	[tilespmem:s0+$0xFFFFFF60] =	vst v7;
	v6 =	vld [tilespmem:s0+$0xFFFFFFA0]  }
0x30a: {  	v3 =	vld.idx.msk [tilespmem:v3+s21+$0x0], $0xffff  }
0x30b: {  	v7 =	vld [tilespmem:s0+$0xFFFFFF90]  }
0x30c: {  	v8 =	vld [tilespmem:s0+$0xFFFFFF80]  }
0x30d: {  	v9 =	vld [tilespmem:s0+$0xFFFFFFB0]  }
0x30e: {  	v10 =	vld [tilespmem:s0+$0xFFFFFFE0];
	_ =	sdelay $0x1  }
0x30f: {  	s6 =	sadd.s32 $0x4, s1;
	v6 =	vmul.f32 v6, v3;
	v7 =	vmul.f32 v7, v3  }
0x310: {  	v11 =	vmul.f32 v2, v3;
	v2 =	vmov s6;
	v8 =	vmul.f32 v8, v3  }
0x311: {  	v5 =	vmul.f32 v5, v3;
	v2 =	vand.u32 $0x7C, v2;
	[tilespmem:s0+$0xFFFFFF90] =	vst v7;
	v7 =	vmul.f32 v9, v3  }
0x312: {  	v2 =	vor.u32 v1, v2;
	[tilespmem:s0+$0xFFFFFF80] =	vst v8;
	v8 =	vmul.f32 v10, v3;
	v3 =	vmul.f32 v4, v3  }
0x313: {  	[tilespmem:s0+$0xFFFFFFA0] =	vst v6;
	v6 =	vbroadcast v2, $0x0  }
0x314: {  	[tilespmem:s0+$0xFFFFFFD0] =	vst v5  }
0x315: {  	[tilespmem:s0+$0xFFFFFFB0] =	vst v7;
	v2 =	vld [tilespmem:s0+$0x60]  }
0x316: {  	[tilespmem:s0+$0xFFFFFFE0] =	vst v8;
	v4 =	vld [tilespmem:s0+$0x70]  }
0x317: {  	[tilespmem:s0+$0xFFFFFFC0] =	vst v11;
	v8 =	vld [tilespmem:s0+$0x20]  }
0x318: {  	[tilespmem:s0+$0xFFFFFFF0] =	vst v3;
	v5 =	vld [tilespmem:s0+$0x0]  }
0x319: {  	v3 =	vld.idx.msk [tilespmem:v6+s21+$0x0], $0xffff  }
0x31a: {  	v11 =	vld [tilespmem:s0+$0x40]  }
.Ltmp7:
0x31b: {  	v9 =	vld [tilespmem:s0+$0x30];
	(pc) =	sbr.rel @p0 .LBB2_12-.Ltmp7, $3  }
0x31c: {  	v6 =	vld [tilespmem:s0+$0x10]  }
0x31d: {  	v7 =	vld [tilespmem:s0+$0x50];
	_ =	sdelay $0x1  }
0x31e: {  	s6 =	sadd.s32 $0x5, s1;
	v10 =	vmul.f32 v5, v3;
	v5 =	vmul.f32 v11, v3  }
0x31f: {  	v8 =	vmul.f32 v8, v3;
	v11 =	vmov s6  }
0x320: {  	v4 =	vmul.f32 v4, v3;
	[tilespmem:s20+$0x0] =	vst v10;
	v10 =	vand.u32 $0x7D, v11  }
0x321: {  	v2 =	vmul.f32 v2, v3;
	[tilespmem:s20+$0x20] =	vst v8;
	v8 =	vor.u32 v1, v10  }
0x322: {  	[tilespmem:s20+$0x70] =	vst v4;
	v4 =	vbroadcast v8, $0x0  }
0x323: {  	[tilespmem:s20+$0x60] =	vst v2;
	v2 =	vmul.f32 v7, v3  }
0x324: {  	[tilespmem:s20+$0x40] =	vst v5;
	v8 =	vmul.f32 v9, v3  }
0x325: {  	v3 =	vmul.f32 v6, v3;
	[tilespmem:s20+$0x50] =	vst v2  }
0x326: {  	[tilespmem:s20+$0x30] =	vst v8  }
0x327: {  	v2 =	vld [tilespmem:s20+$0xE0];
	[tilespmem:s20+$0x10] =	vst v3  }
0x328: {  	v3 =	vld.idx.msk [tilespmem:v4+s21+$0x0], $0xffff  }
0x329: {  	v5 =	vld [tilespmem:s20+$0xA0]  }
0x32a: {  	v6 =	vld [tilespmem:s20+$0x80]  }
0x32b: {  	v4 =	vld [tilespmem:s20+$0xF0]  }
0x32c: {  	v7 =	vld [tilespmem:s20+$0x90]  }
0x32d: {  	s0 =	sadd.s32 $0x6, s1;
	v8 =	vld [tilespmem:s20+$0xB0];
	v2 =	vmul.f32 v2, v3  }
0x32e: {  	v11 =	vmov s0;
	v9 =	vld [tilespmem:s20+$0xD0];
	v5 =	vmul.f32 v5, v3  }
0x32f: {  	v10 =	vld [tilespmem:s20+$0xC0];
	v6 =	vmul.f32 v6, v3;
	[tilespmem:s20+$0xE0] =	vst v2;
	v2 =	vand.u32 $0x7E, v11  }
0x330: {  	v4 =	vmul.f32 v4, v3;
	[tilespmem:s20+$0xA0] =	vst v5;
	v2 =	vor.u32 v1, v2  }
0x331: {  	v5 =	vmul.f32 v7, v3;
	[tilespmem:s20+$0x80] =	vst v6;
	v2 =	vbroadcast v2, $0x0  }
0x332: {  	v6 =	vmul.f32 v8, v3;
	[tilespmem:s20+$0xF0] =	vst v4  }
0x333: {  	v4 =	vmul.f32 v9, v3;
	[tilespmem:s20+$0x90] =	vst v5  }
0x334: {  	v3 =	vmul.f32 v10, v3;
	[tilespmem:s20+$0xB0] =	vst v6  }
0x335: {  	[tilespmem:s20+$0xD0] =	vst v4  }
0x336: {  	[tilespmem:s20+$0xC0] =	vst v3;
	v3 =	vld [tilespmem:s20+$0x100]  }
0x337: {  	v2 =	vld.idx.msk [tilespmem:v2+s21+$0x0], $0xffff  }
0x338: {  	v4 =	vld [tilespmem:s20+$0x120]  }
0x339: {  	v5 =	vld [tilespmem:s20+$0x110]  }
0x33a: {  	v6 =	vld [tilespmem:s20+$0x160]  }
0x33b: {  	v8 =	vld [tilespmem:s20+$0x130]  }
0x33c: {  	s6 =	sadd.s32 $0x7, s1;
	v9 =	vld [tilespmem:s20+$0x150];
	v3 =	vmul.f32 v3, v2  }
0x33d: {  	v7 =	vld [tilespmem:s20+$0x170];
	v10 =	vmov s6;
	v4 =	vmul.f32 v4, v2  }
0x33e: {  	v11 =	vld [tilespmem:s20+$0x140];
	v5 =	vmul.f32 v5, v2;
	[tilespmem:s20+$0x100] =	vst v3;
	v3 =	vand.u32 $0x7F, v10  }
0x33f: {  	v6 =	vmul.f32 v6, v2;
	[tilespmem:s20+$0x120] =	vst v4;
	v1 =	vor.u32 v1, v3  }
0x340: {  	[tilespmem:s20+$0x110] =	vst v5;
	v4 =	vmul.f32 v8, v2;
	v1 =	vbroadcast v1, $0x0  }
0x341: {  	[tilespmem:s20+$0x160] =	vst v6;
	v5 =	vmul.f32 v9, v2  }
0x342: {  	v3 =	vmul.f32 v7, v2;
	[tilespmem:s20+$0x130] =	vst v4  }
0x343: {  	v2 =	vmul.f32 v11, v2;
	[tilespmem:s20+$0x150] =	vst v5  }
0x344: {  	[tilespmem:s20+$0x170] =	vst v3  }
0x345: {  	v3 =	vld [tilespmem:s20+$0x180];
	[tilespmem:s20+$0x140] =	vst v2  }
0x346: {  	v1 =	vld.idx.msk [tilespmem:v1+s21+$0x0], $0xffff  }
0x347: {  	v2 =	vld [tilespmem:s20+$0x1B0]  }
0x348: {  	v4 =	vld [tilespmem:s20+$0x1D0]  }
0x349: {  	v5 =	vld [tilespmem:s20+$0x1F0]  }
0x34a: {  	v7 =	vld [tilespmem:s20+$0x1A0]  }
0x34b: {  	v8 =	vld [tilespmem:s20+$0x1E0];
	v3 =	vmul.f32 v3, v1  }
0x34c: {  	v9 =	vld [tilespmem:s20+$0x1C0];
	v2 =	vmul.f32 v2, v1  }
0x34d: {  	[tilespmem:s20+$0x180] =	vst v3;
	v3 =	vmul.f32 v4, v1  }
0x34e: {  	v6 =	vld [tilespmem:s20+$0x190];
	[tilespmem:s20+$0x1B0] =	vst v2;
	v2 =	vmul.f32 v5, v1  }
0x34f: {  	v4 =	vmul.f32 v7, v1;
	[tilespmem:s20+$0x1D0] =	vst v3  }
0x350: {  	v3 =	vmul.f32 v8, v1;
	[tilespmem:s20+$0x1F0] =	vst v2  }
0x351: {  	s1 =	simm.s32 $0x0;
	v2 =	vmul.f32 v9, v1;
	[tilespmem:s20+$0x1A0] =	vst v4  }
0x352: {  	[tilespmem:s20+$0x1E0] =	vst v3;
	v3 =	vmov s1  }
0x353: {  	s7 =	sshll.u32 s30, $0xA;
	v4 =	vmul.f32 v6, v1;
	v1 =	vmov s31;
	[tilespmem:s20+$0x1C0] =	vst v2;
	v2 =	vand.u32 $0x78, v3  }
0x354: {  	s0 =	sshrl.u32 s7, $0x2;
	v2 =	vor.u32 v1, v2  }
0x355: {  	s5 =	sadd.s32 $0x1400, s0;
	[tilespmem:s20+$0x190] =	vst v4;
	v2 =	vbroadcast v2, $0x0  }
0x356: {  	[spmem:s2] =	stream.indirect.scatter.add.f32 [tilespmem:s18], [sflag:$0x3], $0x80, s5, s22, $0xb8;
	[tilespmem:$0x1FC00] =	vst v63  }
0x357: {  	_ =	swait.ge [sflag:s25], $0x4000  }
0x358: {  	[sflag:s25] =	ssyncset.done $0x0  }
0x359: {  	s20 =	simm.s32 $0x7E00;
	[sflag:s25] =	ssyncadd.s32 $0xFFFFC000  }
0x35a: {  	v4 =	vld [tilespmem:s20+$0xFFFFFE70]  }
0x35b: {  	v2 =	vld.idx.msk [tilespmem:v2+s21+$0x0], $0xffff  }
0x35c: {  	v5 =	vld [tilespmem:s20+$0xFFFFFE00]  }
0x35d: {  	v6 =	vld [tilespmem:s20+$0xFFFFFE20]  }
0x35e: {  	v7 =	vld [tilespmem:s20+$0xFFFFFE30]  }
0x35f: {  	v3 =	vld [tilespmem:s20+$0xFFFFFE50]  }
0x360: {  	s9 =	simm.s32 $0x1;
	v9 =	vld [tilespmem:s20+$0xFFFFFE10];
	v4 =	vmul.f32 v4, v2  }
0x361: {  	v11 =	vmov s9;
	v8 =	vld [tilespmem:s20+$0xFFFFFE60];
	v5 =	vmul.f32 v5, v2  }
0x362: {  	v10 =	vld [tilespmem:s20+$0xFFFFFE40];
	v6 =	vmul.f32 v6, v2;
	[tilespmem:s20+$0xFFFFFE70] =	vst v4;
	v4 =	vand.u32 $0x79, v11  }
0x363: {  	v7 =	vmul.f32 v7, v2;
	[tilespmem:s20+$0xFFFFFE00] =	vst v5;
	v4 =	vor.u32 v1, v4  }
0x364: {  	v3 =	vmul.f32 v3, v2;
	[tilespmem:s20+$0xFFFFFE20] =	vst v6;
	v4 =	vbroadcast v4, $0x0  }
0x365: {  	v5 =	vmul.f32 v9, v2;
	[tilespmem:s20+$0xFFFFFE30] =	vst v7  }
0x366: {  	v6 =	vmul.f32 v8, v2;
	[tilespmem:s20+$0xFFFFFE50] =	vst v3  }
0x367: {  	v2 =	vmul.f32 v10, v2;
	[tilespmem:s20+$0xFFFFFE10] =	vst v5  }
0x368: {  	[tilespmem:s20+$0xFFFFFE60] =	vst v6  }
0x369: {  	[tilespmem:s20+$0xFFFFFE40] =	vst v2  }
0x36a: {  	v2 =	vld.idx.msk [tilespmem:v4+s21+$0x0], $0xffff  }
0x36b: {  	v4 =	vld [tilespmem:s20+$0xFFFFFE80]  }
0x36c: {  	v5 =	vld [tilespmem:s20+$0xFFFFFEE0]  }
0x36d: {  	v6 =	vld [tilespmem:s20+$0xFFFFFE90]  }
0x36e: {  	v7 =	vld [tilespmem:s20+$0xFFFFFED0]  }
0x36f: {  	v3 =	vld [tilespmem:s20+$0xFFFFFEF0]  }
0x370: {  	s6 =	simm.s32 $0x2;
	v8 =	vld [tilespmem:s20+$0xFFFFFEB0];
	v4 =	vmul.f32 v4, v2  }
0x371: {  	v10 =	vld [tilespmem:s20+$0xFFFFFEC0];
	v11 =	vmov s6;
	v5 =	vmul.f32 v5, v2  }
0x372: {  	v9 =	vld [tilespmem:s20+$0xFFFFFEA0];
	v6 =	vmul.f32 v6, v2;
	[tilespmem:s20+$0xFFFFFE80] =	vst v4;
	v4 =	vand.u32 $0x7A, v11  }
0x373: {  	v7 =	vmul.f32 v7, v2;
	[tilespmem:s20+$0xFFFFFEE0] =	vst v5;
	v4 =	vor.u32 v1, v4  }
0x374: {  	v3 =	vmul.f32 v3, v2;
	[tilespmem:s20+$0xFFFFFE90] =	vst v6;
	v4 =	vbroadcast v4, $0x0  }
0x375: {  	v5 =	vmul.f32 v8, v2;
	[tilespmem:s20+$0xFFFFFED0] =	vst v7  }
0x376: {  	v6 =	vmul.f32 v10, v2;
	[tilespmem:s20+$0xFFFFFEF0] =	vst v3  }
0x377: {  	v2 =	vmul.f32 v9, v2;
	[tilespmem:s20+$0xFFFFFEB0] =	vst v5  }
0x378: {  	[tilespmem:s20+$0xFFFFFEC0] =	vst v6  }
0x379: {  	[tilespmem:s20+$0xFFFFFEA0] =	vst v2;
	v2 =	vld [tilespmem:s20+$0xFFFFFF40]  }
0x37a: {  	v4 =	vld.idx.msk [tilespmem:v4+s21+$0x0], $0xffff  }
0x37b: {  	v5 =	vld [tilespmem:s20+$0xFFFFFF20]  }
0x37c: {  	v6 =	vld [tilespmem:s20+$0xFFFFFF10]  }
0x37d: {  	v7 =	vld [tilespmem:s20+$0xFFFFFF50]  }
0x37e: {  	v3 =	vld [tilespmem:s20+$0xFFFFFF70]  }
0x37f: {  	s7 =	simm.s32 $0x3;
	v8 =	vld [tilespmem:s20+$0xFFFFFF00];
	v2 =	vmul.f32 v2, v4  }
0x380: {  	v9 =	vld [tilespmem:s20+$0xFFFFFF30];
	v11 =	vmov s7;
	v5 =	vmul.f32 v5, v4  }
0x381: {  	v10 =	vld [tilespmem:s20+$0xFFFFFF60];
	v6 =	vmul.f32 v6, v4;
	[tilespmem:s20+$0xFFFFFF40] =	vst v2;
	v2 =	vand.u32 $0x7B, v11  }
0x382: {  	v7 =	vmul.f32 v7, v4;
	[tilespmem:s20+$0xFFFFFF20] =	vst v5;
	v2 =	vor.u32 v1, v2  }
0x383: {  	v3 =	vmul.f32 v3, v4;
	[tilespmem:s20+$0xFFFFFF10] =	vst v6;
	v2 =	vbroadcast v2, $0x0  }
0x384: {  	v5 =	vmul.f32 v8, v4;
	[tilespmem:s20+$0xFFFFFF50] =	vst v7  }
0x385: {  	v6 =	vmul.f32 v9, v4;
	[tilespmem:s20+$0xFFFFFF70] =	vst v3  }
0x386: {  	v4 =	vmul.f32 v10, v4;
	[tilespmem:s20+$0xFFFFFF00] =	vst v5  }
0x387: {  	v3 =	vld [tilespmem:s20+$0xFFFFFF90];
	[tilespmem:s20+$0xFFFFFF30] =	vst v6  }
0x388: {  	[tilespmem:s20+$0xFFFFFF60] =	vst v4;
	v4 =	vld [tilespmem:s20+$0xFFFFFF80]  }
0x389: {  	v2 =	vld.idx.msk [tilespmem:v2+s21+$0x0], $0xffff  }
0x38a: {  	v5 =	vld [tilespmem:s20+$0xFFFFFFA0]  }
0x38b: {  	v6 =	vld [tilespmem:s20+$0xFFFFFFD0];
	_ =	sdelay $0x1  }
0x38c: {  	v7 =	vld [tilespmem:s20+$0xFFFFFFB0]  }
0x38d: {  	s9 =	simm.s32 $0x4;
	v8 =	vld [tilespmem:s20+$0xFFFFFFE0];
	v3 =	vmul.f32 v3, v2  }
0x38e: {  	v9 =	vld [tilespmem:s20+$0xFFFFFFC0];
	v11 =	vmov s9;
	v4 =	vmul.f32 v4, v2  }
0x38f: {  	v10 =	vld [tilespmem:s20+$0xFFFFFFF0];
	v5 =	vmul.f32 v5, v2;
	[tilespmem:s20+$0xFFFFFF90] =	vst v3;
	v3 =	vmul.f32 v6, v2;
	v6 =	vand.u32 $0x7C, v11  }
0x390: {  	[tilespmem:s20+$0xFFFFFF80] =	vst v4;
	v6 =	vor.u32 v1, v6  }
0x391: {  	v4 =	vmul.f32 v7, v2;
	[tilespmem:s20+$0xFFFFFFA0] =	vst v5;
	v6 =	vbroadcast v6, $0x0  }
0x392: {  	v5 =	vmul.f32 v8, v2;
	[tilespmem:s20+$0xFFFFFFD0] =	vst v3  }
0x393: {  	v8 =	vld [tilespmem:s20+$0x20];
	v3 =	vmul.f32 v9, v2;
	[tilespmem:s20+$0xFFFFFFB0] =	vst v4  }
0x394: {  	v11 =	vld [tilespmem:s20+$0x40];
	v2 =	vmul.f32 v10, v2;
	[tilespmem:s20+$0xFFFFFFE0] =	vst v5  }
0x395: {  	v7 =	vld [tilespmem:s20+$0x50];
	[tilespmem:s20+$0xFFFFFFC0] =	vst v3  }
0x396: {  	v5 =	vld [tilespmem:s20+$0x0];
	[tilespmem:s20+$0xFFFFFFF0] =	vst v2  }
0x397: {  	v3 =	vld.idx.msk [tilespmem:v6+s21+$0x0], $0xffff  }
0x398: {  	v4 =	vld [tilespmem:s20+$0x70]  }
0x399: {  	v9 =	vld [tilespmem:s20+$0x30]  }
0x39a: {  	v6 =	vld [tilespmem:s20+$0x10]  }
0x39b: {  	v2 =	vld [tilespmem:s20+$0x60]  }
0x39c: {  	s5 =	simm.s32 $0x7E00;
	s6 =	simm.s32 $0x8;
	s7 =	simm.s32 $0x5;
	v10 =	vmul.f32 v5, v3;
	v5 =	vmul.f32 v11, v3  }
.LBB2_14:
0x39d: {  	p0 =	slt.u32 s6, $0x78  }
0x39e: {  	v8 =	vmul.f32 v8, v3;
	v9 =	vmul.f32 v9, v3;
	v11 =	vmov s7;
	s20 =	sadd.s32 $0x400, s20;
	s7 =	smov.u32 s6;
	s6 =	sadd.s32 $0x8, s6  }
0x39f: {  	v4 =	vmul.f32 v4, v3;
	[tilespmem:s5+$0x0] =	vst v10;
	v6 =	vmul.f32 v6, v3;
	v10 =	vand.u32 $0x7D, v11  }
0x3a0: {  	v2 =	vmul.f32 v2, v3;
	[tilespmem:s5+$0x20] =	vst v8;
	v7 =	vmul.f32 v7, v3;
	v3 =	vor.u32 v1, v10  }
0x3a1: {  	[tilespmem:s5+$0x70] =	vst v4;
	v3 =	vbroadcast v3, $0x0  }
0x3a2: {  	[tilespmem:s5+$0x60] =	vst v2  }
0x3a3: {  	[tilespmem:s5+$0x40] =	vst v5;
	v2 =	vld [tilespmem:s5+$0xA0]  }
0x3a4: {  	[tilespmem:s5+$0x30] =	vst v9;
	v4 =	vld [tilespmem:s5+$0xE0]  }
0x3a5: {  	[tilespmem:s5+$0x50] =	vst v7;
	v5 =	vld [tilespmem:s5+$0xF0]  }
0x3a6: {  	[tilespmem:s5+$0x10] =	vst v6;
	v6 =	vld [tilespmem:s5+$0x90]  }
0x3a7: {  	v3 =	vld.idx.msk [tilespmem:v3+s21+$0x0], $0xffff  }
0x3a8: {  	v7 =	vld [tilespmem:s5+$0x80]  }
0x3a9: {  	v8 =	vld [tilespmem:s5+$0xB0]  }
0x3aa: {  	v9 =	vld [tilespmem:s5+$0xD0]  }
0x3ab: {  	v10 =	vld [tilespmem:s5+$0xC0];
	_ =	sdelay $0x1  }
0x3ac: {  	s9 =	sadd.s32 $0x6, s1;
	v4 =	vmul.f32 v4, v3;
	v7 =	vmul.f32 v7, v3  }
0x3ad: {  	v11 =	vmov s9;
	v2 =	vmul.f32 v2, v3;
	v8 =	vmul.f32 v8, v3  }
0x3ae: {  	v6 =	vmul.f32 v6, v3;
	[tilespmem:s5+$0xE0] =	vst v4;
	v4 =	vmul.f32 v5, v3;
	v5 =	vand.u32 $0x7E, v11  }
0x3af: {  	[tilespmem:s5+$0xA0] =	vst v2;
	v2 =	vmul.f32 v10, v3;
	v3 =	vmul.f32 v9, v3;
	v5 =	vor.u32 v1, v5  }
0x3b0: {  	[tilespmem:s5+$0x80] =	vst v7;
	v5 =	vbroadcast v5, $0x0  }
0x3b1: {  	[tilespmem:s5+$0xF0] =	vst v4  }
0x3b2: {  	[tilespmem:s5+$0x90] =	vst v6;
	v4 =	vld [tilespmem:s5+$0x120]  }
0x3b3: {  	[tilespmem:s5+$0xB0] =	vst v8;
	v6 =	vld [tilespmem:s5+$0x170]  }
0x3b4: {  	[tilespmem:s5+$0xD0] =	vst v3;
	v3 =	vld [tilespmem:s5+$0x160]  }
0x3b5: {  	[tilespmem:s5+$0xC0] =	vst v2;
	v2 =	vld [tilespmem:s5+$0x110]  }
0x3b6: {  	v5 =	vld.idx.msk [tilespmem:v5+s21+$0x0], $0xffff  }
0x3b7: {  	v7 =	vld [tilespmem:s5+$0x100]  }
0x3b8: {  	v8 =	vld [tilespmem:s5+$0x130]  }
0x3b9: {  	v9 =	vld [tilespmem:s5+$0x140]  }
0x3ba: {  	v10 =	vld [tilespmem:s5+$0x150];
	_ =	sdelay $0x1  }
0x3bb: {  	s9 =	sadd.s32 $0x7, s1;
	s1 =	smov.u32 s7;
	v2 =	vmul.f32 v2, v5;
	v7 =	vmul.f32 v7, v5  }
0x3bc: {  	v11 =	vmov s9;
	v4 =	vmul.f32 v4, v5;
	v8 =	vmul.f32 v8, v5  }
0x3bd: {  	v3 =	vmul.f32 v3, v5;
	[tilespmem:s5+$0x100] =	vst v7;
	v7 =	vmul.f32 v9, v5;
	v9 =	vand.u32 $0x7F, v11  }
0x3be: {  	[tilespmem:s5+$0x120] =	vst v4;
	v4 =	vmul.f32 v10, v5;
	v5 =	vmul.f32 v6, v5;
	v6 =	vor.u32 v1, v9  }
0x3bf: {  	[tilespmem:s5+$0x110] =	vst v2;
	v2 =	vbroadcast v6, $0x0  }
0x3c0: {  	[tilespmem:s5+$0x160] =	vst v3  }
0x3c1: {  	[tilespmem:s5+$0x170] =	vst v5;
	v3 =	vld [tilespmem:s5+$0x180]  }
0x3c2: {  	[tilespmem:s5+$0x130] =	vst v8;
	v5 =	vld [tilespmem:s5+$0x1D0]  }
0x3c3: {  	[tilespmem:s5+$0x150] =	vst v4;
	v4 =	vld [tilespmem:s5+$0x1F0]  }
0x3c4: {  	[tilespmem:s5+$0x140] =	vst v7;
	v6 =	vld [tilespmem:s5+$0x1B0]  }
0x3c5: {  	v2 =	vld.idx.msk [tilespmem:v2+s21+$0x0], $0xffff  }
0x3c6: {  	v7 =	vld [tilespmem:s5+$0x190]  }
0x3c7: {  	v8 =	vld [tilespmem:s5+$0x1A0]  }
0x3c8: {  	v9 =	vld [tilespmem:s5+$0x1C0]  }
0x3c9: {  	v10 =	vld [tilespmem:s5+$0x1E0];
	_ =	sdelay $0x1  }
0x3ca: {  	v3 =	vmul.f32 v3, v2;
	v7 =	vmul.f32 v7, v2  }
0x3cb: {  	v11 =	vmov s1;
	v6 =	vmul.f32 v6, v2;
	v8 =	vmul.f32 v8, v2  }
0x3cc: {  	v11 =	vand.u32 $0x78, v11;
	v5 =	vmul.f32 v5, v2;
	[tilespmem:s5+$0x180] =	vst v3;
	v3 =	vmul.f32 v9, v2  }
0x3cd: {  	v9 =	vor.u32 v1, v11;
	[tilespmem:s5+$0x1B0] =	vst v6;
	v6 =	vmul.f32 v10, v2;
	v2 =	vmul.f32 v4, v2  }
0x3ce: {  	v4 =	vbroadcast v9, $0x0;
	[tilespmem:s5+$0x1D0] =	vst v5  }
0x3cf: {  	[tilespmem:s5+$0x1F0] =	vst v2  }
0x3d0: {  	v2 =	vld [tilespmem:s20+$0xFFFFFE50];
	[tilespmem:s5+$0x1A0] =	vst v8  }
0x3d1: {  	v5 =	vld [tilespmem:s20+$0xFFFFFE30];
	[tilespmem:s5+$0x1E0] =	vst v6  }
0x3d2: {  	v6 =	vld [tilespmem:s20+$0xFFFFFE60];
	[tilespmem:s5+$0x1C0] =	vst v3  }
0x3d3: {  	v3 =	vld [tilespmem:s20+$0xFFFFFE70];
	[tilespmem:s5+$0x190] =	vst v7;
	s5 =	smov.u32 s20  }
0x3d4: {  	v4 =	vld.idx.msk [tilespmem:v4+s21+$0x0], $0xffff  }
0x3d5: {  	v7 =	vld [tilespmem:s20+$0xFFFFFE00]  }
0x3d6: {  	v8 =	vld [tilespmem:s20+$0xFFFFFE20]  }
0x3d7: {  	v9 =	vld [tilespmem:s20+$0xFFFFFE10]  }
0x3d8: {  	v10 =	vld [tilespmem:s20+$0xFFFFFE40];
	_ =	sdelay $0x1  }
0x3d9: {  	s7 =	sadd.s32 $0x1, s1;
	v3 =	vmul.f32 v3, v4;
	v7 =	vmul.f32 v7, v4  }
0x3da: {  	v11 =	vmov s7;
	v6 =	vmul.f32 v6, v4;
	v8 =	vmul.f32 v8, v4  }
0x3db: {  	v5 =	vmul.f32 v5, v4;
	v9 =	vmul.f32 v9, v4;
	[tilespmem:s20+$0xFFFFFE70] =	vst v3;
	v3 =	vand.u32 $0x79, v11  }
0x3dc: {  	v2 =	vmul.f32 v2, v4;
	[tilespmem:s20+$0xFFFFFE00] =	vst v7;
	v7 =	vmul.f32 v10, v4;
	v3 =	vor.u32 v1, v3  }
0x3dd: {  	[tilespmem:s20+$0xFFFFFE20] =	vst v8;
	v3 =	vbroadcast v3, $0x0  }
0x3de: {  	[tilespmem:s20+$0xFFFFFE30] =	vst v5  }
0x3df: {  	[tilespmem:s20+$0xFFFFFE50] =	vst v2;
	v2 =	vld [tilespmem:s20+$0xFFFFFEF0]  }
0x3e0: {  	[tilespmem:s20+$0xFFFFFE10] =	vst v9;
	v4 =	vld [tilespmem:s20+$0xFFFFFED0]  }
0x3e1: {  	[tilespmem:s20+$0xFFFFFE60] =	vst v6;
	v5 =	vld [tilespmem:s20+$0xFFFFFEB0]  }
0x3e2: {  	[tilespmem:s20+$0xFFFFFE40] =	vst v7;
	v6 =	vld [tilespmem:s20+$0xFFFFFEE0]  }
0x3e3: {  	v3 =	vld.idx.msk [tilespmem:v3+s21+$0x0], $0xffff  }
0x3e4: {  	v7 =	vld [tilespmem:s20+$0xFFFFFE80]  }
0x3e5: {  	v8 =	vld [tilespmem:s20+$0xFFFFFE90]  }
0x3e6: {  	v9 =	vld [tilespmem:s20+$0xFFFFFEA0]  }
0x3e7: {  	v10 =	vld [tilespmem:s20+$0xFFFFFEC0];
	_ =	sdelay $0x1  }
0x3e8: {  	s7 =	sadd.s32 $0x2, s1;
	v6 =	vmul.f32 v6, v3;
	v7 =	vmul.f32 v7, v3  }
0x3e9: {  	v11 =	vmov s7;
	v5 =	vmul.f32 v5, v3;
	v8 =	vmul.f32 v8, v3  }
0x3ea: {  	v4 =	vmul.f32 v4, v3;
	[tilespmem:s20+$0xFFFFFE80] =	vst v7;
	v7 =	vmul.f32 v9, v3;
	v9 =	vand.u32 $0x7A, v11  }
0x3eb: {  	v2 =	vmul.f32 v2, v3;
	v10 =	vmul.f32 v10, v3;
	[tilespmem:s20+$0xFFFFFEE0] =	vst v6;
	v3 =	vor.u32 v1, v9  }
0x3ec: {  	[tilespmem:s20+$0xFFFFFE90] =	vst v8;
	v3 =	vbroadcast v3, $0x0  }
0x3ed: {  	[tilespmem:s20+$0xFFFFFED0] =	vst v4  }
0x3ee: {  	[tilespmem:s20+$0xFFFFFEF0] =	vst v2;
	v2 =	vld [tilespmem:s20+$0xFFFFFF70]  }
0x3ef: {  	[tilespmem:s20+$0xFFFFFEB0] =	vst v5;
	v4 =	vld [tilespmem:s20+$0xFFFFFF50]  }
0x3f0: {  	[tilespmem:s20+$0xFFFFFEC0] =	vst v10;
	v5 =	vld [tilespmem:s20+$0xFFFFFF30]  }
0x3f1: {  	[tilespmem:s20+$0xFFFFFEA0] =	vst v7;
	v6 =	vld [tilespmem:s20+$0xFFFFFF40]  }
0x3f2: {  	v3 =	vld.idx.msk [tilespmem:v3+s21+$0x0], $0xffff  }
0x3f3: {  	v7 =	vld [tilespmem:s20+$0xFFFFFF20]  }
0x3f4: {  	v8 =	vld [tilespmem:s20+$0xFFFFFF10]  }
0x3f5: {  	v9 =	vld [tilespmem:s20+$0xFFFFFF00]  }
0x3f6: {  	v10 =	vld [tilespmem:s20+$0xFFFFFF60];
	_ =	sdelay $0x1  }
0x3f7: {  	s7 =	sadd.s32 $0x3, s1;
	v6 =	vmul.f32 v6, v3;
	v7 =	vmul.f32 v7, v3  }
0x3f8: {  	v11 =	vmov s7;
	v5 =	vmul.f32 v5, v3;
	v8 =	vmul.f32 v8, v3  }
0x3f9: {  	v4 =	vmul.f32 v4, v3;
	v9 =	vmul.f32 v9, v3;
	[tilespmem:s20+$0xFFFFFF40] =	vst v6;
	v6 =	vand.u32 $0x7B, v11  }
0x3fa: {  	v2 =	vmul.f32 v2, v3;
	[tilespmem:s20+$0xFFFFFF20] =	vst v7;
	v7 =	vmul.f32 v10, v3;
	v3 =	vor.u32 v1, v6  }
0x3fb: {  	[tilespmem:s20+$0xFFFFFF10] =	vst v8;
	v3 =	vbroadcast v3, $0x0  }
0x3fc: {  	[tilespmem:s20+$0xFFFFFF50] =	vst v4  }
0x3fd: {  	[tilespmem:s20+$0xFFFFFF00] =	vst v9;
	v4 =	vld [tilespmem:s20+$0xFFFFFFF0]  }
0x3fe: {  	[tilespmem:s20+$0xFFFFFF30] =	vst v5;
	v5 =	vld [tilespmem:s20+$0xFFFFFFD0]  }
0x3ff: {  	[tilespmem:s20+$0xFFFFFF70] =	vst v2;
	v2 =	vld [tilespmem:s20+$0xFFFFFFC0]  }
0x400: {  	[tilespmem:s20+$0xFFFFFF60] =	vst v7;
	v6 =	vld [tilespmem:s20+$0xFFFFFFA0]  }
0x401: {  	v3 =	vld.idx.msk [tilespmem:v3+s21+$0x0], $0xffff  }
0x402: {  	v7 =	vld [tilespmem:s20+$0xFFFFFF90]  }
0x403: {  	v8 =	vld [tilespmem:s20+$0xFFFFFF80]  }
0x404: {  	v9 =	vld [tilespmem:s20+$0xFFFFFFB0]  }
0x405: {  	v10 =	vld [tilespmem:s20+$0xFFFFFFE0];
	_ =	sdelay $0x1  }
0x406: {  	s7 =	sadd.s32 $0x4, s1;
	v6 =	vmul.f32 v6, v3;
	v7 =	vmul.f32 v7, v3  }
0x407: {  	v11 =	vmul.f32 v2, v3;
	v2 =	vmov s7;
	v8 =	vmul.f32 v8, v3  }
0x408: {  	v5 =	vmul.f32 v5, v3;
	v2 =	vand.u32 $0x7C, v2;
	[tilespmem:s20+$0xFFFFFF90] =	vst v7;
	v7 =	vmul.f32 v9, v3  }
0x409: {  	v2 =	vor.u32 v1, v2;
	[tilespmem:s20+$0xFFFFFF80] =	vst v8;
	v8 =	vmul.f32 v10, v3;
	v3 =	vmul.f32 v4, v3  }
0x40a: {  	[tilespmem:s20+$0xFFFFFFA0] =	vst v6;
	v6 =	vbroadcast v2, $0x0  }
0x40b: {  	[tilespmem:s20+$0xFFFFFFD0] =	vst v5  }
0x40c: {  	[tilespmem:s20+$0xFFFFFFB0] =	vst v7;
	v2 =	vld [tilespmem:s20+$0x60]  }
0x40d: {  	[tilespmem:s20+$0xFFFFFFE0] =	vst v8;
	v4 =	vld [tilespmem:s20+$0x70]  }
0x40e: {  	[tilespmem:s20+$0xFFFFFFC0] =	vst v11;
	v8 =	vld [tilespmem:s20+$0x20]  }
0x40f: {  	[tilespmem:s20+$0xFFFFFFF0] =	vst v3;
	v5 =	vld [tilespmem:s20+$0x0]  }
0x410: {  	v3 =	vld.idx.msk [tilespmem:v6+s21+$0x0], $0xffff  }
0x411: {  	v11 =	vld [tilespmem:s20+$0x40]  }
.Ltmp8:
0x412: {  	v9 =	vld [tilespmem:s20+$0x30];
	(pc) =	sbr.rel @p0 .LBB2_14-.Ltmp8, $3  }
0x413: {  	v6 =	vld [tilespmem:s20+$0x10]  }
0x414: {  	v7 =	vld [tilespmem:s20+$0x50];
	_ =	sdelay $0x1  }
0x415: {  	s7 =	sadd.s32 $0x5, s1;
	v10 =	vmul.f32 v5, v3;
	v5 =	vmul.f32 v11, v3  }
0x416: {  	v11 =	vmov s7  }
0x417: {  	v8 =	vmul.f32 v8, v3;
	[tilespmem:s5+$0x0] =	vst v10;
	v32 =	vand.u32 $0x7D, v11  }
0x418: {  	v4 =	vmul.f32 v4, v3;
	[tilespmem:s5+$0x40] =	vst v5;
	v33 =	vor.u32 v1, v32  }
0x419: {  	v2 =	vmul.f32 v2, v3;
	[tilespmem:s5+$0x20] =	vst v8;
	v34 =	vbroadcast v33, $0x0  }
0x41a: {  	v35 =	vmul.f32 v9, v3;
	[tilespmem:s5+$0x70] =	vst v4  }
0x41b: {  	[tilespmem:s5+$0x60] =	vst v2;
	v2 =	vmul.f32 v7, v3  }
0x41c: {  	v3 =	vmul.f32 v6, v3;
	[tilespmem:s5+$0x30] =	vst v35  }
0x41d: {  	[tilespmem:s5+$0x50] =	vst v2  }
0x41e: {  	v2 =	vld [tilespmem:s5+$0xE0];
	[tilespmem:s5+$0x10] =	vst v3  }
0x41f: {  	v3 =	vld.idx.msk [tilespmem:v34+s21+$0x0], $0xffff  }
0x420: {  	v36 =	vld [tilespmem:s5+$0xA0]  }
0x421: {  	v38 =	vld [tilespmem:s5+$0x80]  }
0x422: {  	v37 =	vld [tilespmem:s5+$0xF0]  }
0x423: {  	v39 =	vld [tilespmem:s5+$0x90]  }
0x424: {  	v40 =	vld [tilespmem:s5+$0xB0];
	s6 =	sadd.s32 $0x6, s1;
	v2 =	vmul.f32 v2, v3  }
0x425: {  	v41 =	vld [tilespmem:s5+$0xD0];
	v43 =	vmov s6;
	v5 =	vmul.f32 v36, v3  }
0x426: {  	v42 =	vld [tilespmem:s5+$0xC0];
	v6 =	vmul.f32 v38, v3;
	[tilespmem:s5+$0xE0] =	vst v2;
	v2 =	vand.u32 $0x7E, v43  }
0x427: {  	v4 =	vmul.f32 v37, v3;
	[tilespmem:s5+$0xA0] =	vst v5;
	v2 =	vor.u32 v1, v2  }
0x428: {  	v44 =	vmul.f32 v39, v3;
	[tilespmem:s5+$0x80] =	vst v6;
	v2 =	vbroadcast v2, $0x0  }
0x429: {  	v45 =	vmul.f32 v40, v3;
	[tilespmem:s5+$0xF0] =	vst v4  }
0x42a: {  	v46 =	vmul.f32 v41, v3;
	[tilespmem:s5+$0x90] =	vst v44  }
0x42b: {  	v3 =	vmul.f32 v42, v3;
	[tilespmem:s5+$0xB0] =	vst v45  }
0x42c: {  	[tilespmem:s5+$0xD0] =	vst v46  }
0x42d: {  	[tilespmem:s5+$0xC0] =	vst v3;
	v3 =	vld [tilespmem:s5+$0x100]  }
0x42e: {  	v2 =	vld.idx.msk [tilespmem:v2+s21+$0x0], $0xffff  }
0x42f: {  	v47 =	vld [tilespmem:s5+$0x120]  }
0x430: {  	v48 =	vld [tilespmem:s5+$0x110]  }
0x431: {  	v49 =	vld [tilespmem:s5+$0x160]  }
0x432: {  	v51 =	vld [tilespmem:s5+$0x130]  }
0x433: {  	s20 =	sadd.s32 $0x7, s1;
	v52 =	vld [tilespmem:s5+$0x150];
	v3 =	vmul.f32 v3, v2  }
0x434: {  	v50 =	vld [tilespmem:s5+$0x170];
	v53 =	vmov s20;
	v4 =	vmul.f32 v47, v2  }
0x435: {  	v54 =	vld [tilespmem:s5+$0x140];
	v5 =	vmul.f32 v48, v2;
	[tilespmem:s5+$0x100] =	vst v3;
	v3 =	vand.u32 $0x7F, v53  }
0x436: {  	v6 =	vmul.f32 v49, v2;
	[tilespmem:s5+$0x120] =	vst v4;
	v1 =	vor.u32 v1, v3  }
0x437: {  	v55 =	vmul.f32 v51, v2;
	[tilespmem:s5+$0x110] =	vst v5;
	v1 =	vbroadcast v1, $0x0  }
0x438: {  	v56 =	vmul.f32 v52, v2;
	[tilespmem:s5+$0x160] =	vst v6  }
0x439: {  	[tilespmem:s5+$0x130] =	vst v55;
	v3 =	vmul.f32 v50, v2  }
0x43a: {  	[tilespmem:s5+$0x150] =	vst v56;
	v2 =	vmul.f32 v54, v2  }
0x43b: {  	[tilespmem:s5+$0x170] =	vst v3  }
0x43c: {  	v3 =	vld [tilespmem:s5+$0x180];
	[tilespmem:s5+$0x140] =	vst v2  }
0x43d: {  	v1 =	vld.idx.msk [tilespmem:v1+s21+$0x0], $0xffff  }
0x43e: {  	v2 =	vld [tilespmem:s5+$0x1B0]  }
0x43f: {  	v60 =	vld [tilespmem:s5+$0x1A0]  }
0x440: {  	v57 =	vld [tilespmem:s5+$0x1D0]  }
0x441: {  	v58 =	vld [tilespmem:s5+$0x1F0]  }
0x442: {  	v61 =	vld [tilespmem:s5+$0x1E0];
	v3 =	vmul.f32 v3, v1  }
0x443: {  	v62 =	vld [tilespmem:s5+$0x1C0];
	v2 =	vmul.f32 v2, v1  }
0x444: {  	v59 =	vld [tilespmem:s5+$0x190];
	v63 =	vmul.f32 v60, v1;
	[tilespmem:s5+$0x180] =	vst v3  }
0x445: {  	v3 =	vmul.f32 v57, v1;
	[tilespmem:s5+$0x1B0] =	vst v2  }
0x446: {  	v2 =	vmul.f32 v58, v1;
	[tilespmem:s5+$0x1A0] =	vst v63  }
0x447: {  	[tilespmem:s5+$0x1D0] =	vst v3;
	v3 =	vmul.f32 v61, v1  }
0x448: {  	[tilespmem:s5+$0x1F0] =	vst v2;
	v2 =	vmul.f32 v62, v1  }
0x449: {  	v1 =	vmul.f32 v59, v1;
	[tilespmem:s5+$0x1E0] =	vst v3  }
0x44a: {  	p0 =	seq.s32 s30, $0x13;
	[tilespmem:s5+$0x1C0] =	vst v2  }
.Ltmp9:
0x44b: {  	s31 =	sadd.s32 $0x1400, s31;
	[tilespmem:s5+$0x190] =	vst v1;
	(pc) =	sbr.rel @p0 .LBB2_17-.Ltmp9, $4  }
0x44c: {  	[spmem:s2] =	stream.indirect.scatter.add.f32 [tilespmem:s23], [sflag:$0x4], $0x80, s31, s22, $0xb8;
	[tilespmem:$0x1FC00] =	vst v63  }
0x44d: {  	_ =	swait.ge [sflag:s26], $0x4000  }
0x44e: {  	[sflag:s26] =	ssyncset.done $0x0  }
0x44f: {  	[sflag:s26] =	ssyncadd.s32 $0xFFFFC000  }
.Ltmp10:
0x450: {  	(pc) =	sbr.rel .LBB2_11-.Ltmp10, $3  }
0x451: {  	_ =	sdelay $0x1  }
0x452: {  	s0 =	sadd.s32 $0x100, s0;
	s30 =	sadd.s32 $0x1, s30  }
0x453: {  	[tilespmem:s18], [sflag:$0x1] =	stream.indirect.gather [hbm4b:s8+s22], $0x80, s0, s22, $0xb8;
	[tilespmem:$0x1FC00] =	vst v63  }
.LBB2_18:
0x454: {  	_ =	sfence.sel $0x180000  }
0x455: {  	[bflag:$0x0] =	sbarrier.arrive $0xFFFF  }
0x456: {  	_ =	strace $0x9000004A  }
0x457: {  	s0 =	stileid.u32;
	[bflag:$0x2] =	sbarrier.arrive $0xFFFF  }
0x458: {  	p0 =	sne.s32 s0, $0x0;
	s0 =	rddreg [dreg:$0x2]  }
0x459: {  	s0 =	sadd.s32 @!p0 $0x100000, s0  }
0x45a: {  	[sflag:s0] =	ssyncadd.tile.s32 @!p0 $0x1;
	_ =	shalt  }
.Lfunc_end2:
_tile_overlayer_lowered:
.L_overlay_start_2:
0x45b: {  	(tag) =	ssettag $0x2  }
0x45c: {  	s0 =	rddreg [dreg:$0x0];
	s2 =	stileid.u32  }
0x45d: {  	s1 =	rddreg [dreg:$0x1];
	p0 =	sne.s32 s2, $0x0  }
0x45e: {  	s3 =	rddreg [dreg:$0x2];
	[bflag:$0x3] =	sbarrier.arrive $0xFFFF;
	s2 =	simm.s32 @!p0 $0x1C05  }
0x45f: {  	[timem:s3], [sflag:s2] =	dma.local @!p0 [hbm:s0], s1  }
0x460: {  	s0 =	simm.s32 @!p0 $0x5  }
0x461: {  	_ =	swait.ge @!p0 [sflag:s0], s1  }
0x462: {  	s1 =	ssub.s32 @!p0 $0x0, s1;
	[sflag:s0] =	ssyncset.done @!p0 $0x0  }
0x463: {  	[sflag:s0] =	ssyncadd.s32 @!p0 s1  }
0x464: {  	[bflag:$0x3] =	sbarrier.arrive $0xFFFF  }
0x465: {  	_ =	shalt  }

// kernel: kernel.13.cloned.1.call-start
scs
__scs_entry_jumppad:
0x0: {  	(pc) =	sbr.rel $0x88, $3  }
0x1: {  	(tag) =	ssettag $0x0;
	lr =	simm.s32 $0x1  }
0x2: {  	[smem:$0x3F99] =	sst lr;
	_ =	strace $0xD0000000  }
0x3: {  	_ = 	snop  }
0x4: {  	_ = 	snop  }
0x5: {  	_ = 	snop  }
0x6: {  	_ = 	snop  }
0x7: {  	_ = 	snop  }
__scs_overlays_trampoline_lowered:
0x8: {  	[smem:$0x3FA8] =	sst s0  }
0x9: {  	[smem:$0x3FA9] =	sst s1  }
0xa: {  	[smem:$0x3FAA] =	sst s2  }
0xb: {  	[smem:$0x3FAB] =	sst s3  }
0xc: {  	[smem:$0x3FAC] =	sst s4  }
0xd: {  	[smem:$0x3FAD] =	sst s5  }
0xe: {  	[smem:$0x3FAE] =	sst s6  }
0xf: {  	[smem:$0x3FAF] =	sst s7  }
0x10: {  	[smem:$0x3FB0] =	sst s8  }
0x11: {  	[smem:$0x3FB1] =	sst s9;
	s0 =	simm.s32 @!p0 $0x0  }
0x12: {  	s1 =	sld [smem:$0x3F97];
	s0 =	simm.s32 @p0 $0x1  }
0x13: {  	[smem:$0x3FB2] =	sst s0;
	s0 =	simm.s32 @!p1 $0x0  }
0x14: {  	s2 =	sld [smem:$0x3F96];
	s0 =	simm.s32 @p1 $0x1  }
0x15: {  	[smem:$0x3FB3] =	sst s0;
	s0 =	simm.s32 @!p2 $0x0  }
0x16: {  	s3 =	sld [smem:$0x3FDB];
	s0 =	simm.s32 @p2 $0x1  }
0x17: {  	s4 =	simm.s32 $0x1BF5;
	[smem:$0x3FB5] =	sst s0  }
0x18: {  	s0 =	sld [smem:$0x3F98];
	_ =	swait.ge [sflag:s4], $0x0  }
0x19: {  	s7 =	sld [smem:$0x3F99]  }
0x1a: {  	s8 =	sadd.s32 $0xFFFFE003, lr  }
0x1b: {  	s9 =	sadd.s32 $0xFFFFFEF7, lr;
	s5 =	simm.s32 $0xFFFFFFFF;
	p2 =	slt.u32 s8, $0xFFFFF086  }
0x1c: {  	p1 =	slt.u32 s9, $0xF7A;
	s5 =	simm.s32 @!p2 $0x0  }
0x1d: {  	s5 =	simm.s32 @p1 $0x1;
	p0 =	seq.s32 s7, s2  }
0x1e: {  	s7 =	smul.u32 @!p0 $0xF7A, s2;
	p2 =	seq.s32 @!p0 s5, $0x0  }
0x1f: {  	s9 =	smul.u32 $0xF7A, s1;
	s8 =	simm.s32 @!p0 $0x1BF5;
	p2 =	por !p2, p0  }
0x20: {  	[sflag:s8] =	ssyncset.s32 @!p0 $0xFFFFF086;
	s6 =	sadd.s32 @!p0 s3, s7;
	s7 =	simm.s32 @!p0 $0x108  }
0x21: {  	s3 =	sadd.s32 s3, s9;
	s6 =	sadd.s32 @!p0 $0x88, s6;
	s7 =	simm.s32 @p2 $0x1082  }
0x22: {  	[simem:s7], [sflag:s8] =	dma.local @!p0 [hbm:s6], $0xF7A  }
0x23: {  	s9 =	sor.u32 $0xD0000000, s2;
	s6 =	simm.s32 $0x108;
	_ =	swait.ge @!p0 [sflag:s8], $0x0  }
0x24: {  	s3 =	sadd.s32 $0x88, s3;
	s6 =	simm.s32 @!p1 $0x1082;
	[sflag:s4] =	ssyncset.s32 $0xFFFFF086  }
0x25: {  	[simem:s6], [sflag:s4] =	dma.local [hbm:s3], $0xF7A  }
0x26: {  	[smem:$0x3F99] =	sst s1;
	(tag) =	ssettag s2;
	_ =	strace s9  }
0x27: {  	s1 =	sld [smem:$0x3FA9]  }
0x28: {  	s2 =	sld [smem:$0x3FAA]  }
0x29: {  	s4 =	sld [smem:$0x3FAC]  }
0x2a: {  	p0 =	seq.s32 s5, $0x0;
	s5 =	sld [smem:$0x3FAD]  }
0x2b: {  	s6 =	sld [smem:$0x3FAE]  }
0x2c: {  	s7 =	sld [smem:$0x3FAF]  }
0x2d: {  	s3 =	simm.s32 $0x108;
	s8 =	sld [smem:$0x3FB0]  }
0x2e: {  	s3 =	simm.s32 @!p0 $0x1082;
	s9 =	sld [smem:$0x3FB1]  }
0x2f: {  	lr =	sadd.s32 s0, s3;
	s0 =	sld [smem:$0x3FA8]  }
0x30: {  	s3 =	sld [smem:$0x3FAB]  }
0x31: {  	[smem:$0x3FB4] =	sst s10  }
0x32: {  	s10 =	sld [smem:$0x3FB2];
	_ =	sdelay $0x3  }
0x33: {  	p0 =	seq.s32 s10, $0x1;
	s10 =	sld [smem:$0x3FB4];
	_ =	sdelay $0x3  }
0x34: {  	[smem:$0x3FB4] =	sst s10  }
0x35: {  	s10 =	sld [smem:$0x3FB3];
	_ =	sdelay $0x3  }
0x36: {  	p1 =	seq.s32 s10, $0x1;
	s10 =	sld [smem:$0x3FB4];
	_ =	sdelay $0x3  }
0x37: {  	[smem:$0x3FB4] =	sst s10  }
0x38: {  	s10 =	sld [smem:$0x3FB5]  }
0x39: {  	_ = 	snop;
	(pc) =	sbr.ind lr, $3  }
0x3a: {  	_ = 	snop  }
0x3b: {  	_ = 	snop  }
0x3c: {  	p2 =	seq.s32 s10, $0x1;
	s10 =	sld [smem:$0x3FB4]  }
0x3d: {  	_ =	shalt  }
0x3e: {  	_ =	shalt  }
0x3f: {  	_ =	shalt  }
0x40: {  	_ =	shalt  }
0x41: {  	_ =	shalt  }
0x42: {  	_ =	shalt  }
0x43: {  	_ =	shalt  }
0x44: {  	_ =	shalt  }
0x45: {  	_ =	shalt  }
0x46: {  	_ =	shalt  }
0x47: {  	_ =	shalt  }
0x48: {  	_ =	shalt  }
0x49: {  	_ =	shalt  }
0x4a: {  	_ =	shalt  }
0x4b: {  	_ =	shalt  }
0x4c: {  	_ =	shalt  }
0x4d: {  	_ =	shalt  }
0x4e: {  	_ =	shalt  }
0x4f: {  	_ =	shalt  }
0x50: {  	_ =	shalt  }
0x51: {  	_ =	shalt  }
0x52: {  	_ =	shalt  }
0x53: {  	_ =	shalt  }
0x54: {  	_ =	shalt  }
0x55: {  	_ =	shalt  }
0x56: {  	_ =	shalt  }
0x57: {  	_ =	shalt  }
0x58: {  	_ =	shalt  }
0x59: {  	_ =	shalt  }
0x5a: {  	_ =	shalt  }
0x5b: {  	_ =	shalt  }
0x5c: {  	_ =	shalt  }
0x5d: {  	_ =	shalt  }
0x5e: {  	_ =	shalt  }
0x5f: {  	_ =	shalt  }
0x60: {  	_ =	shalt  }
0x61: {  	_ =	shalt  }
0x62: {  	_ =	shalt  }
0x63: {  	_ =	shalt  }
0x64: {  	_ =	shalt  }
0x65: {  	_ =	shalt  }
0x66: {  	_ =	shalt  }
0x67: {  	_ =	shalt  }
0x68: {  	_ =	shalt  }
0x69: {  	_ =	shalt  }
0x6a: {  	_ =	shalt  }
0x6b: {  	_ =	shalt  }
0x6c: {  	_ =	shalt  }
0x6d: {  	_ =	shalt  }
0x6e: {  	_ =	shalt  }
0x6f: {  	_ =	shalt  }
0x70: {  	_ =	shalt  }
0x71: {  	_ =	shalt  }
0x72: {  	_ =	shalt  }
0x73: {  	_ =	shalt  }
0x74: {  	_ =	shalt  }
0x75: {  	_ =	shalt  }
0x76: {  	_ =	shalt  }
0x77: {  	_ =	shalt  }
0x78: {  	_ =	shalt  }
0x79: {  	_ =	shalt  }
0x7a: {  	_ =	shalt  }
0x7b: {  	_ =	shalt  }
0x7c: {  	_ =	shalt  }
0x7d: {  	_ =	shalt  }
0x7e: {  	_ =	shalt  }
0x7f: {  	_ =	shalt  }
0x80: {  	_ =	shalt  }
0x81: {  	_ =	shalt  }
0x82: {  	_ =	shalt  }
0x83: {  	_ =	shalt  }
0x84: {  	_ =	shalt  }
0x85: {  	_ =	shalt  }
0x86: {  	_ =	shalt  }
0x87: {  	_ =	shalt  }
.Lfunc_end0:
.L_simem_size_0:
called_computation.2_lowered:
.L_overlay_start_0:
0x88: {  	s2 =	sld [smem:$0x3FD9]  }
0x89: {  	s3 =	sld [smem:$0x3FFE];
	_ =	sdelay $0x1  }
0x8a: {  	s1 =	srdreg.scid  }
0x8b: {  	s0 =	sand.u32 $0x1, s1  }
0x8c: {  	s17 =	sshll.u32 s0, $0xA;
	s2 =	sadd.s32 s3, s2  }
0x8d: {  	s2 =	sadd.s32 s2, s17  }
0x8e: {  	[smem:$0x3FC0] =	sst s2  }
0x8f: {  	_ = 	snop  }
0x90: {  	s2 =	sld [smem:$0x3FD0];
	(tm) =	ssettm $0x1  }
0x91: {  	s18 =	sld [smem:$0x3FFB];
	_ =	sdelay $0x3  }
0x92: {  	_ =	strace s18  }
0x93: {  	s3 =	sld [smem:$0x3FFC];
	_ =	sdelay $0x3  }
0x94: {  	_ =	strace s3  }
0x95: {  	s3 =	sld [smem:$0x3FFD];
	_ =	sdelay $0x3  }
0x96: {  	_ =	strace s3  }
0x97: {  	_ =	strace $0x8FFFFFFF  }
0x98: {  	s19 =	sld [smem:$0x3FDB];
	_ =	sdelay $0x1  }
0x99: {  	s4 =	simm.s32 $_scs_section_size  }
0x9a: {  	s5 =	simm.s32 $_size__tile_overlayer_lowered;
	s6 =	simm.s32 $_tile_overlayer_lowered  }
0x9b: {  	s22 =	simm.s32 $0x1BFF;
	s21 =	sshll.u32 s6, $0x1;
	s3 =	sadd.s32 s4, s19  }
0x9c: {  	s7 =	simm.s32 $0x0;
	s20 =	sshll.u32 s5, $0x1;
	s5 =	sadd.s32 s21, s3  }
0x9d: {  	[timem:s7], [sflag:s22] =	dma.local [hbm:s5], s20  }
0x9e: {  	_ =	swait.ge [sflag:s22], s20  }
0x9f: {  	s4 =	ssub.s32 $0x0, s20;
	[sflag:s22] =	ssyncset.done $0x0  }
0xa0: {  	[sflag:s22] =	ssyncadd.s32 s4;
	_ =	sdelay $0x1  }
0xa1: {  	s23 =	simm.s32 $0x1B8B  }
0xa2: {  	_ =	swait.ge [sflag:s23], $0x1  }
0xa3: {  	[sflag:s23] =	ssyncset.done $0x0  }
0xa4: {  	s25 =	simm.s32 $0x1B8E;
	s24 =	sld [smem:$0x3FFE];
	[sflag:s23] =	ssyncadd.s32 $0xFFFFFFFF  }
0xa5: {  	s26 =	simm.s32 $execute0_lowered;
	[smem:$0x3FD2] =	sst s25  }
0xa6: {  	s5 =	sshll.u32 s26, $0x1;
	_ =	strace $0x8000004C;
	[dreg:$0x1] =	wrdreg $0xFFFFFFFF  }
0xa7: {  	s28 =	simm.s32 $_size_execute0_lowered;
	s3 =	sadd.s32 s3, s5;
	[dreg:$0x0] =	wrdreg $0x0  }
0xa8: {  	s5 =	sshll.u32 s28, $0x1;
	[dreg:$0x2] =	wrdreg s3  }
0xa9: {  	[dreg:$0x3] =	wrdreg s5  }
0xaa: {  	[dreg:$0x4] =	wrdreg $0xC0  }
0xab: {  	_ =	task [dreg:s7], $0x5FFFF  }
0xac: {  	[dreg:$0x1] =	wrdreg $0xFFFFFFFF  }
0xad: {  	[dreg:$0x0] =	wrdreg $0x60  }
0xae: {  	[dreg:$0x2] =	wrdreg s2  }
0xaf: {  	[dreg:$0x3] =	wrdreg s24  }
0xb0: {  	[dreg:$0x4] =	wrdreg $0x9  }
0xb1: {  	_ =	task.clear_ibuf [dreg:s7], $0x5FFFF;
	_ =	strace $0x9000004C  }
0xb2: {  	s29 =	simm.s32 $0x9;
	_ =	strace $0x8000004E  }
0xb3: {  	_ =	swait.ge [sflag:s29], $0x1  }
0xb4: {  	[sflag:s29] =	ssyncadd.s32 $0xFFFFFFFF  }
0xb5: {  	_ =	strace $0x9000004E  }
0xb6: {  	_ =	sfence  }
0xb7: {  	s30 =	sld [smem:$0x0];
	_ =	sdelay $0x2  }
0xb8: {  	s31 =	sshll.u32 s1, $0xD;
	s1 =	sshrl.u32 s1, $0x2  }
0xb9: {  	s3 =	sand.u32 $0x4000, s31;
	s1 =	sadd.s32 s1, s30  }
0xba: {  	s0 =	sor.u32 s3, s0;
	s1 =	sshll.u32 s1, $0x11  }
0xbb: {  	s0 =	sor.u32 s1, s0  }
0xbc: {  	s0 =	sadd.s32 $0x8F2B, s0  }
0xbd: {  	[sflag:s0] =	ssyncadd.remote.s32 $0x1  }
0xbe: {  	_ =	sfence.sel $0xFFFF  }
0xbf: {  	[dreg:$0x0] =	wrdreg $0xFFFFFFFF;
	(pc) =	sbr.abs _section_cstart, $3  }
0xc0: {  	[dreg:$0x1] =	wrdreg $0xFFFFFFFF  }
0xc1: {  	_ =	task.clear_ibuf [dreg:s7], $0x2FFFF;
	_ =	strace $0x9FFFFFFF  }
0xc2: {  	(tm) =	ssettm $0x7FFFFFFF  }
0xc3: {  	_ =	shalt  }
tec
execute0_lowered:
.L_overlay_start_1:
0x0: {  	(tag) =	ssettag $0x1  }
0x1: {  	s2 =	rddreg [dreg:$0x0];
	s1 =	srdreg.scid  }
0x2: {  	s0 =	stileid.u32;
	s4 =	rddreg [dreg:$0x1];
	s3 =	simm.s32 $0x0  }
0x3: {  	s10 =	simm.s32 $0x100;
	s11 =	simm.s32 $0x1;
	s12 =	simm.s32 $0x2800  }
0x4: {  	s13 =	simm.s32 $0x5000;
	s5 =	sand.u32 $0x1, s1;
	s6 =	sshll.u32 s0, $0x1  }
0x5: {  	s14 =	simm.s32 $0x6400;
	s15 =	simm.s32 $0x7800;
	s6 =	sor.u32 s5, s6  }
0x6: {  	s1 =	rddreg [dreg:$0x2];
	s5 =	ssub.s32 $0x2, s5;
	s6 =	smul.u32 $0x280, s6  }
0x7: {  	s16 =	simm.s32 $0x0;
	[smem:$0x7FF] =	sst s3;
	s7 =	sshrl.u32 s5, $0x1  }
0x8: {  	_ =	strace $0x8000004D;
	s9 =	ssub.s32 s5, s7;
	s8 =	sadd.s32 s6, s4  }
0x9: {  	s4 =	sadd.s32 $0x10, s2;
	s5 =	sadd.s32 $0x52000, s8;
	s6 =	sadd.s32 $0x57000, s8  }
0xa: {  	s7 =	sadd.s32 $0x2000, s8;
	s8 =	smax.u32 s9, $0x1;
	s9 =	simm.s32 $0x80  }
.LBB2_1:
0xb: {  	[tilespmem:s3], [sflag:$0x1] =	stream.strided.gather [hbm4b:s2+s9], $0x2800, s10, s9, $0x38;
	[tilespmem:$0x8C00] =	vst v63  }
0xc: {  	_ =	swait.ge [sflag:s11], $0x2800  }
0xd: {  	[sflag:s11] =	ssyncset.done $0x0  }
0xe: {  	[sflag:s11] =	ssyncadd.s32 $0xFFFFD800  }
0xf: {  	[tilespmem:s12], [sflag:$0x1] =	stream.strided.gather [hbm4b:s4+s9], $0x2800, s10, s9, $0x38;
	[tilespmem:$0x8C00] =	vst v63  }
0x10: {  	_ =	swait.ge [sflag:s11], $0x2800  }
0x11: {  	[sflag:s11] =	ssyncset.done $0x0  }
0x12: {  	[sflag:s11] =	ssyncadd.s32 $0xFFFFD800  }
0x13: {  	[tilespmem:s13], [sflag:$0x1] =	stream.linear.gather [hbm4b:s5+s3], $0x1400, $0x38;
	[tilespmem:$0x8C00] =	vst v63  }
0x14: {  	_ =	swait.ge [sflag:s11], $0x1400  }
0x15: {  	[sflag:s11] =	ssyncset.done $0x0  }
0x16: {  	[sflag:s11] =	ssyncadd.s32 $0xFFFFEC00  }
0x17: {  	[tilespmem:s14], [sflag:$0x1] =	stream.linear.gather [hbm4b:s6+s3], $0x1400, $0x38;
	[tilespmem:$0x8C00] =	vst v63  }
0x18: {  	_ =	swait.ge [sflag:s11], $0x1400  }
0x19: {  	[sflag:s11] =	ssyncset.done $0x0  }
0x1a: {  	s17 =	simm.s32 $0x0;
	[sflag:s11] =	ssyncadd.s32 $0xFFFFEC00  }
0x1b: {  	v0 =	vld [tilespmem:s17+$0x5000]  }
0x1c: {  	v1 =	vld [tilespmem:s17+$0x6400];
	_ =	sdelay $0x5  }
0x1d: {  	v2 =	vld [tilespmem:s17+$0x5010]  }
0x1e: {  	v0 =	vld.idx.msk [tilespmem:v0+s3+$0x0], $0xffff  }
0x1f: {  	v1 =	vld.idx.msk [tilespmem:v1+s12+$0x0], $0xffff  }
0x20: {  	v3 =	vld [tilespmem:s17+$0x6410];
	_ =	sdelay $0x3  }
0x21: {  	v0 =	vadd.f32 v1, v0;
	_ =	sdelay $0x1  }
0x22: {  	[tilespmem:s17+$0x7800] =	vst v0  }
0x23: {  	v0 =	vld.idx.msk [tilespmem:v2+s3+$0x0], $0xffff  }
0x24: {  	v1 =	vld.idx.msk [tilespmem:v3+s12+$0x0], $0xffff  }
0x25: {  	v2 =	vld [tilespmem:s17+$0x5020]  }
0x26: {  	v3 =	vld [tilespmem:s17+$0x6420];
	_ =	sdelay $0x3  }
0x27: {  	v0 =	vadd.f32 v1, v0;
	_ =	sdelay $0x1  }
0x28: {  	[tilespmem:s17+$0x7810] =	vst v0  }
0x29: {  	v0 =	vld.idx.msk [tilespmem:v2+s3+$0x0], $0xffff  }
0x2a: {  	v1 =	vld.idx.msk [tilespmem:v3+s12+$0x0], $0xffff  }
0x2b: {  	v2 =	vld [tilespmem:s17+$0x5030]  }
0x2c: {  	v3 =	vld [tilespmem:s17+$0x6430];
	_ =	sdelay $0x3  }
0x2d: {  	v0 =	vadd.f32 v1, v0;
	_ =	sdelay $0x1  }
0x2e: {  	[tilespmem:s17+$0x7820] =	vst v0  }
0x2f: {  	v0 =	vld.idx.msk [tilespmem:v2+s3+$0x0], $0xffff  }
0x30: {  	v1 =	vld.idx.msk [tilespmem:v3+s12+$0x0], $0xffff  }
0x31: {  	v2 =	vld [tilespmem:s17+$0x5040]  }
0x32: {  	v3 =	vld [tilespmem:s17+$0x6440];
	_ =	sdelay $0x3  }
0x33: {  	v0 =	vadd.f32 v1, v0;
	_ =	sdelay $0x1  }
0x34: {  	[tilespmem:s17+$0x7830] =	vst v0  }
0x35: {  	v0 =	vld.idx.msk [tilespmem:v2+s3+$0x0], $0xffff  }
0x36: {  	v1 =	vld.idx.msk [tilespmem:v3+s12+$0x0], $0xffff  }
0x37: {  	v2 =	vld [tilespmem:s17+$0x5050]  }
0x38: {  	v3 =	vld [tilespmem:s17+$0x6450];
	_ =	sdelay $0x3  }
0x39: {  	v0 =	vadd.f32 v1, v0;
	_ =	sdelay $0x1  }
0x3a: {  	[tilespmem:s17+$0x7840] =	vst v0  }
0x3b: {  	v0 =	vld.idx.msk [tilespmem:v2+s3+$0x0], $0xffff  }
0x3c: {  	v1 =	vld.idx.msk [tilespmem:v3+s12+$0x0], $0xffff  }
0x3d: {  	v2 =	vld [tilespmem:s17+$0x5060]  }
0x3e: {  	v3 =	vld [tilespmem:s17+$0x6460];
	_ =	sdelay $0x3  }
0x3f: {  	v0 =	vadd.f32 v1, v0;
	_ =	sdelay $0x1  }
0x40: {  	[tilespmem:s17+$0x7850] =	vst v0  }
0x41: {  	v0 =	vld.idx.msk [tilespmem:v2+s3+$0x0], $0xffff  }
0x42: {  	v1 =	vld.idx.msk [tilespmem:v3+s12+$0x0], $0xffff;
	_ =	sdelay $0x2  }
0x43: {  	v2 =	vld [tilespmem:s17+$0x5070];
	_ =	sdelay $0x1  }
0x44: {  	v1 =	vadd.f32 v1, v0;
	v0 =	vld [tilespmem:s17+$0x6470];
	_ =	sdelay $0x4  }
0x45: {  	[tilespmem:s17+$0x7860] =	vst v1  }
0x46: {  	s18 =	simm.s32 $0x200;
	s19 =	simm.s32 $0x400;
	v1 =	vld.idx.msk [tilespmem:v2+s3+$0x0], $0xffff  }
.LBB2_2:
0x47: {  	p0 =	sne.s32 s19, $0x4E00  }
0x48: {  	s20 =	sshra.s32 s18, $0x2;
	v0 =	vld.idx.msk [tilespmem:v0+s12+$0x0], $0xffff;
	s18 =	smov.u32 s19;
	s19 =	sadd.s32 $0x200, s19  }
0x49: {  	v2 =	vld [tilespmem:s20+$0x5000]  }
0x4a: {  	v3 =	vld [tilespmem:s20+$0x6400];
	_ =	sdelay $0x3  }
0x4b: {  	v0 =	vadd.f32 v0, v1;
	_ =	sdelay $0x1  }
0x4c: {  	v1 =	vld [tilespmem:s20+$0x6410];
	[tilespmem:s17+$0x7870] =	vst v0;
	s17 =	smov.u32 s20  }
0x4d: {  	v0 =	vld.idx.msk [tilespmem:v2+s3+$0x0], $0xffff  }
0x4e: {  	v2 =	vld.idx.msk [tilespmem:v3+s12+$0x0], $0xffff  }
0x4f: {  	v3 =	vld [tilespmem:s17+$0x5010];
	_ =	sdelay $0x4  }
0x50: {  	v0 =	vadd.f32 v2, v0;
	_ =	sdelay $0x1  }
0x51: {  	[tilespmem:s17+$0x7800] =	vst v0;
	v0 =	vld [tilespmem:s17+$0x6420]  }
0x52: {  	v2 =	vld.idx.msk [tilespmem:v3+s3+$0x0], $0xffff  }
0x53: {  	v1 =	vld.idx.msk [tilespmem:v1+s12+$0x0], $0xffff  }
0x54: {  	v3 =	vld [tilespmem:s17+$0x5020];
	_ =	sdelay $0x4  }
0x55: {  	v1 =	vadd.f32 v1, v2;
	_ =	sdelay $0x1  }
0x56: {  	[tilespmem:s17+$0x7810] =	vst v1;
	v1 =	vld [tilespmem:s17+$0x6430]  }
0x57: {  	v2 =	vld.idx.msk [tilespmem:v3+s3+$0x0], $0xffff  }
0x58: {  	v0 =	vld.idx.msk [tilespmem:v0+s12+$0x0], $0xffff  }
0x59: {  	v3 =	vld [tilespmem:s17+$0x5030];
	_ =	sdelay $0x4  }
0x5a: {  	v0 =	vadd.f32 v0, v2;
	_ =	sdelay $0x1  }
0x5b: {  	[tilespmem:s17+$0x7820] =	vst v0;
	v0 =	vld [tilespmem:s17+$0x6440]  }
0x5c: {  	v2 =	vld.idx.msk [tilespmem:v3+s3+$0x0], $0xffff  }
0x5d: {  	v1 =	vld.idx.msk [tilespmem:v1+s12+$0x0], $0xffff  }
0x5e: {  	v3 =	vld [tilespmem:s17+$0x5040];
	_ =	sdelay $0x4  }
0x5f: {  	v1 =	vadd.f32 v1, v2;
	_ =	sdelay $0x1  }
0x60: {  	[tilespmem:s17+$0x7830] =	vst v1;
	v1 =	vld [tilespmem:s17+$0x6450]  }
0x61: {  	v2 =	vld.idx.msk [tilespmem:v3+s3+$0x0], $0xffff  }
0x62: {  	v0 =	vld.idx.msk [tilespmem:v0+s12+$0x0], $0xffff  }
0x63: {  	v3 =	vld [tilespmem:s17+$0x5050];
	_ =	sdelay $0x4  }
0x64: {  	v0 =	vadd.f32 v0, v2;
	_ =	sdelay $0x1  }
0x65: {  	[tilespmem:s17+$0x7840] =	vst v0;
	v2 =	vld [tilespmem:s17+$0x6460]  }
0x66: {  	v0 =	vld.idx.msk [tilespmem:v3+s3+$0x0], $0xffff  }
0x67: {  	v1 =	vld.idx.msk [tilespmem:v1+s12+$0x0], $0xffff  }
0x68: {  	v3 =	vld [tilespmem:s17+$0x5060];
	_ =	sdelay $0x4  }
0x69: {  	v0 =	vadd.f32 v1, v0;
	_ =	sdelay $0x1  }
0x6a: {  	[tilespmem:s17+$0x7850] =	vst v0;
	v0 =	vld [tilespmem:s17+$0x6470]  }
0x6b: {  	v1 =	vld.idx.msk [tilespmem:v3+s3+$0x0], $0xffff  }
0x6c: {  	v2 =	vld.idx.msk [tilespmem:v2+s12+$0x0], $0xffff  }
0x6d: {  	v3 =	vld [tilespmem:s17+$0x5070];
	_ =	sdelay $0x3  }
.Ltmp0:
0x6e: {  	(pc) =	sbr.rel @p0 .LBB2_2-.Ltmp0, $3  }
0x6f: {  	v1 =	vadd.f32 v2, v1;
	_ =	sdelay $0x1  }
0x70: {  	[tilespmem:s17+$0x7860] =	vst v1  }
0x71: {  	v1 =	vld.idx.msk [tilespmem:v3+s3+$0x0], $0xffff  }
0x72: {  	_ =	sdelay $0x3  }
0x73: {  	s18 =	sshra.s32 s18, $0x2;
	v0 =	vld.idx.msk [tilespmem:v0+s12+$0x0], $0xffff  }
0x74: {  	v2 =	vld [tilespmem:s18+$0x5000]  }
0x75: {  	v3 =	vld [tilespmem:s18+$0x6400];
	_ =	sdelay $0x2  }
0x76: {  	v0 =	vadd.f32 v0, v1;
	_ =	sdelay $0x1  }
0x77: {  	v43 =	vld [tilespmem:s18+$0x6410];
	[tilespmem:s17+$0x7870] =	vst v0  }
0x78: {  	v45 =	vld [tilespmem:s18+$0x5010]  }
0x79: {  	v0 =	vld.idx.msk [tilespmem:v2+s3+$0x0], $0xffff  }
0x7a: {  	v44 =	vld.idx.msk [tilespmem:v3+s12+$0x0], $0xffff;
	_ =	sdelay $0x4  }
0x7b: {  	v0 =	vadd.f32 v44, v0;
	_ =	sdelay $0x1  }
0x7c: {  	v46 =	vld [tilespmem:s18+$0x5020];
	[tilespmem:s18+$0x7800] =	vst v0  }
0x7d: {  	v0 =	vld.idx.msk [tilespmem:v45+s3+$0x0], $0xffff  }
0x7e: {  	v1 =	vld.idx.msk [tilespmem:v43+s12+$0x0], $0xffff  }
0x7f: {  	v47 =	vld [tilespmem:s18+$0x6420];
	_ =	sdelay $0x3  }
0x80: {  	v0 =	vadd.f32 v1, v0;
	_ =	sdelay $0x1  }
0x81: {  	v49 =	vld [tilespmem:s18+$0x5030];
	[tilespmem:s18+$0x7810] =	vst v0  }
0x82: {  	v0 =	vld.idx.msk [tilespmem:v46+s3+$0x0], $0xffff  }
0x83: {  	v48 =	vld.idx.msk [tilespmem:v47+s12+$0x0], $0xffff  }
0x84: {  	v50 =	vld [tilespmem:s18+$0x6430];
	_ =	sdelay $0x3  }
0x85: {  	v0 =	vadd.f32 v48, v0;
	_ =	sdelay $0x1  }
0x86: {  	v52 =	vld [tilespmem:s18+$0x5040];
	[tilespmem:s18+$0x7820] =	vst v0  }
0x87: {  	v0 =	vld.idx.msk [tilespmem:v49+s3+$0x0], $0xffff  }
0x88: {  	v51 =	vld.idx.msk [tilespmem:v50+s12+$0x0], $0xffff  }
0x89: {  	v53 =	vld [tilespmem:s18+$0x6440];
	_ =	sdelay $0x3  }
0x8a: {  	v0 =	vadd.f32 v51, v0;
	_ =	sdelay $0x1  }
0x8b: {  	v55 =	vld [tilespmem:s18+$0x5050];
	[tilespmem:s18+$0x7830] =	vst v0  }
0x8c: {  	v0 =	vld.idx.msk [tilespmem:v52+s3+$0x0], $0xffff  }
0x8d: {  	v54 =	vld.idx.msk [tilespmem:v53+s12+$0x0], $0xffff  }
0x8e: {  	v56 =	vld [tilespmem:s18+$0x6450];
	_ =	sdelay $0x3  }
0x8f: {  	v0 =	vadd.f32 v54, v0;
	_ =	sdelay $0x1  }
0x90: {  	v58 =	vld [tilespmem:s18+$0x5060];
	[tilespmem:s18+$0x7840] =	vst v0  }
0x91: {  	v0 =	vld.idx.msk [tilespmem:v55+s3+$0x0], $0xffff  }
0x92: {  	v57 =	vld.idx.msk [tilespmem:v56+s12+$0x0], $0xffff  }
0x93: {  	v59 =	vld [tilespmem:s18+$0x6460];
	_ =	sdelay $0x3  }
0x94: {  	v0 =	vadd.f32 v57, v0;
	_ =	sdelay $0x1  }
0x95: {  	v61 =	vld [tilespmem:s18+$0x5070];
	[tilespmem:s18+$0x7850] =	vst v0  }
0x96: {  	v0 =	vld.idx.msk [tilespmem:v58+s3+$0x0], $0xffff  }
0x97: {  	v60 =	vld.idx.msk [tilespmem:v59+s12+$0x0], $0xffff  }
0x98: {  	v62 =	vld [tilespmem:s18+$0x6470];
	_ =	sdelay $0x3  }
0x99: {  	v0 =	vadd.f32 v60, v0;
	_ =	sdelay $0x1  }
0x9a: {  	[tilespmem:s18+$0x7860] =	vst v0  }
0x9b: {  	v0 =	vld.idx.msk [tilespmem:v61+s3+$0x0], $0xffff  }
0x9c: {  	v63 =	vld.idx.msk [tilespmem:v62+s12+$0x0], $0xffff;
	_ =	sdelay $0x4  }
0x9d: {  	s16 =	sadd.s32 $0x1, s16;
	v0 =	vadd.f32 v63, v0  }
0x9e: {  	p0 =	sne.s32 s16, s8  }
.Ltmp1:
0x9f: {  	[tilespmem:s18+$0x7870] =	vst v0;
	(pc) =	sbr.rel @p0 .LBB2_1-.Ltmp1, $4  }
0xa0: {  	[hbm4b:s7+s3] =	stream.linear.scatter [tilespmem:s15], [sflag:$0x1], $0x1400, $0x38;
	[tilespmem:$0x8C00] =	vst v63  }
0xa1: {  	_ =	swait.ge [sflag:s11], $0x1400  }
0xa2: {  	[sflag:s11] =	ssyncset.done $0x0  }
0xa3: {  	[sflag:s11] =	ssyncadd.s32 $0xFFFFEC00  }
0xa4: {  	_ =	sfence.sel $0x180000  }
0xa5: {  	[bflag:$0x0] =	sbarrier.arrive $0xFFFF  }
0xa6: {  	p0 =	sne.s32 s0, $0x0;
	_ =	strace $0x9000004D  }
0xa7: {  	s0 =	sadd.s32 @!p0 $0x100000, s1;
	[bflag:$0x2] =	sbarrier.arrive $0xFFFF  }
0xa8: {  	[sflag:s0] =	ssyncadd.tile.s32 @!p0 $0x1;
	_ =	shalt  }
.Lfunc_end2:
_tile_overlayer_lowered:
.L_overlay_start_2:
0xa9: {  	(tag) =	ssettag $0x2  }
0xaa: {  	s0 =	rddreg [dreg:$0x0];
	s2 =	stileid.u32  }
0xab: {  	s1 =	rddreg [dreg:$0x1];
	p0 =	sne.s32 s2, $0x0  }
0xac: {  	s3 =	rddreg [dreg:$0x2];
	[bflag:$0x3] =	sbarrier.arrive $0xFFFF;
	s2 =	simm.s32 @!p0 $0x1C01  }
0xad: {  	[timem:s3], [sflag:s2] =	dma.local @!p0 [hbm:s0], s1  }
0xae: {  	s0 =	simm.s32 @!p0 $0x1  }
0xaf: {  	_ =	swait.ge @!p0 [sflag:s0], s1  }
0xb0: {  	s1 =	ssub.s32 @!p0 $0x0, s1;
	[sflag:s0] =	ssyncset.done @!p0 $0x0  }
0xb1: {  	[sflag:s0] =	ssyncadd.s32 @!p0 s1  }
0xb2: {  	[bflag:$0x3] =	sbarrier.arrive $0xFFFF  }
0xb3: {  	_ =	shalt  }

// kernel: kernel.7.cloned.1.call-start
scs
__scs_entry_jumppad:
0x0: {  	(pc) =	sbr.rel $0x88, $3  }
0x1: {  	(tag) =	ssettag $0x0;
	lr =	simm.s32 $0x1  }
0x2: {  	[smem:$0x3F99] =	sst lr;
	_ =	strace $0xD0000000  }
0x3: {  	_ = 	snop  }
0x4: {  	_ = 	snop  }
0x5: {  	_ = 	snop  }
0x6: {  	_ = 	snop  }
0x7: {  	_ = 	snop  }
__scs_overlays_trampoline_lowered:
0x8: {  	[smem:$0x3FA8] =	sst s0  }
0x9: {  	[smem:$0x3FA9] =	sst s1  }
0xa: {  	[smem:$0x3FAA] =	sst s2  }
0xb: {  	[smem:$0x3FAB] =	sst s3  }
0xc: {  	[smem:$0x3FAC] =	sst s4  }
0xd: {  	[smem:$0x3FAD] =	sst s5  }
0xe: {  	[smem:$0x3FAE] =	sst s6  }
0xf: {  	[smem:$0x3FAF] =	sst s7  }
0x10: {  	[smem:$0x3FB0] =	sst s8  }
0x11: {  	[smem:$0x3FB1] =	sst s9;
	s0 =	simm.s32 @!p0 $0x0  }
0x12: {  	s1 =	sld [smem:$0x3F97];
	s0 =	simm.s32 @p0 $0x1  }
0x13: {  	[smem:$0x3FB2] =	sst s0;
	s0 =	simm.s32 @!p1 $0x0  }
0x14: {  	s2 =	sld [smem:$0x3F96];
	s0 =	simm.s32 @p1 $0x1  }
0x15: {  	[smem:$0x3FB3] =	sst s0;
	s0 =	simm.s32 @!p2 $0x0  }
0x16: {  	s3 =	sld [smem:$0x3FDB];
	s0 =	simm.s32 @p2 $0x1  }
0x17: {  	s4 =	simm.s32 $0x1BF5;
	[smem:$0x3FB5] =	sst s0  }
0x18: {  	s0 =	sld [smem:$0x3F98];
	_ =	swait.ge [sflag:s4], $0x0  }
0x19: {  	s7 =	sld [smem:$0x3F99]  }
0x1a: {  	s8 =	sadd.s32 $0xFFFFE003, lr  }
0x1b: {  	s9 =	sadd.s32 $0xFFFFFEF7, lr;
	s5 =	simm.s32 $0xFFFFFFFF;
	p2 =	slt.u32 s8, $0xFFFFF086  }
0x1c: {  	p1 =	slt.u32 s9, $0xF7A;
	s5 =	simm.s32 @!p2 $0x0  }
0x1d: {  	s5 =	simm.s32 @p1 $0x1;
	p0 =	seq.s32 s7, s2  }
0x1e: {  	s7 =	smul.u32 @!p0 $0xF7A, s2;
	p2 =	seq.s32 @!p0 s5, $0x0  }
0x1f: {  	s9 =	smul.u32 $0xF7A, s1;
	s8 =	simm.s32 @!p0 $0x1BF5;
	p2 =	por !p2, p0  }
0x20: {  	[sflag:s8] =	ssyncset.s32 @!p0 $0xFFFFF086;
	s6 =	sadd.s32 @!p0 s3, s7;
	s7 =	simm.s32 @!p0 $0x108  }
0x21: {  	s3 =	sadd.s32 s3, s9;
	s6 =	sadd.s32 @!p0 $0x88, s6;
	s7 =	simm.s32 @p2 $0x1082  }
0x22: {  	[simem:s7], [sflag:s8] =	dma.local @!p0 [hbm:s6], $0xF7A  }
0x23: {  	s9 =	sor.u32 $0xD0000000, s2;
	s6 =	simm.s32 $0x108;
	_ =	swait.ge @!p0 [sflag:s8], $0x0  }
0x24: {  	s3 =	sadd.s32 $0x88, s3;
	s6 =	simm.s32 @!p1 $0x1082;
	[sflag:s4] =	ssyncset.s32 $0xFFFFF086  }
0x25: {  	[simem:s6], [sflag:s4] =	dma.local [hbm:s3], $0xF7A  }
0x26: {  	[smem:$0x3F99] =	sst s1;
	(tag) =	ssettag s2;
	_ =	strace s9  }
0x27: {  	s1 =	sld [smem:$0x3FA9]  }
0x28: {  	s2 =	sld [smem:$0x3FAA]  }
0x29: {  	s4 =	sld [smem:$0x3FAC]  }
0x2a: {  	p0 =	seq.s32 s5, $0x0;
	s5 =	sld [smem:$0x3FAD]  }
0x2b: {  	s6 =	sld [smem:$0x3FAE]  }
0x2c: {  	s7 =	sld [smem:$0x3FAF]  }
0x2d: {  	s3 =	simm.s32 $0x108;
	s8 =	sld [smem:$0x3FB0]  }
0x2e: {  	s3 =	simm.s32 @!p0 $0x1082;
	s9 =	sld [smem:$0x3FB1]  }
0x2f: {  	lr =	sadd.s32 s0, s3;
	s0 =	sld [smem:$0x3FA8]  }
0x30: {  	s3 =	sld [smem:$0x3FAB]  }
0x31: {  	[smem:$0x3FB4] =	sst s10  }
0x32: {  	s10 =	sld [smem:$0x3FB2];
	_ =	sdelay $0x3  }
0x33: {  	p0 =	seq.s32 s10, $0x1;
	s10 =	sld [smem:$0x3FB4];
	_ =	sdelay $0x3  }
0x34: {  	[smem:$0x3FB4] =	sst s10  }
0x35: {  	s10 =	sld [smem:$0x3FB3];
	_ =	sdelay $0x3  }
0x36: {  	p1 =	seq.s32 s10, $0x1;
	s10 =	sld [smem:$0x3FB4];
	_ =	sdelay $0x3  }
0x37: {  	[smem:$0x3FB4] =	sst s10  }
0x38: {  	s10 =	sld [smem:$0x3FB5]  }
0x39: {  	_ = 	snop;
	(pc) =	sbr.ind lr, $3  }
0x3a: {  	_ = 	snop  }
0x3b: {  	_ = 	snop  }
0x3c: {  	p2 =	seq.s32 s10, $0x1;
	s10 =	sld [smem:$0x3FB4]  }
0x3d: {  	_ =	shalt  }
0x3e: {  	_ =	shalt  }
0x3f: {  	_ =	shalt  }
0x40: {  	_ =	shalt  }
0x41: {  	_ =	shalt  }
0x42: {  	_ =	shalt  }
0x43: {  	_ =	shalt  }
0x44: {  	_ =	shalt  }
0x45: {  	_ =	shalt  }
0x46: {  	_ =	shalt  }
0x47: {  	_ =	shalt  }
0x48: {  	_ =	shalt  }
0x49: {  	_ =	shalt  }
0x4a: {  	_ =	shalt  }
0x4b: {  	_ =	shalt  }
0x4c: {  	_ =	shalt  }
0x4d: {  	_ =	shalt  }
0x4e: {  	_ =	shalt  }
0x4f: {  	_ =	shalt  }
0x50: {  	_ =	shalt  }
0x51: {  	_ =	shalt  }
0x52: {  	_ =	shalt  }
0x53: {  	_ =	shalt  }
0x54: {  	_ =	shalt  }
0x55: {  	_ =	shalt  }
0x56: {  	_ =	shalt  }
0x57: {  	_ =	shalt  }
0x58: {  	_ =	shalt  }
0x59: {  	_ =	shalt  }
0x5a: {  	_ =	shalt  }
0x5b: {  	_ =	shalt  }
0x5c: {  	_ =	shalt  }
0x5d: {  	_ =	shalt  }
0x5e: {  	_ =	shalt  }
0x5f: {  	_ =	shalt  }
0x60: {  	_ =	shalt  }
0x61: {  	_ =	shalt  }
0x62: {  	_ =	shalt  }
0x63: {  	_ =	shalt  }
0x64: {  	_ =	shalt  }
0x65: {  	_ =	shalt  }
0x66: {  	_ =	shalt  }
0x67: {  	_ =	shalt  }
0x68: {  	_ =	shalt  }
0x69: {  	_ =	shalt  }
0x6a: {  	_ =	shalt  }
0x6b: {  	_ =	shalt  }
0x6c: {  	_ =	shalt  }
0x6d: {  	_ =	shalt  }
0x6e: {  	_ =	shalt  }
0x6f: {  	_ =	shalt  }
0x70: {  	_ =	shalt  }
0x71: {  	_ =	shalt  }
0x72: {  	_ =	shalt  }
0x73: {  	_ =	shalt  }
0x74: {  	_ =	shalt  }
0x75: {  	_ =	shalt  }
0x76: {  	_ =	shalt  }
0x77: {  	_ =	shalt  }
0x78: {  	_ =	shalt  }
0x79: {  	_ =	shalt  }
0x7a: {  	_ =	shalt  }
0x7b: {  	_ =	shalt  }
0x7c: {  	_ =	shalt  }
0x7d: {  	_ =	shalt  }
0x7e: {  	_ =	shalt  }
0x7f: {  	_ =	shalt  }
0x80: {  	_ =	shalt  }
0x81: {  	_ =	shalt  }
0x82: {  	_ =	shalt  }
0x83: {  	_ =	shalt  }
0x84: {  	_ =	shalt  }
0x85: {  	_ =	shalt  }
0x86: {  	_ =	shalt  }
0x87: {  	_ =	shalt  }
.Lfunc_end0:
.L_simem_size_0:
called_computation_lowered:
.L_overlay_start_0:
0x88: {  	s2 =	sld [smem:$0x3FD9]  }
0x89: {  	s3 =	sld [smem:$0x3FFE];
	_ =	sdelay $0x1  }
0x8a: {  	s1 =	srdreg.scid  }
0x8b: {  	s0 =	sand.u32 $0x1, s1  }
0x8c: {  	s17 =	sshll.u32 s0, $0xA;
	s2 =	sadd.s32 s3, s2  }
0x8d: {  	s2 =	sadd.s32 s2, s17  }
0x8e: {  	[smem:$0x3FC0] =	sst s2  }
0x8f: {  	_ = 	snop  }
0x90: {  	s2 =	sld [smem:$0x3FD0];
	(tm) =	ssettm $0x1  }
0x91: {  	s18 =	sld [smem:$0x3FFB];
	_ =	sdelay $0x3  }
0x92: {  	_ =	strace s18  }
0x93: {  	s3 =	sld [smem:$0x3FFC];
	_ =	sdelay $0x3  }
0x94: {  	_ =	strace s3  }
0x95: {  	s3 =	sld [smem:$0x3FFD];
	_ =	sdelay $0x3  }
0x96: {  	_ =	strace s3  }
0x97: {  	_ =	strace $0x8FFFFFFF  }
0x98: {  	s19 =	sld [smem:$0x3FDB];
	_ =	sdelay $0x1  }
0x99: {  	s4 =	simm.s32 $_scs_section_size  }
0x9a: {  	s5 =	simm.s32 $_size__tile_overlayer_lowered;
	s6 =	simm.s32 $_tile_overlayer_lowered  }
0x9b: {  	s22 =	simm.s32 $0x1BFF;
	s21 =	sshll.u32 s6, $0x1;
	s3 =	sadd.s32 s4, s19  }
0x9c: {  	s7 =	simm.s32 $0x0;
	s20 =	sshll.u32 s5, $0x1;
	s5 =	sadd.s32 s21, s3  }
0x9d: {  	[timem:s7], [sflag:s22] =	dma.local [hbm:s5], s20  }
0x9e: {  	_ =	swait.ge [sflag:s22], s20  }
0x9f: {  	s4 =	ssub.s32 $0x0, s20;
	[sflag:s22] =	ssyncset.done $0x0  }
0xa0: {  	[sflag:s22] =	ssyncadd.s32 s4;
	_ =	sdelay $0x1  }
0xa1: {  	s23 =	simm.s32 $0x1B8B  }
0xa2: {  	_ =	swait.ge [sflag:s23], $0x1  }
0xa3: {  	[sflag:s23] =	ssyncset.done $0x0  }
0xa4: {  	s25 =	simm.s32 $0x1B8E;
	s24 =	sld [smem:$0x3FFE];
	[sflag:s23] =	ssyncadd.s32 $0xFFFFFFFF  }
0xa5: {  	s26 =	simm.s32 $execute0_lowered;
	[smem:$0x3FD2] =	sst s25  }
0xa6: {  	s5 =	sshll.u32 s26, $0x1;
	_ =	strace $0x80000046;
	[dreg:$0x1] =	wrdreg $0xFFFFFFFF  }
0xa7: {  	s28 =	simm.s32 $_size_execute0_lowered;
	s3 =	sadd.s32 s3, s5;
	[dreg:$0x0] =	wrdreg $0x0  }
0xa8: {  	s5 =	sshll.u32 s28, $0x1;
	[dreg:$0x2] =	wrdreg s3  }
0xa9: {  	[dreg:$0x3] =	wrdreg s5  }
0xaa: {  	[dreg:$0x4] =	wrdreg $0xC0  }
0xab: {  	_ =	task [dreg:s7], $0x5FFFF  }
0xac: {  	[dreg:$0x1] =	wrdreg $0xFFFFFFFF  }
0xad: {  	[dreg:$0x0] =	wrdreg $0x60  }
0xae: {  	[dreg:$0x2] =	wrdreg s2  }
0xaf: {  	[dreg:$0x3] =	wrdreg s24  }
0xb0: {  	[dreg:$0x4] =	wrdreg $0x8E800  }
0xb1: {  	[dreg:$0x5] =	wrdreg $0x9  }
0xb2: {  	_ =	task.clear_ibuf [dreg:s7], $0x6FFFF;
	_ =	strace $0x90000046  }
0xb3: {  	s29 =	simm.s32 $0x9;
	_ =	strace $0x80000048  }
0xb4: {  	_ =	swait.ge [sflag:s29], $0x1  }
0xb5: {  	[sflag:s29] =	ssyncadd.s32 $0xFFFFFFFF  }
0xb6: {  	_ =	strace $0x90000048  }
0xb7: {  	_ =	sfence  }
0xb8: {  	s30 =	sld [smem:$0x0];
	_ =	sdelay $0x2  }
0xb9: {  	s31 =	sshll.u32 s1, $0xD;
	s1 =	sshrl.u32 s1, $0x2  }
0xba: {  	s3 =	sand.u32 $0x4000, s31;
	s1 =	sadd.s32 s1, s30  }
0xbb: {  	s0 =	sor.u32 s3, s0;
	s1 =	sshll.u32 s1, $0x11  }
0xbc: {  	s0 =	sor.u32 s1, s0  }
0xbd: {  	s0 =	sadd.s32 $0x8F2B, s0  }
0xbe: {  	[sflag:s0] =	ssyncadd.remote.s32 $0x1  }
0xbf: {  	_ =	sfence.sel $0xFFFF  }
0xc0: {  	[dreg:$0x0] =	wrdreg $0xFFFFFFFF;
	(pc) =	sbr.abs _section_cstart, $3  }
0xc1: {  	[dreg:$0x1] =	wrdreg $0xFFFFFFFF  }
0xc2: {  	_ =	task.clear_ibuf [dreg:s7], $0x2FFFF;
	_ =	strace $0x9FFFFFFF  }
0xc3: {  	(tm) =	ssettm $0x7FFFFFFF  }
tec
execute0_lowered:
.L_overlay_start_1:
0x0: {  	(tag) =	ssettag $0x1  }
0x1: {  	s1 =	rddreg [dreg:$0x0]  }
0x2: {  	s5 =	rddreg [dreg:$0x1]  }
0x3: {  	s3 =	rddreg [dreg:$0x2]  }
0x4: {  	s0 =	rddreg [dreg:$0x3]  }
0x5: {  	s6 =	srdreg.scid;
	s2 =	stileid.u32  }
0x6: {  	s4 =	simm.s32 $0x0;
	s13 =	simm.s32 $0x1;
	s14 =	simm.s32 $0x80  }
0x7: {  	s15 =	simm.s32 $0x100;
	s16 =	simm.s32 $0x2800;
	s17 =	simm.s32 $0x5000  }
0x8: {  	s18 =	simm.s32 $0x6400;
	s19 =	simm.s32 $0x7800;
	s22 =	simm.s32 $0x20  }
0x9: {  	s23 =	simm.s32 $0x10;
	s24 =	simm.s32 $0x0;
	s6 =	sand.u32 $0x1, s6  }
0xa: {  	s7 =	sshll.u32 s2, $0x1;
	[smem:$0x7FF] =	sst s4;
	s8 =	smul.u32 $0x500, s2  }
0xb: {  	s28 =	smul.u32 $0xA00, s2;
	s20 =	sshll.u32 s2, $0x6;
	s7 =	sor.u32 s6, s7  }
0xc: {  	_ =	strace $0x80000047;
	s9 =	sshll.u32 s6, $0x7;
	s6 =	ssub.s32 $0x2, s6  }
0xd: {  	s20 =	sor.u32 $0x1C01, s20;
	s7 =	smul.u32 $0x280, s7;
	s8 =	sor.u32 s9, s8  }
0xe: {  	s30 =	sshrl.u32 s6, $0x1;
	s31 =	sshrl.u32 s28, $0x2;
	s29 =	sshrl.u32 s8, $0x3  }
0xf: {  	s12 =	ssub.s32 s6, s30;
	s6 =	sadd.s32 $0x10, s1;
	s10 =	sadd.s32 s7, s5  }
0x10: {  	s11 =	sadd.s32 s29, s5;
	s5 =	sadd.s32 s31, s3;
	s7 =	sadd.s32 $0x52000, s10  }
0x11: {  	s8 =	sadd.s32 $0x57000, s10;
	s9 =	sadd.s32 $0x5C000, s10;
	s10 =	sadd.s32 $0x61000, s11  }
0x12: {  	v0 =	vimm.f32 $0.0e+00;
	s11 =	smax.u32 s12, $0x1;
	s12 =	simm.s32 $0x8C00;
	s21 =	sshrl.u32 s5, $0x3  }
.LBB2_1:
0x13: {  	[tilespmem:$0x8C00] =	vst v0  }
0x14: {  	[tilespmem:$0x8C10] =	vst v0  }
0x15: {  	[tilespmem:$0x8C20] =	vst v0  }
0x16: {  	[tilespmem:$0x8C30] =	vst v0  }
0x17: {  	[tilespmem:$0x8C40] =	vst v0  }
0x18: {  	[tilespmem:$0x8C50] =	vst v0  }
0x19: {  	[tilespmem:$0x8C60] =	vst v0  }
0x1a: {  	[tilespmem:$0x8C70] =	vst v0  }
0x1b: {  	[tilespmem:$0x8C80] =	vst v0  }
0x1c: {  	[tilespmem:$0x8C90] =	vst v0  }
0x1d: {  	[tilespmem:$0x8CA0] =	vst v0  }
0x1e: {  	[tilespmem:$0x8CB0] =	vst v0  }
0x1f: {  	[tilespmem:$0x8CC0] =	vst v0  }
0x20: {  	[tilespmem:$0x8CD0] =	vst v0  }
0x21: {  	[tilespmem:$0x8CE0] =	vst v0  }
0x22: {  	[tilespmem:$0x8CF0] =	vst v0  }
0x23: {  	[tilespmem:$0x8D00] =	vst v0  }
0x24: {  	[tilespmem:$0x8D10] =	vst v0  }
0x25: {  	[tilespmem:$0x8D20] =	vst v0  }
0x26: {  	[tilespmem:$0x8D30] =	vst v0  }
0x27: {  	[tilespmem:$0x8D40] =	vst v0  }
0x28: {  	[tilespmem:$0x8D50] =	vst v0  }
0x29: {  	[tilespmem:$0x8D60] =	vst v0  }
0x2a: {  	[tilespmem:$0x8D70] =	vst v0  }
0x2b: {  	[tilespmem:$0x8D80] =	vst v0  }
0x2c: {  	[tilespmem:$0x8D90] =	vst v0  }
0x2d: {  	[tilespmem:$0x8DA0] =	vst v0  }
0x2e: {  	[tilespmem:$0x8DB0] =	vst v0  }
0x2f: {  	[tilespmem:$0x8DC0] =	vst v0  }
0x30: {  	[tilespmem:$0x8DD0] =	vst v0  }
0x31: {  	[tilespmem:$0x8DE0] =	vst v0  }
0x32: {  	[tilespmem:$0x8DF0] =	vst v0  }
0x33: {  	[tilespmem:$0x8E00] =	vst v0  }
0x34: {  	[tilespmem:$0x8E10] =	vst v0  }
0x35: {  	[tilespmem:$0x8E20] =	vst v0  }
0x36: {  	[tilespmem:$0x8E30] =	vst v0  }
0x37: {  	[tilespmem:$0x8E40] =	vst v0  }
0x38: {  	[tilespmem:$0x8E50] =	vst v0  }
0x39: {  	[tilespmem:$0x8E60] =	vst v0  }
0x3a: {  	[tilespmem:$0x8E70] =	vst v0  }
0x3b: {  	[spmem:s5] =	stream.linear.scatter [tilespmem:s12], [sflag:$0x1], $0x280, $0x38;
	[tilespmem:$0x9100] =	vst v63  }
0x3c: {  	_ =	swait.ge [sflag:s13], $0x280  }
0x3d: {  	[sflag:s13] =	ssyncset.done $0x0  }
0x3e: {  	[sflag:s13] =	ssyncadd.s32 $0xFFFFFD80  }
0x3f: {  	[tilespmem:s4], [sflag:$0x1] =	stream.strided.gather [hbm4b:s1+s14], $0x2800, s15, s14, $0x38;
	[tilespmem:$0x9100] =	vst v63  }
0x40: {  	_ =	swait.ge [sflag:s13], $0x2800  }
0x41: {  	[sflag:s13] =	ssyncset.done $0x0  }
0x42: {  	[sflag:s13] =	ssyncadd.s32 $0xFFFFD800  }
0x43: {  	[tilespmem:s16], [sflag:$0x1] =	stream.strided.gather [hbm4b:s6+s14], $0x2800, s15, s14, $0x38;
	[tilespmem:$0x9100] =	vst v63  }
0x44: {  	_ =	swait.ge [sflag:s13], $0x2800  }
0x45: {  	[sflag:s13] =	ssyncset.done $0x0  }
0x46: {  	[sflag:s13] =	ssyncadd.s32 $0xFFFFD800  }
0x47: {  	[tilespmem:s17], [sflag:$0x1] =	stream.linear.gather [hbm4b:s7+s4], $0x1400, $0x38;
	[tilespmem:$0x9100] =	vst v63  }
0x48: {  	_ =	swait.ge [sflag:s13], $0x1400  }
0x49: {  	[sflag:s13] =	ssyncset.done $0x0  }
0x4a: {  	[sflag:s13] =	ssyncadd.s32 $0xFFFFEC00  }
0x4b: {  	[tilespmem:s18], [sflag:$0x1] =	stream.linear.gather [hbm4b:s8+s4], $0x1400, $0x38;
	[tilespmem:$0x9100] =	vst v63  }
0x4c: {  	_ =	swait.ge [sflag:s13], $0x1400  }
0x4d: {  	[sflag:s13] =	ssyncset.done $0x0  }
0x4e: {  	[sflag:s13] =	ssyncadd.s32 $0xFFFFEC00  }
0x4f: {  	s25 =	simm.s32 $0x0;
	[bflag:$0x0] =	sbarrier.arrive $0xFFFF  }
0x50: {  	v1 =	vld [tilespmem:s25+$0x5000]  }
0x51: {  	v2 =	vld [tilespmem:s25+$0x6400];
	_ =	sdelay $0x6  }
0x52: {  	v1 =	vld.idx.msk [tilespmem:v1+s4+$0x0], $0xffff  }
0x53: {  	v2 =	vld.idx.msk [tilespmem:v2+s16+$0x0], $0xffff;
	_ =	sdelay $0x4  }
0x54: {  	v1 =	vadd.f32 v2, v1;
	_ =	sdelay $0x1  }
0x55: {  	v2 =	vmul.f32 $2.000000030e-01, v1  }
0x56: {  	vm0 =	vgt.f32 v1, $0.0e+00  }
0x57: {  	v1 =	vsel vm0, v1, v2  }
0x58: {  	v1 =	vmul.f32 $1.442695020e+00, v1;
	_ =	sdelay $0x1  }
0x59: {  	(erf) = vpow2.f32 v1;
	_ =	sdelay $0x2  }
0x5a: {  	v1 =	vld [tilespmem:s25+$0x5010]  }
0x5b: {  	v2 =	vld [tilespmem:s25+$0x6410];
	_ =	sdelay $0x4  }
0x5c: {  	v3 =	vpop (erf)  }
0x5d: {  	[tilespmem:s25+$0x7800] =	vst v3  }
0x5e: {  	v1 =	vld.idx.msk [tilespmem:v1+s4+$0x0], $0xffff  }
0x5f: {  	v2 =	vld.idx.msk [tilespmem:v2+s16+$0x0], $0xffff;
	_ =	sdelay $0x4  }
0x60: {  	v1 =	vadd.f32 v2, v1;
	_ =	sdelay $0x1  }
0x61: {  	v2 =	vmul.f32 $2.000000030e-01, v1  }
0x62: {  	vm9 =	vgt.f32 v1, $0.0e+00  }
0x63: {  	v1 =	vsel vm9, v1, v2  }
0x64: {  	v1 =	vmul.f32 $1.442695020e+00, v1;
	_ =	sdelay $0x1  }
0x65: {  	(erf) = vpow2.f32 v1;
	_ =	sdelay $0x2  }
0x66: {  	v1 =	vld [tilespmem:s25+$0x5020]  }
0x67: {  	v2 =	vld [tilespmem:s25+$0x6420];
	_ =	sdelay $0x4  }
0x68: {  	v3 =	vpop (erf)  }
0x69: {  	[tilespmem:s25+$0x7810] =	vst v3  }
0x6a: {  	v1 =	vld.idx.msk [tilespmem:v1+s4+$0x0], $0xffff  }
0x6b: {  	v2 =	vld.idx.msk [tilespmem:v2+s16+$0x0], $0xffff;
	_ =	sdelay $0x4  }
0x6c: {  	v1 =	vadd.f32 v2, v1;
	_ =	sdelay $0x1  }
0x6d: {  	v2 =	vmul.f32 $2.000000030e-01, v1  }
0x6e: {  	vm10 =	vgt.f32 v1, $0.0e+00  }
0x6f: {  	v1 =	vsel vm10, v1, v2  }
0x70: {  	v1 =	vmul.f32 $1.442695020e+00, v1;
	_ =	sdelay $0x1  }
0x71: {  	(erf) = vpow2.f32 v1;
	_ =	sdelay $0x2  }
0x72: {  	v1 =	vld [tilespmem:s25+$0x5030]  }
0x73: {  	v2 =	vld [tilespmem:s25+$0x6430];
	_ =	sdelay $0x4  }
0x74: {  	v3 =	vpop (erf)  }
0x75: {  	[tilespmem:s25+$0x7820] =	vst v3  }
0x76: {  	v1 =	vld.idx.msk [tilespmem:v1+s4+$0x0], $0xffff  }
0x77: {  	v2 =	vld.idx.msk [tilespmem:v2+s16+$0x0], $0xffff;
	_ =	sdelay $0x4  }
0x78: {  	v1 =	vadd.f32 v2, v1;
	_ =	sdelay $0x1  }
0x79: {  	v2 =	vmul.f32 $2.000000030e-01, v1  }
0x7a: {  	vm11 =	vgt.f32 v1, $0.0e+00  }
0x7b: {  	v1 =	vsel vm11, v1, v2  }
0x7c: {  	v1 =	vmul.f32 $1.442695020e+00, v1;
	_ =	sdelay $0x1  }
0x7d: {  	(erf) = vpow2.f32 v1;
	_ =	sdelay $0x2  }
0x7e: {  	v1 =	vld [tilespmem:s25+$0x5040]  }
0x7f: {  	v2 =	vld [tilespmem:s25+$0x6440];
	_ =	sdelay $0x4  }
0x80: {  	v3 =	vpop (erf)  }
0x81: {  	[tilespmem:s25+$0x7830] =	vst v3  }
0x82: {  	v1 =	vld.idx.msk [tilespmem:v1+s4+$0x0], $0xffff  }
0x83: {  	v2 =	vld.idx.msk [tilespmem:v2+s16+$0x0], $0xffff;
	_ =	sdelay $0x4  }
0x84: {  	v1 =	vadd.f32 v2, v1;
	_ =	sdelay $0x1  }
0x85: {  	v2 =	vmul.f32 $2.000000030e-01, v1  }
0x86: {  	vm12 =	vgt.f32 v1, $0.0e+00  }
0x87: {  	v1 =	vsel vm12, v1, v2  }
0x88: {  	v1 =	vmul.f32 $1.442695020e+00, v1;
	_ =	sdelay $0x1  }
0x89: {  	(erf) = vpow2.f32 v1;
	_ =	sdelay $0x2  }
0x8a: {  	v1 =	vld [tilespmem:s25+$0x5050]  }
0x8b: {  	v2 =	vld [tilespmem:s25+$0x6450];
	_ =	sdelay $0x4  }
0x8c: {  	v3 =	vpop (erf)  }
0x8d: {  	[tilespmem:s25+$0x7840] =	vst v3  }
0x8e: {  	v1 =	vld.idx.msk [tilespmem:v1+s4+$0x0], $0xffff  }
0x8f: {  	v2 =	vld.idx.msk [tilespmem:v2+s16+$0x0], $0xffff;
	_ =	sdelay $0x4  }
0x90: {  	v1 =	vadd.f32 v2, v1;
	_ =	sdelay $0x1  }
0x91: {  	v2 =	vmul.f32 $2.000000030e-01, v1  }
0x92: {  	vm13 =	vgt.f32 v1, $0.0e+00  }
0x93: {  	v1 =	vsel vm13, v1, v2  }
0x94: {  	v1 =	vmul.f32 $1.442695020e+00, v1;
	_ =	sdelay $0x1  }
0x95: {  	(erf) = vpow2.f32 v1;
	_ =	sdelay $0x2  }
0x96: {  	v1 =	vld [tilespmem:s25+$0x5060]  }
0x97: {  	v2 =	vld [tilespmem:s25+$0x6460];
	_ =	sdelay $0x4  }
0x98: {  	v3 =	vpop (erf)  }
0x99: {  	[tilespmem:s25+$0x7850] =	vst v3  }
0x9a: {  	v1 =	vld.idx.msk [tilespmem:v1+s4+$0x0], $0xffff  }
0x9b: {  	v2 =	vld.idx.msk [tilespmem:v2+s16+$0x0], $0xffff;
	_ =	sdelay $0x4  }
0x9c: {  	v1 =	vadd.f32 v2, v1;
	_ =	sdelay $0x1  }
0x9d: {  	v2 =	vmul.f32 $2.000000030e-01, v1  }
0x9e: {  	vm14 =	vgt.f32 v1, $0.0e+00  }
0x9f: {  	v1 =	vsel vm14, v1, v2  }
0xa0: {  	v1 =	vmul.f32 $1.442695020e+00, v1;
	_ =	sdelay $0x1  }
0xa1: {  	(erf) = vpow2.f32 v1;
	_ =	sdelay $0x2  }
0xa2: {  	v1 =	vld [tilespmem:s25+$0x5070]  }
0xa3: {  	v2 =	vld [tilespmem:s25+$0x6470];
	_ =	sdelay $0x4  }
0xa4: {  	v3 =	vpop (erf)  }
0xa5: {  	[tilespmem:s25+$0x7860] =	vst v3  }
0xa6: {  	v1 =	vld.idx.msk [tilespmem:v1+s4+$0x0], $0xffff  }
0xa7: {  	v2 =	vld.idx.msk [tilespmem:v2+s16+$0x0], $0xffff;
	_ =	sdelay $0x4  }
0xa8: {  	v1 =	vadd.f32 v2, v1;
	_ =	sdelay $0x1  }
0xa9: {  	v2 =	vmul.f32 $2.000000030e-01, v1  }
0xaa: {  	vm15 =	vgt.f32 v1, $0.0e+00  }
0xab: {  	v1 =	vsel vm15, v1, v2  }
0xac: {  	v1 =	vmul.f32 $1.442695020e+00, v1;
	_ =	sdelay $0x1  }
0xad: {  	(erf) = vpow2.f32 v1;
	_ =	sdelay $0x1  }
0xae: {  	s26 =	simm.s32 $0x200;
	s28 =	simm.s32 $0x6400;
	s29 =	simm.s32 $0x7800  }
.LBB2_2:
0xaf: {  	_ =	sdelay $0x2  }
0xb0: {  	p0 =	sne.s32 s26, $0x4E00;
	s30 =	smov.u32 s26;
	s26 =	sadd.s32 $0x200, s26  }
0xb1: {  	_ =	sdelay $0x1  }
0xb2: {  	v1 =	vpop (erf)  }
0xb3: {  	[tilespmem:s25+$0x7870] =	vst v1  }
0xb4: {  	[spmem:s3] =	stream.indirect.scatter.add.f32 [tilespmem:s29], [sflag:$0x1], $0x1, s28, s14, $0xb8;
	[tilespmem:$0x9100] =	vst v63  }
0xb5: {  	_ =	swait.ge [sflag:s13], $0x80  }
0xb6: {  	[sflag:s13] =	ssyncset.done $0x0  }
0xb7: {  	s25 =	sshra.s32 s30, $0x2;
	[sflag:s13] =	ssyncadd.s32 $0xFFFFFF80  }
0xb8: {  	v1 =	vld [tilespmem:s25+$0x5000]  }
0xb9: {  	v2 =	vld [tilespmem:s25+$0x6400];
	_ =	sdelay $0x6  }
0xba: {  	v1 =	vld.idx.msk [tilespmem:v1+s4+$0x0], $0xffff  }
0xbb: {  	v2 =	vld.idx.msk [tilespmem:v2+s16+$0x0], $0xffff;
	_ =	sdelay $0x5  }
0xbc: {  	v1 =	vadd.f32 v2, v1;
	_ =	sdelay $0x1  }
0xbd: {  	vm0 =	vgt.f32 v1, $0.0e+00;
	v2 =	vmul.f32 $2.000000030e-01, v1;
	_ =	sdelay $0x1  }
0xbe: {  	v1 =	vsel vm0, v1, v2  }
0xbf: {  	v1 =	vmul.f32 $1.442695020e+00, v1;
	_ =	sdelay $0x1  }
0xc0: {  	(erf) = vpow2.f32 v1;
	_ =	sdelay $0x1  }
0xc1: {  	v1 =	vld [tilespmem:s25+$0x6410]  }
0xc2: {  	v2 =	vld [tilespmem:s25+$0x5010];
	_ =	sdelay $0x5  }
0xc3: {  	v3 =	vpop (erf)  }
0xc4: {  	[tilespmem:s25+$0x7800] =	vst v3  }
0xc5: {  	v2 =	vld.idx.msk [tilespmem:v2+s4+$0x0], $0xffff  }
0xc6: {  	v1 =	vld.idx.msk [tilespmem:v1+s16+$0x0], $0xffff;
	_ =	sdelay $0x5  }
0xc7: {  	v1 =	vadd.f32 v1, v2;
	_ =	sdelay $0x1  }
0xc8: {  	vm0 =	vgt.f32 v1, $0.0e+00;
	v2 =	vmul.f32 $2.000000030e-01, v1;
	_ =	sdelay $0x1  }
0xc9: {  	v1 =	vsel vm0, v1, v2  }
0xca: {  	v1 =	vmul.f32 $1.442695020e+00, v1;
	_ =	sdelay $0x1  }
0xcb: {  	(erf) = vpow2.f32 v1;
	_ =	sdelay $0x1  }
0xcc: {  	v1 =	vld [tilespmem:s25+$0x6420]  }
0xcd: {  	v2 =	vld [tilespmem:s25+$0x5020];
	_ =	sdelay $0x5  }
0xce: {  	v3 =	vpop (erf)  }
0xcf: {  	[tilespmem:s25+$0x7810] =	vst v3  }
0xd0: {  	v2 =	vld.idx.msk [tilespmem:v2+s4+$0x0], $0xffff  }
0xd1: {  	v1 =	vld.idx.msk [tilespmem:v1+s16+$0x0], $0xffff;
	_ =	sdelay $0x5  }
0xd2: {  	v1 =	vadd.f32 v1, v2;
	_ =	sdelay $0x1  }
0xd3: {  	vm0 =	vgt.f32 v1, $0.0e+00;
	v2 =	vmul.f32 $2.000000030e-01, v1;
	_ =	sdelay $0x1  }
0xd4: {  	v1 =	vsel vm0, v1, v2  }
0xd5: {  	v1 =	vmul.f32 $1.442695020e+00, v1;
	_ =	sdelay $0x1  }
0xd6: {  	(erf) = vpow2.f32 v1;
	_ =	sdelay $0x1  }
0xd7: {  	v1 =	vld [tilespmem:s25+$0x6430]  }
0xd8: {  	v2 =	vld [tilespmem:s25+$0x5030];
	_ =	sdelay $0x5  }
0xd9: {  	v3 =	vpop (erf)  }
0xda: {  	[tilespmem:s25+$0x7820] =	vst v3  }
0xdb: {  	v2 =	vld.idx.msk [tilespmem:v2+s4+$0x0], $0xffff  }
0xdc: {  	v1 =	vld.idx.msk [tilespmem:v1+s16+$0x0], $0xffff;
	_ =	sdelay $0x5  }
0xdd: {  	v1 =	vadd.f32 v1, v2;
	_ =	sdelay $0x1  }
0xde: {  	vm0 =	vgt.f32 v1, $0.0e+00;
	v2 =	vmul.f32 $2.000000030e-01, v1;
	_ =	sdelay $0x1  }
0xdf: {  	v1 =	vsel vm0, v1, v2  }
0xe0: {  	v1 =	vmul.f32 $1.442695020e+00, v1;
	_ =	sdelay $0x1  }
0xe1: {  	(erf) = vpow2.f32 v1;
	_ =	sdelay $0x1  }
0xe2: {  	v1 =	vld [tilespmem:s25+$0x6440]  }
0xe3: {  	v2 =	vld [tilespmem:s25+$0x5040];
	_ =	sdelay $0x5  }
0xe4: {  	v3 =	vpop (erf)  }
0xe5: {  	[tilespmem:s25+$0x7830] =	vst v3  }
0xe6: {  	v2 =	vld.idx.msk [tilespmem:v2+s4+$0x0], $0xffff  }
0xe7: {  	v1 =	vld.idx.msk [tilespmem:v1+s16+$0x0], $0xffff;
	_ =	sdelay $0x5  }
0xe8: {  	v1 =	vadd.f32 v1, v2;
	_ =	sdelay $0x1  }
0xe9: {  	vm0 =	vgt.f32 v1, $0.0e+00;
	v2 =	vmul.f32 $2.000000030e-01, v1;
	_ =	sdelay $0x1  }
0xea: {  	v1 =	vsel vm0, v1, v2  }
0xeb: {  	v1 =	vmul.f32 $1.442695020e+00, v1;
	_ =	sdelay $0x1  }
0xec: {  	(erf) = vpow2.f32 v1;
	_ =	sdelay $0x1  }
0xed: {  	v1 =	vld [tilespmem:s25+$0x6450]  }
0xee: {  	v2 =	vld [tilespmem:s25+$0x5050];
	_ =	sdelay $0x5  }
0xef: {  	v3 =	vpop (erf)  }
0xf0: {  	[tilespmem:s25+$0x7840] =	vst v3  }
0xf1: {  	v2 =	vld.idx.msk [tilespmem:v2+s4+$0x0], $0xffff  }
0xf2: {  	v1 =	vld.idx.msk [tilespmem:v1+s16+$0x0], $0xffff;
	_ =	sdelay $0x5  }
0xf3: {  	v1 =	vadd.f32 v1, v2;
	_ =	sdelay $0x1  }
0xf4: {  	vm0 =	vgt.f32 v1, $0.0e+00;
	v2 =	vmul.f32 $2.000000030e-01, v1;
	_ =	sdelay $0x1  }
0xf5: {  	v1 =	vsel vm0, v1, v2  }
0xf6: {  	v1 =	vmul.f32 $1.442695020e+00, v1;
	_ =	sdelay $0x1  }
0xf7: {  	(erf) = vpow2.f32 v1;
	_ =	sdelay $0x1  }
0xf8: {  	v1 =	vld [tilespmem:s25+$0x6460]  }
0xf9: {  	v2 =	vld [tilespmem:s25+$0x5060];
	_ =	sdelay $0x5  }
0xfa: {  	v3 =	vpop (erf)  }
0xfb: {  	[tilespmem:s25+$0x7850] =	vst v3  }
0xfc: {  	v2 =	vld.idx.msk [tilespmem:v2+s4+$0x0], $0xffff  }
0xfd: {  	v1 =	vld.idx.msk [tilespmem:v1+s16+$0x0], $0xffff;
	_ =	sdelay $0x5  }
0xfe: {  	v1 =	vadd.f32 v1, v2;
	_ =	sdelay $0x1  }
0xff: {  	vm0 =	vgt.f32 v1, $0.0e+00;
	v2 =	vmul.f32 $2.000000030e-01, v1;
	_ =	sdelay $0x1  }
0x100: {  	v1 =	vsel vm0, v1, v2  }
0x101: {  	v1 =	vmul.f32 $1.442695020e+00, v1;
	_ =	sdelay $0x1  }
0x102: {  	(erf) = vpow2.f32 v1;
	_ =	sdelay $0x1  }
0x103: {  	v1 =	vld [tilespmem:s25+$0x6470]  }
0x104: {  	v2 =	vld [tilespmem:s25+$0x5070];
	_ =	sdelay $0x5  }
0x105: {  	v3 =	vpop (erf)  }
0x106: {  	[tilespmem:s25+$0x7860] =	vst v3  }
0x107: {  	v2 =	vld.idx.msk [tilespmem:v2+s4+$0x0], $0xffff  }
0x108: {  	v1 =	vld.idx.msk [tilespmem:v1+s16+$0x0], $0xffff;
	_ =	sdelay $0x5  }
0x109: {  	v1 =	vadd.f32 v1, v2;
	_ =	sdelay $0x1  }
0x10a: {  	vm0 =	vgt.f32 v1, $0.0e+00;
	v2 =	vmul.f32 $2.000000030e-01, v1;
	_ =	sdelay $0x1  }
0x10b: {  	v1 =	vsel vm0, v1, v2  }
.Ltmp0:
0x10c: {  	v1 =	vmul.f32 $1.442695020e+00, v1;
	(pc) =	sbr.rel @p0 .LBB2_2-.Ltmp0, $3  }
0x10d: {  	_ = 	snop  }
0x10e: {  	(erf) = vpow2.f32 v1;
	_ =	sdelay $0x1  }
0x10f: {  	s28 =	sadd.s32 $0x6400, s25;
	s29 =	sadd.s32 $0x7800, s25  }
0x110: {  	_ =	sdelay $0x5  }
0x111: {  	v1 =	vpop (erf)  }
0x112: {  	[tilespmem:s25+$0x7870] =	vst v1  }
0x113: {  	[spmem:s3] =	stream.indirect.scatter.add.f32 [tilespmem:s29], [sflag:$0x1], $0x1, s28, s14, $0xb8;
	[tilespmem:$0x9100] =	vst v63  }
0x114: {  	_ =	swait.ge [sflag:s13], $0x80  }
0x115: {  	[sflag:s13] =	ssyncset.done $0x0  }
0x116: {  	[sflag:s13] =	ssyncadd.s32 $0xFFFFFF80  }
0x117: {  	[hbm4b:s9+s4] =	stream.linear.scatter [tilespmem:s19], [sflag:$0x1], $0x1400, $0x38;
	[tilespmem:$0x9100] =	vst v63  }
0x118: {  	_ =	swait.ge [sflag:s13], $0x1400  }
0x119: {  	s24 =	sadd.s32 $0x1, s24;
	[sflag:s13] =	ssyncset.done $0x0  }
0x11a: {  	p0 =	sne.s32 s24, s11;
	[sflag:s13] =	ssyncadd.s32 $0xFFFFEC00  }
.Ltmp1:
0x11b: {  	[bflag:$0x0] =	sbarrier.arrive $0xFFFF;
	(pc) =	sbr.rel @p0 .LBB2_1-.Ltmp1, $4  }
0x11c: {  	[hbm:s10@s22], [sflag:s20] =	dma.strided [spmem:s21@s23], $0x50, s13, $0x10   }
0x11d: {  	_ =	swait.ge [sflag:s13], $0x50  }
0x11e: {  	[sflag:s13] =	ssyncset.done $0x0  }
0x11f: {  	[sflag:s13] =	ssyncadd.s32 $0xFFFFFFB0  }
0x120: {  	_ =	sfence.sel $0x180000  }
0x121: {  	[bflag:$0x0] =	sbarrier.arrive $0xFFFF  }
0x122: {  	p0 =	sne.s32 s2, $0x0;
	_ =	strace $0x90000047  }
0x123: {  	s0 =	sadd.s32 @!p0 $0x100000, s0;
	[bflag:$0x2] =	sbarrier.arrive $0xFFFF  }
0x124: {  	[sflag:s0] =	ssyncadd.tile.s32 @!p0 $0x1;
	_ =	shalt  }
.Lfunc_end2:
_tile_overlayer_lowered:
.L_overlay_start_2:
0x125: {  	(tag) =	ssettag $0x2  }
0x126: {  	s0 =	rddreg [dreg:$0x0];
	s2 =	stileid.u32  }
0x127: {  	s1 =	rddreg [dreg:$0x1];
	p0 =	sne.s32 s2, $0x0  }
0x128: {  	s3 =	rddreg [dreg:$0x2];
	[bflag:$0x3] =	sbarrier.arrive $0xFFFF;
	s2 =	simm.s32 @!p0 $0x1C01  }
0x129: {  	[timem:s3], [sflag:s2] =	dma.local @!p0 [hbm:s0], s1  }
0x12a: {  	s0 =	simm.s32 @!p0 $0x1  }
0x12b: {  	_ =	swait.ge @!p0 [sflag:s0], s1  }
0x12c: {  	s1 =	ssub.s32 @!p0 $0x0, s1;
	[sflag:s0] =	ssyncset.done @!p0 $0x0  }
0x12d: {  	[sflag:s0] =	ssyncadd.s32 @!p0 s1  }
0x12e: {  	[bflag:$0x3] =	sbarrier.arrive $0xFFFF  }
0x12f: {  	_ =	shalt  }

</sc_bundles>
